<compile_context>
chip_gen: v7x
topology: tpu7x:2x2x1
jax: 0.10.2.dev20260603
libtpu: 0.0.44.dev20260713+nightly
codegen_flags: <defaults>
</compile_context>

<pallas_src>
import functools

import jax
import jax.numpy as jnp
from jax import lax
from jax.experimental import pallas as pl
from jax.experimental.pallas import tpu as pltpu
from jax.experimental.pallas import tpu_sc as plsc

D = 64
CH = 64
K = 5
NC = 2
NS = 16
NW = NC * NS


def _emb_lookup(idx3, table, orows):
    n_chunks = idx3.shape[0]
    cpw = n_chunks // NW
    ng = cpw // K

    mesh = plsc.VectorSubcoreMesh(core_axis_name="c", subcore_axis_name="s")

    @functools.partial(
        pl.kernel,
        mesh=mesh,
        out_type=jax.ShapeDtypeStruct((orows, 2 * D), jnp.float32),
        compiler_params=pltpu.CompilerParams(use_tc_tiling_on_sc=False),
        scratch_types=[
            pltpu.VMEM((cpw, 2, CH), jnp.int32),
            pltpu.VMEM((K, 2, CH, D), jnp.float32),
            pltpu.VMEM((K, 2, CH, D), jnp.float32),
            pltpu.SemaphoreType.DMA,
            pltpu.SemaphoreType.DMA,
            pltpu.SemaphoreType.DMA,
            pltpu.SemaphoreType.DMA,
        ],
    )
    def k(idx_hbm, table_hbm, out_hbm, idx_v, buf_a, buf_b, gs_a, gs_b, ss_a, ss_b):
        wid = lax.axis_index("s") * NC + lax.axis_index("c")
        cbase = wid * cpw
        pltpu.sync_copy(idx_hbm.at[pl.ds(cbase, cpw)], idx_v)

        def fire_gathers(buf, sem, g):
            for b in range(K):
                j = g * K + b
                for h in range(2):
                    pltpu.async_copy(table_hbm.at[idx_v.at[j, h]], buf.at[b, h], sem)

        def wait_gathers(buf, sem):
            for b in range(K):
                for h in range(2):
                    pltpu.make_async_copy(
                        table_hbm.at[pl.ds(0, CH)], buf.at[b, h], sem).wait()

        def fire_scatters(buf, sem, g):
            for b in range(K):
                j = g * K + b
                for h in range(2):
                    pltpu.async_copy(
                        buf.at[b, h],
                        out_hbm.at[pl.ds((cbase + j) * CH, CH), pl.ds(h * D, D)],
                        sem)

        def wait_scatters(buf, sem):
            for b in range(K):
                for h in range(2):
                    pltpu.make_async_copy(
                        buf.at[b, h],
                        out_hbm.at[pl.ds(0, CH), pl.ds(0, D)], sem).wait()

        fire_gathers(buf_a, gs_a, 0)
        fire_gathers(buf_b, gs_b, 1)

        def body(t, carry):
            ga = 2 * t
            gb = ga + 1
            wait_gathers(buf_a, gs_a)
            fire_scatters(buf_a, ss_a, ga)
            wait_gathers(buf_b, gs_b)
            fire_scatters(buf_b, ss_b, gb)
            wait_scatters(buf_a, ss_a)
            fire_gathers(buf_a, gs_a, ga + 2)
            wait_scatters(buf_b, ss_b)
            fire_gathers(buf_b, gs_b, gb + 2)
            return carry

        lax.fori_loop(0, ng // 2 - 1, body, 0)

        wait_gathers(buf_a, gs_a)
        fire_scatters(buf_a, ss_a, ng - 2)
        wait_gathers(buf_b, gs_b)
        fire_scatters(buf_b, ss_b, ng - 1)
        wait_scatters(buf_a, ss_a)
        wait_scatters(buf_b, ss_b)

    return k(idx3, table)


def kernel(itemseq_input, embedding_weight):
    batch, hist = itemseq_input.shape
    rows = batch * hist
    orows = rows // 2
    idx3 = (itemseq_input.astype(jnp.int32)
            .reshape(orows // CH, CH, 2)
            .transpose(0, 2, 1))
    out = _emb_lookup(idx3, embedding_weight.astype(jnp.float32), orows)
    return out.reshape(batch, hist, D)

# --- scband reference (transcript-rebuilt; emitter-appended) ---
"""Pipeline reference for scband-embedding-layer-43061342109872 (READ-ONLY COPY).

The authoritative reference and input builder live on the scoring server;
editing this copy changes nothing except your own understanding.
"""

import jax, jax.numpy as jnp
import numpy as np

ITEM_SIZE = 1000000
EMBED_SIZE = 64
BATCH = 4096
HIST_LEN = 200

def _truncated_normal(key, shape, mean=0.0, std=0.02):
    # Mimic truncated normal init: resample values outside 2 std (approx via clip of normal draws)
    x = jax.random.truncated_normal(key, -2.0, 2.0, shape, dtype=jnp.float32)
    return x * std + mean

def setup_inputs(seed: int = 0) -> dict:
    key = jax.random.key(seed)
    k_idx, k_w = jax.random.split(key)
    itemseq_input = jax.random.randint(k_idx, (BATCH, HIST_LEN), 0, ITEM_SIZE, dtype=jnp.int64 if jax.config.jax_enable_x64 else jnp.int32)
    embedding_weight = _truncated_normal(k_w, (ITEM_SIZE, EMBED_SIZE), mean=0.0, std=0.02)
    return {"itemseq_input": itemseq_input, "embedding_weight": embedding_weight}

def reference(itemseq_input, embedding_weight):
    # nn.Embedding forward: gather rows of the table by index
    return jnp.take(embedding_weight, itemseq_input, axis=0)

if __name__ == "__main__":
    import jax
    _d = setup_inputs()
    print(jax.jit(kernel)(*tuple(_d.values())))

</pallas_src>

<mosaic_0001>
#map = affine_map<(d0, d1) -> (0, 0, 0)>
#map1 = affine_map<(d0, d1) -> (0, 0)>
module attributes {stable_mosaic.version = 14 : i64} {
  func.func @k(%arg0: i32, %arg1: i32, %arg2: memref<6400x2x64xi32, #tpu.memory_space<hbm>>, %arg3: memref<1000000x64xf32, #tpu.memory_space<hbm>>, %arg4: memref<409600x128xf32, #tpu.memory_space<hbm>>, %arg5: memref<200x2x64xi32, #tpu.memory_space<vmem>>, %arg6: memref<5x2x64x64xf32, #tpu.memory_space<vmem>>, %arg7: memref<5x2x64x64xf32, #tpu.memory_space<vmem>>, %arg8: memref<!tpu.dma_semaphore, #tpu.memory_space<semaphore_mem>>, %arg9: memref<!tpu.dma_semaphore, #tpu.memory_space<semaphore_mem>>, %arg10: memref<!tpu.dma_semaphore, #tpu.memory_space<semaphore_mem>>, %arg11: memref<!tpu.dma_semaphore, #tpu.memory_space<semaphore_mem>>) attributes {dimension_semantics = [#tpu.dimension_semantics<core_parallel>, #tpu.dimension_semantics<subcore_parallel>], iteration_bounds = array<i64: 2, 16>, scalar_prefetch = 0 : i64, scratch_operands = 7 : i64, tpu.core_type = #tpu.core_type<sc_vector_subcore>, window_params = [{transform_indices = #map}, {transform_indices = #map1}, {transform_indices = #map1}]} {
    %mul3A = arith.constant 2 : i32
    %mul3A_0 = arith.muli %arg1, %mul3A : i32
    %add3A = arith.addi %mul3A_0, %arg0 : i32
    %mul3A_1 = arith.constant 200 : i32
    %mul3A_2 = arith.muli %add3A, %mul3A_1 : i32
    "tpu.region"() ({
      %run_scoped3A = tpu.sem_alloc : memref<!tpu.dma_semaphore, #tpu.memory_space<semaphore_mem>>
      %dma_start3A_1286 = arith.constant 0 : i32
      %dma_start3A_1287 = arith.constant 0 : i32
      %dma_start3A_1288 = tpu.memref_slice %arg2[%mul3A_2, %dma_start3A_1286, %dma_start3A_1287] : memref<6400x2x64xi32, #tpu.memory_space<hbm>> -> memref<200x2x64xi32, #tpu.memory_space<hbm>>
      %dma_start3A_1289 = arith.constant 0 : i32
      %dma_start3A_1290 = arith.constant 0 : i32
      %dma_start3A_1291 = tpu.memref_slice %arg2[%mul3A_2, %dma_start3A_1289, %dma_start3A_1290] : memref<6400x2x64xi32, #tpu.memory_space<hbm>> -> memref<200x2x64xi32, #tpu.memory_space<hbm>>
      tpu.enqueue_dma source(%dma_start3A_1291 : memref<200x2x64xi32, #tpu.memory_space<hbm>>) target(%arg5 : memref<200x2x64xi32, #tpu.memory_space<vmem>>) target_semaphore(%run_scoped3A : memref<!tpu.dma_semaphore, #tpu.memory_space<semaphore_mem>>)
      %dma_wait3A_1292 = arith.constant 0 : i32
      %dma_wait3A_1293 = arith.constant 0 : i32
      %dma_wait3A_1294 = tpu.memref_slice %arg2[%mul3A_2, %dma_wait3A_1292, %dma_wait3A_1293] : memref<6400x2x64xi32, #tpu.memory_space<hbm>> -> memref<200x2x64xi32, #tpu.memory_space<hbm>>
      %dma_wait3A_1295 = arith.constant 0 : i32
      %dma_wait3A_1296 = arith.constant 0 : i32
      %dma_wait3A_1297 = tpu.memref_slice %arg2[%mul3A_2, %dma_wait3A_1295, %dma_wait3A_1296] : memref<6400x2x64xi32, #tpu.memory_space<hbm>> -> memref<200x2x64xi32, #tpu.memory_space<hbm>>
      tpu.wait_dma2 semaphore(%run_scoped3A : memref<!tpu.dma_semaphore, #tpu.memory_space<semaphore_mem>>) src(%dma_wait3A_1297 : memref<200x2x64xi32, #tpu.memory_space<hbm>>) dst(%arg5 : memref<200x2x64xi32, #tpu.memory_space<vmem>>)
      tpu.yield
    }) : () -> ()
    %dma_start3A = arith.constant 0 : i32
    %dma_start3A_3 = arith.constant 0 : i32
    %dma_start3A_4 = arith.constant 0 : i32
    %dma_start3A_5 = arith.constant 0 : i32
    %dma_start3A_6 = arith.constant 0 : i32
    %dma_start3A_7 = arith.constant 0 : i32
    %dma_start3A_8 = tpu.memref_slice %arg6[%dma_start3A_4, %dma_start3A_5, %dma_start3A_6, %dma_start3A_7] : memref<5x2x64x64xf32, #tpu.memory_space<vmem>> -> memref<1x1x64x64xf32, #tpu.memory_space<vmem>>
    %dma_start3A_9 = tpu.memref_squeeze %dma_start3A_8 : memref<1x1x64x64xf32, #tpu.memory_space<vmem>> -> memref<64x64xf32, #tpu.memory_space<vmem>>
    %dma_start3A_10 = arith.constant 0 : i32
    %dma_start3A_11 = tpu.memref_slice %arg5[%dma_start3A, %dma_start3A_3, %dma_start3A_10] : memref<200x2x64xi32, #tpu.memory_space<vmem>> -> memref<1x1x64xi32, #tpu.memory_space<vmem>>
    %dma_start3A_12 = tpu.memref_squeeze %dma_start3A_11 : memref<1x1x64xi32, #tpu.memory_space<vmem>> -> memref<64xi32, #tpu.memory_space<vmem>>
    %dma_start3A_13 = arith.constant 0 : i32
    %dma_start3A_14 = arith.constant 0 : i32
    %dma_start3A_15 = tpu.memref_slice %arg3[%dma_start3A_13, %dma_start3A_14] : memref<1000000x64xf32, #tpu.memory_space<hbm>> -> memref<1000000x64xf32, #tpu.memory_space<hbm>>
    tpu.enqueue_indirect_dma source(%dma_start3A_15 : memref<1000000x64xf32, #tpu.memory_space<hbm>>) target(%dma_start3A_9 : memref<64x64xf32, #tpu.memory_space<vmem>>) offsets(%dma_start3A_12 : memref<64xi32, #tpu.memory_space<vmem>>) semaphore(%arg8 : memref<!tpu.dma_semaphore, #tpu.memory_space<semaphore_mem>>)
    %dma_start3A_16 = arith.constant 0 : i32
    %dma_start3A_17 = arith.constant 1 : i32
    %dma_start3A_18 = arith.constant 0 : i32
    %dma_start3A_19 = arith.constant 1 : i32
    %dma_start3A_20 = arith.constant 0 : i32
    %dma_start3A_21 = arith.constant 0 : i32
    %dma_start3A_22 = tpu.memref_slice %arg6[%dma_start3A_18, %dma_start3A_19, %dma_start3A_20, %dma_start3A_21] : memref<5x2x64x64xf32, #tpu.memory_space<vmem>> -> memref<1x1x64x64xf32, #tpu.memory_space<vmem>>
    %dma_start3A_23 = tpu.memref_squeeze %dma_start3A_22 : memref<1x1x64x64xf32, #tpu.memory_space<vmem>> -> memref<64x64xf32, #tpu.memory_space<vmem>>
    %dma_start3A_24 = arith.constant 0 : i32
    %dma_start3A_25 = tpu.memref_slice %arg5[%dma_start3A_16, %dma_start3A_17, %dma_start3A_24] : memref<200x2x64xi32, #tpu.memory_space<vmem>> -> memref<1x1x64xi32, #tpu.memory_space<vmem>>
    %dma_start3A_26 = tpu.memref_squeeze %dma_start3A_25 : memref<1x1x64xi32, #tpu.memory_space<vmem>> -> memref<64xi32, #tpu.memory_space<vmem>>
    %dma_start3A_27 = arith.constant 0 : i32
    %dma_start3A_28 = arith.constant 0 : i32
    %dma_start3A_29 = tpu.memref_slice %arg3[%dma_start3A_27, %dma_start3A_28] : memref<1000000x64xf32, #tpu.memory_space<hbm>> -> memref<1000000x64xf32, #tpu.memory_space<hbm>>
    tpu.enqueue_indirect_dma source(%dma_start3A_29 : memref<1000000x64xf32, #tpu.memory_space<hbm>>) target(%dma_start3A_23 : memref<64x64xf32, #tpu.memory_space<vmem>>) offsets(%dma_start3A_26 : memref<64xi32, #tpu.memory_space<vmem>>) semaphore(%arg8 : memref<!tpu.dma_semaphore, #tpu.memory_space<semaphore_mem>>)
    %dma_start3A_30 = arith.constant 1 : i32
    %dma_start3A_31 = arith.constant 0 : i32
    %dma_start3A_32 = arith.constant 1 : i32
    %dma_start3A_33 = arith.constant 0 : i32
    %dma_start3A_34 = arith.constant 0 : i32
    %dma_start3A_35 = arith.constant 0 : i32
    %dma_start3A_36 = tpu.memref_slice %arg6[%dma_start3A_32, %dma_start3A_33, %dma_start3A_34, %dma_start3A_35] : memref<5x2x64x64xf32, #tpu.memory_space<vmem>> -> memref<1x1x64x64xf32, #tpu.memory_space<vmem>>
    %dma_start3A_37 = tpu.memref_squeeze %dma_start3A_36 : memref<1x1x64x64xf32, #tpu.memory_space<vmem>> -> memref<64x64xf32, #tpu.memory_space<vmem>>
    %dma_start3A_38 = arith.constant 0 : i32
    %dma_start3A_39 = tpu.memref_slice %arg5[%dma_start3A_30, %dma_start3A_31, %dma_start3A_38] : memref<200x2x64xi32, #tpu.memory_space<vmem>> -> memref<1x1x64xi32, #tpu.memory_space<vmem>>
    %dma_start3A_40 = tpu.memref_squeeze %dma_start3A_39 : memref<1x1x64xi32, #tpu.memory_space<vmem>> -> memref<64xi32, #tpu.memory_space<vmem>>
    %dma_start3A_41 = arith.constant 0 : i32
    %dma_start3A_42 = arith.constant 0 : i32
    %dma_start3A_43 = tpu.memref_slice %arg3[%dma_start3A_41, %dma_start3A_42] : memref<1000000x64xf32, #tpu.memory_space<hbm>> -> memref<1000000x64xf32, #tpu.memory_space<hbm>>
    tpu.enqueue_indirect_dma source(%dma_start3A_43 : memref<1000000x64xf32, #tpu.memory_space<hbm>>) target(%dma_start3A_37 : memref<64x64xf32, #tpu.memory_space<vmem>>) offsets(%dma_start3A_40 : memref<64xi32, #tpu.memory_space<vmem>>) semaphore(%arg8 : memref<!tpu.dma_semaphore, #tpu.memory_space<semaphore_mem>>)
    %dma_start3A_44 = arith.constant 1 : i32
    %dma_start3A_45 = arith.constant 1 : i32
    %dma_start3A_46 = arith.constant 1 : i32
    %dma_start3A_47 = arith.constant 1 : i32
    %dma_start3A_48 = arith.constant 0 : i32
    %dma_start3A_49 = arith.constant 0 : i32
    %dma_start3A_50 = tpu.memref_slice %arg6[%dma_start3A_46, %dma_start3A_47, %dma_start3A_48, %dma_start3A_49] : memref<5x2x64x64xf32, #tpu.memory_space<vmem>> -> memref<1x1x64x64xf32, #tpu.memory_space<vmem>>
    %dma_start3A_51 = tpu.memref_squeeze %dma_start3A_50 : memref<1x1x64x64xf32, #tpu.memory_space<vmem>> -> memref<64x64xf32, #tpu.memory_space<vmem>>
    %dma_start3A_52 = arith.constant 0 : i32
    %dma_start3A_53 = tpu.memref_slice %arg5[%dma_start3A_44, %dma_start3A_45, %dma_start3A_52] : memref<200x2x64xi32, #tpu.memory_space<vmem>> -> memref<1x1x64xi32, #tpu.memory_space<vmem>>
    %dma_start3A_54 = tpu.memref_squeeze %dma_start3A_53 : memref<1x1x64xi32, #tpu.memory_space<vmem>> -> memref<64xi32, #tpu.memory_space<vmem>>
    %dma_start3A_55 = arith.constant 0 : i32
    %dma_start3A_56 = arith.constant 0 : i32
    %dma_start3A_57 = tpu.memref_slice %arg3[%dma_start3A_55, %dma_start3A_56] : memref<1000000x64xf32, #tpu.memory_space<hbm>> -> memref<1000000x64xf32, #tpu.memory_space<hbm>>
    tpu.enqueue_indirect_dma source(%dma_start3A_57 : memref<1000000x64xf32, #tpu.memory_space<hbm>>) target(%dma_start3A_51 : memref<64x64xf32, #tpu.memory_space<vmem>>) offsets(%dma_start3A_54 : memref<64xi32, #tpu.memory_space<vmem>>) semaphore(%arg8 : memref<!tpu.dma_semaphore, #tpu.memory_space<semaphore_mem>>)
    %dma_start3A_58 = arith.constant 2 : i32
    %dma_start3A_59 = arith.constant 0 : i32
    %dma_start3A_60 = arith.constant 2 : i32
    %dma_start3A_61 = arith.constant 0 : i32
    %dma_start3A_62 = arith.constant 0 : i32
    %dma_start3A_63 = arith.constant 0 : i32
    %dma_start3A_64 = tpu.memref_slice %arg6[%dma_start3A_60, %dma_start3A_61, %dma_start3A_62, %dma_start3A_63] : memref<5x2x64x64xf32, #tpu.memory_space<vmem>> -> memref<1x1x64x64xf32, #tpu.memory_space<vmem>>
    %dma_start3A_65 = tpu.memref_squeeze %dma_start3A_64 : memref<1x1x64x64xf32, #tpu.memory_space<vmem>> -> memref<64x64xf32, #tpu.memory_space<vmem>>
    %dma_start3A_66 = arith.constant 0 : i32
    %dma_start3A_67 = tpu.memref_slice %arg5[%dma_start3A_58, %dma_start3A_59, %dma_start3A_66] : memref<200x2x64xi32, #tpu.memory_space<vmem>> -> memref<1x1x64xi32, #tpu.memory_space<vmem>>
    %dma_start3A_68 = tpu.memref_squeeze %dma_start3A_67 : memref<1x1x64xi32, #tpu.memory_space<vmem>> -> memref<64xi32, #tpu.memory_space<vmem>>
    %dma_start3A_69 = arith.constant 0 : i32
    %dma_start3A_70 = arith.constant 0 : i32
    %dma_start3A_71 = tpu.memref_slice %arg3[%dma_start3A_69, %dma_start3A_70] : memref<1000000x64xf32, #tpu.memory_space<hbm>> -> memref<1000000x64xf32, #tpu.memory_space<hbm>>
    tpu.enqueue_indirect_dma source(%dma_start3A_71 : memref<1000000x64xf32, #tpu.memory_space<hbm>>) target(%dma_start3A_65 : memref<64x64xf32, #tpu.memory_space<vmem>>) offsets(%dma_start3A_68 : memref<64xi32, #tpu.memory_space<vmem>>) semaphore(%arg8 : memref<!tpu.dma_semaphore, #tpu.memory_space<semaphore_mem>>)
    %dma_start3A_72 = arith.constant 2 : i32
    %dma_start3A_73 = arith.constant 1 : i32
    %dma_start3A_74 = arith.constant 2 : i32
    %dma_start3A_75 = arith.constant 1 : i32
    %dma_start3A_76 = arith.constant 0 : i32
    %dma_start3A_77 = arith.constant 0 : i32
    %dma_start3A_78 = tpu.memref_slice %arg6[%dma_start3A_74, %dma_start3A_75, %dma_start3A_76, %dma_start3A_77] : memref<5x2x64x64xf32, #tpu.memory_space<vmem>> -> memref<1x1x64x64xf32, #tpu.memory_space<vmem>>
    %dma_start3A_79 = tpu.memref_squeeze %dma_start3A_78 : memref<1x1x64x64xf32, #tpu.memory_space<vmem>> -> memref<64x64xf32, #tpu.memory_space<vmem>>
    %dma_start3A_80 = arith.constant 0 : i32
    %dma_start3A_81 = tpu.memref_slice %arg5[%dma_start3A_72, %dma_start3A_73, %dma_start3A_80] : memref<200x2x64xi32, #tpu.memory_space<vmem>> -> memref<1x1x64xi32, #tpu.memory_space<vmem>>
    %dma_start3A_82 = tpu.memref_squeeze %dma_start3A_81 : memref<1x1x64xi32, #tpu.memory_space<vmem>> -> memref<64xi32, #tpu.memory_space<vmem>>
    %dma_start3A_83 = arith.constant 0 : i32
    %dma_start3A_84 = arith.constant 0 : i32
    %dma_start3A_85 = tpu.memref_slice %arg3[%dma_start3A_83, %dma_start3A_84] : memref<1000000x64xf32, #tpu.memory_space<hbm>> -> memref<1000000x64xf32, #tpu.memory_space<hbm>>
    tpu.enqueue_indirect_dma source(%dma_start3A_85 : memref<1000000x64xf32, #tpu.memory_space<hbm>>) target(%dma_start3A_79 : memref<64x64xf32, #tpu.memory_space<vmem>>) offsets(%dma_start3A_82 : memref<64xi32, #tpu.memory_space<vmem>>) semaphore(%arg8 : memref<!tpu.dma_semaphore, #tpu.memory_space<semaphore_mem>>)
    %dma_start3A_86 = arith.constant 3 : i32
    %dma_start3A_87 = arith.constant 0 : i32
    %dma_start3A_88 = arith.constant 3 : i32
    %dma_start3A_89 = arith.constant 0 : i32
    %dma_start3A_90 = arith.constant 0 : i32
    %dma_start3A_91 = arith.constant 0 : i32
    %dma_start3A_92 = tpu.memref_slice %arg6[%dma_start3A_88, %dma_start3A_89, %dma_start3A_90, %dma_start3A_91] : memref<5x2x64x64xf32, #tpu.memory_space<vmem>> -> memref<1x1x64x64xf32, #tpu.memory_space<vmem>>
    %dma_start3A_93 = tpu.memref_squeeze %dma_start3A_92 : memref<1x1x64x64xf32, #tpu.memory_space<vmem>> -> memref<64x64xf32, #tpu.memory_space<vmem>>
    %dma_start3A_94 = arith.constant 0 : i32
    %dma_start3A_95 = tpu.memref_slice %arg5[%dma_start3A_86, %dma_start3A_87, %dma_start3A_94] : memref<200x2x64xi32, #tpu.memory_space<vmem>> -> memref<1x1x64xi32, #tpu.memory_space<vmem>>
    %dma_start3A_96 = tpu.memref_squeeze %dma_start3A_95 : memref<1x1x64xi32, #tpu.memory_space<vmem>> -> memref<64xi32, #tpu.memory_space<vmem>>
    %dma_start3A_97 = arith.constant 0 : i32
    %dma_start3A_98 = arith.constant 0 : i32
    %dma_start3A_99 = tpu.memref_slice %arg3[%dma_start3A_97, %dma_start3A_98] : memref<1000000x64xf32, #tpu.memory_space<hbm>> -> memref<1000000x64xf32, #tpu.memory_space<hbm>>
    tpu.enqueue_indirect_dma source(%dma_start3A_99 : memref<1000000x64xf32, #tpu.memory_space<hbm>>) target(%dma_start3A_93 : memref<64x64xf32, #tpu.memory_space<vmem>>) offsets(%dma_start3A_96 : memref<64xi32, #tpu.memory_space<vmem>>) semaphore(%arg8 : memref<!tpu.dma_semaphore, #tpu.memory_space<semaphore_mem>>)
    %dma_start3A_100 = arith.constant 3 : i32
    %dma_start3A_101 = arith.constant 1 : i32
    %dma_start3A_102 = arith.constant 3 : i32
    %dma_start3A_103 = arith.constant 1 : i32
    %dma_start3A_104 = arith.constant 0 : i32
    %dma_start3A_105 = arith.constant 0 : i32
    %dma_start3A_106 = tpu.memref_slice %arg6[%dma_start3A_102, %dma_start3A_103, %dma_start3A_104, %dma_start3A_105] : memref<5x2x64x64xf32, #tpu.memory_space<vmem>> -> memref<1x1x64x64xf32, #tpu.memory_space<vmem>>
    %dma_start3A_107 = tpu.memref_squeeze %dma_start3A_106 : memref<1x1x64x64xf32, #tpu.memory_space<vmem>> -> memref<64x64xf32, #tpu.memory_space<vmem>>
    %dma_start3A_108 = arith.constant 0 : i32
    %dma_start3A_109 = tpu.memref_slice %arg5[%dma_start3A_100, %dma_start3A_101, %dma_start3A_108] : memref<200x2x64xi32, #tpu.memory_space<vmem>> -> memref<1x1x64xi32, #tpu.memory_space<vmem>>
    %dma_start3A_110 = tpu.memref_squeeze %dma_start3A_109 : memref<1x1x64xi32, #tpu.memory_space<vmem>> -> memref<64xi32, #tpu.memory_space<vmem>>
    %dma_start3A_111 = arith.constant 0 : i32
    %dma_start3A_112 = arith.constant 0 : i32
    %dma_start3A_113 = tpu.memref_slice %arg3[%dma_start3A_111, %dma_start3A_112] : memref<1000000x64xf32, #tpu.memory_space<hbm>> -> memref<1000000x64xf32, #tpu.memory_space<hbm>>
    tpu.enqueue_indirect_dma source(%dma_start3A_113 : memref<1000000x64xf32, #tpu.memory_space<hbm>>) target(%dma_start3A_107 : memref<64x64xf32, #tpu.memory_space<vmem>>) offsets(%dma_start3A_110 : memref<64xi32, #tpu.memory_space<vmem>>) semaphore(%arg8 : memref<!tpu.dma_semaphore, #tpu.memory_space<semaphore_mem>>)
    %dma_start3A_114 = arith.constant 4 : i32
    %dma_start3A_115 = arith.constant 0 : i32
    %dma_start3A_116 = arith.constant 4 : i32
    %dma_start3A_117 = arith.constant 0 : i32
    %dma_start3A_118 = arith.constant 0 : i32
    %dma_start3A_119 = arith.constant 0 : i32
    %dma_start3A_120 = tpu.memref_slice %arg6[%dma_start3A_116, %dma_start3A_117, %dma_start3A_118, %dma_start3A_119] : memref<5x2x64x64xf32, #tpu.memory_space<vmem>> -> memref<1x1x64x64xf32, #tpu.memory_space<vmem>>
    %dma_start3A_121 = tpu.memref_squeeze %dma_start3A_120 : memref<1x1x64x64xf32, #tpu.memory_space<vmem>> -> memref<64x64xf32, #tpu.memory_space<vmem>>
    %dma_start3A_122 = arith.constant 0 : i32
    %dma_start3A_123 = tpu.memref_slice %arg5[%dma_start3A_114, %dma_start3A_115, %dma_start3A_122] : memref<200x2x64xi32, #tpu.memory_space<vmem>> -> memref<1x1x64xi32, #tpu.memory_space<vmem>>
    %dma_start3A_124 = tpu.memref_squeeze %dma_start3A_123 : memref<1x1x64xi32, #tpu.memory_space<vmem>> -> memref<64xi32, #tpu.memory_space<vmem>>
    %dma_start3A_125 = arith.constant 0 : i32
    %dma_start3A_126 = arith.constant 0 : i32
    %dma_start3A_127 = tpu.memref_slice %arg3[%dma_start3A_125, %dma_start3A_126] : memref<1000000x64xf32, #tpu.memory_space<hbm>> -> memref<1000000x64xf32, #tpu.memory_space<hbm>>
    tpu.enqueue_indirect_dma source(%dma_start3A_127 : memref<1000000x64xf32, #tpu.memory_space<hbm>>) target(%dma_start3A_121 : memref<64x64xf32, #tpu.memory_space<vmem>>) offsets(%dma_start3A_124 : memref<64xi32, #tpu.memory_space<vmem>>) semaphore(%arg8 : memref<!tpu.dma_semaphore, #tpu.memory_space<semaphore_mem>>)
    %dma_start3A_128 = arith.constant 4 : i32
    %dma_start3A_129 = arith.constant 1 : i32
    %dma_start3A_130 = arith.constant 4 : i32
    %dma_start3A_131 = arith.constant 1 : i32
    %dma_start3A_132 = arith.constant 0 : i32
    %dma_start3A_133 = arith.constant 0 : i32
    %dma_start3A_134 = tpu.memref_slice %arg6[%dma_start3A_130, %dma_start3A_131, %dma_start3A_132, %dma_start3A_133] : memref<5x2x64x64xf32, #tpu.memory_space<vmem>> -> memref<1x1x64x64xf32, #tpu.memory_space<vmem>>
    %dma_start3A_135 = tpu.memref_squeeze %dma_start3A_134 : memref<1x1x64x64xf32, #tpu.memory_space<vmem>> -> memref<64x64xf32, #tpu.memory_space<vmem>>
    %dma_start3A_136 = arith.constant 0 : i32
    %dma_start3A_137 = tpu.memref_slice %arg5[%dma_start3A_128, %dma_start3A_129, %dma_start3A_136] : memref<200x2x64xi32, #tpu.memory_space<vmem>> -> memref<1x1x64xi32, #tpu.memory_space<vmem>>
    %dma_start3A_138 = tpu.memref_squeeze %dma_start3A_137 : memref<1x1x64xi32, #tpu.memory_space<vmem>> -> memref<64xi32, #tpu.memory_space<vmem>>
    %dma_start3A_139 = arith.constant 0 : i32
    %dma_start3A_140 = arith.constant 0 : i32
    %dma_start3A_141 = tpu.memref_slice %arg3[%dma_start3A_139, %dma_start3A_140] : memref<1000000x64xf32, #tpu.memory_space<hbm>> -> memref<1000000x64xf32, #tpu.memory_space<hbm>>
    tpu.enqueue_indirect_dma source(%dma_start3A_141 : memref<1000000x64xf32, #tpu.memory_space<hbm>>) target(%dma_start3A_135 : memref<64x64xf32, #tpu.memory_space<vmem>>) offsets(%dma_start3A_138 : memref<64xi32, #tpu.memory_space<vmem>>) semaphore(%arg8 : memref<!tpu.dma_semaphore, #tpu.memory_space<semaphore_mem>>)
    %dma_start3A_142 = arith.constant 5 : i32
    %dma_start3A_143 = arith.constant 0 : i32
    %dma_start3A_144 = arith.constant 0 : i32
    %dma_start3A_145 = arith.constant 0 : i32
    %dma_start3A_146 = arith.constant 0 : i32
    %dma_start3A_147 = arith.constant 0 : i32
    %dma_start3A_148 = tpu.memref_slice %arg7[%dma_start3A_144, %dma_start3A_145, %dma_start3A_146, %dma_start3A_147] : memref<5x2x64x64xf32, #tpu.memory_space<vmem>> -> memref<1x1x64x64xf32, #tpu.memory_space<vmem>>
    %dma_start3A_149 = tpu.memref_squeeze %dma_start3A_148 : memref<1x1x64x64xf32, #tpu.memory_space<vmem>> -> memref<64x64xf32, #tpu.memory_space<vmem>>
    %dma_start3A_150 = arith.constant 0 : i32
    %dma_start3A_151 = tpu.memref_slice %arg5[%dma_start3A_142, %dma_start3A_143, %dma_start3A_150] : memref<200x2x64xi32, #tpu.memory_space<vmem>> -> memref<1x1x64xi32, #tpu.memory_space<vmem>>
    %dma_start3A_152 = tpu.memref_squeeze %dma_start3A_151 : memref<1x1x64xi32, #tpu.memory_space<vmem>> -> memref<64xi32, #tpu.memory_space<vmem>>
    %dma_start3A_153 = arith.constant 0 : i32
    %dma_start3A_154 = arith.constant 0 : i32
    %dma_start3A_155 = tpu.memref_slice %arg3[%dma_start3A_153, %dma_start3A_154] : memref<1000000x64xf32, #tpu.memory_space<hbm>> -> memref<1000000x64xf32, #tpu.memory_space<hbm>>
    tpu.enqueue_indirect_dma source(%dma_start3A_155 : memref<1000000x64xf32, #tpu.memory_space<hbm>>) target(%dma_start3A_149 : memref<64x64xf32, #tpu.memory_space<vmem>>) offsets(%dma_start3A_152 : memref<64xi32, #tpu.memory_space<vmem>>) semaphore(%arg9 : memref<!tpu.dma_semaphore, #tpu.memory_space<semaphore_mem>>)
    %dma_start3A_156 = arith.constant 5 : i32
    %dma_start3A_157 = arith.constant 1 : i32
    %dma_start3A_158 = arith.constant 0 : i32
    %dma_start3A_159 = arith.constant 1 : i32
    %dma_start3A_160 = arith.constant 0 : i32
    %dma_start3A_161 = arith.constant 0 : i32
    %dma_start3A_162 = tpu.memref_slice %arg7[%dma_start3A_158, %dma_start3A_159, %dma_start3A_160, %dma_start3A_161] : memref<5x2x64x64xf32, #tpu.memory_space<vmem>> -> memref<1x1x64x64xf32, #tpu.memory_space<vmem>>
    %dma_start3A_163 = tpu.memref_squeeze %dma_start3A_162 : memref<1x1x64x64xf32, #tpu.memory_space<vmem>> -> memref<64x64xf32, #tpu.memory_space<vmem>>
    %dma_start3A_164 = arith.constant 0 : i32
    %dma_start3A_165 = tpu.memref_slice %arg5[%dma_start3A_156, %dma_start3A_157, %dma_start3A_164] : memref<200x2x64xi32, #tpu.memory_space<vmem>> -> memref<1x1x64xi32, #tpu.memory_space<vmem>>
    %dma_start3A_166 = tpu.memref_squeeze %dma_start3A_165 : memref<1x1x64xi32, #tpu.memory_space<vmem>> -> memref<64xi32, #tpu.memory_space<vmem>>
    %dma_start3A_167 = arith.constant 0 : i32
    %dma_start3A_168 = arith.constant 0 : i32
    %dma_start3A_169 = tpu.memref_slice %arg3[%dma_start3A_167, %dma_start3A_168] : memref<1000000x64xf32, #tpu.memory_space<hbm>> -> memref<1000000x64xf32, #tpu.memory_space<hbm>>
    tpu.enqueue_indirect_dma source(%dma_start3A_169 : memref<1000000x64xf32, #tpu.memory_space<hbm>>) target(%dma_start3A_163 : memref<64x64xf32, #tpu.memory_space<vmem>>) offsets(%dma_start3A_166 : memref<64xi32, #tpu.memory_space<vmem>>) semaphore(%arg9 : memref<!tpu.dma_semaphore, #tpu.memory_space<semaphore_mem>>)
    %dma_start3A_170 = arith.constant 6 : i32
    %dma_start3A_171 = arith.constant 0 : i32
    %dma_start3A_172 = arith.constant 1 : i32
    %dma_start3A_173 = arith.constant 0 : i32
    %dma_start3A_174 = arith.constant 0 : i32
    %dma_start3A_175 = arith.constant 0 : i32
    %dma_start3A_176 = tpu.memref_slice %arg7[%dma_start3A_172, %dma_start3A_173, %dma_start3A_174, %dma_start3A_175] : memref<5x2x64x64xf32, #tpu.memory_space<vmem>> -> memref<1x1x64x64xf32, #tpu.memory_space<vmem>>
    %dma_start3A_177 = tpu.memref_squeeze %dma_start3A_176 : memref<1x1x64x64xf32, #tpu.memory_space<vmem>> -> memref<64x64xf32, #tpu.memory_space<vmem>>
    %dma_start3A_178 = arith.constant 0 : i32
    %dma_start3A_179 = tpu.memref_slice %arg5[%dma_start3A_170, %dma_start3A_171, %dma_start3A_178] : memref<200x2x64xi32, #tpu.memory_space<vmem>> -> memref<1x1x64xi32, #tpu.memory_space<vmem>>
    %dma_start3A_180 = tpu.memref_squeeze %dma_start3A_179 : memref<1x1x64xi32, #tpu.memory_space<vmem>> -> memref<64xi32, #tpu.memory_space<vmem>>
    %dma_start3A_181 = arith.constant 0 : i32
    %dma_start3A_182 = arith.constant 0 : i32
    %dma_start3A_183 = tpu.memref_slice %arg3[%dma_start3A_181, %dma_start3A_182] : memref<1000000x64xf32, #tpu.memory_space<hbm>> -> memref<1000000x64xf32, #tpu.memory_space<hbm>>
    tpu.enqueue_indirect_dma source(%dma_start3A_183 : memref<1000000x64xf32, #tpu.memory_space<hbm>>) target(%dma_start3A_177 : memref<64x64xf32, #tpu.memory_space<vmem>>) offsets(%dma_start3A_180 : memref<64xi32, #tpu.memory_space<vmem>>) semaphore(%arg9 : memref<!tpu.dma_semaphore, #tpu.memory_space<semaphore_mem>>)
    %dma_start3A_184 = arith.constant 6 : i32
    %dma_start3A_185 = arith.constant 1 : i32
    %dma_start3A_186 = arith.constant 1 : i32
    %dma_start3A_187 = arith.constant 1 : i32
    %dma_start3A_188 = arith.constant 0 : i32
    %dma_start3A_189 = arith.constant 0 : i32
    %dma_start3A_190 = tpu.memref_slice %arg7[%dma_start3A_186, %dma_start3A_187, %dma_start3A_188, %dma_start3A_189] : memref<5x2x64x64xf32, #tpu.memory_space<vmem>> -> memref<1x1x64x64xf32, #tpu.memory_space<vmem>>
    %dma_start3A_191 = tpu.memref_squeeze %dma_start3A_190 : memref<1x1x64x64xf32, #tpu.memory_space<vmem>> -> memref<64x64xf32, #tpu.memory_space<vmem>>
    %dma_start3A_192 = arith.constant 0 : i32
    %dma_start3A_193 = tpu.memref_slice %arg5[%dma_start3A_184, %dma_start3A_185, %dma_start3A_192] : memref<200x2x64xi32, #tpu.memory_space<vmem>> -> memref<1x1x64xi32, #tpu.memory_space<vmem>>
    %dma_start3A_194 = tpu.memref_squeeze %dma_start3A_193 : memref<1x1x64xi32, #tpu.memory_space<vmem>> -> memref<64xi32, #tpu.memory_space<vmem>>
    %dma_start3A_195 = arith.constant 0 : i32
    %dma_start3A_196 = arith.constant 0 : i32
    %dma_start3A_197 = tpu.memref_slice %arg3[%dma_start3A_195, %dma_start3A_196] : memref<1000000x64xf32, #tpu.memory_space<hbm>> -> memref<1000000x64xf32, #tpu.memory_space<hbm>>
    tpu.enqueue_indirect_dma source(%dma_start3A_197 : memref<1000000x64xf32, #tpu.memory_space<hbm>>) target(%dma_start3A_191 : memref<64x64xf32, #tpu.memory_space<vmem>>) offsets(%dma_start3A_194 : memref<64xi32, #tpu.memory_space<vmem>>) semaphore(%arg9 : memref<!tpu.dma_semaphore, #tpu.memory_space<semaphore_mem>>)
    %dma_start3A_198 = arith.constant 7 : i32
    %dma_start3A_199 = arith.constant 0 : i32
    %dma_start3A_200 = arith.constant 2 : i32
    %dma_start3A_201 = arith.constant 0 : i32
    %dma_start3A_202 = arith.constant 0 : i32
    %dma_start3A_203 = arith.constant 0 : i32
    %dma_start3A_204 = tpu.memref_slice %arg7[%dma_start3A_200, %dma_start3A_201, %dma_start3A_202, %dma_start3A_203] : memref<5x2x64x64xf32, #tpu.memory_space<vmem>> -> memref<1x1x64x64xf32, #tpu.memory_space<vmem>>
    %dma_start3A_205 = tpu.memref_squeeze %dma_start3A_204 : memref<1x1x64x64xf32, #tpu.memory_space<vmem>> -> memref<64x64xf32, #tpu.memory_space<vmem>>
    %dma_start3A_206 = arith.constant 0 : i32
    %dma_start3A_207 = tpu.memref_slice %arg5[%dma_start3A_198, %dma_start3A_199, %dma_start3A_206] : memref<200x2x64xi32, #tpu.memory_space<vmem>> -> memref<1x1x64xi32, #tpu.memory_space<vmem>>
    %dma_start3A_208 = tpu.memref_squeeze %dma_start3A_207 : memref<1x1x64xi32, #tpu.memory_space<vmem>> -> memref<64xi32, #tpu.memory_space<vmem>>
    %dma_start3A_209 = arith.constant 0 : i32
    %dma_start3A_210 = arith.constant 0 : i32
    %dma_start3A_211 = tpu.memref_slice %arg3[%dma_start3A_209, %dma_start3A_210] : memref<1000000x64xf32, #tpu.memory_space<hbm>> -> memref<1000000x64xf32, #tpu.memory_space<hbm>>
    tpu.enqueue_indirect_dma source(%dma_start3A_211 : memref<1000000x64xf32, #tpu.memory_space<hbm>>) target(%dma_start3A_205 : memref<64x64xf32, #tpu.memory_space<vmem>>) offsets(%dma_start3A_208 : memref<64xi32, #tpu.memory_space<vmem>>) semaphore(%arg9 : memref<!tpu.dma_semaphore, #tpu.memory_space<semaphore_mem>>)
    %dma_start3A_212 = arith.constant 7 : i32
    %dma_start3A_213 = arith.constant 1 : i32
    %dma_start3A_214 = arith.constant 2 : i32
    %dma_start3A_215 = arith.constant 1 : i32
    %dma_start3A_216 = arith.constant 0 : i32
    %dma_start3A_217 = arith.constant 0 : i32
    %dma_start3A_218 = tpu.memref_slice %arg7[%dma_start3A_214, %dma_start3A_215, %dma_start3A_216, %dma_start3A_217] : memref<5x2x64x64xf32, #tpu.memory_space<vmem>> -> memref<1x1x64x64xf32, #tpu.memory_space<vmem>>
    %dma_start3A_219 = tpu.memref_squeeze %dma_start3A_218 : memref<1x1x64x64xf32, #tpu.memory_space<vmem>> -> memref<64x64xf32, #tpu.memory_space<vmem>>
    %dma_start3A_220 = arith.constant 0 : i32
    %dma_start3A_221 = tpu.memref_slice %arg5[%dma_start3A_212, %dma_start3A_213, %dma_start3A_220] : memref<200x2x64xi32, #tpu.memory_space<vmem>> -> memref<1x1x64xi32, #tpu.memory_space<vmem>>
    %dma_start3A_222 = tpu.memref_squeeze %dma_start3A_221 : memref<1x1x64xi32, #tpu.memory_space<vmem>> -> memref<64xi32, #tpu.memory_space<vmem>>
    %dma_start3A_223 = arith.constant 0 : i32
    %dma_start3A_224 = arith.constant 0 : i32
    %dma_start3A_225 = tpu.memref_slice %arg3[%dma_start3A_223, %dma_start3A_224] : memref<1000000x64xf32, #tpu.memory_space<hbm>> -> memref<1000000x64xf32, #tpu.memory_space<hbm>>
    tpu.enqueue_indirect_dma source(%dma_start3A_225 : memref<1000000x64xf32, #tpu.memory_space<hbm>>) target(%dma_start3A_219 : memref<64x64xf32, #tpu.memory_space<vmem>>) offsets(%dma_start3A_222 : memref<64xi32, #tpu.memory_space<vmem>>) semaphore(%arg9 : memref<!tpu.dma_semaphore, #tpu.memory_space<semaphore_mem>>)
    %dma_start3A_226 = arith.constant 8 : i32
    %dma_start3A_227 = arith.constant 0 : i32
    %dma_start3A_228 = arith.constant 3 : i32
    %dma_start3A_229 = arith.constant 0 : i32
    %dma_start3A_230 = arith.constant 0 : i32
    %dma_start3A_231 = arith.constant 0 : i32
    %dma_start3A_232 = tpu.memref_slice %arg7[%dma_start3A_228, %dma_start3A_229, %dma_start3A_230, %dma_start3A_231] : memref<5x2x64x64xf32, #tpu.memory_space<vmem>> -> memref<1x1x64x64xf32, #tpu.memory_space<vmem>>
    %dma_start3A_233 = tpu.memref_squeeze %dma_start3A_232 : memref<1x1x64x64xf32, #tpu.memory_space<vmem>> -> memref<64x64xf32, #tpu.memory_space<vmem>>
    %dma_start3A_234 = arith.constant 0 : i32
    %dma_start3A_235 = tpu.memref_slice %arg5[%dma_start3A_226, %dma_start3A_227, %dma_start3A_234] : memref<200x2x64xi32, #tpu.memory_space<vmem>> -> memref<1x1x64xi32, #tpu.memory_space<vmem>>
    %dma_start3A_236 = tpu.memref_squeeze %dma_start3A_235 : memref<1x1x64xi32, #tpu.memory_space<vmem>> -> memref<64xi32, #tpu.memory_space<vmem>>
    %dma_start3A_237 = arith.constant 0 : i32
    %dma_start3A_238 = arith.constant 0 : i32
    %dma_start3A_239 = tpu.memref_slice %arg3[%dma_start3A_237, %dma_start3A_238] : memref<1000000x64xf32, #tpu.memory_space<hbm>> -> memref<1000000x64xf32, #tpu.memory_space<hbm>>
    tpu.enqueue_indirect_dma source(%dma_start3A_239 : memref<1000000x64xf32, #tpu.memory_space<hbm>>) target(%dma_start3A_233 : memref<64x64xf32, #tpu.memory_space<vmem>>) offsets(%dma_start3A_236 : memref<64xi32, #tpu.memory_space<vmem>>) semaphore(%arg9 : memref<!tpu.dma_semaphore, #tpu.memory_space<semaphore_mem>>)
    %dma_start3A_240 = arith.constant 8 : i32
    %dma_start3A_241 = arith.constant 1 : i32
    %dma_start3A_242 = arith.constant 3 : i32
    %dma_start3A_243 = arith.constant 1 : i32
    %dma_start3A_244 = arith.constant 0 : i32
    %dma_start3A_245 = arith.constant 0 : i32
    %dma_start3A_246 = tpu.memref_slice %arg7[%dma_start3A_242, %dma_start3A_243, %dma_start3A_244, %dma_start3A_245] : memref<5x2x64x64xf32, #tpu.memory_space<vmem>> -> memref<1x1x64x64xf32, #tpu.memory_space<vmem>>
    %dma_start3A_247 = tpu.memref_squeeze %dma_start3A_246 : memref<1x1x64x64xf32, #tpu.memory_space<vmem>> -> memref<64x64xf32, #tpu.memory_space<vmem>>
    %dma_start3A_248 = arith.constant 0 : i32
    %dma_start3A_249 = tpu.memref_slice %arg5[%dma_start3A_240, %dma_start3A_241, %dma_start3A_248] : memref<200x2x64xi32, #tpu.memory_space<vmem>> -> memref<1x1x64xi32, #tpu.memory_space<vmem>>
    %dma_start3A_250 = tpu.memref_squeeze %dma_start3A_249 : memref<1x1x64xi32, #tpu.memory_space<vmem>> -> memref<64xi32, #tpu.memory_space<vmem>>
    %dma_start3A_251 = arith.constant 0 : i32
    %dma_start3A_252 = arith.constant 0 : i32
    %dma_start3A_253 = tpu.memref_slice %arg3[%dma_start3A_251, %dma_start3A_252] : memref<1000000x64xf32, #tpu.memory_space<hbm>> -> memref<1000000x64xf32, #tpu.memory_space<hbm>>
    tpu.enqueue_indirect_dma source(%dma_start3A_253 : memref<1000000x64xf32, #tpu.memory_space<hbm>>) target(%dma_start3A_247 : memref<64x64xf32, #tpu.memory_space<vmem>>) offsets(%dma_start3A_250 : memref<64xi32, #tpu.memory_space<vmem>>) semaphore(%arg9 : memref<!tpu.dma_semaphore, #tpu.memory_space<semaphore_mem>>)
    %dma_start3A_254 = arith.constant 9 : i32
    %dma_start3A_255 = arith.constant 0 : i32
    %dma_start3A_256 = arith.constant 4 : i32
    %dma_start3A_257 = arith.constant 0 : i32
    %dma_start3A_258 = arith.constant 0 : i32
    %dma_start3A_259 = arith.constant 0 : i32
    %dma_start3A_260 = tpu.memref_slice %arg7[%dma_start3A_256, %dma_start3A_257, %dma_start3A_258, %dma_start3A_259] : memref<5x2x64x64xf32, #tpu.memory_space<vmem>> -> memref<1x1x64x64xf32, #tpu.memory_space<vmem>>
    %dma_start3A_261 = tpu.memref_squeeze %dma_start3A_260 : memref<1x1x64x64xf32, #tpu.memory_space<vmem>> -> memref<64x64xf32, #tpu.memory_space<vmem>>
    %dma_start3A_262 = arith.constant 0 : i32
    %dma_start3A_263 = tpu.memref_slice %arg5[%dma_start3A_254, %dma_start3A_255, %dma_start3A_262] : memref<200x2x64xi32, #tpu.memory_space<vmem>> -> memref<1x1x64xi32, #tpu.memory_space<vmem>>
    %dma_start3A_264 = tpu.memref_squeeze %dma_start3A_263 : memref<1x1x64xi32, #tpu.memory_space<vmem>> -> memref<64xi32, #tpu.memory_space<vmem>>
    %dma_start3A_265 = arith.constant 0 : i32
    %dma_start3A_266 = arith.constant 0 : i32
    %dma_start3A_267 = tpu.memref_slice %arg3[%dma_start3A_265, %dma_start3A_266] : memref<1000000x64xf32, #tpu.memory_space<hbm>> -> memref<1000000x64xf32, #tpu.memory_space<hbm>>
    tpu.enqueue_indirect_dma source(%dma_start3A_267 : memref<1000000x64xf32, #tpu.memory_space<hbm>>) target(%dma_start3A_261 : memref<64x64xf32, #tpu.memory_space<vmem>>) offsets(%dma_start3A_264 : memref<64xi32, #tpu.memory_space<vmem>>) semaphore(%arg9 : memref<!tpu.dma_semaphore, #tpu.memory_space<semaphore_mem>>)
    %dma_start3A_268 = arith.constant 9 : i32
    %dma_start3A_269 = arith.constant 1 : i32
    %dma_start3A_270 = arith.constant 4 : i32
    %dma_start3A_271 = arith.constant 1 : i32
    %dma_start3A_272 = arith.constant 0 : i32
    %dma_start3A_273 = arith.constant 0 : i32
    %dma_start3A_274 = tpu.memref_slice %arg7[%dma_start3A_270, %dma_start3A_271, %dma_start3A_272, %dma_start3A_273] : memref<5x2x64x64xf32, #tpu.memory_space<vmem>> -> memref<1x1x64x64xf32, #tpu.memory_space<vmem>>
    %dma_start3A_275 = tpu.memref_squeeze %dma_start3A_274 : memref<1x1x64x64xf32, #tpu.memory_space<vmem>> -> memref<64x64xf32, #tpu.memory_space<vmem>>
    %dma_start3A_276 = arith.constant 0 : i32
    %dma_start3A_277 = tpu.memref_slice %arg5[%dma_start3A_268, %dma_start3A_269, %dma_start3A_276] : memref<200x2x64xi32, #tpu.memory_space<vmem>> -> memref<1x1x64xi32, #tpu.memory_space<vmem>>
    %dma_start3A_278 = tpu.memref_squeeze %dma_start3A_277 : memref<1x1x64xi32, #tpu.memory_space<vmem>> -> memref<64xi32, #tpu.memory_space<vmem>>
    %dma_start3A_279 = arith.constant 0 : i32
    %dma_start3A_280 = arith.constant 0 : i32
    %dma_start3A_281 = tpu.memref_slice %arg3[%dma_start3A_279, %dma_start3A_280] : memref<1000000x64xf32, #tpu.memory_space<hbm>> -> memref<1000000x64xf32, #tpu.memory_space<hbm>>
    tpu.enqueue_indirect_dma source(%dma_start3A_281 : memref<1000000x64xf32, #tpu.memory_space<hbm>>) target(%dma_start3A_275 : memref<64x64xf32, #tpu.memory_space<vmem>>) offsets(%dma_start3A_278 : memref<64xi32, #tpu.memory_space<vmem>>) semaphore(%arg9 : memref<!tpu.dma_semaphore, #tpu.memory_space<semaphore_mem>>)
    %scan3A = arith.constant 0 : i32
    %scan3A_282 = arith.constant 0 : i32
    %scan3A_283 = arith.constant 19 : i32
    %scan3A_284 = arith.addi %scan3A_282, %scan3A_283 : i32
    %scan3A_285 = arith.constant 1 : i32
    scf.for %scan3A_1286 = %scan3A_282 to %scan3A_284 step %scan3A_285  : i32 {
      %mul3A_1287 = arith.constant 2 : i32
      %mul3A_1288 = arith.muli %mul3A_1287, %scan3A_1286 : i32
      %add3A_1289 = arith.constant 1 : i32
      %add3A_1290 = arith.addi %mul3A_1288, %add3A_1289 : i32
      %dma_wait3A_1291 = arith.constant 0 : i32
      %dma_wait3A_1292 = arith.constant 0 : i32
      %dma_wait3A_1293 = arith.constant 0 : i32
      %dma_wait3A_1294 = arith.constant 0 : i32
      %dma_wait3A_1295 = tpu.memref_slice %arg6[%dma_wait3A_1291, %dma_wait3A_1292, %dma_wait3A_1293, %dma_wait3A_1294] : memref<5x2x64x64xf32, #tpu.memory_space<vmem>> -> memref<1x1x64x64xf32, #tpu.memory_space<vmem>>
      %dma_wait3A_1296 = tpu.memref_squeeze %dma_wait3A_1295 : memref<1x1x64x64xf32, #tpu.memory_space<vmem>> -> memref<64x64xf32, #tpu.memory_space<vmem>>
      %dma_wait3A_1297 = arith.constant 0 : i32
      %dma_wait3A_1298 = arith.constant 0 : i32
      %dma_wait3A_1299 = tpu.memref_slice %arg3[%dma_wait3A_1297, %dma_wait3A_1298] : memref<1000000x64xf32, #tpu.memory_space<hbm>> -> memref<64x64xf32, #tpu.memory_space<hbm>>
      %dma_wait3A_1300 = arith.constant 0 : i32
      %dma_wait3A_1301 = arith.constant 0 : i32
      %dma_wait3A_1302 = tpu.memref_slice %arg6[%dma_wait3A_1291, %dma_wait3A_1292, %dma_wait3A_1300, %dma_wait3A_1301] : memref<5x2x64x64xf32, #tpu.memory_space<vmem>> -> memref<1x1x64x64xf32, #tpu.memory_space<vmem>>
      %dma_wait3A_1303 = tpu.memref_squeeze %dma_wait3A_1302 : memref<1x1x64x64xf32, #tpu.memory_space<vmem>> -> memref<64x64xf32, #tpu.memory_space<vmem>>
      %dma_wait3A_1304 = arith.constant 0 : i32
      %dma_wait3A_1305 = arith.constant 0 : i32
      %dma_wait3A_1306 = tpu.memref_slice %arg3[%dma_wait3A_1304, %dma_wait3A_1305] : memref<1000000x64xf32, #tpu.memory_space<hbm>> -> memref<64x64xf32, #tpu.memory_space<hbm>>
      tpu.wait_dma2 semaphore(%arg8 : memref<!tpu.dma_semaphore, #tpu.memory_space<semaphore_mem>>) src(%dma_wait3A_1306 : memref<64x64xf32, #tpu.memory_space<hbm>>) dst(%dma_wait3A_1303 : memref<64x64xf32, #tpu.memory_space<vmem>>)
      %dma_wait3A_1307 = arith.constant 0 : i32
      %dma_wait3A_1308 = arith.constant 1 : i32
      %dma_wait3A_1309 = arith.constant 0 : i32
      %dma_wait3A_1310 = arith.constant 0 : i32
      %dma_wait3A_1311 = tpu.memref_slice %arg6[%dma_wait3A_1307, %dma_wait3A_1308, %dma_wait3A_1309, %dma_wait3A_1310] : memref<5x2x64x64xf32, #tpu.memory_space<vmem>> -> memref<1x1x64x64xf32, #tpu.memory_space<vmem>>
      %dma_wait3A_1312 = tpu.memref_squeeze %dma_wait3A_1311 : memref<1x1x64x64xf32, #tpu.memory_space<vmem>> -> memref<64x64xf32, #tpu.memory_space<vmem>>
      %dma_wait3A_1313 = arith.constant 0 : i32
      %dma_wait3A_1314 = arith.constant 0 : i32
      %dma_wait3A_1315 = tpu.memref_slice %arg3[%dma_wait3A_1313, %dma_wait3A_1314] : memref<1000000x64xf32, #tpu.memory_space<hbm>> -> memref<64x64xf32, #tpu.memory_space<hbm>>
      %dma_wait3A_1316 = arith.constant 0 : i32
      %dma_wait3A_1317 = arith.constant 0 : i32
      %dma_wait3A_1318 = tpu.memref_slice %arg6[%dma_wait3A_1307, %dma_wait3A_1308, %dma_wait3A_1316, %dma_wait3A_1317] : memref<5x2x64x64xf32, #tpu.memory_space<vmem>> -> memref<1x1x64x64xf32, #tpu.memory_space<vmem>>
      %dma_wait3A_1319 = tpu.memref_squeeze %dma_wait3A_1318 : memref<1x1x64x64xf32, #tpu.memory_space<vmem>> -> memref<64x64xf32, #tpu.memory_space<vmem>>
      %dma_wait3A_1320 = arith.constant 0 : i32
      %dma_wait3A_1321 = arith.constant 0 : i32
      %dma_wait3A_1322 = tpu.memref_slice %arg3[%dma_wait3A_1320, %dma_wait3A_1321] : memref<1000000x64xf32, #tpu.memory_space<hbm>> -> memref<64x64xf32, #tpu.memory_space<hbm>>
      tpu.wait_dma2 semaphore(%arg8 : memref<!tpu.dma_semaphore, #tpu.memory_space<semaphore_mem>>) src(%dma_wait3A_1322 : memref<64x64xf32, #tpu.memory_space<hbm>>) dst(%dma_wait3A_1319 : memref<64x64xf32, #tpu.memory_space<vmem>>)
      %dma_wait3A_1323 = arith.constant 1 : i32
      %dma_wait3A_1324 = arith.constant 0 : i32
      %dma_wait3A_1325 = arith.constant 0 : i32
      %dma_wait3A_1326 = arith.constant 0 : i32
      %dma_wait3A_1327 = tpu.memref_slice %arg6[%dma_wait3A_1323, %dma_wait3A_1324, %dma_wait3A_1325, %dma_wait3A_1326] : memref<5x2x64x64xf32, #tpu.memory_space<vmem>> -> memref<1x1x64x64xf32, #tpu.memory_space<vmem>>
      %dma_wait3A_1328 = tpu.memref_squeeze %dma_wait3A_1327 : memref<1x1x64x64xf32, #tpu.memory_space<vmem>> -> memref<64x64xf32, #tpu.memory_space<vmem>>
      %dma_wait3A_1329 = arith.constant 0 : i32
      %dma_wait3A_1330 = arith.constant 0 : i32
      %dma_wait3A_1331 = tpu.memref_slice %arg3[%dma_wait3A_1329, %dma_wait3A_1330] : memref<1000000x64xf32, #tpu.memory_space<hbm>> -> memref<64x64xf32, #tpu.memory_space<hbm>>
      %dma_wait3A_1332 = arith.constant 0 : i32
      %dma_wait3A_1333 = arith.constant 0 : i32
      %dma_wait3A_1334 = tpu.memref_slice %arg6[%dma_wait3A_1323, %dma_wait3A_1324, %dma_wait3A_1332, %dma_wait3A_1333] : memref<5x2x64x64xf32, #tpu.memory_space<vmem>> -> memref<1x1x64x64xf32, #tpu.memory_space<vmem>>
      %dma_wait3A_1335 = tpu.memref_squeeze %dma_wait3A_1334 : memref<1x1x64x64xf32, #tpu.memory_space<vmem>> -> memref<64x64xf32, #tpu.memory_space<vmem>>
      %dma_wait3A_1336 = arith.constant 0 : i32
      %dma_wait3A_1337 = arith.constant 0 : i32
      %dma_wait3A_1338 = tpu.memref_slice %arg3[%dma_wait3A_1336, %dma_wait3A_1337] : memref<1000000x64xf32, #tpu.memory_space<hbm>> -> memref<64x64xf32, #tpu.memory_space<hbm>>
      tpu.wait_dma2 semaphore(%arg8 : memref<!tpu.dma_semaphore, #tpu.memory_space<semaphore_mem>>) src(%dma_wait3A_1338 : memref<64x64xf32, #tpu.memory_space<hbm>>) dst(%dma_wait3A_1335 : memref<64x64xf32, #tpu.memory_space<vmem>>)
      %dma_wait3A_1339 = arith.constant 1 : i32
      %dma_wait3A_1340 = arith.constant 1 : i32
      %dma_wait3A_1341 = arith.constant 0 : i32
      %dma_wait3A_1342 = arith.constant 0 : i32
      %dma_wait3A_1343 = tpu.memref_slice %arg6[%dma_wait3A_1339, %dma_wait3A_1340, %dma_wait3A_1341, %dma_wait3A_1342] : memref<5x2x64x64xf32, #tpu.memory_space<vmem>> -> memref<1x1x64x64xf32, #tpu.memory_space<vmem>>
      %dma_wait3A_1344 = tpu.memref_squeeze %dma_wait3A_1343 : memref<1x1x64x64xf32, #tpu.memory_space<vmem>> -> memref<64x64xf32, #tpu.memory_space<vmem>>
      %dma_wait3A_1345 = arith.constant 0 : i32
      %dma_wait3A_1346 = arith.constant 0 : i32
      %dma_wait3A_1347 = tpu.memref_slice %arg3[%dma_wait3A_1345, %dma_wait3A_1346] : memref<1000000x64xf32, #tpu.memory_space<hbm>> -> memref<64x64xf32, #tpu.memory_space<hbm>>
      %dma_wait3A_1348 = arith.constant 0 : i32
      %dma_wait3A_1349 = arith.constant 0 : i32
      %dma_wait3A_1350 = tpu.memref_slice %arg6[%dma_wait3A_1339, %dma_wait3A_1340, %dma_wait3A_1348, %dma_wait3A_1349] : memref<5x2x64x64xf32, #tpu.memory_space<vmem>> -> memref<1x1x64x64xf32, #tpu.memory_space<vmem>>
      %dma_wait3A_1351 = tpu.memref_squeeze %dma_wait3A_1350 : memref<1x1x64x64xf32, #tpu.memory_space<vmem>> -> memref<64x64xf32, #tpu.memory_space<vmem>>
      %dma_wait3A_1352 = arith.constant 0 : i32
      %dma_wait3A_1353 = arith.constant 0 : i32
      %dma_wait3A_1354 = tpu.memref_slice %arg3[%dma_wait3A_1352, %dma_wait3A_1353] : memref<1000000x64xf32, #tpu.memory_space<hbm>> -> memref<64x64xf32, #tpu.memory_space<hbm>>
      tpu.wait_dma2 semaphore(%arg8 : memref<!tpu.dma_semaphore, #tpu.memory_space<semaphore_mem>>) src(%dma_wait3A_1354 : memref<64x64xf32, #tpu.memory_space<hbm>>) dst(%dma_wait3A_1351 : memref<64x64xf32, #tpu.memory_space<vmem>>)
      %dma_wait3A_1355 = arith.constant 2 : i32
      %dma_wait3A_1356 = arith.constant 0 : i32
      %dma_wait3A_1357 = arith.constant 0 : i32
      %dma_wait3A_1358 = arith.constant 0 : i32
      %dma_wait3A_1359 = tpu.memref_slice %arg6[%dma_wait3A_1355, %dma_wait3A_1356, %dma_wait3A_1357, %dma_wait3A_1358] : memref<5x2x64x64xf32, #tpu.memory_space<vmem>> -> memref<1x1x64x64xf32, #tpu.memory_space<vmem>>
      %dma_wait3A_1360 = tpu.memref_squeeze %dma_wait3A_1359 : memref<1x1x64x64xf32, #tpu.memory_space<vmem>> -> memref<64x64xf32, #tpu.memory_space<vmem>>
      %dma_wait3A_1361 = arith.constant 0 : i32
      %dma_wait3A_1362 = arith.constant 0 : i32
      %dma_wait3A_1363 = tpu.memref_slice %arg3[%dma_wait3A_1361, %dma_wait3A_1362] : memref<1000000x64xf32, #tpu.memory_space<hbm>> -> memref<64x64xf32, #tpu.memory_space<hbm>>
      %dma_wait3A_1364 = arith.constant 0 : i32
      %dma_wait3A_1365 = arith.constant 0 : i32
      %dma_wait3A_1366 = tpu.memref_slice %arg6[%dma_wait3A_1355, %dma_wait3A_1356, %dma_wait3A_1364, %dma_wait3A_1365] : memref<5x2x64x64xf32, #tpu.memory_space<vmem>> -> memref<1x1x64x64xf32, #tpu.memory_space<vmem>>
      %dma_wait3A_1367 = tpu.memref_squeeze %dma_wait3A_1366 : memref<1x1x64x64xf32, #tpu.memory_space<vmem>> -> memref<64x64xf32, #tpu.memory_space<vmem>>
      %dma_wait3A_1368 = arith.constant 0 : i32
      %dma_wait3A_1369 = arith.constant 0 : i32
      %dma_wait3A_1370 = tpu.memref_slice %arg3[%dma_wait3A_1368, %dma_wait3A_1369] : memref<1000000x64xf32, #tpu.memory_space<hbm>> -> memref<64x64xf32, #tpu.memory_space<hbm>>
      tpu.wait_dma2 semaphore(%arg8 : memref<!tpu.dma_semaphore, #tpu.memory_space<semaphore_mem>>) src(%dma_wait3A_1370 : memref<64x64xf32, #tpu.memory_space<hbm>>) dst(%dma_wait3A_1367 : memref<64x64xf32, #tpu.memory_space<vmem>>)
      %dma_wait3A_1371 = arith.constant 2 : i32
      %dma_wait3A_1372 = arith.constant 1 : i32
      %dma_wait3A_1373 = arith.constant 0 : i32
      %dma_wait3A_1374 = arith.constant 0 : i32
      %dma_wait3A_1375 = tpu.memref_slice %arg6[%dma_wait3A_1371, %dma_wait3A_1372, %dma_wait3A_1373, %dma_wait3A_1374] : memref<5x2x64x64xf32, #tpu.memory_space<vmem>> -> memref<1x1x64x64xf32, #tpu.memory_space<vmem>>
      %dma_wait3A_1376 = tpu.memref_squeeze %dma_wait3A_1375 : memref<1x1x64x64xf32, #tpu.memory_space<vmem>> -> memref<64x64xf32, #tpu.memory_space<vmem>>
      %dma_wait3A_1377 = arith.constant 0 : i32
      %dma_wait3A_1378 = arith.constant 0 : i32
      %dma_wait3A_1379 = tpu.memref_slice %arg3[%dma_wait3A_1377, %dma_wait3A_1378] : memref<1000000x64xf32, #tpu.memory_space<hbm>> -> memref<64x64xf32, #tpu.memory_space<hbm>>
      %dma_wait3A_1380 = arith.constant 0 : i32
      %dma_wait3A_1381 = arith.constant 0 : i32
      %dma_wait3A_1382 = tpu.memref_slice %arg6[%dma_wait3A_1371, %dma_wait3A_1372, %dma_wait3A_1380, %dma_wait3A_1381] : memref<5x2x64x64xf32, #tpu.memory_space<vmem>> -> memref<1x1x64x64xf32, #tpu.memory_space<vmem>>
      %dma_wait3A_1383 = tpu.memref_squeeze %dma_wait3A_1382 : memref<1x1x64x64xf32, #tpu.memory_space<vmem>> -> memref<64x64xf32, #tpu.memory_space<vmem>>
      %dma_wait3A_1384 = arith.constant 0 : i32
      %dma_wait3A_1385 = arith.constant 0 : i32
      %dma_wait3A_1386 = tpu.memref_slice %arg3[%dma_wait3A_1384, %dma_wait3A_1385] : memref<1000000x64xf32, #tpu.memory_space<hbm>> -> memref<64x64xf32, #tpu.memory_space<hbm>>
      tpu.wait_dma2 semaphore(%arg8 : memref<!tpu.dma_semaphore, #tpu.memory_space<semaphore_mem>>) src(%dma_wait3A_1386 : memref<64x64xf32, #tpu.memory_space<hbm>>) dst(%dma_wait3A_1383 : memref<64x64xf32, #tpu.memory_space<vmem>>)
      %dma_wait3A_1387 = arith.constant 3 : i32
      %dma_wait3A_1388 = arith.constant 0 : i32
      %dma_wait3A_1389 = arith.constant 0 : i32
      %dma_wait3A_1390 = arith.constant 0 : i32
      %dma_wait3A_1391 = tpu.memref_slice %arg6[%dma_wait3A_1387, %dma_wait3A_1388, %dma_wait3A_1389, %dma_wait3A_1390] : memref<5x2x64x64xf32, #tpu.memory_space<vmem>> -> memref<1x1x64x64xf32, #tpu.memory_space<vmem>>
      %dma_wait3A_1392 = tpu.memref_squeeze %dma_wait3A_1391 : memref<1x1x64x64xf32, #tpu.memory_space<vmem>> -> memref<64x64xf32, #tpu.memory_space<vmem>>
      %dma_wait3A_1393 = arith.constant 0 : i32
      %dma_wait3A_1394 = arith.constant 0 : i32
      %dma_wait3A_1395 = tpu.memref_slice %arg3[%dma_wait3A_1393, %dma_wait3A_1394] : memref<1000000x64xf32, #tpu.memory_space<hbm>> -> memref<64x64xf32, #tpu.memory_space<hbm>>
      %dma_wait3A_1396 = arith.constant 0 : i32
      %dma_wait3A_1397 = arith.constant 0 : i32
      %dma_wait3A_1398 = tpu.memref_slice %arg6[%dma_wait3A_1387, %dma_wait3A_1388, %dma_wait3A_1396, %dma_wait3A_1397] : memref<5x2x64x64xf32, #tpu.memory_space<vmem>> -> memref<1x1x64x64xf32, #tpu.memory_space<vmem>>
      %dma_wait3A_1399 = tpu.memref_squeeze %dma_wait3A_1398 : memref<1x1x64x64xf32, #tpu.memory_space<vmem>> -> memref<64x64xf32, #tpu.memory_space<vmem>>
      %dma_wait3A_1400 = arith.constant 0 : i32
      %dma_wait3A_1401 = arith.constant 0 : i32
      %dma_wait3A_1402 = tpu.memref_slice %arg3[%dma_wait3A_1400, %dma_wait3A_1401] : memref<1000000x64xf32, #tpu.memory_space<hbm>> -> memref<64x64xf32, #tpu.memory_space<hbm>>
      tpu.wait_dma2 semaphore(%arg8 : memref<!tpu.dma_semaphore, #tpu.memory_space<semaphore_mem>>) src(%dma_wait3A_1402 : memref<64x64xf32, #tpu.memory_space<hbm>>) dst(%dma_wait3A_1399 : memref<64x64xf32, #tpu.memory_space<vmem>>)
      %dma_wait3A_1403 = arith.constant 3 : i32
      %dma_wait3A_1404 = arith.constant 1 : i32
      %dma_wait3A_1405 = arith.constant 0 : i32
      %dma_wait3A_1406 = arith.constant 0 : i32
      %dma_wait3A_1407 = tpu.memref_slice %arg6[%dma_wait3A_1403, %dma_wait3A_1404, %dma_wait3A_1405, %dma_wait3A_1406] : memref<5x2x64x64xf32, #tpu.memory_space<vmem>> -> memref<1x1x64x64xf32, #tpu.memory_space<vmem>>
      %dma_wait3A_1408 = tpu.memref_squeeze %dma_wait3A_1407 : memref<1x1x64x64xf32, #tpu.memory_space<vmem>> -> memref<64x64xf32, #tpu.memory_space<vmem>>
      %dma_wait3A_1409 = arith.constant 0 : i32
      %dma_wait3A_1410 = arith.constant 0 : i32
      %dma_wait3A_1411 = tpu.memref_slice %arg3[%dma_wait3A_1409, %dma_wait3A_1410] : memref<1000000x64xf32, #tpu.memory_space<hbm>> -> memref<64x64xf32, #tpu.memory_space<hbm>>
      %dma_wait3A_1412 = arith.constant 0 : i32
      %dma_wait3A_1413 = arith.constant 0 : i32
      %dma_wait3A_1414 = tpu.memref_slice %arg6[%dma_wait3A_1403, %dma_wait3A_1404, %dma_wait3A_1412, %dma_wait3A_1413] : memref<5x2x64x64xf32, #tpu.memory_space<vmem>> -> memref<1x1x64x64xf32, #tpu.memory_space<vmem>>
      %dma_wait3A_1415 = tpu.memref_squeeze %dma_wait3A_1414 : memref<1x1x64x64xf32, #tpu.memory_space<vmem>> -> memref<64x64xf32, #tpu.memory_space<vmem>>
      %dma_wait3A_1416 = arith.constant 0 : i32
      %dma_wait3A_1417 = arith.constant 0 : i32
      %dma_wait3A_1418 = tpu.memref_slice %arg3[%dma_wait3A_1416, %dma_wait3A_1417] : memref<1000000x64xf32, #tpu.memory_space<hbm>> -> memref<64x64xf32, #tpu.memory_space<hbm>>
      tpu.wait_dma2 semaphore(%arg8 : memref<!tpu.dma_semaphore, #tpu.memory_space<semaphore_mem>>) src(%dma_wait3A_1418 : memref<64x64xf32, #tpu.memory_space<hbm>>) dst(%dma_wait3A_1415 : memref<64x64xf32, #tpu.memory_space<vmem>>)
      %dma_wait3A_1419 = arith.constant 4 : i32
      %dma_wait3A_1420 = arith.constant 0 : i32
      %dma_wait3A_1421 = arith.constant 0 : i32
      %dma_wait3A_1422 = arith.constant 0 : i32
      %dma_wait3A_1423 = tpu.memref_slice %arg6[%dma_wait3A_1419, %dma_wait3A_1420, %dma_wait3A_1421, %dma_wait3A_1422] : memref<5x2x64x64xf32, #tpu.memory_space<vmem>> -> memref<1x1x64x64xf32, #tpu.memory_space<vmem>>
      %dma_wait3A_1424 = tpu.memref_squeeze %dma_wait3A_1423 : memref<1x1x64x64xf32, #tpu.memory_space<vmem>> -> memref<64x64xf32, #tpu.memory_space<vmem>>
      %dma_wait3A_1425 = arith.constant 0 : i32
      %dma_wait3A_1426 = arith.constant 0 : i32
      %dma_wait3A_1427 = tpu.memref_slice %arg3[%dma_wait3A_1425, %dma_wait3A_1426] : memref<1000000x64xf32, #tpu.memory_space<hbm>> -> memref<64x64xf32, #tpu.memory_space<hbm>>
      %dma_wait3A_1428 = arith.constant 0 : i32
      %dma_wait3A_1429 = arith.constant 0 : i32
      %dma_wait3A_1430 = tpu.memref_slice %arg6[%dma_wait3A_1419, %dma_wait3A_1420, %dma_wait3A_1428, %dma_wait3A_1429] : memref<5x2x64x64xf32, #tpu.memory_space<vmem>> -> memref<1x1x64x64xf32, #tpu.memory_space<vmem>>
      %dma_wait3A_1431 = tpu.memref_squeeze %dma_wait3A_1430 : memref<1x1x64x64xf32, #tpu.memory_space<vmem>> -> memref<64x64xf32, #tpu.memory_space<vmem>>
      %dma_wait3A_1432 = arith.constant 0 : i32
      %dma_wait3A_1433 = arith.constant 0 : i32
      %dma_wait3A_1434 = tpu.memref_slice %arg3[%dma_wait3A_1432, %dma_wait3A_1433] : memref<1000000x64xf32, #tpu.memory_space<hbm>> -> memref<64x64xf32, #tpu.memory_space<hbm>>
      tpu.wait_dma2 semaphore(%arg8 : memref<!tpu.dma_semaphore, #tpu.memory_space<semaphore_mem>>) src(%dma_wait3A_1434 : memref<64x64xf32, #tpu.memory_space<hbm>>) dst(%dma_wait3A_1431 : memref<64x64xf32, #tpu.memory_space<vmem>>)
      %dma_wait3A_1435 = arith.constant 4 : i32
      %dma_wait3A_1436 = arith.constant 1 : i32
      %dma_wait3A_1437 = arith.constant 0 : i32
      %dma_wait3A_1438 = arith.constant 0 : i32
      %dma_wait3A_1439 = tpu.memref_slice %arg6[%dma_wait3A_1435, %dma_wait3A_1436, %dma_wait3A_1437, %dma_wait3A_1438] : memref<5x2x64x64xf32, #tpu.memory_space<vmem>> -> memref<1x1x64x64xf32, #tpu.memory_space<vmem>>
      %dma_wait3A_1440 = tpu.memref_squeeze %dma_wait3A_1439 : memref<1x1x64x64xf32, #tpu.memory_space<vmem>> -> memref<64x64xf32, #tpu.memory_space<vmem>>
      %dma_wait3A_1441 = arith.constant 0 : i32
      %dma_wait3A_1442 = arith.constant 0 : i32
      %dma_wait3A_1443 = tpu.memref_slice %arg3[%dma_wait3A_1441, %dma_wait3A_1442] : memref<1000000x64xf32, #tpu.memory_space<hbm>> -> memref<64x64xf32, #tpu.memory_space<hbm>>
      %dma_wait3A_1444 = arith.constant 0 : i32
      %dma_wait3A_1445 = arith.constant 0 : i32
      %dma_wait3A_1446 = tpu.memref_slice %arg6[%dma_wait3A_1435, %dma_wait3A_1436, %dma_wait3A_1444, %dma_wait3A_1445] : memref<5x2x64x64xf32, #tpu.memory_space<vmem>> -> memref<1x1x64x64xf32, #tpu.memory_space<vmem>>
      %dma_wait3A_1447 = tpu.memref_squeeze %dma_wait3A_1446 : memref<1x1x64x64xf32, #tpu.memory_space<vmem>> -> memref<64x64xf32, #tpu.memory_space<vmem>>
      %dma_wait3A_1448 = arith.constant 0 : i32
      %dma_wait3A_1449 = arith.constant 0 : i32
      %dma_wait3A_1450 = tpu.memref_slice %arg3[%dma_wait3A_1448, %dma_wait3A_1449] : memref<1000000x64xf32, #tpu.memory_space<hbm>> -> memref<64x64xf32, #tpu.memory_space<hbm>>
      tpu.wait_dma2 semaphore(%arg8 : memref<!tpu.dma_semaphore, #tpu.memory_space<semaphore_mem>>) src(%dma_wait3A_1450 : memref<64x64xf32, #tpu.memory_space<hbm>>) dst(%dma_wait3A_1447 : memref<64x64xf32, #tpu.memory_space<vmem>>)
      %mul3A_1451 = arith.constant 5 : i32
      %mul3A_1452 = arith.muli %mul3A_1288, %mul3A_1451 : i32
      %add3A_1453 = arith.constant 0 : i32
      %add3A_1454 = arith.addi %mul3A_1452, %add3A_1453 : i32
      %add3A_1455 = arith.addi %mul3A_2, %add3A_1454 : i32
      %mul3A_1456 = arith.constant 64 : i32
      %mul3A_1457 = arith.muli %add3A_1455, %mul3A_1456 : i32
      %dma_start3A_1458 = arith.constant 0 : i32
      %dma_start3A_1459 = arith.constant 0 : i32
      %dma_start3A_1460 = arith.constant 0 : i32
      %dma_start3A_1461 = arith.constant 0 : i32
      %dma_start3A_1462 = tpu.memref_slice %arg6[%dma_start3A_1458, %dma_start3A_1459, %dma_start3A_1460, %dma_start3A_1461] : memref<5x2x64x64xf32, #tpu.memory_space<vmem>> -> memref<1x1x64x64xf32, #tpu.memory_space<vmem>>
      %dma_start3A_1463 = tpu.memref_squeeze %dma_start3A_1462 : memref<1x1x64x64xf32, #tpu.memory_space<vmem>> -> memref<64x64xf32, #tpu.memory_space<vmem>>
      %dma_start3A_1464 = arith.constant 0 : i32
      %dma_start3A_1465 = tpu.memref_slice %arg4[%mul3A_1457, %dma_start3A_1464] : memref<409600x128xf32, #tpu.memory_space<hbm>> -> memref<64x64xf32, #tpu.memory_space<hbm>>
      %dma_start3A_1466 = arith.constant 0 : i32
      %dma_start3A_1467 = tpu.memref_slice %arg4[%mul3A_1457, %dma_start3A_1466] : memref<409600x128xf32, #tpu.memory_space<hbm>> -> memref<64x64xf32, #tpu.memory_space<hbm>>
      %dma_start3A_1468 = arith.constant 0 : i32
      %dma_start3A_1469 = arith.constant 0 : i32
      %dma_start3A_1470 = tpu.memref_slice %arg6[%dma_start3A_1458, %dma_start3A_1459, %dma_start3A_1468, %dma_start3A_1469] : memref<5x2x64x64xf32, #tpu.memory_space<vmem>> -> memref<1x1x64x64xf32, #tpu.memory_space<vmem>>
      %dma_start3A_1471 = tpu.memref_squeeze %dma_start3A_1470 : memref<1x1x64x64xf32, #tpu.memory_space<vmem>> -> memref<64x64xf32, #tpu.memory_space<vmem>>
      tpu.enqueue_dma source(%dma_start3A_1471 : memref<64x64xf32, #tpu.memory_space<vmem>>) target(%dma_start3A_1467 : memref<64x64xf32, #tpu.memory_space<hbm>>) target_semaphore(%arg10 : memref<!tpu.dma_semaphore, #tpu.memory_space<semaphore_mem>>)
      %add3A_1472 = arith.addi %mul3A_2, %add3A_1454 : i32
      %mul3A_1473 = arith.constant 64 : i32
      %mul3A_1474 = arith.muli %add3A_1472, %mul3A_1473 : i32
      %dma_start3A_1475 = arith.constant 0 : i32
      %dma_start3A_1476 = arith.constant 1 : i32
      %dma_start3A_1477 = arith.constant 0 : i32
      %dma_start3A_1478 = arith.constant 0 : i32
      %dma_start3A_1479 = tpu.memref_slice %arg6[%dma_start3A_1475, %dma_start3A_1476, %dma_start3A_1477, %dma_start3A_1478] : memref<5x2x64x64xf32, #tpu.memory_space<vmem>> -> memref<1x1x64x64xf32, #tpu.memory_space<vmem>>
      %dma_start3A_1480 = tpu.memref_squeeze %dma_start3A_1479 : memref<1x1x64x64xf32, #tpu.memory_space<vmem>> -> memref<64x64xf32, #tpu.memory_space<vmem>>
      %dma_start3A_1481 = arith.constant 64 : i32
      %dma_start3A_1482 = tpu.memref_slice %arg4[%mul3A_1474, %dma_start3A_1481] : memref<409600x128xf32, #tpu.memory_space<hbm>> -> memref<64x64xf32, #tpu.memory_space<hbm>>
      %dma_start3A_1483 = arith.constant 64 : i32
      %dma_start3A_1484 = tpu.memref_slice %arg4[%mul3A_1474, %dma_start3A_1483] : memref<409600x128xf32, #tpu.memory_space<hbm>> -> memref<64x64xf32, #tpu.memory_space<hbm>>
      %dma_start3A_1485 = arith.constant 0 : i32
      %dma_start3A_1486 = arith.constant 0 : i32
      %dma_start3A_1487 = tpu.memref_slice %arg6[%dma_start3A_1475, %dma_start3A_1476, %dma_start3A_1485, %dma_start3A_1486] : memref<5x2x64x64xf32, #tpu.memory_space<vmem>> -> memref<1x1x64x64xf32, #tpu.memory_space<vmem>>
      %dma_start3A_1488 = tpu.memref_squeeze %dma_start3A_1487 : memref<1x1x64x64xf32, #tpu.memory_space<vmem>> -> memref<64x64xf32, #tpu.memory_space<vmem>>
      tpu.enqueue_dma source(%dma_start3A_1488 : memref<64x64xf32, #tpu.memory_space<vmem>>) target(%dma_start3A_1484 : memref<64x64xf32, #tpu.memory_space<hbm>>) target_semaphore(%arg10 : memref<!tpu.dma_semaphore, #tpu.memory_space<semaphore_mem>>)
      %mul3A_1489 = arith.constant 5 : i32
      %mul3A_1490 = arith.muli %mul3A_1288, %mul3A_1489 : i32
      %add3A_1491 = arith.constant 1 : i32
      %add3A_1492 = arith.addi %mul3A_1490, %add3A_1491 : i32
      %add3A_1493 = arith.addi %mul3A_2, %add3A_1492 : i32
      %mul3A_1494 = arith.constant 64 : i32
      %mul3A_1495 = arith.muli %add3A_1493, %mul3A_1494 : i32
      %dma_start3A_1496 = arith.constant 1 : i32
      %dma_start3A_1497 = arith.constant 0 : i32
      %dma_start3A_1498 = arith.constant 0 : i32
      %dma_start3A_1499 = arith.constant 0 : i32
      %dma_start3A_1500 = tpu.memref_slice %arg6[%dma_start3A_1496, %dma_start3A_1497, %dma_start3A_1498, %dma_start3A_1499] : memref<5x2x64x64xf32, #tpu.memory_space<vmem>> -> memref<1x1x64x64xf32, #tpu.memory_space<vmem>>
      %dma_start3A_1501 = tpu.memref_squeeze %dma_start3A_1500 : memref<1x1x64x64xf32, #tpu.memory_space<vmem>> -> memref<64x64xf32, #tpu.memory_space<vmem>>
      %dma_start3A_1502 = arith.constant 0 : i32
      %dma_start3A_1503 = tpu.memref_slice %arg4[%mul3A_1495, %dma_start3A_1502] : memref<409600x128xf32, #tpu.memory_space<hbm>> -> memref<64x64xf32, #tpu.memory_space<hbm>>
      %dma_start3A_1504 = arith.constant 0 : i32
      %dma_start3A_1505 = tpu.memref_slice %arg4[%mul3A_1495, %dma_start3A_1504] : memref<409600x128xf32, #tpu.memory_space<hbm>> -> memref<64x64xf32, #tpu.memory_space<hbm>>
      %dma_start3A_1506 = arith.constant 0 : i32
      %dma_start3A_1507 = arith.constant 0 : i32
      %dma_start3A_1508 = tpu.memref_slice %arg6[%dma_start3A_1496, %dma_start3A_1497, %dma_start3A_1506, %dma_start3A_1507] : memref<5x2x64x64xf32, #tpu.memory_space<vmem>> -> memref<1x1x64x64xf32, #tpu.memory_space<vmem>>
      %dma_start3A_1509 = tpu.memref_squeeze %dma_start3A_1508 : memref<1x1x64x64xf32, #tpu.memory_space<vmem>> -> memref<64x64xf32, #tpu.memory_space<vmem>>
      tpu.enqueue_dma source(%dma_start3A_1509 : memref<64x64xf32, #tpu.memory_space<vmem>>) target(%dma_start3A_1505 : memref<64x64xf32, #tpu.memory_space<hbm>>) target_semaphore(%arg10 : memref<!tpu.dma_semaphore, #tpu.memory_space<semaphore_mem>>)
      %add3A_1510 = arith.addi %mul3A_2, %add3A_1492 : i32
      %mul3A_1511 = arith.constant 64 : i32
      %mul3A_1512 = arith.muli %add3A_1510, %mul3A_1511 : i32
      %dma_start3A_1513 = arith.constant 1 : i32
      %dma_start3A_1514 = arith.constant 1 : i32
      %dma_start3A_1515 = arith.constant 0 : i32
      %dma_start3A_1516 = arith.constant 0 : i32
      %dma_start3A_1517 = tpu.memref_slice %arg6[%dma_start3A_1513, %dma_start3A_1514, %dma_start3A_1515, %dma_start3A_1516] : memref<5x2x64x64xf32, #tpu.memory_space<vmem>> -> memref<1x1x64x64xf32, #tpu.memory_space<vmem>>
      %dma_start3A_1518 = tpu.memref_squeeze %dma_start3A_1517 : memref<1x1x64x64xf32, #tpu.memory_space<vmem>> -> memref<64x64xf32, #tpu.memory_space<vmem>>
      %dma_start3A_1519 = arith.constant 64 : i32
      %dma_start3A_1520 = tpu.memref_slice %arg4[%mul3A_1512, %dma_start3A_1519] : memref<409600x128xf32, #tpu.memory_space<hbm>> -> memref<64x64xf32, #tpu.memory_space<hbm>>
      %dma_start3A_1521 = arith.constant 64 : i32
      %dma_start3A_1522 = tpu.memref_slice %arg4[%mul3A_1512, %dma_start3A_1521] : memref<409600x128xf32, #tpu.memory_space<hbm>> -> memref<64x64xf32, #tpu.memory_space<hbm>>
      %dma_start3A_1523 = arith.constant 0 : i32
      %dma_start3A_1524 = arith.constant 0 : i32
      %dma_start3A_1525 = tpu.memref_slice %arg6[%dma_start3A_1513, %dma_start3A_1514, %dma_start3A_1523, %dma_start3A_1524] : memref<5x2x64x64xf32, #tpu.memory_space<vmem>> -> memref<1x1x64x64xf32, #tpu.memory_space<vmem>>
      %dma_start3A_1526 = tpu.memref_squeeze %dma_start3A_1525 : memref<1x1x64x64xf32, #tpu.memory_space<vmem>> -> memref<64x64xf32, #tpu.memory_space<vmem>>
      tpu.enqueue_dma source(%dma_start3A_1526 : memref<64x64xf32, #tpu.memory_space<vmem>>) target(%dma_start3A_1522 : memref<64x64xf32, #tpu.memory_space<hbm>>) target_semaphore(%arg10 : memref<!tpu.dma_semaphore, #tpu.memory_space<semaphore_mem>>)
      %mul3A_1527 = arith.constant 5 : i32
      %mul3A_1528 = arith.muli %mul3A_1288, %mul3A_1527 : i32
      %add3A_1529 = arith.constant 2 : i32
      %add3A_1530 = arith.addi %mul3A_1528, %add3A_1529 : i32
      %add3A_1531 = arith.addi %mul3A_2, %add3A_1530 : i32
      %mul3A_1532 = arith.constant 64 : i32
      %mul3A_1533 = arith.muli %add3A_1531, %mul3A_1532 : i32
      %dma_start3A_1534 = arith.constant 2 : i32
      %dma_start3A_1535 = arith.constant 0 : i32
      %dma_start3A_1536 = arith.constant 0 : i32
      %dma_start3A_1537 = arith.constant 0 : i32
      %dma_start3A_1538 = tpu.memref_slice %arg6[%dma_start3A_1534, %dma_start3A_1535, %dma_start3A_1536, %dma_start3A_1537] : memref<5x2x64x64xf32, #tpu.memory_space<vmem>> -> memref<1x1x64x64xf32, #tpu.memory_space<vmem>>
      %dma_start3A_1539 = tpu.memref_squeeze %dma_start3A_1538 : memref<1x1x64x64xf32, #tpu.memory_space<vmem>> -> memref<64x64xf32, #tpu.memory_space<vmem>>
      %dma_start3A_1540 = arith.constant 0 : i32
      %dma_start3A_1541 = tpu.memref_slice %arg4[%mul3A_1533, %dma_start3A_1540] : memref<409600x128xf32, #tpu.memory_space<hbm>> -> memref<64x64xf32, #tpu.memory_space<hbm>>
      %dma_start3A_1542 = arith.constant 0 : i32
      %dma_start3A_1543 = tpu.memref_slice %arg4[%mul3A_1533, %dma_start3A_1542] : memref<409600x128xf32, #tpu.memory_space<hbm>> -> memref<64x64xf32, #tpu.memory_space<hbm>>
      %dma_start3A_1544 = arith.constant 0 : i32
      %dma_start3A_1545 = arith.constant 0 : i32
      %dma_start3A_1546 = tpu.memref_slice %arg6[%dma_start3A_1534, %dma_start3A_1535, %dma_start3A_1544, %dma_start3A_1545] : memref<5x2x64x64xf32, #tpu.memory_space<vmem>> -> memref<1x1x64x64xf32, #tpu.memory_space<vmem>>
      %dma_start3A_1547 = tpu.memref_squeeze %dma_start3A_1546 : memref<1x1x64x64xf32, #tpu.memory_space<vmem>> -> memref<64x64xf32, #tpu.memory_space<vmem>>
      tpu.enqueue_dma source(%dma_start3A_1547 : memref<64x64xf32, #tpu.memory_space<vmem>>) target(%dma_start3A_1543 : memref<64x64xf32, #tpu.memory_space<hbm>>) target_semaphore(%arg10 : memref<!tpu.dma_semaphore, #tpu.memory_space<semaphore_mem>>)
      %add3A_1548 = arith.addi %mul3A_2, %add3A_1530 : i32
      %mul3A_1549 = arith.constant 64 : i32
      %mul3A_1550 = arith.muli %add3A_1548, %mul3A_1549 : i32
      %dma_start3A_1551 = arith.constant 2 : i32
      %dma_start3A_1552 = arith.constant 1 : i32
      %dma_start3A_1553 = arith.constant 0 : i32
      %dma_start3A_1554 = arith.constant 0 : i32
      %dma_start3A_1555 = tpu.memref_slice %arg6[%dma_start3A_1551, %dma_start3A_1552, %dma_start3A_1553, %dma_start3A_1554] : memref<5x2x64x64xf32, #tpu.memory_space<vmem>> -> memref<1x1x64x64xf32, #tpu.memory_space<vmem>>
      %dma_start3A_1556 = tpu.memref_squeeze %dma_start3A_1555 : memref<1x1x64x64xf32, #tpu.memory_space<vmem>> -> memref<64x64xf32, #tpu.memory_space<vmem>>
      %dma_start3A_1557 = arith.constant 64 : i32
      %dma_start3A_1558 = tpu.memref_slice %arg4[%mul3A_1550, %dma_start3A_1557] : memref<409600x128xf32, #tpu.memory_space<hbm>> -> memref<64x64xf32, #tpu.memory_space<hbm>>
      %dma_start3A_1559 = arith.constant 64 : i32
      %dma_start3A_1560 = tpu.memref_slice %arg4[%mul3A_1550, %dma_start3A_1559] : memref<409600x128xf32, #tpu.memory_space<hbm>> -> memref<64x64xf32, #tpu.memory_space<hbm>>
      %dma_start3A_1561 = arith.constant 0 : i32
      %dma_start3A_1562 = arith.constant 0 : i32
      %dma_start3A_1563 = tpu.memref_slice %arg6[%dma_start3A_1551, %dma_start3A_1552, %dma_start3A_1561, %dma_start3A_1562] : memref<5x2x64x64xf32, #tpu.memory_space<vmem>> -> memref<1x1x64x64xf32, #tpu.memory_space<vmem>>
      %dma_start3A_1564 = tpu.memref_squeeze %dma_start3A_1563 : memref<1x1x64x64xf32, #tpu.memory_space<vmem>> -> memref<64x64xf32, #tpu.memory_space<vmem>>
      tpu.enqueue_dma source(%dma_start3A_1564 : memref<64x64xf32, #tpu.memory_space<vmem>>) target(%dma_start3A_1560 : memref<64x64xf32, #tpu.memory_space<hbm>>) target_semaphore(%arg10 : memref<!tpu.dma_semaphore, #tpu.memory_space<semaphore_mem>>)
      %mul3A_1565 = arith.constant 5 : i32
      %mul3A_1566 = arith.muli %mul3A_1288, %mul3A_1565 : i32
      %add3A_1567 = arith.constant 3 : i32
      %add3A_1568 = arith.addi %mul3A_1566, %add3A_1567 : i32
      %add3A_1569 = arith.addi %mul3A_2, %add3A_1568 : i32
      %mul3A_1570 = arith.constant 64 : i32
      %mul3A_1571 = arith.muli %add3A_1569, %mul3A_1570 : i32
      %dma_start3A_1572 = arith.constant 3 : i32
      %dma_start3A_1573 = arith.constant 0 : i32
      %dma_start3A_1574 = arith.constant 0 : i32
      %dma_start3A_1575 = arith.constant 0 : i32
      %dma_start3A_1576 = tpu.memref_slice %arg6[%dma_start3A_1572, %dma_start3A_1573, %dma_start3A_1574, %dma_start3A_1575] : memref<5x2x64x64xf32, #tpu.memory_space<vmem>> -> memref<1x1x64x64xf32, #tpu.memory_space<vmem>>
      %dma_start3A_1577 = tpu.memref_squeeze %dma_start3A_1576 : memref<1x1x64x64xf32, #tpu.memory_space<vmem>> -> memref<64x64xf32, #tpu.memory_space<vmem>>
      %dma_start3A_1578 = arith.constant 0 : i32
      %dma_start3A_1579 = tpu.memref_slice %arg4[%mul3A_1571, %dma_start3A_1578] : memref<409600x128xf32, #tpu.memory_space<hbm>> -> memref<64x64xf32, #tpu.memory_space<hbm>>
      %dma_start3A_1580 = arith.constant 0 : i32
      %dma_start3A_1581 = tpu.memref_slice %arg4[%mul3A_1571, %dma_start3A_1580] : memref<409600x128xf32, #tpu.memory_space<hbm>> -> memref<64x64xf32, #tpu.memory_space<hbm>>
      %dma_start3A_1582 = arith.constant 0 : i32
      %dma_start3A_1583 = arith.constant 0 : i32
      %dma_start3A_1584 = tpu.memref_slice %arg6[%dma_start3A_1572, %dma_start3A_1573, %dma_start3A_1582, %dma_start3A_1583] : memref<5x2x64x64xf32, #tpu.memory_space<vmem>> -> memref<1x1x64x64xf32, #tpu.memory_space<vmem>>
      %dma_start3A_1585 = tpu.memref_squeeze %dma_start3A_1584 : memref<1x1x64x64xf32, #tpu.memory_space<vmem>> -> memref<64x64xf32, #tpu.memory_space<vmem>>
      tpu.enqueue_dma source(%dma_start3A_1585 : memref<64x64xf32, #tpu.memory_space<vmem>>) target(%dma_start3A_1581 : memref<64x64xf32, #tpu.memory_space<hbm>>) target_semaphore(%arg10 : memref<!tpu.dma_semaphore, #tpu.memory_space<semaphore_mem>>)
      %add3A_1586 = arith.addi %mul3A_2, %add3A_1568 : i32
      %mul3A_1587 = arith.constant 64 : i32
      %mul3A_1588 = arith.muli %add3A_1586, %mul3A_1587 : i32
      %dma_start3A_1589 = arith.constant 3 : i32
      %dma_start3A_1590 = arith.constant 1 : i32
      %dma_start3A_1591 = arith.constant 0 : i32
      %dma_start3A_1592 = arith.constant 0 : i32
      %dma_start3A_1593 = tpu.memref_slice %arg6[%dma_start3A_1589, %dma_start3A_1590, %dma_start3A_1591, %dma_start3A_1592] : memref<5x2x64x64xf32, #tpu.memory_space<vmem>> -> memref<1x1x64x64xf32, #tpu.memory_space<vmem>>
      %dma_start3A_1594 = tpu.memref_squeeze %dma_start3A_1593 : memref<1x1x64x64xf32, #tpu.memory_space<vmem>> -> memref<64x64xf32, #tpu.memory_space<vmem>>
      %dma_start3A_1595 = arith.constant 64 : i32
      %dma_start3A_1596 = tpu.memref_slice %arg4[%mul3A_1588, %dma_start3A_1595] : memref<409600x128xf32, #tpu.memory_space<hbm>> -> memref<64x64xf32, #tpu.memory_space<hbm>>
      %dma_start3A_1597 = arith.constant 64 : i32
      %dma_start3A_1598 = tpu.memref_slice %arg4[%mul3A_1588, %dma_start3A_1597] : memref<409600x128xf32, #tpu.memory_space<hbm>> -> memref<64x64xf32, #tpu.memory_space<hbm>>
      %dma_start3A_1599 = arith.constant 0 : i32
      %dma_start3A_1600 = arith.constant 0 : i32
      %dma_start3A_1601 = tpu.memref_slice %arg6[%dma_start3A_1589, %dma_start3A_1590, %dma_start3A_1599, %dma_start3A_1600] : memref<5x2x64x64xf32, #tpu.memory_space<vmem>> -> memref<1x1x64x64xf32, #tpu.memory_space<vmem>>
      %dma_start3A_1602 = tpu.memref_squeeze %dma_start3A_1601 : memref<1x1x64x64xf32, #tpu.memory_space<vmem>> -> memref<64x64xf32, #tpu.memory_space<vmem>>
      tpu.enqueue_dma source(%dma_start3A_1602 : memref<64x64xf32, #tpu.memory_space<vmem>>) target(%dma_start3A_1598 : memref<64x64xf32, #tpu.memory_space<hbm>>) target_semaphore(%arg10 : memref<!tpu.dma_semaphore, #tpu.memory_space<semaphore_mem>>)
      %mul3A_1603 = arith.constant 5 : i32
      %mul3A_1604 = arith.muli %mul3A_1288, %mul3A_1603 : i32
      %add3A_1605 = arith.constant 4 : i32
      %add3A_1606 = arith.addi %mul3A_1604, %add3A_1605 : i32
      %add3A_1607 = arith.addi %mul3A_2, %add3A_1606 : i32
      %mul3A_1608 = arith.constant 64 : i32
      %mul3A_1609 = arith.muli %add3A_1607, %mul3A_1608 : i32
      %dma_start3A_1610 = arith.constant 4 : i32
      %dma_start3A_1611 = arith.constant 0 : i32
      %dma_start3A_1612 = arith.constant 0 : i32
      %dma_start3A_1613 = arith.constant 0 : i32
      %dma_start3A_1614 = tpu.memref_slice %arg6[%dma_start3A_1610, %dma_start3A_1611, %dma_start3A_1612, %dma_start3A_1613] : memref<5x2x64x64xf32, #tpu.memory_space<vmem>> -> memref<1x1x64x64xf32, #tpu.memory_space<vmem>>
      %dma_start3A_1615 = tpu.memref_squeeze %dma_start3A_1614 : memref<1x1x64x64xf32, #tpu.memory_space<vmem>> -> memref<64x64xf32, #tpu.memory_space<vmem>>
      %dma_start3A_1616 = arith.constant 0 : i32
      %dma_start3A_1617 = tpu.memref_slice %arg4[%mul3A_1609, %dma_start3A_1616] : memref<409600x128xf32, #tpu.memory_space<hbm>> -> memref<64x64xf32, #tpu.memory_space<hbm>>
      %dma_start3A_1618 = arith.constant 0 : i32
      %dma_start3A_1619 = tpu.memref_slice %arg4[%mul3A_1609, %dma_start3A_1618] : memref<409600x128xf32, #tpu.memory_space<hbm>> -> memref<64x64xf32, #tpu.memory_space<hbm>>
      %dma_start3A_1620 = arith.constant 0 : i32
      %dma_start3A_1621 = arith.constant 0 : i32
      %dma_start3A_1622 = tpu.memref_slice %arg6[%dma_start3A_1610, %dma_start3A_1611, %dma_start3A_1620, %dma_start3A_1621] : memref<5x2x64x64xf32, #tpu.memory_space<vmem>> -> memref<1x1x64x64xf32, #tpu.memory_space<vmem>>
      %dma_start3A_1623 = tpu.memref_squeeze %dma_start3A_1622 : memref<1x1x64x64xf32, #tpu.memory_space<vmem>> -> memref<64x64xf32, #tpu.memory_space<vmem>>
      tpu.enqueue_dma source(%dma_start3A_1623 : memref<64x64xf32, #tpu.memory_space<vmem>>) target(%dma_start3A_1619 : memref<64x64xf32, #tpu.memory_space<hbm>>) target_semaphore(%arg10 : memref<!tpu.dma_semaphore, #tpu.memory_space<semaphore_mem>>)
      %add3A_1624 = arith.addi %mul3A_2, %add3A_1606 : i32
      %mul3A_1625 = arith.constant 64 : i32
      %mul3A_1626 = arith.muli %add3A_1624, %mul3A_1625 : i32
      %dma_start3A_1627 = arith.constant 4 : i32
      %dma_start3A_1628 = arith.constant 1 : i32
      %dma_start3A_1629 = arith.constant 0 : i32
      %dma_start3A_1630 = arith.constant 0 : i32
      %dma_start3A_1631 = tpu.memref_slice %arg6[%dma_start3A_1627, %dma_start3A_1628, %dma_start3A_1629, %dma_start3A_1630] : memref<5x2x64x64xf32, #tpu.memory_space<vmem>> -> memref<1x1x64x64xf32, #tpu.memory_space<vmem>>
      %dma_start3A_1632 = tpu.memref_squeeze %dma_start3A_1631 : memref<1x1x64x64xf32, #tpu.memory_space<vmem>> -> memref<64x64xf32, #tpu.memory_space<vmem>>
      %dma_start3A_1633 = arith.constant 64 : i32
      %dma_start3A_1634 = tpu.memref_slice %arg4[%mul3A_1626, %dma_start3A_1633] : memref<409600x128xf32, #tpu.memory_space<hbm>> -> memref<64x64xf32, #tpu.memory_space<hbm>>
      %dma_start3A_1635 = arith.constant 64 : i32
      %dma_start3A_1636 = tpu.memref_slice %arg4[%mul3A_1626, %dma_start3A_1635] : memref<409600x128xf32, #tpu.memory_space<hbm>> -> memref<64x64xf32, #tpu.memory_space<hbm>>
      %dma_start3A_1637 = arith.constant 0 : i32
      %dma_start3A_1638 = arith.constant 0 : i32
      %dma_start3A_1639 = tpu.memref_slice %arg6[%dma_start3A_1627, %dma_start3A_1628, %dma_start3A_1637, %dma_start3A_1638] : memref<5x2x64x64xf32, #tpu.memory_space<vmem>> -> memref<1x1x64x64xf32, #tpu.memory_space<vmem>>
      %dma_start3A_1640 = tpu.memref_squeeze %dma_start3A_1639 : memref<1x1x64x64xf32, #tpu.memory_space<vmem>> -> memref<64x64xf32, #tpu.memory_space<vmem>>
      tpu.enqueue_dma source(%dma_start3A_1640 : memref<64x64xf32, #tpu.memory_space<vmem>>) target(%dma_start3A_1636 : memref<64x64xf32, #tpu.memory_space<hbm>>) target_semaphore(%arg10 : memref<!tpu.dma_semaphore, #tpu.memory_space<semaphore_mem>>)
      %dma_wait3A_1641 = arith.constant 0 : i32
      %dma_wait3A_1642 = arith.constant 0 : i32
      %dma_wait3A_1643 = arith.constant 0 : i32
      %dma_wait3A_1644 = arith.constant 0 : i32
      %dma_wait3A_1645 = tpu.memref_slice %arg7[%dma_wait3A_1641, %dma_wait3A_1642, %dma_wait3A_1643, %dma_wait3A_1644] : memref<5x2x64x64xf32, #tpu.memory_space<vmem>> -> memref<1x1x64x64xf32, #tpu.memory_space<vmem>>
      %dma_wait3A_1646 = tpu.memref_squeeze %dma_wait3A_1645 : memref<1x1x64x64xf32, #tpu.memory_space<vmem>> -> memref<64x64xf32, #tpu.memory_space<vmem>>
      %dma_wait3A_1647 = arith.constant 0 : i32
      %dma_wait3A_1648 = arith.constant 0 : i32
      %dma_wait3A_1649 = tpu.memref_slice %arg3[%dma_wait3A_1647, %dma_wait3A_1648] : memref<1000000x64xf32, #tpu.memory_space<hbm>> -> memref<64x64xf32, #tpu.memory_space<hbm>>
      %dma_wait3A_1650 = arith.constant 0 : i32
      %dma_wait3A_1651 = arith.constant 0 : i32
      %dma_wait3A_1652 = tpu.memref_slice %arg7[%dma_wait3A_1641, %dma_wait3A_1642, %dma_wait3A_1650, %dma_wait3A_1651] : memref<5x2x64x64xf32, #tpu.memory_space<vmem>> -> memref<1x1x64x64xf32, #tpu.memory_space<vmem>>
      %dma_wait3A_1653 = tpu.memref_squeeze %dma_wait3A_1652 : memref<1x1x64x64xf32, #tpu.memory_space<vmem>> -> memref<64x64xf32, #tpu.memory_space<vmem>>
      %dma_wait3A_1654 = arith.constant 0 : i32
      %dma_wait3A_1655 = arith.constant 0 : i32
      %dma_wait3A_1656 = tpu.memref_slice %arg3[%dma_wait3A_1654, %dma_wait3A_1655] : memref<1000000x64xf32, #tpu.memory_space<hbm>> -> memref<64x64xf32, #tpu.memory_space<hbm>>
      tpu.wait_dma2 semaphore(%arg9 : memref<!tpu.dma_semaphore, #tpu.memory_space<semaphore_mem>>) src(%dma_wait3A_1656 : memref<64x64xf32, #tpu.memory_space<hbm>>) dst(%dma_wait3A_1653 : memref<64x64xf32, #tpu.memory_space<vmem>>)
      %dma_wait3A_1657 = arith.constant 0 : i32
      %dma_wait3A_1658 = arith.constant 1 : i32
      %dma_wait3A_1659 = arith.constant 0 : i32
      %dma_wait3A_1660 = arith.constant 0 : i32
      %dma_wait3A_1661 = tpu.memref_slice %arg7[%dma_wait3A_1657, %dma_wait3A_1658, %dma_wait3A_1659, %dma_wait3A_1660] : memref<5x2x64x64xf32, #tpu.memory_space<vmem>> -> memref<1x1x64x64xf32, #tpu.memory_space<vmem>>
      %dma_wait3A_1662 = tpu.memref_squeeze %dma_wait3A_1661 : memref<1x1x64x64xf32, #tpu.memory_space<vmem>> -> memref<64x64xf32, #tpu.memory_space<vmem>>
      %dma_wait3A_1663 = arith.constant 0 : i32
      %dma_wait3A_1664 = arith.constant 0 : i32
      %dma_wait3A_1665 = tpu.memref_slice %arg3[%dma_wait3A_1663, %dma_wait3A_1664] : memref<1000000x64xf32, #tpu.memory_space<hbm>> -> memref<64x64xf32, #tpu.memory_space<hbm>>
      %dma_wait3A_1666 = arith.constant 0 : i32
      %dma_wait3A_1667 = arith.constant 0 : i32
      %dma_wait3A_1668 = tpu.memref_slice %arg7[%dma_wait3A_1657, %dma_wait3A_1658, %dma_wait3A_1666, %dma_wait3A_1667] : memref<5x2x64x64xf32, #tpu.memory_space<vmem>> -> memref<1x1x64x64xf32, #tpu.memory_space<vmem>>
      %dma_wait3A_1669 = tpu.memref_squeeze %dma_wait3A_1668 : memref<1x1x64x64xf32, #tpu.memory_space<vmem>> -> memref<64x64xf32, #tpu.memory_space<vmem>>
      %dma_wait3A_1670 = arith.constant 0 : i32
      %dma_wait3A_1671 = arith.constant 0 : i32
      %dma_wait3A_1672 = tpu.memref_slice %arg3[%dma_wait3A_1670, %dma_wait3A_1671] : memref<1000000x64xf32, #tpu.memory_space<hbm>> -> memref<64x64xf32, #tpu.memory_space<hbm>>
      tpu.wait_dma2 semaphore(%arg9 : memref<!tpu.dma_semaphore, #tpu.memory_space<semaphore_mem>>) src(%dma_wait3A_1672 : memref<64x64xf32, #tpu.memory_space<hbm>>) dst(%dma_wait3A_1669 : memref<64x64xf32, #tpu.memory_space<vmem>>)
      %dma_wait3A_1673 = arith.constant 1 : i32
      %dma_wait3A_1674 = arith.constant 0 : i32
      %dma_wait3A_1675 = arith.constant 0 : i32
      %dma_wait3A_1676 = arith.constant 0 : i32
      %dma_wait3A_1677 = tpu.memref_slice %arg7[%dma_wait3A_1673, %dma_wait3A_1674, %dma_wait3A_1675, %dma_wait3A_1676] : memref<5x2x64x64xf32, #tpu.memory_space<vmem>> -> memref<1x1x64x64xf32, #tpu.memory_space<vmem>>
      %dma_wait3A_1678 = tpu.memref_squeeze %dma_wait3A_1677 : memref<1x1x64x64xf32, #tpu.memory_space<vmem>> -> memref<64x64xf32, #tpu.memory_space<vmem>>
      %dma_wait3A_1679 = arith.constant 0 : i32
      %dma_wait3A_1680 = arith.constant 0 : i32
      %dma_wait3A_1681 = tpu.memref_slice %arg3[%dma_wait3A_1679, %dma_wait3A_1680] : memref<1000000x64xf32, #tpu.memory_space<hbm>> -> memref<64x64xf32, #tpu.memory_space<hbm>>
      %dma_wait3A_1682 = arith.constant 0 : i32
      %dma_wait3A_1683 = arith.constant 0 : i32
      %dma_wait3A_1684 = tpu.memref_slice %arg7[%dma_wait3A_1673, %dma_wait3A_1674, %dma_wait3A_1682, %dma_wait3A_1683] : memref<5x2x64x64xf32, #tpu.memory_space<vmem>> -> memref<1x1x64x64xf32, #tpu.memory_space<vmem>>
      %dma_wait3A_1685 = tpu.memref_squeeze %dma_wait3A_1684 : memref<1x1x64x64xf32, #tpu.memory_space<vmem>> -> memref<64x64xf32, #tpu.memory_space<vmem>>
      %dma_wait3A_1686 = arith.constant 0 : i32
      %dma_wait3A_1687 = arith.constant 0 : i32
      %dma_wait3A_1688 = tpu.memref_slice %arg3[%dma_wait3A_1686, %dma_wait3A_1687] : memref<1000000x64xf32, #tpu.memory_space<hbm>> -> memref<64x64xf32, #tpu.memory_space<hbm>>
      tpu.wait_dma2 semaphore(%arg9 : memref<!tpu.dma_semaphore, #tpu.memory_space<semaphore_mem>>) src(%dma_wait3A_1688 : memref<64x64xf32, #tpu.memory_space<hbm>>) dst(%dma_wait3A_1685 : memref<64x64xf32, #tpu.memory_space<vmem>>)
      %dma_wait3A_1689 = arith.constant 1 : i32
      %dma_wait3A_1690 = arith.constant 1 : i32
      %dma_wait3A_1691 = arith.constant 0 : i32
      %dma_wait3A_1692 = arith.constant 0 : i32
      %dma_wait3A_1693 = tpu.memref_slice %arg7[%dma_wait3A_1689, %dma_wait3A_1690, %dma_wait3A_1691, %dma_wait3A_1692] : memref<5x2x64x64xf32, #tpu.memory_space<vmem>> -> memref<1x1x64x64xf32, #tpu.memory_space<vmem>>
      %dma_wait3A_1694 = tpu.memref_squeeze %dma_wait3A_1693 : memref<1x1x64x64xf32, #tpu.memory_space<vmem>> -> memref<64x64xf32, #tpu.memory_space<vmem>>
      %dma_wait3A_1695 = arith.constant 0 : i32
      %dma_wait3A_1696 = arith.constant 0 : i32
      %dma_wait3A_1697 = tpu.memref_slice %arg3[%dma_wait3A_1695, %dma_wait3A_1696] : memref<1000000x64xf32, #tpu.memory_space<hbm>> -> memref<64x64xf32, #tpu.memory_space<hbm>>
      %dma_wait3A_1698 = arith.constant 0 : i32
      %dma_wait3A_1699 = arith.constant 0 : i32
      %dma_wait3A_1700 = tpu.memref_slice %arg7[%dma_wait3A_1689, %dma_wait3A_1690, %dma_wait3A_1698, %dma_wait3A_1699] : memref<5x2x64x64xf32, #tpu.memory_space<vmem>> -> memref<1x1x64x64xf32, #tpu.memory_space<vmem>>
      %dma_wait3A_1701 = tpu.memref_squeeze %dma_wait3A_1700 : memref<1x1x64x64xf32, #tpu.memory_space<vmem>> -> memref<64x64xf32, #tpu.memory_space<vmem>>
      %dma_wait3A_1702 = arith.constant 0 : i32
      %dma_wait3A_1703 = arith.constant 0 : i32
      %dma_wait3A_1704 = tpu.memref_slice %arg3[%dma_wait3A_1702, %dma_wait3A_1703] : memref<1000000x64xf32, #tpu.memory_space<hbm>> -> memref<64x64xf32, #tpu.memory_space<hbm>>
      tpu.wait_dma2 semaphore(%arg9 : memref<!tpu.dma_semaphore, #tpu.memory_space<semaphore_mem>>) src(%dma_wait3A_1704 : memref<64x64xf32, #tpu.memory_space<hbm>>) dst(%dma_wait3A_1701 : memref<64x64xf32, #tpu.memory_space<vmem>>)
      %dma_wait3A_1705 = arith.constant 2 : i32
      %dma_wait3A_1706 = arith.constant 0 : i32
      %dma_wait3A_1707 = arith.constant 0 : i32
      %dma_wait3A_1708 = arith.constant 0 : i32
      %dma_wait3A_1709 = tpu.memref_slice %arg7[%dma_wait3A_1705, %dma_wait3A_1706, %dma_wait3A_1707, %dma_wait3A_1708] : memref<5x2x64x64xf32, #tpu.memory_space<vmem>> -> memref<1x1x64x64xf32, #tpu.memory_space<vmem>>
      %dma_wait3A_1710 = tpu.memref_squeeze %dma_wait3A_1709 : memref<1x1x64x64xf32, #tpu.memory_space<vmem>> -> memref<64x64xf32, #tpu.memory_space<vmem>>
      %dma_wait3A_1711 = arith.constant 0 : i32
      %dma_wait3A_1712 = arith.constant 0 : i32
      %dma_wait3A_1713 = tpu.memref_slice %arg3[%dma_wait3A_1711, %dma_wait3A_1712] : memref<1000000x64xf32, #tpu.memory_space<hbm>> -> memref<64x64xf32, #tpu.memory_space<hbm>>
      %dma_wait3A_1714 = arith.constant 0 : i32
      %dma_wait3A_1715 = arith.constant 0 : i32
      %dma_wait3A_1716 = tpu.memref_slice %arg7[%dma_wait3A_1705, %dma_wait3A_1706, %dma_wait3A_1714, %dma_wait3A_1715] : memref<5x2x64x64xf32, #tpu.memory_space<vmem>> -> memref<1x1x64x64xf32, #tpu.memory_space<vmem>>
      %dma_wait3A_1717 = tpu.memref_squeeze %dma_wait3A_1716 : memref<1x1x64x64xf32, #tpu.memory_space<vmem>> -> memref<64x64xf32, #tpu.memory_space<vmem>>
      %dma_wait3A_1718 = arith.constant 0 : i32
      %dma_wait3A_1719 = arith.constant 0 : i32
      %dma_wait3A_1720 = tpu.memref_slice %arg3[%dma_wait3A_1718, %dma_wait3A_1719] : memref<1000000x64xf32, #tpu.memory_space<hbm>> -> memref<64x64xf32, #tpu.memory_space<hbm>>
      tpu.wait_dma2 semaphore(%arg9 : memref<!tpu.dma_semaphore, #tpu.memory_space<semaphore_mem>>) src(%dma_wait3A_1720 : memref<64x64xf32, #tpu.memory_space<hbm>>) dst(%dma_wait3A_1717 : memref<64x64xf32, #tpu.memory_space<vmem>>)
      %dma_wait3A_1721 = arith.constant 2 : i32
      %dma_wait3A_1722 = arith.constant 1 : i32
      %dma_wait3A_1723 = arith.constant 0 : i32
      %dma_wait3A_1724 = arith.constant 0 : i32
      %dma_wait3A_1725 = tpu.memref_slice %arg7[%dma_wait3A_1721, %dma_wait3A_1722, %dma_wait3A_1723, %dma_wait3A_1724] : memref<5x2x64x64xf32, #tpu.memory_space<vmem>> -> memref<1x1x64x64xf32, #tpu.memory_space<vmem>>
      %dma_wait3A_1726 = tpu.memref_squeeze %dma_wait3A_1725 : memref<1x1x64x64xf32, #tpu.memory_space<vmem>> -> memref<64x64xf32, #tpu.memory_space<vmem>>
      %dma_wait3A_1727 = arith.constant 0 : i32
      %dma_wait3A_1728 = arith.constant 0 : i32
      %dma_wait3A_1729 = tpu.memref_slice %arg3[%dma_wait3A_1727, %dma_wait3A_1728] : memref<1000000x64xf32, #tpu.memory_space<hbm>> -> memref<64x64xf32, #tpu.memory_space<hbm>>
      %dma_wait3A_1730 = arith.constant 0 : i32
      %dma_wait3A_1731 = arith.constant 0 : i32
      %dma_wait3A_1732 = tpu.memref_slice %arg7[%dma_wait3A_1721, %dma_wait3A_1722, %dma_wait3A_1730, %dma_wait3A_1731] : memref<5x2x64x64xf32, #tpu.memory_space<vmem>> -> memref<1x1x64x64xf32, #tpu.memory_space<vmem>>
      %dma_wait3A_1733 = tpu.memref_squeeze %dma_wait3A_1732 : memref<1x1x64x64xf32, #tpu.memory_space<vmem>> -> memref<64x64xf32, #tpu.memory_space<vmem>>
      %dma_wait3A_1734 = arith.constant 0 : i32
      %dma_wait3A_1735 = arith.constant 0 : i32
      %dma_wait3A_1736 = tpu.memref_slice %arg3[%dma_wait3A_1734, %dma_wait3A_1735] : memref<1000000x64xf32, #tpu.memory_space<hbm>> -> memref<64x64xf32, #tpu.memory_space<hbm>>
      tpu.wait_dma2 semaphore(%arg9 : memref<!tpu.dma_semaphore, #tpu.memory_space<semaphore_mem>>) src(%dma_wait3A_1736 : memref<64x64xf32, #tpu.memory_space<hbm>>) dst(%dma_wait3A_1733 : memref<64x64xf32, #tpu.memory_space<vmem>>)
      %dma_wait3A_1737 = arith.constant 3 : i32
      %dma_wait3A_1738 = arith.constant 0 : i32
      %dma_wait3A_1739 = arith.constant 0 : i32
      %dma_wait3A_1740 = arith.constant 0 : i32
      %dma_wait3A_1741 = tpu.memref_slice %arg7[%dma_wait3A_1737, %dma_wait3A_1738, %dma_wait3A_1739, %dma_wait3A_1740] : memref<5x2x64x64xf32, #tpu.memory_space<vmem>> -> memref<1x1x64x64xf32, #tpu.memory_space<vmem>>
      %dma_wait3A_1742 = tpu.memref_squeeze %dma_wait3A_1741 : memref<1x1x64x64xf32, #tpu.memory_space<vmem>> -> memref<64x64xf32, #tpu.memory_space<vmem>>
      %dma_wait3A_1743 = arith.constant 0 : i32
      %dma_wait3A_1744 = arith.constant 0 : i32
      %dma_wait3A_1745 = tpu.memref_slice %arg3[%dma_wait3A_1743, %dma_wait3A_1744] : memref<1000000x64xf32, #tpu.memory_space<hbm>> -> memref<64x64xf32, #tpu.memory_space<hbm>>
      %dma_wait3A_1746 = arith.constant 0 : i32
      %dma_wait3A_1747 = arith.constant 0 : i32
      %dma_wait3A_1748 = tpu.memref_slice %arg7[%dma_wait3A_1737, %dma_wait3A_1738, %dma_wait3A_1746, %dma_wait3A_1747] : memref<5x2x64x64xf32, #tpu.memory_space<vmem>> -> memref<1x1x64x64xf32, #tpu.memory_space<vmem>>
      %dma_wait3A_1749 = tpu.memref_squeeze %dma_wait3A_1748 : memref<1x1x64x64xf32, #tpu.memory_space<vmem>> -> memref<64x64xf32, #tpu.memory_space<vmem>>
      %dma_wait3A_1750 = arith.constant 0 : i32
      %dma_wait3A_1751 = arith.constant 0 : i32
      %dma_wait3A_1752 = tpu.memref_slice %arg3[%dma_wait3A_1750, %dma_wait3A_1751] : memref<1000000x64xf32, #tpu.memory_space<hbm>> -> memref<64x64xf32, #tpu.memory_space<hbm>>
      tpu.wait_dma2 semaphore(%arg9 : memref<!tpu.dma_semaphore, #tpu.memory_space<semaphore_mem>>) src(%dma_wait3A_1752 : memref<64x64xf32, #tpu.memory_space<hbm>>) dst(%dma_wait3A_1749 : memref<64x64xf32, #tpu.memory_space<vmem>>)
      %dma_wait3A_1753 = arith.constant 3 : i32
      %dma_wait3A_1754 = arith.constant 1 : i32
      %dma_wait3A_1755 = arith.constant 0 : i32
      %dma_wait3A_1756 = arith.constant 0 : i32
      %dma_wait3A_1757 = tpu.memref_slice %arg7[%dma_wait3A_1753, %dma_wait3A_1754, %dma_wait3A_1755, %dma_wait3A_1756] : memref<5x2x64x64xf32, #tpu.memory_space<vmem>> -> memref<1x1x64x64xf32, #tpu.memory_space<vmem>>
      %dma_wait3A_1758 = tpu.memref_squeeze %dma_wait3A_1757 : memref<1x1x64x64xf32, #tpu.memory_space<vmem>> -> memref<64x64xf32, #tpu.memory_space<vmem>>
      %dma_wait3A_1759 = arith.constant 0 : i32
      %dma_wait3A_1760 = arith.constant 0 : i32
      %dma_wait3A_1761 = tpu.memref_slice %arg3[%dma_wait3A_1759, %dma_wait3A_1760] : memref<1000000x64xf32, #tpu.memory_space<hbm>> -> memref<64x64xf32, #tpu.memory_space<hbm>>
      %dma_wait3A_1762 = arith.constant 0 : i32
      %dma_wait3A_1763 = arith.constant 0 : i32
      %dma_wait3A_1764 = tpu.memref_slice %arg7[%dma_wait3A_1753, %dma_wait3A_1754, %dma_wait3A_1762, %dma_wait3A_1763] : memref<5x2x64x64xf32, #tpu.memory_space<vmem>> -> memref<1x1x64x64xf32, #tpu.memory_space<vmem>>
      %dma_wait3A_1765 = tpu.memref_squeeze %dma_wait3A_1764 : memref<1x1x64x64xf32, #tpu.memory_space<vmem>> -> memref<64x64xf32, #tpu.memory_space<vmem>>
      %dma_wait3A_1766 = arith.constant 0 : i32
      %dma_wait3A_1767 = arith.constant 0 : i32
      %dma_wait3A_1768 = tpu.memref_slice %arg3[%dma_wait3A_1766, %dma_wait3A_1767] : memref<1000000x64xf32, #tpu.memory_space<hbm>> -> memref<64x64xf32, #tpu.memory_space<hbm>>
      tpu.wait_dma2 semaphore(%arg9 : memref<!tpu.dma_semaphore, #tpu.memory_space<semaphore_mem>>) src(%dma_wait3A_1768 : memref<64x64xf32, #tpu.memory_space<hbm>>) dst(%dma_wait3A_1765 : memref<64x64xf32, #tpu.memory_space<vmem>>)
      %dma_wait3A_1769 = arith.constant 4 : i32
      %dma_wait3A_1770 = arith.constant 0 : i32
      %dma_wait3A_1771 = arith.constant 0 : i32
      %dma_wait3A_1772 = arith.constant 0 : i32
      %dma_wait3A_1773 = tpu.memref_slice %arg7[%dma_wait3A_1769, %dma_wait3A_1770, %dma_wait3A_1771, %dma_wait3A_1772] : memref<5x2x64x64xf32, #tpu.memory_space<vmem>> -> memref<1x1x64x64xf32, #tpu.memory_space<vmem>>
      %dma_wait3A_1774 = tpu.memref_squeeze %dma_wait3A_1773 : memref<1x1x64x64xf32, #tpu.memory_space<vmem>> -> memref<64x64xf32, #tpu.memory_space<vmem>>
      %dma_wait3A_1775 = arith.constant 0 : i32
      %dma_wait3A_1776 = arith.constant 0 : i32
      %dma_wait3A_1777 = tpu.memref_slice %arg3[%dma_wait3A_1775, %dma_wait3A_1776] : memref<1000000x64xf32, #tpu.memory_space<hbm>> -> memref<64x64xf32, #tpu.memory_space<hbm>>
      %dma_wait3A_1778 = arith.constant 0 : i32
      %dma_wait3A_1779 = arith.constant 0 : i32
      %dma_wait3A_1780 = tpu.memref_slice %arg7[%dma_wait3A_1769, %dma_wait3A_1770, %dma_wait3A_1778, %dma_wait3A_1779] : memref<5x2x64x64xf32, #tpu.memory_space<vmem>> -> memref<1x1x64x64xf32, #tpu.memory_space<vmem>>
      %dma_wait3A_1781 = tpu.memref_squeeze %dma_wait3A_1780 : memref<1x1x64x64xf32, #tpu.memory_space<vmem>> -> memref<64x64xf32, #tpu.memory_space<vmem>>
      %dma_wait3A_1782 = arith.constant 0 : i32
      %dma_wait3A_1783 = arith.constant 0 : i32
      %dma_wait3A_1784 = tpu.memref_slice %arg3[%dma_wait3A_1782, %dma_wait3A_1783] : memref<1000000x64xf32, #tpu.memory_space<hbm>> -> memref<64x64xf32, #tpu.memory_space<hbm>>
      tpu.wait_dma2 semaphore(%arg9 : memref<!tpu.dma_semaphore, #tpu.memory_space<semaphore_mem>>) src(%dma_wait3A_1784 : memref<64x64xf32, #tpu.memory_space<hbm>>) dst(%dma_wait3A_1781 : memref<64x64xf32, #tpu.memory_space<vmem>>)
      %dma_wait3A_1785 = arith.constant 4 : i32
      %dma_wait3A_1786 = arith.constant 1 : i32
      %dma_wait3A_1787 = arith.constant 0 : i32
      %dma_wait3A_1788 = arith.constant 0 : i32
      %dma_wait3A_1789 = tpu.memref_slice %arg7[%dma_wait3A_1785, %dma_wait3A_1786, %dma_wait3A_1787, %dma_wait3A_1788] : memref<5x2x64x64xf32, #tpu.memory_space<vmem>> -> memref<1x1x64x64xf32, #tpu.memory_space<vmem>>
      %dma_wait3A_1790 = tpu.memref_squeeze %dma_wait3A_1789 : memref<1x1x64x64xf32, #tpu.memory_space<vmem>> -> memref<64x64xf32, #tpu.memory_space<vmem>>
      %dma_wait3A_1791 = arith.constant 0 : i32
      %dma_wait3A_1792 = arith.constant 0 : i32
      %dma_wait3A_1793 = tpu.memref_slice %arg3[%dma_wait3A_1791, %dma_wait3A_1792] : memref<1000000x64xf32, #tpu.memory_space<hbm>> -> memref<64x64xf32, #tpu.memory_space<hbm>>
      %dma_wait3A_1794 = arith.constant 0 : i32
      %dma_wait3A_1795 = arith.constant 0 : i32
      %dma_wait3A_1796 = tpu.memref_slice %arg7[%dma_wait3A_1785, %dma_wait3A_1786, %dma_wait3A_1794, %dma_wait3A_1795] : memref<5x2x64x64xf32, #tpu.memory_space<vmem>> -> memref<1x1x64x64xf32, #tpu.memory_space<vmem>>
      %dma_wait3A_1797 = tpu.memref_squeeze %dma_wait3A_1796 : memref<1x1x64x64xf32, #tpu.memory_space<vmem>> -> memref<64x64xf32, #tpu.memory_space<vmem>>
      %dma_wait3A_1798 = arith.constant 0 : i32
      %dma_wait3A_1799 = arith.constant 0 : i32
      %dma_wait3A_1800 = tpu.memref_slice %arg3[%dma_wait3A_1798, %dma_wait3A_1799] : memref<1000000x64xf32, #tpu.memory_space<hbm>> -> memref<64x64xf32, #tpu.memory_space<hbm>>
      tpu.wait_dma2 semaphore(%arg9 : memref<!tpu.dma_semaphore, #tpu.memory_space<semaphore_mem>>) src(%dma_wait3A_1800 : memref<64x64xf32, #tpu.memory_space<hbm>>) dst(%dma_wait3A_1797 : memref<64x64xf32, #tpu.memory_space<vmem>>)
      %mul3A_1801 = arith.constant 5 : i32
      %mul3A_1802 = arith.muli %add3A_1290, %mul3A_1801 : i32
      %add3A_1803 = arith.constant 0 : i32
      %add3A_1804 = arith.addi %mul3A_1802, %add3A_1803 : i32
      %add3A_1805 = arith.addi %mul3A_2, %add3A_1804 : i32
      %mul3A_1806 = arith.constant 64 : i32
      %mul3A_1807 = arith.muli %add3A_1805, %mul3A_1806 : i32
      %dma_start3A_1808 = arith.constant 0 : i32
      %dma_start3A_1809 = arith.constant 0 : i32
      %dma_start3A_1810 = arith.constant 0 : i32
      %dma_start3A_1811 = arith.constant 0 : i32
      %dma_start3A_1812 = tpu.memref_slice %arg7[%dma_start3A_1808, %dma_start3A_1809, %dma_start3A_1810, %dma_start3A_1811] : memref<5x2x64x64xf32, #tpu.memory_space<vmem>> -> memref<1x1x64x64xf32, #tpu.memory_space<vmem>>
      %dma_start3A_1813 = tpu.memref_squeeze %dma_start3A_1812 : memref<1x1x64x64xf32, #tpu.memory_space<vmem>> -> memref<64x64xf32, #tpu.memory_space<vmem>>
      %dma_start3A_1814 = arith.constant 0 : i32
      %dma_start3A_1815 = tpu.memref_slice %arg4[%mul3A_1807, %dma_start3A_1814] : memref<409600x128xf32, #tpu.memory_space<hbm>> -> memref<64x64xf32, #tpu.memory_space<hbm>>
      %dma_start3A_1816 = arith.constant 0 : i32
      %dma_start3A_1817 = tpu.memref_slice %arg4[%mul3A_1807, %dma_start3A_1816] : memref<409600x128xf32, #tpu.memory_space<hbm>> -> memref<64x64xf32, #tpu.memory_space<hbm>>
      %dma_start3A_1818 = arith.constant 0 : i32
      %dma_start3A_1819 = arith.constant 0 : i32
      %dma_start3A_1820 = tpu.memref_slice %arg7[%dma_start3A_1808, %dma_start3A_1809, %dma_start3A_1818, %dma_start3A_1819] : memref<5x2x64x64xf32, #tpu.memory_space<vmem>> -> memref<1x1x64x64xf32, #tpu.memory_space<vmem>>
      %dma_start3A_1821 = tpu.memref_squeeze %dma_start3A_1820 : memref<1x1x64x64xf32, #tpu.memory_space<vmem>> -> memref<64x64xf32, #tpu.memory_space<vmem>>
      tpu.enqueue_dma source(%dma_start3A_1821 : memref<64x64xf32, #tpu.memory_space<vmem>>) target(%dma_start3A_1817 : memref<64x64xf32, #tpu.memory_space<hbm>>) target_semaphore(%arg11 : memref<!tpu.dma_semaphore, #tpu.memory_space<semaphore_mem>>)
      %add3A_1822 = arith.addi %mul3A_2, %add3A_1804 : i32
      %mul3A_1823 = arith.constant 64 : i32
      %mul3A_1824 = arith.muli %add3A_1822, %mul3A_1823 : i32
      %dma_start3A_1825 = arith.constant 0 : i32
      %dma_start3A_1826 = arith.constant 1 : i32
      %dma_start3A_1827 = arith.constant 0 : i32
      %dma_start3A_1828 = arith.constant 0 : i32
      %dma_start3A_1829 = tpu.memref_slice %arg7[%dma_start3A_1825, %dma_start3A_1826, %dma_start3A_1827, %dma_start3A_1828] : memref<5x2x64x64xf32, #tpu.memory_space<vmem>> -> memref<1x1x64x64xf32, #tpu.memory_space<vmem>>
      %dma_start3A_1830 = tpu.memref_squeeze %dma_start3A_1829 : memref<1x1x64x64xf32, #tpu.memory_space<vmem>> -> memref<64x64xf32, #tpu.memory_space<vmem>>
      %dma_start3A_1831 = arith.constant 64 : i32
      %dma_start3A_1832 = tpu.memref_slice %arg4[%mul3A_1824, %dma_start3A_1831] : memref<409600x128xf32, #tpu.memory_space<hbm>> -> memref<64x64xf32, #tpu.memory_space<hbm>>
      %dma_start3A_1833 = arith.constant 64 : i32
      %dma_start3A_1834 = tpu.memref_slice %arg4[%mul3A_1824, %dma_start3A_1833] : memref<409600x128xf32, #tpu.memory_space<hbm>> -> memref<64x64xf32, #tpu.memory_space<hbm>>
      %dma_start3A_1835 = arith.constant 0 : i32
      %dma_start3A_1836 = arith.constant 0 : i32
      %dma_start3A_1837 = tpu.memref_slice %arg7[%dma_start3A_1825, %dma_start3A_1826, %dma_start3A_1835, %dma_start3A_1836] : memref<5x2x64x64xf32, #tpu.memory_space<vmem>> -> memref<1x1x64x64xf32, #tpu.memory_space<vmem>>
      %dma_start3A_1838 = tpu.memref_squeeze %dma_start3A_1837 : memref<1x1x64x64xf32, #tpu.memory_space<vmem>> -> memref<64x64xf32, #tpu.memory_space<vmem>>
      tpu.enqueue_dma source(%dma_start3A_1838 : memref<64x64xf32, #tpu.memory_space<vmem>>) target(%dma_start3A_1834 : memref<64x64xf32, #tpu.memory_space<hbm>>) target_semaphore(%arg11 : memref<!tpu.dma_semaphore, #tpu.memory_space<semaphore_mem>>)
      %mul3A_1839 = arith.constant 5 : i32
      %mul3A_1840 = arith.muli %add3A_1290, %mul3A_1839 : i32
      %add3A_1841 = arith.constant 1 : i32
      %add3A_1842 = arith.addi %mul3A_1840, %add3A_1841 : i32
      %add3A_1843 = arith.addi %mul3A_2, %add3A_1842 : i32
      %mul3A_1844 = arith.constant 64 : i32
      %mul3A_1845 = arith.muli %add3A_1843, %mul3A_1844 : i32
      %dma_start3A_1846 = arith.constant 1 : i32
      %dma_start3A_1847 = arith.constant 0 : i32
      %dma_start3A_1848 = arith.constant 0 : i32
      %dma_start3A_1849 = arith.constant 0 : i32
      %dma_start3A_1850 = tpu.memref_slice %arg7[%dma_start3A_1846, %dma_start3A_1847, %dma_start3A_1848, %dma_start3A_1849] : memref<5x2x64x64xf32, #tpu.memory_space<vmem>> -> memref<1x1x64x64xf32, #tpu.memory_space<vmem>>
      %dma_start3A_1851 = tpu.memref_squeeze %dma_start3A_1850 : memref<1x1x64x64xf32, #tpu.memory_space<vmem>> -> memref<64x64xf32, #tpu.memory_space<vmem>>
      %dma_start3A_1852 = arith.constant 0 : i32
      %dma_start3A_1853 = tpu.memref_slice %arg4[%mul3A_1845, %dma_start3A_1852] : memref<409600x128xf32, #tpu.memory_space<hbm>> -> memref<64x64xf32, #tpu.memory_space<hbm>>
      %dma_start3A_1854 = arith.constant 0 : i32
      %dma_start3A_1855 = tpu.memref_slice %arg4[%mul3A_1845, %dma_start3A_1854] : memref<409600x128xf32, #tpu.memory_space<hbm>> -> memref<64x64xf32, #tpu.memory_space<hbm>>
      %dma_start3A_1856 = arith.constant 0 : i32
      %dma_start3A_1857 = arith.constant 0 : i32
      %dma_start3A_1858 = tpu.memref_slice %arg7[%dma_start3A_1846, %dma_start3A_1847, %dma_start3A_1856, %dma_start3A_1857] : memref<5x2x64x64xf32, #tpu.memory_space<vmem>> -> memref<1x1x64x64xf32, #tpu.memory_space<vmem>>
      %dma_start3A_1859 = tpu.memref_squeeze %dma_start3A_1858 : memref<1x1x64x64xf32, #tpu.memory_space<vmem>> -> memref<64x64xf32, #tpu.memory_space<vmem>>
      tpu.enqueue_dma source(%dma_start3A_1859 : memref<64x64xf32, #tpu.memory_space<vmem>>) target(%dma_start3A_1855 : memref<64x64xf32, #tpu.memory_space<hbm>>) target_semaphore(%arg11 : memref<!tpu.dma_semaphore, #tpu.memory_space<semaphore_mem>>)
      %add3A_1860 = arith.addi %mul3A_2, %add3A_1842 : i32
      %mul3A_1861 = arith.constant 64 : i32
      %mul3A_1862 = arith.muli %add3A_1860, %mul3A_1861 : i32
      %dma_start3A_1863 = arith.constant 1 : i32
      %dma_start3A_1864 = arith.constant 1 : i32
      %dma_start3A_1865 = arith.constant 0 : i32
      %dma_start3A_1866 = arith.constant 0 : i32
      %dma_start3A_1867 = tpu.memref_slice %arg7[%dma_start3A_1863, %dma_start3A_1864, %dma_start3A_1865, %dma_start3A_1866] : memref<5x2x64x64xf32, #tpu.memory_space<vmem>> -> memref<1x1x64x64xf32, #tpu.memory_space<vmem>>
      %dma_start3A_1868 = tpu.memref_squeeze %dma_start3A_1867 : memref<1x1x64x64xf32, #tpu.memory_space<vmem>> -> memref<64x64xf32, #tpu.memory_space<vmem>>
      %dma_start3A_1869 = arith.constant 64 : i32
      %dma_start3A_1870 = tpu.memref_slice %arg4[%mul3A_1862, %dma_start3A_1869] : memref<409600x128xf32, #tpu.memory_space<hbm>> -> memref<64x64xf32, #tpu.memory_space<hbm>>
      %dma_start3A_1871 = arith.constant 64 : i32
      %dma_start3A_1872 = tpu.memref_slice %arg4[%mul3A_1862, %dma_start3A_1871] : memref<409600x128xf32, #tpu.memory_space<hbm>> -> memref<64x64xf32, #tpu.memory_space<hbm>>
      %dma_start3A_1873 = arith.constant 0 : i32
      %dma_start3A_1874 = arith.constant 0 : i32
      %dma_start3A_1875 = tpu.memref_slice %arg7[%dma_start3A_1863, %dma_start3A_1864, %dma_start3A_1873, %dma_start3A_1874] : memref<5x2x64x64xf32, #tpu.memory_space<vmem>> -> memref<1x1x64x64xf32, #tpu.memory_space<vmem>>
      %dma_start3A_1876 = tpu.memref_squeeze %dma_start3A_1875 : memref<1x1x64x64xf32, #tpu.memory_space<vmem>> -> memref<64x64xf32, #tpu.memory_space<vmem>>
      tpu.enqueue_dma source(%dma_start3A_1876 : memref<64x64xf32, #tpu.memory_space<vmem>>) target(%dma_start3A_1872 : memref<64x64xf32, #tpu.memory_space<hbm>>) target_semaphore(%arg11 : memref<!tpu.dma_semaphore, #tpu.memory_space<semaphore_mem>>)
      %mul3A_1877 = arith.constant 5 : i32
      %mul3A_1878 = arith.muli %add3A_1290, %mul3A_1877 : i32
      %add3A_1879 = arith.constant 2 : i32
      %add3A_1880 = arith.addi %mul3A_1878, %add3A_1879 : i32
      %add3A_1881 = arith.addi %mul3A_2, %add3A_1880 : i32
      %mul3A_1882 = arith.constant 64 : i32
      %mul3A_1883 = arith.muli %add3A_1881, %mul3A_1882 : i32
      %dma_start3A_1884 = arith.constant 2 : i32
      %dma_start3A_1885 = arith.constant 0 : i32
      %dma_start3A_1886 = arith.constant 0 : i32
      %dma_start3A_1887 = arith.constant 0 : i32
      %dma_start3A_1888 = tpu.memref_slice %arg7[%dma_start3A_1884, %dma_start3A_1885, %dma_start3A_1886, %dma_start3A_1887] : memref<5x2x64x64xf32, #tpu.memory_space<vmem>> -> memref<1x1x64x64xf32, #tpu.memory_space<vmem>>
      %dma_start3A_1889 = tpu.memref_squeeze %dma_start3A_1888 : memref<1x1x64x64xf32, #tpu.memory_space<vmem>> -> memref<64x64xf32, #tpu.memory_space<vmem>>
      %dma_start3A_1890 = arith.constant 0 : i32
      %dma_start3A_1891 = tpu.memref_slice %arg4[%mul3A_1883, %dma_start3A_1890] : memref<409600x128xf32, #tpu.memory_space<hbm>> -> memref<64x64xf32, #tpu.memory_space<hbm>>
      %dma_start3A_1892 = arith.constant 0 : i32
      %dma_start3A_1893 = tpu.memref_slice %arg4[%mul3A_1883, %dma_start3A_1892] : memref<409600x128xf32, #tpu.memory_space<hbm>> -> memref<64x64xf32, #tpu.memory_space<hbm>>
      %dma_start3A_1894 = arith.constant 0 : i32
      %dma_start3A_1895 = arith.constant 0 : i32
      %dma_start3A_1896 = tpu.memref_slice %arg7[%dma_start3A_1884, %dma_start3A_1885, %dma_start3A_1894, %dma_start3A_1895] : memref<5x2x64x64xf32, #tpu.memory_space<vmem>> -> memref<1x1x64x64xf32, #tpu.memory_space<vmem>>
      %dma_start3A_1897 = tpu.memref_squeeze %dma_start3A_1896 : memref<1x1x64x64xf32, #tpu.memory_space<vmem>> -> memref<64x64xf32, #tpu.memory_space<vmem>>
      tpu.enqueue_dma source(%dma_start3A_1897 : memref<64x64xf32, #tpu.memory_space<vmem>>) target(%dma_start3A_1893 : memref<64x64xf32, #tpu.memory_space<hbm>>) target_semaphore(%arg11 : memref<!tpu.dma_semaphore, #tpu.memory_space<semaphore_mem>>)
      %add3A_1898 = arith.addi %mul3A_2, %add3A_1880 : i32
      %mul3A_1899 = arith.constant 64 : i32
      %mul3A_1900 = arith.muli %add3A_1898, %mul3A_1899 : i32
      %dma_start3A_1901 = arith.constant 2 : i32
      %dma_start3A_1902 = arith.constant 1 : i32
      %dma_start3A_1903 = arith.constant 0 : i32
      %dma_start3A_1904 = arith.constant 0 : i32
      %dma_start3A_1905 = tpu.memref_slice %arg7[%dma_start3A_1901, %dma_start3A_1902, %dma_start3A_1903, %dma_start3A_1904] : memref<5x2x64x64xf32, #tpu.memory_space<vmem>> -> memref<1x1x64x64xf32, #tpu.memory_space<vmem>>
      %dma_start3A_1906 = tpu.memref_squeeze %dma_start3A_1905 : memref<1x1x64x64xf32, #tpu.memory_space<vmem>> -> memref<64x64xf32, #tpu.memory_space<vmem>>
      %dma_start3A_1907 = arith.constant 64 : i32
      %dma_start3A_1908 = tpu.memref_slice %arg4[%mul3A_1900, %dma_start3A_1907] : memref<409600x128xf32, #tpu.memory_space<hbm>> -> memref<64x64xf32, #tpu.memory_space<hbm>>
      %dma_start3A_1909 = arith.constant 64 : i32
      %dma_start3A_1910 = tpu.memref_slice %arg4[%mul3A_1900, %dma_start3A_1909] : memref<409600x128xf32, #tpu.memory_space<hbm>> -> memref<64x64xf32, #tpu.memory_space<hbm>>
      %dma_start3A_1911 = arith.constant 0 : i32
      %dma_start3A_1912 = arith.constant 0 : i32
      %dma_start3A_1913 = tpu.memref_slice %arg7[%dma_start3A_1901, %dma_start3A_1902, %dma_start3A_1911, %dma_start3A_1912] : memref<5x2x64x64xf32, #tpu.memory_space<vmem>> -> memref<1x1x64x64xf32, #tpu.memory_space<vmem>>
      %dma_start3A_1914 = tpu.memref_squeeze %dma_start3A_1913 : memref<1x1x64x64xf32, #tpu.memory_space<vmem>> -> memref<64x64xf32, #tpu.memory_space<vmem>>
      tpu.enqueue_dma source(%dma_start3A_1914 : memref<64x64xf32, #tpu.memory_space<vmem>>) target(%dma_start3A_1910 : memref<64x64xf32, #tpu.memory_space<hbm>>) target_semaphore(%arg11 : memref<!tpu.dma_semaphore, #tpu.memory_space<semaphore_mem>>)
      %mul3A_1915 = arith.constant 5 : i32
      %mul3A_1916 = arith.muli %add3A_1290, %mul3A_1915 : i32
      %add3A_1917 = arith.constant 3 : i32
      %add3A_1918 = arith.addi %mul3A_1916, %add3A_1917 : i32
      %add3A_1919 = arith.addi %mul3A_2, %add3A_1918 : i32
      %mul3A_1920 = arith.constant 64 : i32
      %mul3A_1921 = arith.muli %add3A_1919, %mul3A_1920 : i32
      %dma_start3A_1922 = arith.constant 3 : i32
      %dma_start3A_1923 = arith.constant 0 : i32
      %dma_start3A_1924 = arith.constant 0 : i32
      %dma_start3A_1925 = arith.constant 0 : i32
      %dma_start3A_1926 = tpu.memref_slice %arg7[%dma_start3A_1922, %dma_start3A_1923, %dma_start3A_1924, %dma_start3A_1925] : memref<5x2x64x64xf32, #tpu.memory_space<vmem>> -> memref<1x1x64x64xf32, #tpu.memory_space<vmem>>
      %dma_start3A_1927 = tpu.memref_squeeze %dma_start3A_1926 : memref<1x1x64x64xf32, #tpu.memory_space<vmem>> -> memref<64x64xf32, #tpu.memory_space<vmem>>
      %dma_start3A_1928 = arith.constant 0 : i32
      %dma_start3A_1929 = tpu.memref_slice %arg4[%mul3A_1921, %dma_start3A_1928] : memref<409600x128xf32, #tpu.memory_space<hbm>> -> memref<64x64xf32, #tpu.memory_space<hbm>>
      %dma_start3A_1930 = arith.constant 0 : i32
      %dma_start3A_1931 = tpu.memref_slice %arg4[%mul3A_1921, %dma_start3A_1930] : memref<409600x128xf32, #tpu.memory_space<hbm>> -> memref<64x64xf32, #tpu.memory_space<hbm>>
      %dma_start3A_1932 = arith.constant 0 : i32
      %dma_start3A_1933 = arith.constant 0 : i32
      %dma_start3A_1934 = tpu.memref_slice %arg7[%dma_start3A_1922, %dma_start3A_1923, %dma_start3A_1932, %dma_start3A_1933] : memref<5x2x64x64xf32, #tpu.memory_space<vmem>> -> memref<1x1x64x64xf32, #tpu.memory_space<vmem>>
      %dma_start3A_1935 = tpu.memref_squeeze %dma_start3A_1934 : memref<1x1x64x64xf32, #tpu.memory_space<vmem>> -> memref<64x64xf32, #tpu.memory_space<vmem>>
      tpu.enqueue_dma source(%dma_start3A_1935 : memref<64x64xf32, #tpu.memory_space<vmem>>) target(%dma_start3A_1931 : memref<64x64xf32, #tpu.memory_space<hbm>>) target_semaphore(%arg11 : memref<!tpu.dma_semaphore, #tpu.memory_space<semaphore_mem>>)
      %add3A_1936 = arith.addi %mul3A_2, %add3A_1918 : i32
      %mul3A_1937 = arith.constant 64 : i32
      %mul3A_1938 = arith.muli %add3A_1936, %mul3A_1937 : i32
      %dma_start3A_1939 = arith.constant 3 : i32
      %dma_start3A_1940 = arith.constant 1 : i32
      %dma_start3A_1941 = arith.constant 0 : i32
      %dma_start3A_1942 = arith.constant 0 : i32
      %dma_start3A_1943 = tpu.memref_slice %arg7[%dma_start3A_1939, %dma_start3A_1940, %dma_start3A_1941, %dma_start3A_1942] : memref<5x2x64x64xf32, #tpu.memory_space<vmem>> -> memref<1x1x64x64xf32, #tpu.memory_space<vmem>>
      %dma_start3A_1944 = tpu.memref_squeeze %dma_start3A_1943 : memref<1x1x64x64xf32, #tpu.memory_space<vmem>> -> memref<64x64xf32, #tpu.memory_space<vmem>>
      %dma_start3A_1945 = arith.constant 64 : i32
      %dma_start3A_1946 = tpu.memref_slice %arg4[%mul3A_1938, %dma_start3A_1945] : memref<409600x128xf32, #tpu.memory_space<hbm>> -> memref<64x64xf32, #tpu.memory_space<hbm>>
      %dma_start3A_1947 = arith.constant 64 : i32
      %dma_start3A_1948 = tpu.memref_slice %arg4[%mul3A_1938, %dma_start3A_1947] : memref<409600x128xf32, #tpu.memory_space<hbm>> -> memref<64x64xf32, #tpu.memory_space<hbm>>
      %dma_start3A_1949 = arith.constant 0 : i32
      %dma_start3A_1950 = arith.constant 0 : i32
      %dma_start3A_1951 = tpu.memref_slice %arg7[%dma_start3A_1939, %dma_start3A_1940, %dma_start3A_1949, %dma_start3A_1950] : memref<5x2x64x64xf32, #tpu.memory_space<vmem>> -> memref<1x1x64x64xf32, #tpu.memory_space<vmem>>
      %dma_start3A_1952 = tpu.memref_squeeze %dma_start3A_1951 : memref<1x1x64x64xf32, #tpu.memory_space<vmem>> -> memref<64x64xf32, #tpu.memory_space<vmem>>
      tpu.enqueue_dma source(%dma_start3A_1952 : memref<64x64xf32, #tpu.memory_space<vmem>>) target(%dma_start3A_1948 : memref<64x64xf32, #tpu.memory_space<hbm>>) target_semaphore(%arg11 : memref<!tpu.dma_semaphore, #tpu.memory_space<semaphore_mem>>)
      %mul3A_1953 = arith.constant 5 : i32
      %mul3A_1954 = arith.muli %add3A_1290, %mul3A_1953 : i32
      %add3A_1955 = arith.constant 4 : i32
      %add3A_1956 = arith.addi %mul3A_1954, %add3A_1955 : i32
      %add3A_1957 = arith.addi %mul3A_2, %add3A_1956 : i32
      %mul3A_1958 = arith.constant 64 : i32
      %mul3A_1959 = arith.muli %add3A_1957, %mul3A_1958 : i32
      %dma_start3A_1960 = arith.constant 4 : i32
      %dma_start3A_1961 = arith.constant 0 : i32
      %dma_start3A_1962 = arith.constant 0 : i32
      %dma_start3A_1963 = arith.constant 0 : i32
      %dma_start3A_1964 = tpu.memref_slice %arg7[%dma_start3A_1960, %dma_start3A_1961, %dma_start3A_1962, %dma_start3A_1963] : memref<5x2x64x64xf32, #tpu.memory_space<vmem>> -> memref<1x1x64x64xf32, #tpu.memory_space<vmem>>
      %dma_start3A_1965 = tpu.memref_squeeze %dma_start3A_1964 : memref<1x1x64x64xf32, #tpu.memory_space<vmem>> -> memref<64x64xf32, #tpu.memory_space<vmem>>
      %dma_start3A_1966 = arith.constant 0 : i32
      %dma_start3A_1967 = tpu.memref_slice %arg4[%mul3A_1959, %dma_start3A_1966] : memref<409600x128xf32, #tpu.memory_space<hbm>> -> memref<64x64xf32, #tpu.memory_space<hbm>>
      %dma_start3A_1968 = arith.constant 0 : i32
      %dma_start3A_1969 = tpu.memref_slice %arg4[%mul3A_1959, %dma_start3A_1968] : memref<409600x128xf32, #tpu.memory_space<hbm>> -> memref<64x64xf32, #tpu.memory_space<hbm>>
      %dma_start3A_1970 = arith.constant 0 : i32
      %dma_start3A_1971 = arith.constant 0 : i32
      %dma_start3A_1972 = tpu.memref_slice %arg7[%dma_start3A_1960, %dma_start3A_1961, %dma_start3A_1970, %dma_start3A_1971] : memref<5x2x64x64xf32, #tpu.memory_space<vmem>> -> memref<1x1x64x64xf32, #tpu.memory_space<vmem>>
      %dma_start3A_1973 = tpu.memref_squeeze %dma_start3A_1972 : memref<1x1x64x64xf32, #tpu.memory_space<vmem>> -> memref<64x64xf32, #tpu.memory_space<vmem>>
      tpu.enqueue_dma source(%dma_start3A_1973 : memref<64x64xf32, #tpu.memory_space<vmem>>) target(%dma_start3A_1969 : memref<64x64xf32, #tpu.memory_space<hbm>>) target_semaphore(%arg11 : memref<!tpu.dma_semaphore, #tpu.memory_space<semaphore_mem>>)
      %add3A_1974 = arith.addi %mul3A_2, %add3A_1956 : i32
      %mul3A_1975 = arith.constant 64 : i32
      %mul3A_1976 = arith.muli %add3A_1974, %mul3A_1975 : i32
      %dma_start3A_1977 = arith.constant 4 : i32
      %dma_start3A_1978 = arith.constant 1 : i32
      %dma_start3A_1979 = arith.constant 0 : i32
      %dma_start3A_1980 = arith.constant 0 : i32
      %dma_start3A_1981 = tpu.memref_slice %arg7[%dma_start3A_1977, %dma_start3A_1978, %dma_start3A_1979, %dma_start3A_1980] : memref<5x2x64x64xf32, #tpu.memory_space<vmem>> -> memref<1x1x64x64xf32, #tpu.memory_space<vmem>>
      %dma_start3A_1982 = tpu.memref_squeeze %dma_start3A_1981 : memref<1x1x64x64xf32, #tpu.memory_space<vmem>> -> memref<64x64xf32, #tpu.memory_space<vmem>>
      %dma_start3A_1983 = arith.constant 64 : i32
      %dma_start3A_1984 = tpu.memref_slice %arg4[%mul3A_1976, %dma_start3A_1983] : memref<409600x128xf32, #tpu.memory_space<hbm>> -> memref<64x64xf32, #tpu.memory_space<hbm>>
      %dma_start3A_1985 = arith.constant 64 : i32
      %dma_start3A_1986 = tpu.memref_slice %arg4[%mul3A_1976, %dma_start3A_1985] : memref<409600x128xf32, #tpu.memory_space<hbm>> -> memref<64x64xf32, #tpu.memory_space<hbm>>
      %dma_start3A_1987 = arith.constant 0 : i32
      %dma_start3A_1988 = arith.constant 0 : i32
      %dma_start3A_1989 = tpu.memref_slice %arg7[%dma_start3A_1977, %dma_start3A_1978, %dma_start3A_1987, %dma_start3A_1988] : memref<5x2x64x64xf32, #tpu.memory_space<vmem>> -> memref<1x1x64x64xf32, #tpu.memory_space<vmem>>
      %dma_start3A_1990 = tpu.memref_squeeze %dma_start3A_1989 : memref<1x1x64x64xf32, #tpu.memory_space<vmem>> -> memref<64x64xf32, #tpu.memory_space<vmem>>
      tpu.enqueue_dma source(%dma_start3A_1990 : memref<64x64xf32, #tpu.memory_space<vmem>>) target(%dma_start3A_1986 : memref<64x64xf32, #tpu.memory_space<hbm>>) target_semaphore(%arg11 : memref<!tpu.dma_semaphore, #tpu.memory_space<semaphore_mem>>)
      %dma_wait3A_1991 = arith.constant 0 : i32
      %dma_wait3A_1992 = arith.constant 0 : i32
      %dma_wait3A_1993 = arith.constant 0 : i32
      %dma_wait3A_1994 = arith.constant 0 : i32
      %dma_wait3A_1995 = tpu.memref_slice %arg6[%dma_wait3A_1991, %dma_wait3A_1992, %dma_wait3A_1993, %dma_wait3A_1994] : memref<5x2x64x64xf32, #tpu.memory_space<vmem>> -> memref<1x1x64x64xf32, #tpu.memory_space<vmem>>
      %dma_wait3A_1996 = tpu.memref_squeeze %dma_wait3A_1995 : memref<1x1x64x64xf32, #tpu.memory_space<vmem>> -> memref<64x64xf32, #tpu.memory_space<vmem>>
      %dma_wait3A_1997 = arith.constant 0 : i32
      %dma_wait3A_1998 = arith.constant 0 : i32
      %dma_wait3A_1999 = tpu.memref_slice %arg4[%dma_wait3A_1997, %dma_wait3A_1998] : memref<409600x128xf32, #tpu.memory_space<hbm>> -> memref<64x64xf32, #tpu.memory_space<hbm>>
      %dma_wait3A_2000 = arith.constant 0 : i32
      %dma_wait3A_2001 = arith.constant 0 : i32
      %dma_wait3A_2002 = tpu.memref_slice %arg4[%dma_wait3A_2000, %dma_wait3A_2001] : memref<409600x128xf32, #tpu.memory_space<hbm>> -> memref<64x64xf32, #tpu.memory_space<hbm>>
      %dma_wait3A_2003 = arith.constant 0 : i32
      %dma_wait3A_2004 = arith.constant 0 : i32
      %dma_wait3A_2005 = tpu.memref_slice %arg6[%dma_wait3A_1991, %dma_wait3A_1992, %dma_wait3A_2003, %dma_wait3A_2004] : memref<5x2x64x64xf32, #tpu.memory_space<vmem>> -> memref<1x1x64x64xf32, #tpu.memory_space<vmem>>
      %dma_wait3A_2006 = tpu.memref_squeeze %dma_wait3A_2005 : memref<1x1x64x64xf32, #tpu.memory_space<vmem>> -> memref<64x64xf32, #tpu.memory_space<vmem>>
      tpu.wait_dma2 semaphore(%arg10 : memref<!tpu.dma_semaphore, #tpu.memory_space<semaphore_mem>>) src(%dma_wait3A_2006 : memref<64x64xf32, #tpu.memory_space<vmem>>) dst(%dma_wait3A_2002 : memref<64x64xf32, #tpu.memory_space<hbm>>)
      %dma_wait3A_2007 = arith.constant 0 : i32
      %dma_wait3A_2008 = arith.constant 1 : i32
      %dma_wait3A_2009 = arith.constant 0 : i32
      %dma_wait3A_2010 = arith.constant 0 : i32
      %dma_wait3A_2011 = tpu.memref_slice %arg6[%dma_wait3A_2007, %dma_wait3A_2008, %dma_wait3A_2009, %dma_wait3A_2010] : memref<5x2x64x64xf32, #tpu.memory_space<vmem>> -> memref<1x1x64x64xf32, #tpu.memory_space<vmem>>
      %dma_wait3A_2012 = tpu.memref_squeeze %dma_wait3A_2011 : memref<1x1x64x64xf32, #tpu.memory_space<vmem>> -> memref<64x64xf32, #tpu.memory_space<vmem>>
      %dma_wait3A_2013 = arith.constant 0 : i32
      %dma_wait3A_2014 = arith.constant 0 : i32
      %dma_wait3A_2015 = tpu.memref_slice %arg4[%dma_wait3A_2013, %dma_wait3A_2014] : memref<409600x128xf32, #tpu.memory_space<hbm>> -> memref<64x64xf32, #tpu.memory_space<hbm>>
      %dma_wait3A_2016 = arith.constant 0 : i32
      %dma_wait3A_2017 = arith.constant 0 : i32
      %dma_wait3A_2018 = tpu.memref_slice %arg4[%dma_wait3A_2016, %dma_wait3A_2017] : memref<409600x128xf32, #tpu.memory_space<hbm>> -> memref<64x64xf32, #tpu.memory_space<hbm>>
      %dma_wait3A_2019 = arith.constant 0 : i32
      %dma_wait3A_2020 = arith.constant 0 : i32
      %dma_wait3A_2021 = tpu.memref_slice %arg6[%dma_wait3A_2007, %dma_wait3A_2008, %dma_wait3A_2019, %dma_wait3A_2020] : memref<5x2x64x64xf32, #tpu.memory_space<vmem>> -> memref<1x1x64x64xf32, #tpu.memory_space<vmem>>
      %dma_wait3A_2022 = tpu.memref_squeeze %dma_wait3A_2021 : memref<1x1x64x64xf32, #tpu.memory_space<vmem>> -> memref<64x64xf32, #tpu.memory_space<vmem>>
      tpu.wait_dma2 semaphore(%arg10 : memref<!tpu.dma_semaphore, #tpu.memory_space<semaphore_mem>>) src(%dma_wait3A_2022 : memref<64x64xf32, #tpu.memory_space<vmem>>) dst(%dma_wait3A_2018 : memref<64x64xf32, #tpu.memory_space<hbm>>)
      %dma_wait3A_2023 = arith.constant 1 : i32
      %dma_wait3A_2024 = arith.constant 0 : i32
      %dma_wait3A_2025 = arith.constant 0 : i32
      %dma_wait3A_2026 = arith.constant 0 : i32
      %dma_wait3A_2027 = tpu.memref_slice %arg6[%dma_wait3A_2023, %dma_wait3A_2024, %dma_wait3A_2025, %dma_wait3A_2026] : memref<5x2x64x64xf32, #tpu.memory_space<vmem>> -> memref<1x1x64x64xf32, #tpu.memory_space<vmem>>
      %dma_wait3A_2028 = tpu.memref_squeeze %dma_wait3A_2027 : memref<1x1x64x64xf32, #tpu.memory_space<vmem>> -> memref<64x64xf32, #tpu.memory_space<vmem>>
      %dma_wait3A_2029 = arith.constant 0 : i32
      %dma_wait3A_2030 = arith.constant 0 : i32
      %dma_wait3A_2031 = tpu.memref_slice %arg4[%dma_wait3A_2029, %dma_wait3A_2030] : memref<409600x128xf32, #tpu.memory_space<hbm>> -> memref<64x64xf32, #tpu.memory_space<hbm>>
      %dma_wait3A_2032 = arith.constant 0 : i32
      %dma_wait3A_2033 = arith.constant 0 : i32
      %dma_wait3A_2034 = tpu.memref_slice %arg4[%dma_wait3A_2032, %dma_wait3A_2033] : memref<409600x128xf32, #tpu.memory_space<hbm>> -> memref<64x64xf32, #tpu.memory_space<hbm>>
      %dma_wait3A_2035 = arith.constant 0 : i32
      %dma_wait3A_2036 = arith.constant 0 : i32
      %dma_wait3A_2037 = tpu.memref_slice %arg6[%dma_wait3A_2023, %dma_wait3A_2024, %dma_wait3A_2035, %dma_wait3A_2036] : memref<5x2x64x64xf32, #tpu.memory_space<vmem>> -> memref<1x1x64x64xf32, #tpu.memory_space<vmem>>
      %dma_wait3A_2038 = tpu.memref_squeeze %dma_wait3A_2037 : memref<1x1x64x64xf32, #tpu.memory_space<vmem>> -> memref<64x64xf32, #tpu.memory_space<vmem>>
      tpu.wait_dma2 semaphore(%arg10 : memref<!tpu.dma_semaphore, #tpu.memory_space<semaphore_mem>>) src(%dma_wait3A_2038 : memref<64x64xf32, #tpu.memory_space<vmem>>) dst(%dma_wait3A_2034 : memref<64x64xf32, #tpu.memory_space<hbm>>)
      %dma_wait3A_2039 = arith.constant 1 : i32
      %dma_wait3A_2040 = arith.constant 1 : i32
      %dma_wait3A_2041 = arith.constant 0 : i32
      %dma_wait3A_2042 = arith.constant 0 : i32
      %dma_wait3A_2043 = tpu.memref_slice %arg6[%dma_wait3A_2039, %dma_wait3A_2040, %dma_wait3A_2041, %dma_wait3A_2042] : memref<5x2x64x64xf32, #tpu.memory_space<vmem>> -> memref<1x1x64x64xf32, #tpu.memory_space<vmem>>
      %dma_wait3A_2044 = tpu.memref_squeeze %dma_wait3A_2043 : memref<1x1x64x64xf32, #tpu.memory_space<vmem>> -> memref<64x64xf32, #tpu.memory_space<vmem>>
      %dma_wait3A_2045 = arith.constant 0 : i32
      %dma_wait3A_2046 = arith.constant 0 : i32
      %dma_wait3A_2047 = tpu.memref_slice %arg4[%dma_wait3A_2045, %dma_wait3A_2046] : memref<409600x128xf32, #tpu.memory_space<hbm>> -> memref<64x64xf32, #tpu.memory_space<hbm>>
      %dma_wait3A_2048 = arith.constant 0 : i32
      %dma_wait3A_2049 = arith.constant 0 : i32
      %dma_wait3A_2050 = tpu.memref_slice %arg4[%dma_wait3A_2048, %dma_wait3A_2049] : memref<409600x128xf32, #tpu.memory_space<hbm>> -> memref<64x64xf32, #tpu.memory_space<hbm>>
      %dma_wait3A_2051 = arith.constant 0 : i32
      %dma_wait3A_2052 = arith.constant 0 : i32
      %dma_wait3A_2053 = tpu.memref_slice %arg6[%dma_wait3A_2039, %dma_wait3A_2040, %dma_wait3A_2051, %dma_wait3A_2052] : memref<5x2x64x64xf32, #tpu.memory_space<vmem>> -> memref<1x1x64x64xf32, #tpu.memory_space<vmem>>
      %dma_wait3A_2054 = tpu.memref_squeeze %dma_wait3A_2053 : memref<1x1x64x64xf32, #tpu.memory_space<vmem>> -> memref<64x64xf32, #tpu.memory_space<vmem>>
      tpu.wait_dma2 semaphore(%arg10 : memref<!tpu.dma_semaphore, #tpu.memory_space<semaphore_mem>>) src(%dma_wait3A_2054 : memref<64x64xf32, #tpu.memory_space<vmem>>) dst(%dma_wait3A_2050 : memref<64x64xf32, #tpu.memory_space<hbm>>)
      %dma_wait3A_2055 = arith.constant 2 : i32
      %dma_wait3A_2056 = arith.constant 0 : i32
      %dma_wait3A_2057 = arith.constant 0 : i32
      %dma_wait3A_2058 = arith.constant 0 : i32
      %dma_wait3A_2059 = tpu.memref_slice %arg6[%dma_wait3A_2055, %dma_wait3A_2056, %dma_wait3A_2057, %dma_wait3A_2058] : memref<5x2x64x64xf32, #tpu.memory_space<vmem>> -> memref<1x1x64x64xf32, #tpu.memory_space<vmem>>
      %dma_wait3A_2060 = tpu.memref_squeeze %dma_wait3A_2059 : memref<1x1x64x64xf32, #tpu.memory_space<vmem>> -> memref<64x64xf32, #tpu.memory_space<vmem>>
      %dma_wait3A_2061 = arith.constant 0 : i32
      %dma_wait3A_2062 = arith.constant 0 : i32
      %dma_wait3A_2063 = tpu.memref_slice %arg4[%dma_wait3A_2061, %dma_wait3A_2062] : memref<409600x128xf32, #tpu.memory_space<hbm>> -> memref<64x64xf32, #tpu.memory_space<hbm>>
      %dma_wait3A_2064 = arith.constant 0 : i32
      %dma_wait3A_2065 = arith.constant 0 : i32
      %dma_wait3A_2066 = tpu.memref_slice %arg4[%dma_wait3A_2064, %dma_wait3A_2065] : memref<409600x128xf32, #tpu.memory_space<hbm>> -> memref<64x64xf32, #tpu.memory_space<hbm>>
      %dma_wait3A_2067 = arith.constant 0 : i32
      %dma_wait3A_2068 = arith.constant 0 : i32
      %dma_wait3A_2069 = tpu.memref_slice %arg6[%dma_wait3A_2055, %dma_wait3A_2056, %dma_wait3A_2067, %dma_wait3A_2068] : memref<5x2x64x64xf32, #tpu.memory_space<vmem>> -> memref<1x1x64x64xf32, #tpu.memory_space<vmem>>
      %dma_wait3A_2070 = tpu.memref_squeeze %dma_wait3A_2069 : memref<1x1x64x64xf32, #tpu.memory_space<vmem>> -> memref<64x64xf32, #tpu.memory_space<vmem>>
      tpu.wait_dma2 semaphore(%arg10 : memref<!tpu.dma_semaphore, #tpu.memory_space<semaphore_mem>>) src(%dma_wait3A_2070 : memref<64x64xf32, #tpu.memory_space<vmem>>) dst(%dma_wait3A_2066 : memref<64x64xf32, #tpu.memory_space<hbm>>)
      %dma_wait3A_2071 = arith.constant 2 : i32
      %dma_wait3A_2072 = arith.constant 1 : i32
      %dma_wait3A_2073 = arith.constant 0 : i32
      %dma_wait3A_2074 = arith.constant 0 : i32
      %dma_wait3A_2075 = tpu.memref_slice %arg6[%dma_wait3A_2071, %dma_wait3A_2072, %dma_wait3A_2073, %dma_wait3A_2074] : memref<5x2x64x64xf32, #tpu.memory_space<vmem>> -> memref<1x1x64x64xf32, #tpu.memory_space<vmem>>
      %dma_wait3A_2076 = tpu.memref_squeeze %dma_wait3A_2075 : memref<1x1x64x64xf32, #tpu.memory_space<vmem>> -> memref<64x64xf32, #tpu.memory_space<vmem>>
      %dma_wait3A_2077 = arith.constant 0 : i32
      %dma_wait3A_2078 = arith.constant 0 : i32
      %dma_wait3A_2079 = tpu.memref_slice %arg4[%dma_wait3A_2077, %dma_wait3A_2078] : memref<409600x128xf32, #tpu.memory_space<hbm>> -> memref<64x64xf32, #tpu.memory_space<hbm>>
      %dma_wait3A_2080 = arith.constant 0 : i32
      %dma_wait3A_2081 = arith.constant 0 : i32
      %dma_wait3A_2082 = tpu.memref_slice %arg4[%dma_wait3A_2080, %dma_wait3A_2081] : memref<409600x128xf32, #tpu.memory_space<hbm>> -> memref<64x64xf32, #tpu.memory_space<hbm>>
      %dma_wait3A_2083 = arith.constant 0 : i32
      %dma_wait3A_2084 = arith.constant 0 : i32
      %dma_wait3A_2085 = tpu.memref_slice %arg6[%dma_wait3A_2071, %dma_wait3A_2072, %dma_wait3A_2083, %dma_wait3A_2084] : memref<5x2x64x64xf32, #tpu.memory_space<vmem>> -> memref<1x1x64x64xf32, #tpu.memory_space<vmem>>
      %dma_wait3A_2086 = tpu.memref_squeeze %dma_wait3A_2085 : memref<1x1x64x64xf32, #tpu.memory_space<vmem>> -> memref<64x64xf32, #tpu.memory_space<vmem>>
      tpu.wait_dma2 semaphore(%arg10 : memref<!tpu.dma_semaphore, #tpu.memory_space<semaphore_mem>>) src(%dma_wait3A_2086 : memref<64x64xf32, #tpu.memory_space<vmem>>) dst(%dma_wait3A_2082 : memref<64x64xf32, #tpu.memory_space<hbm>>)
      %dma_wait3A_2087 = arith.constant 3 : i32
      %dma_wait3A_2088 = arith.constant 0 : i32
      %dma_wait3A_2089 = arith.constant 0 : i32
      %dma_wait3A_2090 = arith.constant 0 : i32
      %dma_wait3A_2091 = tpu.memref_slice %arg6[%dma_wait3A_2087, %dma_wait3A_2088, %dma_wait3A_2089, %dma_wait3A_2090] : memref<5x2x64x64xf32, #tpu.memory_space<vmem>> -> memref<1x1x64x64xf32, #tpu.memory_space<vmem>>
      %dma_wait3A_2092 = tpu.memref_squeeze %dma_wait3A_2091 : memref<1x1x64x64xf32, #tpu.memory_space<vmem>> -> memref<64x64xf32, #tpu.memory_space<vmem>>
      %dma_wait3A_2093 = arith.constant 0 : i32
      %dma_wait3A_2094 = arith.constant 0 : i32
      %dma_wait3A_2095 = tpu.memref_slice %arg4[%dma_wait3A_2093, %dma_wait3A_2094] : memref<409600x128xf32, #tpu.memory_space<hbm>> -> memref<64x64xf32, #tpu.memory_space<hbm>>
      %dma_wait3A_2096 = arith.constant 0 : i32
      %dma_wait3A_2097 = arith.constant 0 : i32
      %dma_wait3A_2098 = tpu.memref_slice %arg4[%dma_wait3A_2096, %dma_wait3A_2097] : memref<409600x128xf32, #tpu.memory_space<hbm>> -> memref<64x64xf32, #tpu.memory_space<hbm>>
      %dma_wait3A_2099 = arith.constant 0 : i32
      %dma_wait3A_2100 = arith.constant 0 : i32
      %dma_wait3A_2101 = tpu.memref_slice %arg6[%dma_wait3A_2087, %dma_wait3A_2088, %dma_wait3A_2099, %dma_wait3A_2100] : memref<5x2x64x64xf32, #tpu.memory_space<vmem>> -> memref<1x1x64x64xf32, #tpu.memory_space<vmem>>
      %dma_wait3A_2102 = tpu.memref_squeeze %dma_wait3A_2101 : memref<1x1x64x64xf32, #tpu.memory_space<vmem>> -> memref<64x64xf32, #tpu.memory_space<vmem>>
      tpu.wait_dma2 semaphore(%arg10 : memref<!tpu.dma_semaphore, #tpu.memory_space<semaphore_mem>>) src(%dma_wait3A_2102 : memref<64x64xf32, #tpu.memory_space<vmem>>) dst(%dma_wait3A_2098 : memref<64x64xf32, #tpu.memory_space<hbm>>)
      %dma_wait3A_2103 = arith.constant 3 : i32
      %dma_wait3A_2104 = arith.constant 1 : i32
      %dma_wait3A_2105 = arith.constant 0 : i32
      %dma_wait3A_2106 = arith.constant 0 : i32
      %dma_wait3A_2107 = tpu.memref_slice %arg6[%dma_wait3A_2103, %dma_wait3A_2104, %dma_wait3A_2105, %dma_wait3A_2106] : memref<5x2x64x64xf32, #tpu.memory_space<vmem>> -> memref<1x1x64x64xf32, #tpu.memory_space<vmem>>
      %dma_wait3A_2108 = tpu.memref_squeeze %dma_wait3A_2107 : memref<1x1x64x64xf32, #tpu.memory_space<vmem>> -> memref<64x64xf32, #tpu.memory_space<vmem>>
      %dma_wait3A_2109 = arith.constant 0 : i32
      %dma_wait3A_2110 = arith.constant 0 : i32
      %dma_wait3A_2111 = tpu.memref_slice %arg4[%dma_wait3A_2109, %dma_wait3A_2110] : memref<409600x128xf32, #tpu.memory_space<hbm>> -> memref<64x64xf32, #tpu.memory_space<hbm>>
      %dma_wait3A_2112 = arith.constant 0 : i32
      %dma_wait3A_2113 = arith.constant 0 : i32
      %dma_wait3A_2114 = tpu.memref_slice %arg4[%dma_wait3A_2112, %dma_wait3A_2113] : memref<409600x128xf32, #tpu.memory_space<hbm>> -> memref<64x64xf32, #tpu.memory_space<hbm>>
      %dma_wait3A_2115 = arith.constant 0 : i32
      %dma_wait3A_2116 = arith.constant 0 : i32
      %dma_wait3A_2117 = tpu.memref_slice %arg6[%dma_wait3A_2103, %dma_wait3A_2104, %dma_wait3A_2115, %dma_wait3A_2116] : memref<5x2x64x64xf32, #tpu.memory_space<vmem>> -> memref<1x1x64x64xf32, #tpu.memory_space<vmem>>
      %dma_wait3A_2118 = tpu.memref_squeeze %dma_wait3A_2117 : memref<1x1x64x64xf32, #tpu.memory_space<vmem>> -> memref<64x64xf32, #tpu.memory_space<vmem>>
      tpu.wait_dma2 semaphore(%arg10 : memref<!tpu.dma_semaphore, #tpu.memory_space<semaphore_mem>>) src(%dma_wait3A_2118 : memref<64x64xf32, #tpu.memory_space<vmem>>) dst(%dma_wait3A_2114 : memref<64x64xf32, #tpu.memory_space<hbm>>)
      %dma_wait3A_2119 = arith.constant 4 : i32
      %dma_wait3A_2120 = arith.constant 0 : i32
      %dma_wait3A_2121 = arith.constant 0 : i32
      %dma_wait3A_2122 = arith.constant 0 : i32
      %dma_wait3A_2123 = tpu.memref_slice %arg6[%dma_wait3A_2119, %dma_wait3A_2120, %dma_wait3A_2121, %dma_wait3A_2122] : memref<5x2x64x64xf32, #tpu.memory_space<vmem>> -> memref<1x1x64x64xf32, #tpu.memory_space<vmem>>
      %dma_wait3A_2124 = tpu.memref_squeeze %dma_wait3A_2123 : memref<1x1x64x64xf32, #tpu.memory_space<vmem>> -> memref<64x64xf32, #tpu.memory_space<vmem>>
      %dma_wait3A_2125 = arith.constant 0 : i32
      %dma_wait3A_2126 = arith.constant 0 : i32
      %dma_wait3A_2127 = tpu.memref_slice %arg4[%dma_wait3A_2125, %dma_wait3A_2126] : memref<409600x128xf32, #tpu.memory_space<hbm>> -> memref<64x64xf32, #tpu.memory_space<hbm>>
      %dma_wait3A_2128 = arith.constant 0 : i32
      %dma_wait3A_2129 = arith.constant 0 : i32
      %dma_wait3A_2130 = tpu.memref_slice %arg4[%dma_wait3A_2128, %dma_wait3A_2129] : memref<409600x128xf32, #tpu.memory_space<hbm>> -> memref<64x64xf32, #tpu.memory_space<hbm>>
      %dma_wait3A_2131 = arith.constant 0 : i32
      %dma_wait3A_2132 = arith.constant 0 : i32
      %dma_wait3A_2133 = tpu.memref_slice %arg6[%dma_wait3A_2119, %dma_wait3A_2120, %dma_wait3A_2131, %dma_wait3A_2132] : memref<5x2x64x64xf32, #tpu.memory_space<vmem>> -> memref<1x1x64x64xf32, #tpu.memory_space<vmem>>
      %dma_wait3A_2134 = tpu.memref_squeeze %dma_wait3A_2133 : memref<1x1x64x64xf32, #tpu.memory_space<vmem>> -> memref<64x64xf32, #tpu.memory_space<vmem>>
      tpu.wait_dma2 semaphore(%arg10 : memref<!tpu.dma_semaphore, #tpu.memory_space<semaphore_mem>>) src(%dma_wait3A_2134 : memref<64x64xf32, #tpu.memory_space<vmem>>) dst(%dma_wait3A_2130 : memref<64x64xf32, #tpu.memory_space<hbm>>)
      %dma_wait3A_2135 = arith.constant 4 : i32
      %dma_wait3A_2136 = arith.constant 1 : i32
      %dma_wait3A_2137 = arith.constant 0 : i32
      %dma_wait3A_2138 = arith.constant 0 : i32
      %dma_wait3A_2139 = tpu.memref_slice %arg6[%dma_wait3A_2135, %dma_wait3A_2136, %dma_wait3A_2137, %dma_wait3A_2138] : memref<5x2x64x64xf32, #tpu.memory_space<vmem>> -> memref<1x1x64x64xf32, #tpu.memory_space<vmem>>
      %dma_wait3A_2140 = tpu.memref_squeeze %dma_wait3A_2139 : memref<1x1x64x64xf32, #tpu.memory_space<vmem>> -> memref<64x64xf32, #tpu.memory_space<vmem>>
      %dma_wait3A_2141 = arith.constant 0 : i32
      %dma_wait3A_2142 = arith.constant 0 : i32
      %dma_wait3A_2143 = tpu.memref_slice %arg4[%dma_wait3A_2141, %dma_wait3A_2142] : memref<409600x128xf32, #tpu.memory_space<hbm>> -> memref<64x64xf32, #tpu.memory_space<hbm>>
      %dma_wait3A_2144 = arith.constant 0 : i32
      %dma_wait3A_2145 = arith.constant 0 : i32
      %dma_wait3A_2146 = tpu.memref_slice %arg4[%dma_wait3A_2144, %dma_wait3A_2145] : memref<409600x128xf32, #tpu.memory_space<hbm>> -> memref<64x64xf32, #tpu.memory_space<hbm>>
      %dma_wait3A_2147 = arith.constant 0 : i32
      %dma_wait3A_2148 = arith.constant 0 : i32
      %dma_wait3A_2149 = tpu.memref_slice %arg6[%dma_wait3A_2135, %dma_wait3A_2136, %dma_wait3A_2147, %dma_wait3A_2148] : memref<5x2x64x64xf32, #tpu.memory_space<vmem>> -> memref<1x1x64x64xf32, #tpu.memory_space<vmem>>
      %dma_wait3A_2150 = tpu.memref_squeeze %dma_wait3A_2149 : memref<1x1x64x64xf32, #tpu.memory_space<vmem>> -> memref<64x64xf32, #tpu.memory_space<vmem>>
      tpu.wait_dma2 semaphore(%arg10 : memref<!tpu.dma_semaphore, #tpu.memory_space<semaphore_mem>>) src(%dma_wait3A_2150 : memref<64x64xf32, #tpu.memory_space<vmem>>) dst(%dma_wait3A_2146 : memref<64x64xf32, #tpu.memory_space<hbm>>)
      %add3A_2151 = arith.constant 2 : i32
      %add3A_2152 = arith.addi %mul3A_1288, %add3A_2151 : i32
      %mul3A_2153 = arith.constant 5 : i32
      %mul3A_2154 = arith.muli %add3A_2152, %mul3A_2153 : i32
      %add3A_2155 = arith.constant 0 : i32
      %add3A_2156 = arith.addi %mul3A_2154, %add3A_2155 : i32
      %dma_start3A_2157 = arith.constant 0 : i32
      %dma_start3A_2158 = arith.constant 0 : i32
      %dma_start3A_2159 = arith.constant 0 : i32
      %dma_start3A_2160 = arith.constant 0 : i32
      %dma_start3A_2161 = arith.constant 0 : i32
      %dma_start3A_2162 = tpu.memref_slice %arg6[%dma_start3A_2158, %dma_start3A_2159, %dma_start3A_2160, %dma_start3A_2161] : memref<5x2x64x64xf32, #tpu.memory_space<vmem>> -> memref<1x1x64x64xf32, #tpu.memory_space<vmem>>
      %dma_start3A_2163 = tpu.memref_squeeze %dma_start3A_2162 : memref<1x1x64x64xf32, #tpu.memory_space<vmem>> -> memref<64x64xf32, #tpu.memory_space<vmem>>
      %dma_start3A_2164 = arith.constant 0 : i32
      %dma_start3A_2165 = tpu.memref_slice %arg5[%add3A_2156, %dma_start3A_2157, %dma_start3A_2164] : memref<200x2x64xi32, #tpu.memory_space<vmem>> -> memref<1x1x64xi32, #tpu.memory_space<vmem>>
      %dma_start3A_2166 = tpu.memref_squeeze %dma_start3A_2165 : memref<1x1x64xi32, #tpu.memory_space<vmem>> -> memref<64xi32, #tpu.memory_space<vmem>>
      %dma_start3A_2167 = arith.constant 0 : i32
      %dma_start3A_2168 = arith.constant 0 : i32
      %dma_start3A_2169 = tpu.memref_slice %arg3[%dma_start3A_2167, %dma_start3A_2168] : memref<1000000x64xf32, #tpu.memory_space<hbm>> -> memref<1000000x64xf32, #tpu.memory_space<hbm>>
      tpu.enqueue_indirect_dma source(%dma_start3A_2169 : memref<1000000x64xf32, #tpu.memory_space<hbm>>) target(%dma_start3A_2163 : memref<64x64xf32, #tpu.memory_space<vmem>>) offsets(%dma_start3A_2166 : memref<64xi32, #tpu.memory_space<vmem>>) semaphore(%arg8 : memref<!tpu.dma_semaphore, #tpu.memory_space<semaphore_mem>>)
      %dma_start3A_2170 = arith.constant 1 : i32
      %dma_start3A_2171 = arith.constant 0 : i32
      %dma_start3A_2172 = arith.constant 1 : i32
      %dma_start3A_2173 = arith.constant 0 : i32
      %dma_start3A_2174 = arith.constant 0 : i32
      %dma_start3A_2175 = tpu.memref_slice %arg6[%dma_start3A_2171, %dma_start3A_2172, %dma_start3A_2173, %dma_start3A_2174] : memref<5x2x64x64xf32, #tpu.memory_space<vmem>> -> memref<1x1x64x64xf32, #tpu.memory_space<vmem>>
      %dma_start3A_2176 = tpu.memref_squeeze %dma_start3A_2175 : memref<1x1x64x64xf32, #tpu.memory_space<vmem>> -> memref<64x64xf32, #tpu.memory_space<vmem>>
      %dma_start3A_2177 = arith.constant 0 : i32
      %dma_start3A_2178 = tpu.memref_slice %arg5[%add3A_2156, %dma_start3A_2170, %dma_start3A_2177] : memref<200x2x64xi32, #tpu.memory_space<vmem>> -> memref<1x1x64xi32, #tpu.memory_space<vmem>>
      %dma_start3A_2179 = tpu.memref_squeeze %dma_start3A_2178 : memref<1x1x64xi32, #tpu.memory_space<vmem>> -> memref<64xi32, #tpu.memory_space<vmem>>
      %dma_start3A_2180 = arith.constant 0 : i32
      %dma_start3A_2181 = arith.constant 0 : i32
      %dma_start3A_2182 = tpu.memref_slice %arg3[%dma_start3A_2180, %dma_start3A_2181] : memref<1000000x64xf32, #tpu.memory_space<hbm>> -> memref<1000000x64xf32, #tpu.memory_space<hbm>>
      tpu.enqueue_indirect_dma source(%dma_start3A_2182 : memref<1000000x64xf32, #tpu.memory_space<hbm>>) target(%dma_start3A_2176 : memref<64x64xf32, #tpu.memory_space<vmem>>) offsets(%dma_start3A_2179 : memref<64xi32, #tpu.memory_space<vmem>>) semaphore(%arg8 : memref<!tpu.dma_semaphore, #tpu.memory_space<semaphore_mem>>)
      %mul3A_2183 = arith.constant 5 : i32
      %mul3A_2184 = arith.muli %add3A_2152, %mul3A_2183 : i32
      %add3A_2185 = arith.constant 1 : i32
      %add3A_2186 = arith.addi %mul3A_2184, %add3A_2185 : i32
      %dma_start3A_2187 = arith.constant 0 : i32
      %dma_start3A_2188 = arith.constant 1 : i32
      %dma_start3A_2189 = arith.constant 0 : i32
      %dma_start3A_2190 = arith.constant 0 : i32
      %dma_start3A_2191 = arith.constant 0 : i32
      %dma_start3A_2192 = tpu.memref_slice %arg6[%dma_start3A_2188, %dma_start3A_2189, %dma_start3A_2190, %dma_start3A_2191] : memref<5x2x64x64xf32, #tpu.memory_space<vmem>> -> memref<1x1x64x64xf32, #tpu.memory_space<vmem>>
      %dma_start3A_2193 = tpu.memref_squeeze %dma_start3A_2192 : memref<1x1x64x64xf32, #tpu.memory_space<vmem>> -> memref<64x64xf32, #tpu.memory_space<vmem>>
      %dma_start3A_2194 = arith.constant 0 : i32
      %dma_start3A_2195 = tpu.memref_slice %arg5[%add3A_2186, %dma_start3A_2187, %dma_start3A_2194] : memref<200x2x64xi32, #tpu.memory_space<vmem>> -> memref<1x1x64xi32, #tpu.memory_space<vmem>>
      %dma_start3A_2196 = tpu.memref_squeeze %dma_start3A_2195 : memref<1x1x64xi32, #tpu.memory_space<vmem>> -> memref<64xi32, #tpu.memory_space<vmem>>
      %dma_start3A_2197 = arith.constant 0 : i32
      %dma_start3A_2198 = arith.constant 0 : i32
      %dma_start3A_2199 = tpu.memref_slice %arg3[%dma_start3A_2197, %dma_start3A_2198] : memref<1000000x64xf32, #tpu.memory_space<hbm>> -> memref<1000000x64xf32, #tpu.memory_space<hbm>>
      tpu.enqueue_indirect_dma source(%dma_start3A_2199 : memref<1000000x64xf32, #tpu.memory_space<hbm>>) target(%dma_start3A_2193 : memref<64x64xf32, #tpu.memory_space<vmem>>) offsets(%dma_start3A_2196 : memref<64xi32, #tpu.memory_space<vmem>>) semaphore(%arg8 : memref<!tpu.dma_semaphore, #tpu.memory_space<semaphore_mem>>)
      %dma_start3A_2200 = arith.constant 1 : i32
      %dma_start3A_2201 = arith.constant 1 : i32
      %dma_start3A_2202 = arith.constant 1 : i32
      %dma_start3A_2203 = arith.constant 0 : i32
      %dma_start3A_2204 = arith.constant 0 : i32
      %dma_start3A_2205 = tpu.memref_slice %arg6[%dma_start3A_2201, %dma_start3A_2202, %dma_start3A_2203, %dma_start3A_2204] : memref<5x2x64x64xf32, #tpu.memory_space<vmem>> -> memref<1x1x64x64xf32, #tpu.memory_space<vmem>>
      %dma_start3A_2206 = tpu.memref_squeeze %dma_start3A_2205 : memref<1x1x64x64xf32, #tpu.memory_space<vmem>> -> memref<64x64xf32, #tpu.memory_space<vmem>>
      %dma_start3A_2207 = arith.constant 0 : i32
      %dma_start3A_2208 = tpu.memref_slice %arg5[%add3A_2186, %dma_start3A_2200, %dma_start3A_2207] : memref<200x2x64xi32, #tpu.memory_space<vmem>> -> memref<1x1x64xi32, #tpu.memory_space<vmem>>
      %dma_start3A_2209 = tpu.memref_squeeze %dma_start3A_2208 : memref<1x1x64xi32, #tpu.memory_space<vmem>> -> memref<64xi32, #tpu.memory_space<vmem>>
      %dma_start3A_2210 = arith.constant 0 : i32
      %dma_start3A_2211 = arith.constant 0 : i32
      %dma_start3A_2212 = tpu.memref_slice %arg3[%dma_start3A_2210, %dma_start3A_2211] : memref<1000000x64xf32, #tpu.memory_space<hbm>> -> memref<1000000x64xf32, #tpu.memory_space<hbm>>
      tpu.enqueue_indirect_dma source(%dma_start3A_2212 : memref<1000000x64xf32, #tpu.memory_space<hbm>>) target(%dma_start3A_2206 : memref<64x64xf32, #tpu.memory_space<vmem>>) offsets(%dma_start3A_2209 : memref<64xi32, #tpu.memory_space<vmem>>) semaphore(%arg8 : memref<!tpu.dma_semaphore, #tpu.memory_space<semaphore_mem>>)
      %mul3A_2213 = arith.constant 5 : i32
      %mul3A_2214 = arith.muli %add3A_2152, %mul3A_2213 : i32
      %add3A_2215 = arith.constant 2 : i32
      %add3A_2216 = arith.addi %mul3A_2214, %add3A_2215 : i32
      %dma_start3A_2217 = arith.constant 0 : i32
      %dma_start3A_2218 = arith.constant 2 : i32
      %dma_start3A_2219 = arith.constant 0 : i32
      %dma_start3A_2220 = arith.constant 0 : i32
      %dma_start3A_2221 = arith.constant 0 : i32
      %dma_start3A_2222 = tpu.memref_slice %arg6[%dma_start3A_2218, %dma_start3A_2219, %dma_start3A_2220, %dma_start3A_2221] : memref<5x2x64x64xf32, #tpu.memory_space<vmem>> -> memref<1x1x64x64xf32, #tpu.memory_space<vmem>>
      %dma_start3A_2223 = tpu.memref_squeeze %dma_start3A_2222 : memref<1x1x64x64xf32, #tpu.memory_space<vmem>> -> memref<64x64xf32, #tpu.memory_space<vmem>>
      %dma_start3A_2224 = arith.constant 0 : i32
      %dma_start3A_2225 = tpu.memref_slice %arg5[%add3A_2216, %dma_start3A_2217, %dma_start3A_2224] : memref<200x2x64xi32, #tpu.memory_space<vmem>> -> memref<1x1x64xi32, #tpu.memory_space<vmem>>
      %dma_start3A_2226 = tpu.memref_squeeze %dma_start3A_2225 : memref<1x1x64xi32, #tpu.memory_space<vmem>> -> memref<64xi32, #tpu.memory_space<vmem>>
      %dma_start3A_2227 = arith.constant 0 : i32
      %dma_start3A_2228 = arith.constant 0 : i32
      %dma_start3A_2229 = tpu.memref_slice %arg3[%dma_start3A_2227, %dma_start3A_2228] : memref<1000000x64xf32, #tpu.memory_space<hbm>> -> memref<1000000x64xf32, #tpu.memory_space<hbm>>
      tpu.enqueue_indirect_dma source(%dma_start3A_2229 : memref<1000000x64xf32, #tpu.memory_space<hbm>>) target(%dma_start3A_2223 : memref<64x64xf32, #tpu.memory_space<vmem>>) offsets(%dma_start3A_2226 : memref<64xi32, #tpu.memory_space<vmem>>) semaphore(%arg8 : memref<!tpu.dma_semaphore, #tpu.memory_space<semaphore_mem>>)
      %dma_start3A_2230 = arith.constant 1 : i32
      %dma_start3A_2231 = arith.constant 2 : i32
      %dma_start3A_2232 = arith.constant 1 : i32
      %dma_start3A_2233 = arith.constant 0 : i32
      %dma_start3A_2234 = arith.constant 0 : i32
      %dma_start3A_2235 = tpu.memref_slice %arg6[%dma_start3A_2231, %dma_start3A_2232, %dma_start3A_2233, %dma_start3A_2234] : memref<5x2x64x64xf32, #tpu.memory_space<vmem>> -> memref<1x1x64x64xf32, #tpu.memory_space<vmem>>
      %dma_start3A_2236 = tpu.memref_squeeze %dma_start3A_2235 : memref<1x1x64x64xf32, #tpu.memory_space<vmem>> -> memref<64x64xf32, #tpu.memory_space<vmem>>
      %dma_start3A_2237 = arith.constant 0 : i32
      %dma_start3A_2238 = tpu.memref_slice %arg5[%add3A_2216, %dma_start3A_2230, %dma_start3A_2237] : memref<200x2x64xi32, #tpu.memory_space<vmem>> -> memref<1x1x64xi32, #tpu.memory_space<vmem>>
      %dma_start3A_2239 = tpu.memref_squeeze %dma_start3A_2238 : memref<1x1x64xi32, #tpu.memory_space<vmem>> -> memref<64xi32, #tpu.memory_space<vmem>>
      %dma_start3A_2240 = arith.constant 0 : i32
      %dma_start3A_2241 = arith.constant 0 : i32
      %dma_start3A_2242 = tpu.memref_slice %arg3[%dma_start3A_2240, %dma_start3A_2241] : memref<1000000x64xf32, #tpu.memory_space<hbm>> -> memref<1000000x64xf32, #tpu.memory_space<hbm>>
      tpu.enqueue_indirect_dma source(%dma_start3A_2242 : memref<1000000x64xf32, #tpu.memory_space<hbm>>) target(%dma_start3A_2236 : memref<64x64xf32, #tpu.memory_space<vmem>>) offsets(%dma_start3A_2239 : memref<64xi32, #tpu.memory_space<vmem>>) semaphore(%arg8 : memref<!tpu.dma_semaphore, #tpu.memory_space<semaphore_mem>>)
      %mul3A_2243 = arith.constant 5 : i32
      %mul3A_2244 = arith.muli %add3A_2152, %mul3A_2243 : i32
      %add3A_2245 = arith.constant 3 : i32
      %add3A_2246 = arith.addi %mul3A_2244, %add3A_2245 : i32
      %dma_start3A_2247 = arith.constant 0 : i32
      %dma_start3A_2248 = arith.constant 3 : i32
      %dma_start3A_2249 = arith.constant 0 : i32
      %dma_start3A_2250 = arith.constant 0 : i32
      %dma_start3A_2251 = arith.constant 0 : i32
      %dma_start3A_2252 = tpu.memref_slice %arg6[%dma_start3A_2248, %dma_start3A_2249, %dma_start3A_2250, %dma_start3A_2251] : memref<5x2x64x64xf32, #tpu.memory_space<vmem>> -> memref<1x1x64x64xf32, #tpu.memory_space<vmem>>
      %dma_start3A_2253 = tpu.memref_squeeze %dma_start3A_2252 : memref<1x1x64x64xf32, #tpu.memory_space<vmem>> -> memref<64x64xf32, #tpu.memory_space<vmem>>
      %dma_start3A_2254 = arith.constant 0 : i32
      %dma_start3A_2255 = tpu.memref_slice %arg5[%add3A_2246, %dma_start3A_2247, %dma_start3A_2254] : memref<200x2x64xi32, #tpu.memory_space<vmem>> -> memref<1x1x64xi32, #tpu.memory_space<vmem>>
      %dma_start3A_2256 = tpu.memref_squeeze %dma_start3A_2255 : memref<1x1x64xi32, #tpu.memory_space<vmem>> -> memref<64xi32, #tpu.memory_space<vmem>>
      %dma_start3A_2257 = arith.constant 0 : i32
      %dma_start3A_2258 = arith.constant 0 : i32
      %dma_start3A_2259 = tpu.memref_slice %arg3[%dma_start3A_2257, %dma_start3A_2258] : memref<1000000x64xf32, #tpu.memory_space<hbm>> -> memref<1000000x64xf32, #tpu.memory_space<hbm>>
      tpu.enqueue_indirect_dma source(%dma_start3A_2259 : memref<1000000x64xf32, #tpu.memory_space<hbm>>) target(%dma_start3A_2253 : memref<64x64xf32, #tpu.memory_space<vmem>>) offsets(%dma_start3A_2256 : memref<64xi32, #tpu.memory_space<vmem>>) semaphore(%arg8 : memref<!tpu.dma_semaphore, #tpu.memory_space<semaphore_mem>>)
      %dma_start3A_2260 = arith.constant 1 : i32
      %dma_start3A_2261 = arith.constant 3 : i32
      %dma_start3A_2262 = arith.constant 1 : i32
      %dma_start3A_2263 = arith.constant 0 : i32
      %dma_start3A_2264 = arith.constant 0 : i32
      %dma_start3A_2265 = tpu.memref_slice %arg6[%dma_start3A_2261, %dma_start3A_2262, %dma_start3A_2263, %dma_start3A_2264] : memref<5x2x64x64xf32, #tpu.memory_space<vmem>> -> memref<1x1x64x64xf32, #tpu.memory_space<vmem>>
      %dma_start3A_2266 = tpu.memref_squeeze %dma_start3A_2265 : memref<1x1x64x64xf32, #tpu.memory_space<vmem>> -> memref<64x64xf32, #tpu.memory_space<vmem>>
      %dma_start3A_2267 = arith.constant 0 : i32
      %dma_start3A_2268 = tpu.memref_slice %arg5[%add3A_2246, %dma_start3A_2260, %dma_start3A_2267] : memref<200x2x64xi32, #tpu.memory_space<vmem>> -> memref<1x1x64xi32, #tpu.memory_space<vmem>>
      %dma_start3A_2269 = tpu.memref_squeeze %dma_start3A_2268 : memref<1x1x64xi32, #tpu.memory_space<vmem>> -> memref<64xi32, #tpu.memory_space<vmem>>
      %dma_start3A_2270 = arith.constant 0 : i32
      %dma_start3A_2271 = arith.constant 0 : i32
      %dma_start3A_2272 = tpu.memref_slice %arg3[%dma_start3A_2270, %dma_start3A_2271] : memref<1000000x64xf32, #tpu.memory_space<hbm>> -> memref<1000000x64xf32, #tpu.memory_space<hbm>>
      tpu.enqueue_indirect_dma source(%dma_start3A_2272 : memref<1000000x64xf32, #tpu.memory_space<hbm>>) target(%dma_start3A_2266 : memref<64x64xf32, #tpu.memory_space<vmem>>) offsets(%dma_start3A_2269 : memref<64xi32, #tpu.memory_space<vmem>>) semaphore(%arg8 : memref<!tpu.dma_semaphore, #tpu.memory_space<semaphore_mem>>)
      %mul3A_2273 = arith.constant 5 : i32
      %mul3A_2274 = arith.muli %add3A_2152, %mul3A_2273 : i32
      %add3A_2275 = arith.constant 4 : i32
      %add3A_2276 = arith.addi %mul3A_2274, %add3A_2275 : i32
      %dma_start3A_2277 = arith.constant 0 : i32
      %dma_start3A_2278 = arith.constant 4 : i32
      %dma_start3A_2279 = arith.constant 0 : i32
      %dma_start3A_2280 = arith.constant 0 : i32
      %dma_start3A_2281 = arith.constant 0 : i32
      %dma_start3A_2282 = tpu.memref_slice %arg6[%dma_start3A_2278, %dma_start3A_2279, %dma_start3A_2280, %dma_start3A_2281] : memref<5x2x64x64xf32, #tpu.memory_space<vmem>> -> memref<1x1x64x64xf32, #tpu.memory_space<vmem>>
      %dma_start3A_2283 = tpu.memref_squeeze %dma_start3A_2282 : memref<1x1x64x64xf32, #tpu.memory_space<vmem>> -> memref<64x64xf32, #tpu.memory_space<vmem>>
      %dma_start3A_2284 = arith.constant 0 : i32
      %dma_start3A_2285 = tpu.memref_slice %arg5[%add3A_2276, %dma_start3A_2277, %dma_start3A_2284] : memref<200x2x64xi32, #tpu.memory_space<vmem>> -> memref<1x1x64xi32, #tpu.memory_space<vmem>>
      %dma_start3A_2286 = tpu.memref_squeeze %dma_start3A_2285 : memref<1x1x64xi32, #tpu.memory_space<vmem>> -> memref<64xi32, #tpu.memory_space<vmem>>
      %dma_start3A_2287 = arith.constant 0 : i32
      %dma_start3A_2288 = arith.constant 0 : i32
      %dma_start3A_2289 = tpu.memref_slice %arg3[%dma_start3A_2287, %dma_start3A_2288] : memref<1000000x64xf32, #tpu.memory_space<hbm>> -> memref<1000000x64xf32, #tpu.memory_space<hbm>>
      tpu.enqueue_indirect_dma source(%dma_start3A_2289 : memref<1000000x64xf32, #tpu.memory_space<hbm>>) target(%dma_start3A_2283 : memref<64x64xf32, #tpu.memory_space<vmem>>) offsets(%dma_start3A_2286 : memref<64xi32, #tpu.memory_space<vmem>>) semaphore(%arg8 : memref<!tpu.dma_semaphore, #tpu.memory_space<semaphore_mem>>)
      %dma_start3A_2290 = arith.constant 1 : i32
      %dma_start3A_2291 = arith.constant 4 : i32
      %dma_start3A_2292 = arith.constant 1 : i32
      %dma_start3A_2293 = arith.constant 0 : i32
      %dma_start3A_2294 = arith.constant 0 : i32
      %dma_start3A_2295 = tpu.memref_slice %arg6[%dma_start3A_2291, %dma_start3A_2292, %dma_start3A_2293, %dma_start3A_2294] : memref<5x2x64x64xf32, #tpu.memory_space<vmem>> -> memref<1x1x64x64xf32, #tpu.memory_space<vmem>>
      %dma_start3A_2296 = tpu.memref_squeeze %dma_start3A_2295 : memref<1x1x64x64xf32, #tpu.memory_space<vmem>> -> memref<64x64xf32, #tpu.memory_space<vmem>>
      %dma_start3A_2297 = arith.constant 0 : i32
      %dma_start3A_2298 = tpu.memref_slice %arg5[%add3A_2276, %dma_start3A_2290, %dma_start3A_2297] : memref<200x2x64xi32, #tpu.memory_space<vmem>> -> memref<1x1x64xi32, #tpu.memory_space<vmem>>
      %dma_start3A_2299 = tpu.memref_squeeze %dma_start3A_2298 : memref<1x1x64xi32, #tpu.memory_space<vmem>> -> memref<64xi32, #tpu.memory_space<vmem>>
      %dma_start3A_2300 = arith.constant 0 : i32
      %dma_start3A_2301 = arith.constant 0 : i32
      %dma_start3A_2302 = tpu.memref_slice %arg3[%dma_start3A_2300, %dma_start3A_2301] : memref<1000000x64xf32, #tpu.memory_space<hbm>> -> memref<1000000x64xf32, #tpu.memory_space<hbm>>
      tpu.enqueue_indirect_dma source(%dma_start3A_2302 : memref<1000000x64xf32, #tpu.memory_space<hbm>>) target(%dma_start3A_2296 : memref<64x64xf32, #tpu.memory_space<vmem>>) offsets(%dma_start3A_2299 : memref<64xi32, #tpu.memory_space<vmem>>) semaphore(%arg8 : memref<!tpu.dma_semaphore, #tpu.memory_space<semaphore_mem>>)
      %dma_wait3A_2303 = arith.constant 0 : i32
      %dma_wait3A_2304 = arith.constant 0 : i32
      %dma_wait3A_2305 = arith.constant 0 : i32
      %dma_wait3A_2306 = arith.constant 0 : i32
      %dma_wait3A_2307 = tpu.memref_slice %arg7[%dma_wait3A_2303, %dma_wait3A_2304, %dma_wait3A_2305, %dma_wait3A_2306] : memref<5x2x64x64xf32, #tpu.memory_space<vmem>> -> memref<1x1x64x64xf32, #tpu.memory_space<vmem>>
      %dma_wait3A_2308 = tpu.memref_squeeze %dma_wait3A_2307 : memref<1x1x64x64xf32, #tpu.memory_space<vmem>> -> memref<64x64xf32, #tpu.memory_space<vmem>>
      %dma_wait3A_2309 = arith.constant 0 : i32
      %dma_wait3A_2310 = arith.constant 0 : i32
      %dma_wait3A_2311 = tpu.memref_slice %arg4[%dma_wait3A_2309, %dma_wait3A_2310] : memref<409600x128xf32, #tpu.memory_space<hbm>> -> memref<64x64xf32, #tpu.memory_space<hbm>>
      %dma_wait3A_2312 = arith.constant 0 : i32
      %dma_wait3A_2313 = arith.constant 0 : i32
      %dma_wait3A_2314 = tpu.memref_slice %arg4[%dma_wait3A_2312, %dma_wait3A_2313] : memref<409600x128xf32, #tpu.memory_space<hbm>> -> memref<64x64xf32, #tpu.memory_space<hbm>>
      %dma_wait3A_2315 = arith.constant 0 : i32
      %dma_wait3A_2316 = arith.constant 0 : i32
      %dma_wait3A_2317 = tpu.memref_slice %arg7[%dma_wait3A_2303, %dma_wait3A_2304, %dma_wait3A_2315, %dma_wait3A_2316] : memref<5x2x64x64xf32, #tpu.memory_space<vmem>> -> memref<1x1x64x64xf32, #tpu.memory_space<vmem>>
      %dma_wait3A_2318 = tpu.memref_squeeze %dma_wait3A_2317 : memref<1x1x64x64xf32, #tpu.memory_space<vmem>> -> memref<64x64xf32, #tpu.memory_space<vmem>>
      tpu.wait_dma2 semaphore(%arg11 : memref<!tpu.dma_semaphore, #tpu.memory_space<semaphore_mem>>) src(%dma_wait3A_2318 : memref<64x64xf32, #tpu.memory_space<vmem>>) dst(%dma_wait3A_2314 : memref<64x64xf32, #tpu.memory_space<hbm>>)
      %dma_wait3A_2319 = arith.constant 0 : i32
      %dma_wait3A_2320 = arith.constant 1 : i32
      %dma_wait3A_2321 = arith.constant 0 : i32
      %dma_wait3A_2322 = arith.constant 0 : i32
      %dma_wait3A_2323 = tpu.memref_slice %arg7[%dma_wait3A_2319, %dma_wait3A_2320, %dma_wait3A_2321, %dma_wait3A_2322] : memref<5x2x64x64xf32, #tpu.memory_space<vmem>> -> memref<1x1x64x64xf32, #tpu.memory_space<vmem>>
      %dma_wait3A_2324 = tpu.memref_squeeze %dma_wait3A_2323 : memref<1x1x64x64xf32, #tpu.memory_space<vmem>> -> memref<64x64xf32, #tpu.memory_space<vmem>>
      %dma_wait3A_2325 = arith.constant 0 : i32
      %dma_wait3A_2326 = arith.constant 0 : i32
      %dma_wait3A_2327 = tpu.memref_slice %arg4[%dma_wait3A_2325, %dma_wait3A_2326] : memref<409600x128xf32, #tpu.memory_space<hbm>> -> memref<64x64xf32, #tpu.memory_space<hbm>>
      %dma_wait3A_2328 = arith.constant 0 : i32
      %dma_wait3A_2329 = arith.constant 0 : i32
      %dma_wait3A_2330 = tpu.memref_slice %arg4[%dma_wait3A_2328, %dma_wait3A_2329] : memref<409600x128xf32, #tpu.memory_space<hbm>> -> memref<64x64xf32, #tpu.memory_space<hbm>>
      %dma_wait3A_2331 = arith.constant 0 : i32
      %dma_wait3A_2332 = arith.constant 0 : i32
      %dma_wait3A_2333 = tpu.memref_slice %arg7[%dma_wait3A_2319, %dma_wait3A_2320, %dma_wait3A_2331, %dma_wait3A_2332] : memref<5x2x64x64xf32, #tpu.memory_space<vmem>> -> memref<1x1x64x64xf32, #tpu.memory_space<vmem>>
      %dma_wait3A_2334 = tpu.memref_squeeze %dma_wait3A_2333 : memref<1x1x64x64xf32, #tpu.memory_space<vmem>> -> memref<64x64xf32, #tpu.memory_space<vmem>>
      tpu.wait_dma2 semaphore(%arg11 : memref<!tpu.dma_semaphore, #tpu.memory_space<semaphore_mem>>) src(%dma_wait3A_2334 : memref<64x64xf32, #tpu.memory_space<vmem>>) dst(%dma_wait3A_2330 : memref<64x64xf32, #tpu.memory_space<hbm>>)
      %dma_wait3A_2335 = arith.constant 1 : i32
      %dma_wait3A_2336 = arith.constant 0 : i32
      %dma_wait3A_2337 = arith.constant 0 : i32
      %dma_wait3A_2338 = arith.constant 0 : i32
      %dma_wait3A_2339 = tpu.memref_slice %arg7[%dma_wait3A_2335, %dma_wait3A_2336, %dma_wait3A_2337, %dma_wait3A_2338] : memref<5x2x64x64xf32, #tpu.memory_space<vmem>> -> memref<1x1x64x64xf32, #tpu.memory_space<vmem>>
      %dma_wait3A_2340 = tpu.memref_squeeze %dma_wait3A_2339 : memref<1x1x64x64xf32, #tpu.memory_space<vmem>> -> memref<64x64xf32, #tpu.memory_space<vmem>>
      %dma_wait3A_2341 = arith.constant 0 : i32
      %dma_wait3A_2342 = arith.constant 0 : i32
      %dma_wait3A_2343 = tpu.memref_slice %arg4[%dma_wait3A_2341, %dma_wait3A_2342] : memref<409600x128xf32, #tpu.memory_space<hbm>> -> memref<64x64xf32, #tpu.memory_space<hbm>>
      %dma_wait3A_2344 = arith.constant 0 : i32
      %dma_wait3A_2345 = arith.constant 0 : i32
      %dma_wait3A_2346 = tpu.memref_slice %arg4[%dma_wait3A_2344, %dma_wait3A_2345] : memref<409600x128xf32, #tpu.memory_space<hbm>> -> memref<64x64xf32, #tpu.memory_space<hbm>>
      %dma_wait3A_2347 = arith.constant 0 : i32
      %dma_wait3A_2348 = arith.constant 0 : i32
      %dma_wait3A_2349 = tpu.memref_slice %arg7[%dma_wait3A_2335, %dma_wait3A_2336, %dma_wait3A_2347, %dma_wait3A_2348] : memref<5x2x64x64xf32, #tpu.memory_space<vmem>> -> memref<1x1x64x64xf32, #tpu.memory_space<vmem>>
      %dma_wait3A_2350 = tpu.memref_squeeze %dma_wait3A_2349 : memref<1x1x64x64xf32, #tpu.memory_space<vmem>> -> memref<64x64xf32, #tpu.memory_space<vmem>>
      tpu.wait_dma2 semaphore(%arg11 : memref<!tpu.dma_semaphore, #tpu.memory_space<semaphore_mem>>) src(%dma_wait3A_2350 : memref<64x64xf32, #tpu.memory_space<vmem>>) dst(%dma_wait3A_2346 : memref<64x64xf32, #tpu.memory_space<hbm>>)
      %dma_wait3A_2351 = arith.constant 1 : i32
      %dma_wait3A_2352 = arith.constant 1 : i32
      %dma_wait3A_2353 = arith.constant 0 : i32
      %dma_wait3A_2354 = arith.constant 0 : i32
      %dma_wait3A_2355 = tpu.memref_slice %arg7[%dma_wait3A_2351, %dma_wait3A_2352, %dma_wait3A_2353, %dma_wait3A_2354] : memref<5x2x64x64xf32, #tpu.memory_space<vmem>> -> memref<1x1x64x64xf32, #tpu.memory_space<vmem>>
      %dma_wait3A_2356 = tpu.memref_squeeze %dma_wait3A_2355 : memref<1x1x64x64xf32, #tpu.memory_space<vmem>> -> memref<64x64xf32, #tpu.memory_space<vmem>>
      %dma_wait3A_2357 = arith.constant 0 : i32
      %dma_wait3A_2358 = arith.constant 0 : i32
      %dma_wait3A_2359 = tpu.memref_slice %arg4[%dma_wait3A_2357, %dma_wait3A_2358] : memref<409600x128xf32, #tpu.memory_space<hbm>> -> memref<64x64xf32, #tpu.memory_space<hbm>>
      %dma_wait3A_2360 = arith.constant 0 : i32
      %dma_wait3A_2361 = arith.constant 0 : i32
      %dma_wait3A_2362 = tpu.memref_slice %arg4[%dma_wait3A_2360, %dma_wait3A_2361] : memref<409600x128xf32, #tpu.memory_space<hbm>> -> memref<64x64xf32, #tpu.memory_space<hbm>>
      %dma_wait3A_2363 = arith.constant 0 : i32
      %dma_wait3A_2364 = arith.constant 0 : i32
      %dma_wait3A_2365 = tpu.memref_slice %arg7[%dma_wait3A_2351, %dma_wait3A_2352, %dma_wait3A_2363, %dma_wait3A_2364] : memref<5x2x64x64xf32, #tpu.memory_space<vmem>> -> memref<1x1x64x64xf32, #tpu.memory_space<vmem>>
      %dma_wait3A_2366 = tpu.memref_squeeze %dma_wait3A_2365 : memref<1x1x64x64xf32, #tpu.memory_space<vmem>> -> memref<64x64xf32, #tpu.memory_space<vmem>>
      tpu.wait_dma2 semaphore(%arg11 : memref<!tpu.dma_semaphore, #tpu.memory_space<semaphore_mem>>) src(%dma_wait3A_2366 : memref<64x64xf32, #tpu.memory_space<vmem>>) dst(%dma_wait3A_2362 : memref<64x64xf32, #tpu.memory_space<hbm>>)
      %dma_wait3A_2367 = arith.constant 2 : i32
      %dma_wait3A_2368 = arith.constant 0 : i32
      %dma_wait3A_2369 = arith.constant 0 : i32
      %dma_wait3A_2370 = arith.constant 0 : i32
      %dma_wait3A_2371 = tpu.memref_slice %arg7[%dma_wait3A_2367, %dma_wait3A_2368, %dma_wait3A_2369, %dma_wait3A_2370] : memref<5x2x64x64xf32, #tpu.memory_space<vmem>> -> memref<1x1x64x64xf32, #tpu.memory_space<vmem>>
      %dma_wait3A_2372 = tpu.memref_squeeze %dma_wait3A_2371 : memref<1x1x64x64xf32, #tpu.memory_space<vmem>> -> memref<64x64xf32, #tpu.memory_space<vmem>>
      %dma_wait3A_2373 = arith.constant 0 : i32
      %dma_wait3A_2374 = arith.constant 0 : i32
      %dma_wait3A_2375 = tpu.memref_slice %arg4[%dma_wait3A_2373, %dma_wait3A_2374] : memref<409600x128xf32, #tpu.memory_space<hbm>> -> memref<64x64xf32, #tpu.memory_space<hbm>>
      %dma_wait3A_2376 = arith.constant 0 : i32
      %dma_wait3A_2377 = arith.constant 0 : i32
      %dma_wait3A_2378 = tpu.memref_slice %arg4[%dma_wait3A_2376, %dma_wait3A_2377] : memref<409600x128xf32, #tpu.memory_space<hbm>> -> memref<64x64xf32, #tpu.memory_space<hbm>>
      %dma_wait3A_2379 = arith.constant 0 : i32
      %dma_wait3A_2380 = arith.constant 0 : i32
      %dma_wait3A_2381 = tpu.memref_slice %arg7[%dma_wait3A_2367, %dma_wait3A_2368, %dma_wait3A_2379, %dma_wait3A_2380] : memref<5x2x64x64xf32, #tpu.memory_space<vmem>> -> memref<1x1x64x64xf32, #tpu.memory_space<vmem>>
      %dma_wait3A_2382 = tpu.memref_squeeze %dma_wait3A_2381 : memref<1x1x64x64xf32, #tpu.memory_space<vmem>> -> memref<64x64xf32, #tpu.memory_space<vmem>>
      tpu.wait_dma2 semaphore(%arg11 : memref<!tpu.dma_semaphore, #tpu.memory_space<semaphore_mem>>) src(%dma_wait3A_2382 : memref<64x64xf32, #tpu.memory_space<vmem>>) dst(%dma_wait3A_2378 : memref<64x64xf32, #tpu.memory_space<hbm>>)
      %dma_wait3A_2383 = arith.constant 2 : i32
      %dma_wait3A_2384 = arith.constant 1 : i32
      %dma_wait3A_2385 = arith.constant 0 : i32
      %dma_wait3A_2386 = arith.constant 0 : i32
      %dma_wait3A_2387 = tpu.memref_slice %arg7[%dma_wait3A_2383, %dma_wait3A_2384, %dma_wait3A_2385, %dma_wait3A_2386] : memref<5x2x64x64xf32, #tpu.memory_space<vmem>> -> memref<1x1x64x64xf32, #tpu.memory_space<vmem>>
      %dma_wait3A_2388 = tpu.memref_squeeze %dma_wait3A_2387 : memref<1x1x64x64xf32, #tpu.memory_space<vmem>> -> memref<64x64xf32, #tpu.memory_space<vmem>>
      %dma_wait3A_2389 = arith.constant 0 : i32
      %dma_wait3A_2390 = arith.constant 0 : i32
      %dma_wait3A_2391 = tpu.memref_slice %arg4[%dma_wait3A_2389, %dma_wait3A_2390] : memref<409600x128xf32, #tpu.memory_space<hbm>> -> memref<64x64xf32, #tpu.memory_space<hbm>>
      %dma_wait3A_2392 = arith.constant 0 : i32
      %dma_wait3A_2393 = arith.constant 0 : i32
      %dma_wait3A_2394 = tpu.memref_slice %arg4[%dma_wait3A_2392, %dma_wait3A_2393] : memref<409600x128xf32, #tpu.memory_space<hbm>> -> memref<64x64xf32, #tpu.memory_space<hbm>>
      %dma_wait3A_2395 = arith.constant 0 : i32
      %dma_wait3A_2396 = arith.constant 0 : i32
      %dma_wait3A_2397 = tpu.memref_slice %arg7[%dma_wait3A_2383, %dma_wait3A_2384, %dma_wait3A_2395, %dma_wait3A_2396] : memref<5x2x64x64xf32, #tpu.memory_space<vmem>> -> memref<1x1x64x64xf32, #tpu.memory_space<vmem>>
      %dma_wait3A_2398 = tpu.memref_squeeze %dma_wait3A_2397 : memref<1x1x64x64xf32, #tpu.memory_space<vmem>> -> memref<64x64xf32, #tpu.memory_space<vmem>>
      tpu.wait_dma2 semaphore(%arg11 : memref<!tpu.dma_semaphore, #tpu.memory_space<semaphore_mem>>) src(%dma_wait3A_2398 : memref<64x64xf32, #tpu.memory_space<vmem>>) dst(%dma_wait3A_2394 : memref<64x64xf32, #tpu.memory_space<hbm>>)
      %dma_wait3A_2399 = arith.constant 3 : i32
      %dma_wait3A_2400 = arith.constant 0 : i32
      %dma_wait3A_2401 = arith.constant 0 : i32
      %dma_wait3A_2402 = arith.constant 0 : i32
      %dma_wait3A_2403 = tpu.memref_slice %arg7[%dma_wait3A_2399, %dma_wait3A_2400, %dma_wait3A_2401, %dma_wait3A_2402] : memref<5x2x64x64xf32, #tpu.memory_space<vmem>> -> memref<1x1x64x64xf32, #tpu.memory_space<vmem>>
      %dma_wait3A_2404 = tpu.memref_squeeze %dma_wait3A_2403 : memref<1x1x64x64xf32, #tpu.memory_space<vmem>> -> memref<64x64xf32, #tpu.memory_space<vmem>>
      %dma_wait3A_2405 = arith.constant 0 : i32
      %dma_wait3A_2406 = arith.constant 0 : i32
      %dma_wait3A_2407 = tpu.memref_slice %arg4[%dma_wait3A_2405, %dma_wait3A_2406] : memref<409600x128xf32, #tpu.memory_space<hbm>> -> memref<64x64xf32, #tpu.memory_space<hbm>>
      %dma_wait3A_2408 = arith.constant 0 : i32
      %dma_wait3A_2409 = arith.constant 0 : i32
      %dma_wait3A_2410 = tpu.memref_slice %arg4[%dma_wait3A_2408, %dma_wait3A_2409] : memref<409600x128xf32, #tpu.memory_space<hbm>> -> memref<64x64xf32, #tpu.memory_space<hbm>>
      %dma_wait3A_2411 = arith.constant 0 : i32
      %dma_wait3A_2412 = arith.constant 0 : i32
      %dma_wait3A_2413 = tpu.memref_slice %arg7[%dma_wait3A_2399, %dma_wait3A_2400, %dma_wait3A_2411, %dma_wait3A_2412] : memref<5x2x64x64xf32, #tpu.memory_space<vmem>> -> memref<1x1x64x64xf32, #tpu.memory_space<vmem>>
      %dma_wait3A_2414 = tpu.memref_squeeze %dma_wait3A_2413 : memref<1x1x64x64xf32, #tpu.memory_space<vmem>> -> memref<64x64xf32, #tpu.memory_space<vmem>>
      tpu.wait_dma2 semaphore(%arg11 : memref<!tpu.dma_semaphore, #tpu.memory_space<semaphore_mem>>) src(%dma_wait3A_2414 : memref<64x64xf32, #tpu.memory_space<vmem>>) dst(%dma_wait3A_2410 : memref<64x64xf32, #tpu.memory_space<hbm>>)
      %dma_wait3A_2415 = arith.constant 3 : i32
      %dma_wait3A_2416 = arith.constant 1 : i32
      %dma_wait3A_2417 = arith.constant 0 : i32
      %dma_wait3A_2418 = arith.constant 0 : i32
      %dma_wait3A_2419 = tpu.memref_slice %arg7[%dma_wait3A_2415, %dma_wait3A_2416, %dma_wait3A_2417, %dma_wait3A_2418] : memref<5x2x64x64xf32, #tpu.memory_space<vmem>> -> memref<1x1x64x64xf32, #tpu.memory_space<vmem>>
      %dma_wait3A_2420 = tpu.memref_squeeze %dma_wait3A_2419 : memref<1x1x64x64xf32, #tpu.memory_space<vmem>> -> memref<64x64xf32, #tpu.memory_space<vmem>>
      %dma_wait3A_2421 = arith.constant 0 : i32
      %dma_wait3A_2422 = arith.constant 0 : i32
      %dma_wait3A_2423 = tpu.memref_slice %arg4[%dma_wait3A_2421, %dma_wait3A_2422] : memref<409600x128xf32, #tpu.memory_space<hbm>> -> memref<64x64xf32, #tpu.memory_space<hbm>>
      %dma_wait3A_2424 = arith.constant 0 : i32
      %dma_wait3A_2425 = arith.constant 0 : i32
      %dma_wait3A_2426 = tpu.memref_slice %arg4[%dma_wait3A_2424, %dma_wait3A_2425] : memref<409600x128xf32, #tpu.memory_space<hbm>> -> memref<64x64xf32, #tpu.memory_space<hbm>>
      %dma_wait3A_2427 = arith.constant 0 : i32
      %dma_wait3A_2428 = arith.constant 0 : i32
      %dma_wait3A_2429 = tpu.memref_slice %arg7[%dma_wait3A_2415, %dma_wait3A_2416, %dma_wait3A_2427, %dma_wait3A_2428] : memref<5x2x64x64xf32, #tpu.memory_space<vmem>> -> memref<1x1x64x64xf32, #tpu.memory_space<vmem>>
      %dma_wait3A_2430 = tpu.memref_squeeze %dma_wait3A_2429 : memref<1x1x64x64xf32, #tpu.memory_space<vmem>> -> memref<64x64xf32, #tpu.memory_space<vmem>>
      tpu.wait_dma2 semaphore(%arg11 : memref<!tpu.dma_semaphore, #tpu.memory_space<semaphore_mem>>) src(%dma_wait3A_2430 : memref<64x64xf32, #tpu.memory_space<vmem>>) dst(%dma_wait3A_2426 : memref<64x64xf32, #tpu.memory_space<hbm>>)
      %dma_wait3A_2431 = arith.constant 4 : i32
      %dma_wait3A_2432 = arith.constant 0 : i32
      %dma_wait3A_2433 = arith.constant 0 : i32
      %dma_wait3A_2434 = arith.constant 0 : i32
      %dma_wait3A_2435 = tpu.memref_slice %arg7[%dma_wait3A_2431, %dma_wait3A_2432, %dma_wait3A_2433, %dma_wait3A_2434] : memref<5x2x64x64xf32, #tpu.memory_space<vmem>> -> memref<1x1x64x64xf32, #tpu.memory_space<vmem>>
      %dma_wait3A_2436 = tpu.memref_squeeze %dma_wait3A_2435 : memref<1x1x64x64xf32, #tpu.memory_space<vmem>> -> memref<64x64xf32, #tpu.memory_space<vmem>>
      %dma_wait3A_2437 = arith.constant 0 : i32
      %dma_wait3A_2438 = arith.constant 0 : i32
      %dma_wait3A_2439 = tpu.memref_slice %arg4[%dma_wait3A_2437, %dma_wait3A_2438] : memref<409600x128xf32, #tpu.memory_space<hbm>> -> memref<64x64xf32, #tpu.memory_space<hbm>>
      %dma_wait3A_2440 = arith.constant 0 : i32
      %dma_wait3A_2441 = arith.constant 0 : i32
      %dma_wait3A_2442 = tpu.memref_slice %arg4[%dma_wait3A_2440, %dma_wait3A_2441] : memref<409600x128xf32, #tpu.memory_space<hbm>> -> memref<64x64xf32, #tpu.memory_space<hbm>>
      %dma_wait3A_2443 = arith.constant 0 : i32
      %dma_wait3A_2444 = arith.constant 0 : i32
      %dma_wait3A_2445 = tpu.memref_slice %arg7[%dma_wait3A_2431, %dma_wait3A_2432, %dma_wait3A_2443, %dma_wait3A_2444] : memref<5x2x64x64xf32, #tpu.memory_space<vmem>> -> memref<1x1x64x64xf32, #tpu.memory_space<vmem>>
      %dma_wait3A_2446 = tpu.memref_squeeze %dma_wait3A_2445 : memref<1x1x64x64xf32, #tpu.memory_space<vmem>> -> memref<64x64xf32, #tpu.memory_space<vmem>>
      tpu.wait_dma2 semaphore(%arg11 : memref<!tpu.dma_semaphore, #tpu.memory_space<semaphore_mem>>) src(%dma_wait3A_2446 : memref<64x64xf32, #tpu.memory_space<vmem>>) dst(%dma_wait3A_2442 : memref<64x64xf32, #tpu.memory_space<hbm>>)
      %dma_wait3A_2447 = arith.constant 4 : i32
      %dma_wait3A_2448 = arith.constant 1 : i32
      %dma_wait3A_2449 = arith.constant 0 : i32
      %dma_wait3A_2450 = arith.constant 0 : i32
      %dma_wait3A_2451 = tpu.memref_slice %arg7[%dma_wait3A_2447, %dma_wait3A_2448, %dma_wait3A_2449, %dma_wait3A_2450] : memref<5x2x64x64xf32, #tpu.memory_space<vmem>> -> memref<1x1x64x64xf32, #tpu.memory_space<vmem>>
      %dma_wait3A_2452 = tpu.memref_squeeze %dma_wait3A_2451 : memref<1x1x64x64xf32, #tpu.memory_space<vmem>> -> memref<64x64xf32, #tpu.memory_space<vmem>>
      %dma_wait3A_2453 = arith.constant 0 : i32
      %dma_wait3A_2454 = arith.constant 0 : i32
      %dma_wait3A_2455 = tpu.memref_slice %arg4[%dma_wait3A_2453, %dma_wait3A_2454] : memref<409600x128xf32, #tpu.memory_space<hbm>> -> memref<64x64xf32, #tpu.memory_space<hbm>>
      %dma_wait3A_2456 = arith.constant 0 : i32
      %dma_wait3A_2457 = arith.constant 0 : i32
      %dma_wait3A_2458 = tpu.memref_slice %arg4[%dma_wait3A_2456, %dma_wait3A_2457] : memref<409600x128xf32, #tpu.memory_space<hbm>> -> memref<64x64xf32, #tpu.memory_space<hbm>>
      %dma_wait3A_2459 = arith.constant 0 : i32
      %dma_wait3A_2460 = arith.constant 0 : i32
      %dma_wait3A_2461 = tpu.memref_slice %arg7[%dma_wait3A_2447, %dma_wait3A_2448, %dma_wait3A_2459, %dma_wait3A_2460] : memref<5x2x64x64xf32, #tpu.memory_space<vmem>> -> memref<1x1x64x64xf32, #tpu.memory_space<vmem>>
      %dma_wait3A_2462 = tpu.memref_squeeze %dma_wait3A_2461 : memref<1x1x64x64xf32, #tpu.memory_space<vmem>> -> memref<64x64xf32, #tpu.memory_space<vmem>>
      tpu.wait_dma2 semaphore(%arg11 : memref<!tpu.dma_semaphore, #tpu.memory_space<semaphore_mem>>) src(%dma_wait3A_2462 : memref<64x64xf32, #tpu.memory_space<vmem>>) dst(%dma_wait3A_2458 : memref<64x64xf32, #tpu.memory_space<hbm>>)
      %add3A_2463 = arith.constant 2 : i32
      %add3A_2464 = arith.addi %add3A_1290, %add3A_2463 : i32
      %mul3A_2465 = arith.constant 5 : i32
      %mul3A_2466 = arith.muli %add3A_2464, %mul3A_2465 : i32
      %add3A_2467 = arith.constant 0 : i32
      %add3A_2468 = arith.addi %mul3A_2466, %add3A_2467 : i32
      %dma_start3A_2469 = arith.constant 0 : i32
      %dma_start3A_2470 = arith.constant 0 : i32
      %dma_start3A_2471 = arith.constant 0 : i32
      %dma_start3A_2472 = arith.constant 0 : i32
      %dma_start3A_2473 = arith.constant 0 : i32
      %dma_start3A_2474 = tpu.memref_slice %arg7[%dma_start3A_2470, %dma_start3A_2471, %dma_start3A_2472, %dma_start3A_2473] : memref<5x2x64x64xf32, #tpu.memory_space<vmem>> -> memref<1x1x64x64xf32, #tpu.memory_space<vmem>>
      %dma_start3A_2475 = tpu.memref_squeeze %dma_start3A_2474 : memref<1x1x64x64xf32, #tpu.memory_space<vmem>> -> memref<64x64xf32, #tpu.memory_space<vmem>>
      %dma_start3A_2476 = arith.constant 0 : i32
      %dma_start3A_2477 = tpu.memref_slice %arg5[%add3A_2468, %dma_start3A_2469, %dma_start3A_2476] : memref<200x2x64xi32, #tpu.memory_space<vmem>> -> memref<1x1x64xi32, #tpu.memory_space<vmem>>
      %dma_start3A_2478 = tpu.memref_squeeze %dma_start3A_2477 : memref<1x1x64xi32, #tpu.memory_space<vmem>> -> memref<64xi32, #tpu.memory_space<vmem>>
      %dma_start3A_2479 = arith.constant 0 : i32
      %dma_start3A_2480 = arith.constant 0 : i32
      %dma_start3A_2481 = tpu.memref_slice %arg3[%dma_start3A_2479, %dma_start3A_2480] : memref<1000000x64xf32, #tpu.memory_space<hbm>> -> memref<1000000x64xf32, #tpu.memory_space<hbm>>
      tpu.enqueue_indirect_dma source(%dma_start3A_2481 : memref<1000000x64xf32, #tpu.memory_space<hbm>>) target(%dma_start3A_2475 : memref<64x64xf32, #tpu.memory_space<vmem>>) offsets(%dma_start3A_2478 : memref<64xi32, #tpu.memory_space<vmem>>) semaphore(%arg9 : memref<!tpu.dma_semaphore, #tpu.memory_space<semaphore_mem>>)
      %dma_start3A_2482 = arith.constant 1 : i32
      %dma_start3A_2483 = arith.constant 0 : i32
      %dma_start3A_2484 = arith.constant 1 : i32
      %dma_start3A_2485 = arith.constant 0 : i32
      %dma_start3A_2486 = arith.constant 0 : i32
      %dma_start3A_2487 = tpu.memref_slice %arg7[%dma_start3A_2483, %dma_start3A_2484, %dma_start3A_2485, %dma_start3A_2486] : memref<5x2x64x64xf32, #tpu.memory_space<vmem>> -> memref<1x1x64x64xf32, #tpu.memory_space<vmem>>
      %dma_start3A_2488 = tpu.memref_squeeze %dma_start3A_2487 : memref<1x1x64x64xf32, #tpu.memory_space<vmem>> -> memref<64x64xf32, #tpu.memory_space<vmem>>
      %dma_start3A_2489 = arith.constant 0 : i32
      %dma_start3A_2490 = tpu.memref_slice %arg5[%add3A_2468, %dma_start3A_2482, %dma_start3A_2489] : memref<200x2x64xi32, #tpu.memory_space<vmem>> -> memref<1x1x64xi32, #tpu.memory_space<vmem>>
      %dma_start3A_2491 = tpu.memref_squeeze %dma_start3A_2490 : memref<1x1x64xi32, #tpu.memory_space<vmem>> -> memref<64xi32, #tpu.memory_space<vmem>>
      %dma_start3A_2492 = arith.constant 0 : i32
      %dma_start3A_2493 = arith.constant 0 : i32
      %dma_start3A_2494 = tpu.memref_slice %arg3[%dma_start3A_2492, %dma_start3A_2493] : memref<1000000x64xf32, #tpu.memory_space<hbm>> -> memref<1000000x64xf32, #tpu.memory_space<hbm>>
      tpu.enqueue_indirect_dma source(%dma_start3A_2494 : memref<1000000x64xf32, #tpu.memory_space<hbm>>) target(%dma_start3A_2488 : memref<64x64xf32, #tpu.memory_space<vmem>>) offsets(%dma_start3A_2491 : memref<64xi32, #tpu.memory_space<vmem>>) semaphore(%arg9 : memref<!tpu.dma_semaphore, #tpu.memory_space<semaphore_mem>>)
      %mul3A_2495 = arith.constant 5 : i32
      %mul3A_2496 = arith.muli %add3A_2464, %mul3A_2495 : i32
      %add3A_2497 = arith.constant 1 : i32
      %add3A_2498 = arith.addi %mul3A_2496, %add3A_2497 : i32
      %dma_start3A_2499 = arith.constant 0 : i32
      %dma_start3A_2500 = arith.constant 1 : i32
      %dma_start3A_2501 = arith.constant 0 : i32
      %dma_start3A_2502 = arith.constant 0 : i32
      %dma_start3A_2503 = arith.constant 0 : i32
      %dma_start3A_2504 = tpu.memref_slice %arg7[%dma_start3A_2500, %dma_start3A_2501, %dma_start3A_2502, %dma_start3A_2503] : memref<5x2x64x64xf32, #tpu.memory_space<vmem>> -> memref<1x1x64x64xf32, #tpu.memory_space<vmem>>
      %dma_start3A_2505 = tpu.memref_squeeze %dma_start3A_2504 : memref<1x1x64x64xf32, #tpu.memory_space<vmem>> -> memref<64x64xf32, #tpu.memory_space<vmem>>
      %dma_start3A_2506 = arith.constant 0 : i32
      %dma_start3A_2507 = tpu.memref_slice %arg5[%add3A_2498, %dma_start3A_2499, %dma_start3A_2506] : memref<200x2x64xi32, #tpu.memory_space<vmem>> -> memref<1x1x64xi32, #tpu.memory_space<vmem>>
      %dma_start3A_2508 = tpu.memref_squeeze %dma_start3A_2507 : memref<1x1x64xi32, #tpu.memory_space<vmem>> -> memref<64xi32, #tpu.memory_space<vmem>>
      %dma_start3A_2509 = arith.constant 0 : i32
      %dma_start3A_2510 = arith.constant 0 : i32
      %dma_start3A_2511 = tpu.memref_slice %arg3[%dma_start3A_2509, %dma_start3A_2510] : memref<1000000x64xf32, #tpu.memory_space<hbm>> -> memref<1000000x64xf32, #tpu.memory_space<hbm>>
      tpu.enqueue_indirect_dma source(%dma_start3A_2511 : memref<1000000x64xf32, #tpu.memory_space<hbm>>) target(%dma_start3A_2505 : memref<64x64xf32, #tpu.memory_space<vmem>>) offsets(%dma_start3A_2508 : memref<64xi32, #tpu.memory_space<vmem>>) semaphore(%arg9 : memref<!tpu.dma_semaphore, #tpu.memory_space<semaphore_mem>>)
      %dma_start3A_2512 = arith.constant 1 : i32
      %dma_start3A_2513 = arith.constant 1 : i32
      %dma_start3A_2514 = arith.constant 1 : i32
      %dma_start3A_2515 = arith.constant 0 : i32
      %dma_start3A_2516 = arith.constant 0 : i32
      %dma_start3A_2517 = tpu.memref_slice %arg7[%dma_start3A_2513, %dma_start3A_2514, %dma_start3A_2515, %dma_start3A_2516] : memref<5x2x64x64xf32, #tpu.memory_space<vmem>> -> memref<1x1x64x64xf32, #tpu.memory_space<vmem>>
      %dma_start3A_2518 = tpu.memref_squeeze %dma_start3A_2517 : memref<1x1x64x64xf32, #tpu.memory_space<vmem>> -> memref<64x64xf32, #tpu.memory_space<vmem>>
      %dma_start3A_2519 = arith.constant 0 : i32
      %dma_start3A_2520 = tpu.memref_slice %arg5[%add3A_2498, %dma_start3A_2512, %dma_start3A_2519] : memref<200x2x64xi32, #tpu.memory_space<vmem>> -> memref<1x1x64xi32, #tpu.memory_space<vmem>>
      %dma_start3A_2521 = tpu.memref_squeeze %dma_start3A_2520 : memref<1x1x64xi32, #tpu.memory_space<vmem>> -> memref<64xi32, #tpu.memory_space<vmem>>
      %dma_start3A_2522 = arith.constant 0 : i32
      %dma_start3A_2523 = arith.constant 0 : i32
      %dma_start3A_2524 = tpu.memref_slice %arg3[%dma_start3A_2522, %dma_start3A_2523] : memref<1000000x64xf32, #tpu.memory_space<hbm>> -> memref<1000000x64xf32, #tpu.memory_space<hbm>>
      tpu.enqueue_indirect_dma source(%dma_start3A_2524 : memref<1000000x64xf32, #tpu.memory_space<hbm>>) target(%dma_start3A_2518 : memref<64x64xf32, #tpu.memory_space<vmem>>) offsets(%dma_start3A_2521 : memref<64xi32, #tpu.memory_space<vmem>>) semaphore(%arg9 : memref<!tpu.dma_semaphore, #tpu.memory_space<semaphore_mem>>)
      %mul3A_2525 = arith.constant 5 : i32
      %mul3A_2526 = arith.muli %add3A_2464, %mul3A_2525 : i32
      %add3A_2527 = arith.constant 2 : i32
      %add3A_2528 = arith.addi %mul3A_2526, %add3A_2527 : i32
      %dma_start3A_2529 = arith.constant 0 : i32
      %dma_start3A_2530 = arith.constant 2 : i32
      %dma_start3A_2531 = arith.constant 0 : i32
      %dma_start3A_2532 = arith.constant 0 : i32
      %dma_start3A_2533 = arith.constant 0 : i32
      %dma_start3A_2534 = tpu.memref_slice %arg7[%dma_start3A_2530, %dma_start3A_2531, %dma_start3A_2532, %dma_start3A_2533] : memref<5x2x64x64xf32, #tpu.memory_space<vmem>> -> memref<1x1x64x64xf32, #tpu.memory_space<vmem>>
      %dma_start3A_2535 = tpu.memref_squeeze %dma_start3A_2534 : memref<1x1x64x64xf32, #tpu.memory_space<vmem>> -> memref<64x64xf32, #tpu.memory_space<vmem>>
      %dma_start3A_2536 = arith.constant 0 : i32
      %dma_start3A_2537 = tpu.memref_slice %arg5[%add3A_2528, %dma_start3A_2529, %dma_start3A_2536] : memref<200x2x64xi32, #tpu.memory_space<vmem>> -> memref<1x1x64xi32, #tpu.memory_space<vmem>>
      %dma_start3A_2538 = tpu.memref_squeeze %dma_start3A_2537 : memref<1x1x64xi32, #tpu.memory_space<vmem>> -> memref<64xi32, #tpu.memory_space<vmem>>
      %dma_start3A_2539 = arith.constant 0 : i32
      %dma_start3A_2540 = arith.constant 0 : i32
      %dma_start3A_2541 = tpu.memref_slice %arg3[%dma_start3A_2539, %dma_start3A_2540] : memref<1000000x64xf32, #tpu.memory_space<hbm>> -> memref<1000000x64xf32, #tpu.memory_space<hbm>>
      tpu.enqueue_indirect_dma source(%dma_start3A_2541 : memref<1000000x64xf32, #tpu.memory_space<hbm>>) target(%dma_start3A_2535 : memref<64x64xf32, #tpu.memory_space<vmem>>) offsets(%dma_start3A_2538 : memref<64xi32, #tpu.memory_space<vmem>>) semaphore(%arg9 : memref<!tpu.dma_semaphore, #tpu.memory_space<semaphore_mem>>)
      %dma_start3A_2542 = arith.constant 1 : i32
      %dma_start3A_2543 = arith.constant 2 : i32
      %dma_start3A_2544 = arith.constant 1 : i32
      %dma_start3A_2545 = arith.constant 0 : i32
      %dma_start3A_2546 = arith.constant 0 : i32
      %dma_start3A_2547 = tpu.memref_slice %arg7[%dma_start3A_2543, %dma_start3A_2544, %dma_start3A_2545, %dma_start3A_2546] : memref<5x2x64x64xf32, #tpu.memory_space<vmem>> -> memref<1x1x64x64xf32, #tpu.memory_space<vmem>>
      %dma_start3A_2548 = tpu.memref_squeeze %dma_start3A_2547 : memref<1x1x64x64xf32, #tpu.memory_space<vmem>> -> memref<64x64xf32, #tpu.memory_space<vmem>>
      %dma_start3A_2549 = arith.constant 0 : i32
      %dma_start3A_2550 = tpu.memref_slice %arg5[%add3A_2528, %dma_start3A_2542, %dma_start3A_2549] : memref<200x2x64xi32, #tpu.memory_space<vmem>> -> memref<1x1x64xi32, #tpu.memory_space<vmem>>
      %dma_start3A_2551 = tpu.memref_squeeze %dma_start3A_2550 : memref<1x1x64xi32, #tpu.memory_space<vmem>> -> memref<64xi32, #tpu.memory_space<vmem>>
      %dma_start3A_2552 = arith.constant 0 : i32
      %dma_start3A_2553 = arith.constant 0 : i32
      %dma_start3A_2554 = tpu.memref_slice %arg3[%dma_start3A_2552, %dma_start3A_2553] : memref<1000000x64xf32, #tpu.memory_space<hbm>> -> memref<1000000x64xf32, #tpu.memory_space<hbm>>
      tpu.enqueue_indirect_dma source(%dma_start3A_2554 : memref<1000000x64xf32, #tpu.memory_space<hbm>>) target(%dma_start3A_2548 : memref<64x64xf32, #tpu.memory_space<vmem>>) offsets(%dma_start3A_2551 : memref<64xi32, #tpu.memory_space<vmem>>) semaphore(%arg9 : memref<!tpu.dma_semaphore, #tpu.memory_space<semaphore_mem>>)
      %mul3A_2555 = arith.constant 5 : i32
      %mul3A_2556 = arith.muli %add3A_2464, %mul3A_2555 : i32
      %add3A_2557 = arith.constant 3 : i32
      %add3A_2558 = arith.addi %mul3A_2556, %add3A_2557 : i32
      %dma_start3A_2559 = arith.constant 0 : i32
      %dma_start3A_2560 = arith.constant 3 : i32
      %dma_start3A_2561 = arith.constant 0 : i32
      %dma_start3A_2562 = arith.constant 0 : i32
      %dma_start3A_2563 = arith.constant 0 : i32
      %dma_start3A_2564 = tpu.memref_slice %arg7[%dma_start3A_2560, %dma_start3A_2561, %dma_start3A_2562, %dma_start3A_2563] : memref<5x2x64x64xf32, #tpu.memory_space<vmem>> -> memref<1x1x64x64xf32, #tpu.memory_space<vmem>>
      %dma_start3A_2565 = tpu.memref_squeeze %dma_start3A_2564 : memref<1x1x64x64xf32, #tpu.memory_space<vmem>> -> memref<64x64xf32, #tpu.memory_space<vmem>>
      %dma_start3A_2566 = arith.constant 0 : i32
      %dma_start3A_2567 = tpu.memref_slice %arg5[%add3A_2558, %dma_start3A_2559, %dma_start3A_2566] : memref<200x2x64xi32, #tpu.memory_space<vmem>> -> memref<1x1x64xi32, #tpu.memory_space<vmem>>
      %dma_start3A_2568 = tpu.memref_squeeze %dma_start3A_2567 : memref<1x1x64xi32, #tpu.memory_space<vmem>> -> memref<64xi32, #tpu.memory_space<vmem>>
      %dma_start3A_2569 = arith.constant 0 : i32
      %dma_start3A_2570 = arith.constant 0 : i32
      %dma_start3A_2571 = tpu.memref_slice %arg3[%dma_start3A_2569, %dma_start3A_2570] : memref<1000000x64xf32, #tpu.memory_space<hbm>> -> memref<1000000x64xf32, #tpu.memory_space<hbm>>
      tpu.enqueue_indirect_dma source(%dma_start3A_2571 : memref<1000000x64xf32, #tpu.memory_space<hbm>>) target(%dma_start3A_2565 : memref<64x64xf32, #tpu.memory_space<vmem>>) offsets(%dma_start3A_2568 : memref<64xi32, #tpu.memory_space<vmem>>) semaphore(%arg9 : memref<!tpu.dma_semaphore, #tpu.memory_space<semaphore_mem>>)
      %dma_start3A_2572 = arith.constant 1 : i32
      %dma_start3A_2573 = arith.constant 3 : i32
      %dma_start3A_2574 = arith.constant 1 : i32
      %dma_start3A_2575 = arith.constant 0 : i32
      %dma_start3A_2576 = arith.constant 0 : i32
      %dma_start3A_2577 = tpu.memref_slice %arg7[%dma_start3A_2573, %dma_start3A_2574, %dma_start3A_2575, %dma_start3A_2576] : memref<5x2x64x64xf32, #tpu.memory_space<vmem>> -> memref<1x1x64x64xf32, #tpu.memory_space<vmem>>
      %dma_start3A_2578 = tpu.memref_squeeze %dma_start3A_2577 : memref<1x1x64x64xf32, #tpu.memory_space<vmem>> -> memref<64x64xf32, #tpu.memory_space<vmem>>
      %dma_start3A_2579 = arith.constant 0 : i32
      %dma_start3A_2580 = tpu.memref_slice %arg5[%add3A_2558, %dma_start3A_2572, %dma_start3A_2579] : memref<200x2x64xi32, #tpu.memory_space<vmem>> -> memref<1x1x64xi32, #tpu.memory_space<vmem>>
      %dma_start3A_2581 = tpu.memref_squeeze %dma_start3A_2580 : memref<1x1x64xi32, #tpu.memory_space<vmem>> -> memref<64xi32, #tpu.memory_space<vmem>>
      %dma_start3A_2582 = arith.constant 0 : i32
      %dma_start3A_2583 = arith.constant 0 : i32
      %dma_start3A_2584 = tpu.memref_slice %arg3[%dma_start3A_2582, %dma_start3A_2583] : memref<1000000x64xf32, #tpu.memory_space<hbm>> -> memref<1000000x64xf32, #tpu.memory_space<hbm>>
      tpu.enqueue_indirect_dma source(%dma_start3A_2584 : memref<1000000x64xf32, #tpu.memory_space<hbm>>) target(%dma_start3A_2578 : memref<64x64xf32, #tpu.memory_space<vmem>>) offsets(%dma_start3A_2581 : memref<64xi32, #tpu.memory_space<vmem>>) semaphore(%arg9 : memref<!tpu.dma_semaphore, #tpu.memory_space<semaphore_mem>>)
      %mul3A_2585 = arith.constant 5 : i32
      %mul3A_2586 = arith.muli %add3A_2464, %mul3A_2585 : i32
      %add3A_2587 = arith.constant 4 : i32
      %add3A_2588 = arith.addi %mul3A_2586, %add3A_2587 : i32
      %dma_start3A_2589 = arith.constant 0 : i32
      %dma_start3A_2590 = arith.constant 4 : i32
      %dma_start3A_2591 = arith.constant 0 : i32
      %dma_start3A_2592 = arith.constant 0 : i32
      %dma_start3A_2593 = arith.constant 0 : i32
      %dma_start3A_2594 = tpu.memref_slice %arg7[%dma_start3A_2590, %dma_start3A_2591, %dma_start3A_2592, %dma_start3A_2593] : memref<5x2x64x64xf32, #tpu.memory_space<vmem>> -> memref<1x1x64x64xf32, #tpu.memory_space<vmem>>
      %dma_start3A_2595 = tpu.memref_squeeze %dma_start3A_2594 : memref<1x1x64x64xf32, #tpu.memory_space<vmem>> -> memref<64x64xf32, #tpu.memory_space<vmem>>
      %dma_start3A_2596 = arith.constant 0 : i32
      %dma_start3A_2597 = tpu.memref_slice %arg5[%add3A_2588, %dma_start3A_2589, %dma_start3A_2596] : memref<200x2x64xi32, #tpu.memory_space<vmem>> -> memref<1x1x64xi32, #tpu.memory_space<vmem>>
      %dma_start3A_2598 = tpu.memref_squeeze %dma_start3A_2597 : memref<1x1x64xi32, #tpu.memory_space<vmem>> -> memref<64xi32, #tpu.memory_space<vmem>>
      %dma_start3A_2599 = arith.constant 0 : i32
      %dma_start3A_2600 = arith.constant 0 : i32
      %dma_start3A_2601 = tpu.memref_slice %arg3[%dma_start3A_2599, %dma_start3A_2600] : memref<1000000x64xf32, #tpu.memory_space<hbm>> -> memref<1000000x64xf32, #tpu.memory_space<hbm>>
      tpu.enqueue_indirect_dma source(%dma_start3A_2601 : memref<1000000x64xf32, #tpu.memory_space<hbm>>) target(%dma_start3A_2595 : memref<64x64xf32, #tpu.memory_space<vmem>>) offsets(%dma_start3A_2598 : memref<64xi32, #tpu.memory_space<vmem>>) semaphore(%arg9 : memref<!tpu.dma_semaphore, #tpu.memory_space<semaphore_mem>>)
      %dma_start3A_2602 = arith.constant 1 : i32
      %dma_start3A_2603 = arith.constant 4 : i32
      %dma_start3A_2604 = arith.constant 1 : i32
      %dma_start3A_2605 = arith.constant 0 : i32
      %dma_start3A_2606 = arith.constant 0 : i32
      %dma_start3A_2607 = tpu.memref_slice %arg7[%dma_start3A_2603, %dma_start3A_2604, %dma_start3A_2605, %dma_start3A_2606] : memref<5x2x64x64xf32, #tpu.memory_space<vmem>> -> memref<1x1x64x64xf32, #tpu.memory_space<vmem>>
      %dma_start3A_2608 = tpu.memref_squeeze %dma_start3A_2607 : memref<1x1x64x64xf32, #tpu.memory_space<vmem>> -> memref<64x64xf32, #tpu.memory_space<vmem>>
      %dma_start3A_2609 = arith.constant 0 : i32
      %dma_start3A_2610 = tpu.memref_slice %arg5[%add3A_2588, %dma_start3A_2602, %dma_start3A_2609] : memref<200x2x64xi32, #tpu.memory_space<vmem>> -> memref<1x1x64xi32, #tpu.memory_space<vmem>>
      %dma_start3A_2611 = tpu.memref_squeeze %dma_start3A_2610 : memref<1x1x64xi32, #tpu.memory_space<vmem>> -> memref<64xi32, #tpu.memory_space<vmem>>
      %dma_start3A_2612 = arith.constant 0 : i32
      %dma_start3A_2613 = arith.constant 0 : i32
      %dma_start3A_2614 = tpu.memref_slice %arg3[%dma_start3A_2612, %dma_start3A_2613] : memref<1000000x64xf32, #tpu.memory_space<hbm>> -> memref<1000000x64xf32, #tpu.memory_space<hbm>>
      tpu.enqueue_indirect_dma source(%dma_start3A_2614 : memref<1000000x64xf32, #tpu.memory_space<hbm>>) target(%dma_start3A_2608 : memref<64x64xf32, #tpu.memory_space<vmem>>) offsets(%dma_start3A_2611 : memref<64xi32, #tpu.memory_space<vmem>>) semaphore(%arg9 : memref<!tpu.dma_semaphore, #tpu.memory_space<semaphore_mem>>)
    }
    %scan3A_286 = arith.constant 19 : i32
    %dma_wait3A = arith.constant 0 : i32
    %dma_wait3A_287 = arith.constant 0 : i32
    %dma_wait3A_288 = arith.constant 0 : i32
    %dma_wait3A_289 = arith.constant 0 : i32
    %dma_wait3A_290 = tpu.memref_slice %arg6[%dma_wait3A, %dma_wait3A_287, %dma_wait3A_288, %dma_wait3A_289] : memref<5x2x64x64xf32, #tpu.memory_space<vmem>> -> memref<1x1x64x64xf32, #tpu.memory_space<vmem>>
    %dma_wait3A_291 = tpu.memref_squeeze %dma_wait3A_290 : memref<1x1x64x64xf32, #tpu.memory_space<vmem>> -> memref<64x64xf32, #tpu.memory_space<vmem>>
    %dma_wait3A_292 = arith.constant 0 : i32
    %dma_wait3A_293 = arith.constant 0 : i32
    %dma_wait3A_294 = tpu.memref_slice %arg3[%dma_wait3A_292, %dma_wait3A_293] : memref<1000000x64xf32, #tpu.memory_space<hbm>> -> memref<64x64xf32, #tpu.memory_space<hbm>>
    %dma_wait3A_295 = arith.constant 0 : i32
    %dma_wait3A_296 = arith.constant 0 : i32
    %dma_wait3A_297 = tpu.memref_slice %arg6[%dma_wait3A, %dma_wait3A_287, %dma_wait3A_295, %dma_wait3A_296] : memref<5x2x64x64xf32, #tpu.memory_space<vmem>> -> memref<1x1x64x64xf32, #tpu.memory_space<vmem>>
    %dma_wait3A_298 = tpu.memref_squeeze %dma_wait3A_297 : memref<1x1x64x64xf32, #tpu.memory_space<vmem>> -> memref<64x64xf32, #tpu.memory_space<vmem>>
    %dma_wait3A_299 = arith.constant 0 : i32
    %dma_wait3A_300 = arith.constant 0 : i32
    %dma_wait3A_301 = tpu.memref_slice %arg3[%dma_wait3A_299, %dma_wait3A_300] : memref<1000000x64xf32, #tpu.memory_space<hbm>> -> memref<64x64xf32, #tpu.memory_space<hbm>>
    tpu.wait_dma2 semaphore(%arg8 : memref<!tpu.dma_semaphore, #tpu.memory_space<semaphore_mem>>) src(%dma_wait3A_301 : memref<64x64xf32, #tpu.memory_space<hbm>>) dst(%dma_wait3A_298 : memref<64x64xf32, #tpu.memory_space<vmem>>)
    %dma_wait3A_302 = arith.constant 0 : i32
    %dma_wait3A_303 = arith.constant 1 : i32
    %dma_wait3A_304 = arith.constant 0 : i32
    %dma_wait3A_305 = arith.constant 0 : i32
    %dma_wait3A_306 = tpu.memref_slice %arg6[%dma_wait3A_302, %dma_wait3A_303, %dma_wait3A_304, %dma_wait3A_305] : memref<5x2x64x64xf32, #tpu.memory_space<vmem>> -> memref<1x1x64x64xf32, #tpu.memory_space<vmem>>
    %dma_wait3A_307 = tpu.memref_squeeze %dma_wait3A_306 : memref<1x1x64x64xf32, #tpu.memory_space<vmem>> -> memref<64x64xf32, #tpu.memory_space<vmem>>
    %dma_wait3A_308 = arith.constant 0 : i32
    %dma_wait3A_309 = arith.constant 0 : i32
    %dma_wait3A_310 = tpu.memref_slice %arg3[%dma_wait3A_308, %dma_wait3A_309] : memref<1000000x64xf32, #tpu.memory_space<hbm>> -> memref<64x64xf32, #tpu.memory_space<hbm>>
    %dma_wait3A_311 = arith.constant 0 : i32
    %dma_wait3A_312 = arith.constant 0 : i32
    %dma_wait3A_313 = tpu.memref_slice %arg6[%dma_wait3A_302, %dma_wait3A_303, %dma_wait3A_311, %dma_wait3A_312] : memref<5x2x64x64xf32, #tpu.memory_space<vmem>> -> memref<1x1x64x64xf32, #tpu.memory_space<vmem>>
    %dma_wait3A_314 = tpu.memref_squeeze %dma_wait3A_313 : memref<1x1x64x64xf32, #tpu.memory_space<vmem>> -> memref<64x64xf32, #tpu.memory_space<vmem>>
    %dma_wait3A_315 = arith.constant 0 : i32
    %dma_wait3A_316 = arith.constant 0 : i32
    %dma_wait3A_317 = tpu.memref_slice %arg3[%dma_wait3A_315, %dma_wait3A_316] : memref<1000000x64xf32, #tpu.memory_space<hbm>> -> memref<64x64xf32, #tpu.memory_space<hbm>>
    tpu.wait_dma2 semaphore(%arg8 : memref<!tpu.dma_semaphore, #tpu.memory_space<semaphore_mem>>) src(%dma_wait3A_317 : memref<64x64xf32, #tpu.memory_space<hbm>>) dst(%dma_wait3A_314 : memref<64x64xf32, #tpu.memory_space<vmem>>)
    %dma_wait3A_318 = arith.constant 1 : i32
    %dma_wait3A_319 = arith.constant 0 : i32
    %dma_wait3A_320 = arith.constant 0 : i32
    %dma_wait3A_321 = arith.constant 0 : i32
    %dma_wait3A_322 = tpu.memref_slice %arg6[%dma_wait3A_318, %dma_wait3A_319, %dma_wait3A_320, %dma_wait3A_321] : memref<5x2x64x64xf32, #tpu.memory_space<vmem>> -> memref<1x1x64x64xf32, #tpu.memory_space<vmem>>
    %dma_wait3A_323 = tpu.memref_squeeze %dma_wait3A_322 : memref<1x1x64x64xf32, #tpu.memory_space<vmem>> -> memref<64x64xf32, #tpu.memory_space<vmem>>
    %dma_wait3A_324 = arith.constant 0 : i32
    %dma_wait3A_325 = arith.constant 0 : i32
    %dma_wait3A_326 = tpu.memref_slice %arg3[%dma_wait3A_324, %dma_wait3A_325] : memref<1000000x64xf32, #tpu.memory_space<hbm>> -> memref<64x64xf32, #tpu.memory_space<hbm>>
    %dma_wait3A_327 = arith.constant 0 : i32
    %dma_wait3A_328 = arith.constant 0 : i32
    %dma_wait3A_329 = tpu.memref_slice %arg6[%dma_wait3A_318, %dma_wait3A_319, %dma_wait3A_327, %dma_wait3A_328] : memref<5x2x64x64xf32, #tpu.memory_space<vmem>> -> memref<1x1x64x64xf32, #tpu.memory_space<vmem>>
    %dma_wait3A_330 = tpu.memref_squeeze %dma_wait3A_329 : memref<1x1x64x64xf32, #tpu.memory_space<vmem>> -> memref<64x64xf32, #tpu.memory_space<vmem>>
    %dma_wait3A_331 = arith.constant 0 : i32
    %dma_wait3A_332 = arith.constant 0 : i32
    %dma_wait3A_333 = tpu.memref_slice %arg3[%dma_wait3A_331, %dma_wait3A_332] : memref<1000000x64xf32, #tpu.memory_space<hbm>> -> memref<64x64xf32, #tpu.memory_space<hbm>>
    tpu.wait_dma2 semaphore(%arg8 : memref<!tpu.dma_semaphore, #tpu.memory_space<semaphore_mem>>) src(%dma_wait3A_333 : memref<64x64xf32, #tpu.memory_space<hbm>>) dst(%dma_wait3A_330 : memref<64x64xf32, #tpu.memory_space<vmem>>)
    %dma_wait3A_334 = arith.constant 1 : i32
    %dma_wait3A_335 = arith.constant 1 : i32
    %dma_wait3A_336 = arith.constant 0 : i32
    %dma_wait3A_337 = arith.constant 0 : i32
    %dma_wait3A_338 = tpu.memref_slice %arg6[%dma_wait3A_334, %dma_wait3A_335, %dma_wait3A_336, %dma_wait3A_337] : memref<5x2x64x64xf32, #tpu.memory_space<vmem>> -> memref<1x1x64x64xf32, #tpu.memory_space<vmem>>
    %dma_wait3A_339 = tpu.memref_squeeze %dma_wait3A_338 : memref<1x1x64x64xf32, #tpu.memory_space<vmem>> -> memref<64x64xf32, #tpu.memory_space<vmem>>
    %dma_wait3A_340 = arith.constant 0 : i32
    %dma_wait3A_341 = arith.constant 0 : i32
    %dma_wait3A_342 = tpu.memref_slice %arg3[%dma_wait3A_340, %dma_wait3A_341] : memref<1000000x64xf32, #tpu.memory_space<hbm>> -> memref<64x64xf32, #tpu.memory_space<hbm>>
    %dma_wait3A_343 = arith.constant 0 : i32
    %dma_wait3A_344 = arith.constant 0 : i32
    %dma_wait3A_345 = tpu.memref_slice %arg6[%dma_wait3A_334, %dma_wait3A_335, %dma_wait3A_343, %dma_wait3A_344] : memref<5x2x64x64xf32, #tpu.memory_space<vmem>> -> memref<1x1x64x64xf32, #tpu.memory_space<vmem>>
    %dma_wait3A_346 = tpu.memref_squeeze %dma_wait3A_345 : memref<1x1x64x64xf32, #tpu.memory_space<vmem>> -> memref<64x64xf32, #tpu.memory_space<vmem>>
    %dma_wait3A_347 = arith.constant 0 : i32
    %dma_wait3A_348 = arith.constant 0 : i32
    %dma_wait3A_349 = tpu.memref_slice %arg3[%dma_wait3A_347, %dma_wait3A_348] : memref<1000000x64xf32, #tpu.memory_space<hbm>> -> memref<64x64xf32, #tpu.memory_space<hbm>>
    tpu.wait_dma2 semaphore(%arg8 : memref<!tpu.dma_semaphore, #tpu.memory_space<semaphore_mem>>) src(%dma_wait3A_349 : memref<64x64xf32, #tpu.memory_space<hbm>>) dst(%dma_wait3A_346 : memref<64x64xf32, #tpu.memory_space<vmem>>)
    %dma_wait3A_350 = arith.constant 2 : i32
    %dma_wait3A_351 = arith.constant 0 : i32
    %dma_wait3A_352 = arith.constant 0 : i32
    %dma_wait3A_353 = arith.constant 0 : i32
    %dma_wait3A_354 = tpu.memref_slice %arg6[%dma_wait3A_350, %dma_wait3A_351, %dma_wait3A_352, %dma_wait3A_353] : memref<5x2x64x64xf32, #tpu.memory_space<vmem>> -> memref<1x1x64x64xf32, #tpu.memory_space<vmem>>
    %dma_wait3A_355 = tpu.memref_squeeze %dma_wait3A_354 : memref<1x1x64x64xf32, #tpu.memory_space<vmem>> -> memref<64x64xf32, #tpu.memory_space<vmem>>
    %dma_wait3A_356 = arith.constant 0 : i32
    %dma_wait3A_357 = arith.constant 0 : i32
    %dma_wait3A_358 = tpu.memref_slice %arg3[%dma_wait3A_356, %dma_wait3A_357] : memref<1000000x64xf32, #tpu.memory_space<hbm>> -> memref<64x64xf32, #tpu.memory_space<hbm>>
    %dma_wait3A_359 = arith.constant 0 : i32
    %dma_wait3A_360 = arith.constant 0 : i32
    %dma_wait3A_361 = tpu.memref_slice %arg6[%dma_wait3A_350, %dma_wait3A_351, %dma_wait3A_359, %dma_wait3A_360] : memref<5x2x64x64xf32, #tpu.memory_space<vmem>> -> memref<1x1x64x64xf32, #tpu.memory_space<vmem>>
    %dma_wait3A_362 = tpu.memref_squeeze %dma_wait3A_361 : memref<1x1x64x64xf32, #tpu.memory_space<vmem>> -> memref<64x64xf32, #tpu.memory_space<vmem>>
    %dma_wait3A_363 = arith.constant 0 : i32
    %dma_wait3A_364 = arith.constant 0 : i32
    %dma_wait3A_365 = tpu.memref_slice %arg3[%dma_wait3A_363, %dma_wait3A_364] : memref<1000000x64xf32, #tpu.memory_space<hbm>> -> memref<64x64xf32, #tpu.memory_space<hbm>>
    tpu.wait_dma2 semaphore(%arg8 : memref<!tpu.dma_semaphore, #tpu.memory_space<semaphore_mem>>) src(%dma_wait3A_365 : memref<64x64xf32, #tpu.memory_space<hbm>>) dst(%dma_wait3A_362 : memref<64x64xf32, #tpu.memory_space<vmem>>)
    %dma_wait3A_366 = arith.constant 2 : i32
    %dma_wait3A_367 = arith.constant 1 : i32
    %dma_wait3A_368 = arith.constant 0 : i32
    %dma_wait3A_369 = arith.constant 0 : i32
    %dma_wait3A_370 = tpu.memref_slice %arg6[%dma_wait3A_366, %dma_wait3A_367, %dma_wait3A_368, %dma_wait3A_369] : memref<5x2x64x64xf32, #tpu.memory_space<vmem>> -> memref<1x1x64x64xf32, #tpu.memory_space<vmem>>
    %dma_wait3A_371 = tpu.memref_squeeze %dma_wait3A_370 : memref<1x1x64x64xf32, #tpu.memory_space<vmem>> -> memref<64x64xf32, #tpu.memory_space<vmem>>
    %dma_wait3A_372 = arith.constant 0 : i32
    %dma_wait3A_373 = arith.constant 0 : i32
    %dma_wait3A_374 = tpu.memref_slice %arg3[%dma_wait3A_372, %dma_wait3A_373] : memref<1000000x64xf32, #tpu.memory_space<hbm>> -> memref<64x64xf32, #tpu.memory_space<hbm>>
    %dma_wait3A_375 = arith.constant 0 : i32
    %dma_wait3A_376 = arith.constant 0 : i32
    %dma_wait3A_377 = tpu.memref_slice %arg6[%dma_wait3A_366, %dma_wait3A_367, %dma_wait3A_375, %dma_wait3A_376] : memref<5x2x64x64xf32, #tpu.memory_space<vmem>> -> memref<1x1x64x64xf32, #tpu.memory_space<vmem>>
    %dma_wait3A_378 = tpu.memref_squeeze %dma_wait3A_377 : memref<1x1x64x64xf32, #tpu.memory_space<vmem>> -> memref<64x64xf32, #tpu.memory_space<vmem>>
    %dma_wait3A_379 = arith.constant 0 : i32
    %dma_wait3A_380 = arith.constant 0 : i32
    %dma_wait3A_381 = tpu.memref_slice %arg3[%dma_wait3A_379, %dma_wait3A_380] : memref<1000000x64xf32, #tpu.memory_space<hbm>> -> memref<64x64xf32, #tpu.memory_space<hbm>>
    tpu.wait_dma2 semaphore(%arg8 : memref<!tpu.dma_semaphore, #tpu.memory_space<semaphore_mem>>) src(%dma_wait3A_381 : memref<64x64xf32, #tpu.memory_space<hbm>>) dst(%dma_wait3A_378 : memref<64x64xf32, #tpu.memory_space<vmem>>)
    %dma_wait3A_382 = arith.constant 3 : i32
    %dma_wait3A_383 = arith.constant 0 : i32
    %dma_wait3A_384 = arith.constant 0 : i32
    %dma_wait3A_385 = arith.constant 0 : i32
    %dma_wait3A_386 = tpu.memref_slice %arg6[%dma_wait3A_382, %dma_wait3A_383, %dma_wait3A_384, %dma_wait3A_385] : memref<5x2x64x64xf32, #tpu.memory_space<vmem>> -> memref<1x1x64x64xf32, #tpu.memory_space<vmem>>
    %dma_wait3A_387 = tpu.memref_squeeze %dma_wait3A_386 : memref<1x1x64x64xf32, #tpu.memory_space<vmem>> -> memref<64x64xf32, #tpu.memory_space<vmem>>
    %dma_wait3A_388 = arith.constant 0 : i32
    %dma_wait3A_389 = arith.constant 0 : i32
    %dma_wait3A_390 = tpu.memref_slice %arg3[%dma_wait3A_388, %dma_wait3A_389] : memref<1000000x64xf32, #tpu.memory_space<hbm>> -> memref<64x64xf32, #tpu.memory_space<hbm>>
    %dma_wait3A_391 = arith.constant 0 : i32
    %dma_wait3A_392 = arith.constant 0 : i32
    %dma_wait3A_393 = tpu.memref_slice %arg6[%dma_wait3A_382, %dma_wait3A_383, %dma_wait3A_391, %dma_wait3A_392] : memref<5x2x64x64xf32, #tpu.memory_space<vmem>> -> memref<1x1x64x64xf32, #tpu.memory_space<vmem>>
    %dma_wait3A_394 = tpu.memref_squeeze %dma_wait3A_393 : memref<1x1x64x64xf32, #tpu.memory_space<vmem>> -> memref<64x64xf32, #tpu.memory_space<vmem>>
    %dma_wait3A_395 = arith.constant 0 : i32
    %dma_wait3A_396 = arith.constant 0 : i32
    %dma_wait3A_397 = tpu.memref_slice %arg3[%dma_wait3A_395, %dma_wait3A_396] : memref<1000000x64xf32, #tpu.memory_space<hbm>> -> memref<64x64xf32, #tpu.memory_space<hbm>>
    tpu.wait_dma2 semaphore(%arg8 : memref<!tpu.dma_semaphore, #tpu.memory_space<semaphore_mem>>) src(%dma_wait3A_397 : memref<64x64xf32, #tpu.memory_space<hbm>>) dst(%dma_wait3A_394 : memref<64x64xf32, #tpu.memory_space<vmem>>)
    %dma_wait3A_398 = arith.constant 3 : i32
    %dma_wait3A_399 = arith.constant 1 : i32
    %dma_wait3A_400 = arith.constant 0 : i32
    %dma_wait3A_401 = arith.constant 0 : i32
    %dma_wait3A_402 = tpu.memref_slice %arg6[%dma_wait3A_398, %dma_wait3A_399, %dma_wait3A_400, %dma_wait3A_401] : memref<5x2x64x64xf32, #tpu.memory_space<vmem>> -> memref<1x1x64x64xf32, #tpu.memory_space<vmem>>
    %dma_wait3A_403 = tpu.memref_squeeze %dma_wait3A_402 : memref<1x1x64x64xf32, #tpu.memory_space<vmem>> -> memref<64x64xf32, #tpu.memory_space<vmem>>
    %dma_wait3A_404 = arith.constant 0 : i32
    %dma_wait3A_405 = arith.constant 0 : i32
    %dma_wait3A_406 = tpu.memref_slice %arg3[%dma_wait3A_404, %dma_wait3A_405] : memref<1000000x64xf32, #tpu.memory_space<hbm>> -> memref<64x64xf32, #tpu.memory_space<hbm>>
    %dma_wait3A_407 = arith.constant 0 : i32
    %dma_wait3A_408 = arith.constant 0 : i32
    %dma_wait3A_409 = tpu.memref_slice %arg6[%dma_wait3A_398, %dma_wait3A_399, %dma_wait3A_407, %dma_wait3A_408] : memref<5x2x64x64xf32, #tpu.memory_space<vmem>> -> memref<1x1x64x64xf32, #tpu.memory_space<vmem>>
    %dma_wait3A_410 = tpu.memref_squeeze %dma_wait3A_409 : memref<1x1x64x64xf32, #tpu.memory_space<vmem>> -> memref<64x64xf32, #tpu.memory_space<vmem>>
    %dma_wait3A_411 = arith.constant 0 : i32
    %dma_wait3A_412 = arith.constant 0 : i32
    %dma_wait3A_413 = tpu.memref_slice %arg3[%dma_wait3A_411, %dma_wait3A_412] : memref<1000000x64xf32, #tpu.memory_space<hbm>> -> memref<64x64xf32, #tpu.memory_space<hbm>>
    tpu.wait_dma2 semaphore(%arg8 : memref<!tpu.dma_semaphore, #tpu.memory_space<semaphore_mem>>) src(%dma_wait3A_413 : memref<64x64xf32, #tpu.memory_space<hbm>>) dst(%dma_wait3A_410 : memref<64x64xf32, #tpu.memory_space<vmem>>)
    %dma_wait3A_414 = arith.constant 4 : i32
    %dma_wait3A_415 = arith.constant 0 : i32
    %dma_wait3A_416 = arith.constant 0 : i32
    %dma_wait3A_417 = arith.constant 0 : i32
    %dma_wait3A_418 = tpu.memref_slice %arg6[%dma_wait3A_414, %dma_wait3A_415, %dma_wait3A_416, %dma_wait3A_417] : memref<5x2x64x64xf32, #tpu.memory_space<vmem>> -> memref<1x1x64x64xf32, #tpu.memory_space<vmem>>
    %dma_wait3A_419 = tpu.memref_squeeze %dma_wait3A_418 : memref<1x1x64x64xf32, #tpu.memory_space<vmem>> -> memref<64x64xf32, #tpu.memory_space<vmem>>
    %dma_wait3A_420 = arith.constant 0 : i32
    %dma_wait3A_421 = arith.constant 0 : i32
    %dma_wait3A_422 = tpu.memref_slice %arg3[%dma_wait3A_420, %dma_wait3A_421] : memref<1000000x64xf32, #tpu.memory_space<hbm>> -> memref<64x64xf32, #tpu.memory_space<hbm>>
    %dma_wait3A_423 = arith.constant 0 : i32
    %dma_wait3A_424 = arith.constant 0 : i32
    %dma_wait3A_425 = tpu.memref_slice %arg6[%dma_wait3A_414, %dma_wait3A_415, %dma_wait3A_423, %dma_wait3A_424] : memref<5x2x64x64xf32, #tpu.memory_space<vmem>> -> memref<1x1x64x64xf32, #tpu.memory_space<vmem>>
    %dma_wait3A_426 = tpu.memref_squeeze %dma_wait3A_425 : memref<1x1x64x64xf32, #tpu.memory_space<vmem>> -> memref<64x64xf32, #tpu.memory_space<vmem>>
    %dma_wait3A_427 = arith.constant 0 : i32
    %dma_wait3A_428 = arith.constant 0 : i32
    %dma_wait3A_429 = tpu.memref_slice %arg3[%dma_wait3A_427, %dma_wait3A_428] : memref<1000000x64xf32, #tpu.memory_space<hbm>> -> memref<64x64xf32, #tpu.memory_space<hbm>>
    tpu.wait_dma2 semaphore(%arg8 : memref<!tpu.dma_semaphore, #tpu.memory_space<semaphore_mem>>) src(%dma_wait3A_429 : memref<64x64xf32, #tpu.memory_space<hbm>>) dst(%dma_wait3A_426 : memref<64x64xf32, #tpu.memory_space<vmem>>)
    %dma_wait3A_430 = arith.constant 4 : i32
    %dma_wait3A_431 = arith.constant 1 : i32
    %dma_wait3A_432 = arith.constant 0 : i32
    %dma_wait3A_433 = arith.constant 0 : i32
    %dma_wait3A_434 = tpu.memref_slice %arg6[%dma_wait3A_430, %dma_wait3A_431, %dma_wait3A_432, %dma_wait3A_433] : memref<5x2x64x64xf32, #tpu.memory_space<vmem>> -> memref<1x1x64x64xf32, #tpu.memory_space<vmem>>
    %dma_wait3A_435 = tpu.memref_squeeze %dma_wait3A_434 : memref<1x1x64x64xf32, #tpu.memory_space<vmem>> -> memref<64x64xf32, #tpu.memory_space<vmem>>
    %dma_wait3A_436 = arith.constant 0 : i32
    %dma_wait3A_437 = arith.constant 0 : i32
    %dma_wait3A_438 = tpu.memref_slice %arg3[%dma_wait3A_436, %dma_wait3A_437] : memref<1000000x64xf32, #tpu.memory_space<hbm>> -> memref<64x64xf32, #tpu.memory_space<hbm>>
    %dma_wait3A_439 = arith.constant 0 : i32
    %dma_wait3A_440 = arith.constant 0 : i32
    %dma_wait3A_441 = tpu.memref_slice %arg6[%dma_wait3A_430, %dma_wait3A_431, %dma_wait3A_439, %dma_wait3A_440] : memref<5x2x64x64xf32, #tpu.memory_space<vmem>> -> memref<1x1x64x64xf32, #tpu.memory_space<vmem>>
    %dma_wait3A_442 = tpu.memref_squeeze %dma_wait3A_441 : memref<1x1x64x64xf32, #tpu.memory_space<vmem>> -> memref<64x64xf32, #tpu.memory_space<vmem>>
    %dma_wait3A_443 = arith.constant 0 : i32
    %dma_wait3A_444 = arith.constant 0 : i32
    %dma_wait3A_445 = tpu.memref_slice %arg3[%dma_wait3A_443, %dma_wait3A_444] : memref<1000000x64xf32, #tpu.memory_space<hbm>> -> memref<64x64xf32, #tpu.memory_space<hbm>>
    tpu.wait_dma2 semaphore(%arg8 : memref<!tpu.dma_semaphore, #tpu.memory_space<semaphore_mem>>) src(%dma_wait3A_445 : memref<64x64xf32, #tpu.memory_space<hbm>>) dst(%dma_wait3A_442 : memref<64x64xf32, #tpu.memory_space<vmem>>)
    %add3A_446 = arith.constant 190 : i32
    %add3A_447 = arith.addi %mul3A_2, %add3A_446 : i32
    %mul3A_448 = arith.constant 64 : i32
    %mul3A_449 = arith.muli %add3A_447, %mul3A_448 : i32
    %dma_start3A_450 = arith.constant 0 : i32
    %dma_start3A_451 = arith.constant 0 : i32
    %dma_start3A_452 = arith.constant 0 : i32
    %dma_start3A_453 = arith.constant 0 : i32
    %dma_start3A_454 = tpu.memref_slice %arg6[%dma_start3A_450, %dma_start3A_451, %dma_start3A_452, %dma_start3A_453] : memref<5x2x64x64xf32, #tpu.memory_space<vmem>> -> memref<1x1x64x64xf32, #tpu.memory_space<vmem>>
    %dma_start3A_455 = tpu.memref_squeeze %dma_start3A_454 : memref<1x1x64x64xf32, #tpu.memory_space<vmem>> -> memref<64x64xf32, #tpu.memory_space<vmem>>
    %dma_start3A_456 = arith.constant 0 : i32
    %dma_start3A_457 = tpu.memref_slice %arg4[%mul3A_449, %dma_start3A_456] : memref<409600x128xf32, #tpu.memory_space<hbm>> -> memref<64x64xf32, #tpu.memory_space<hbm>>
    %dma_start3A_458 = arith.constant 0 : i32
    %dma_start3A_459 = tpu.memref_slice %arg4[%mul3A_449, %dma_start3A_458] : memref<409600x128xf32, #tpu.memory_space<hbm>> -> memref<64x64xf32, #tpu.memory_space<hbm>>
    %dma_start3A_460 = arith.constant 0 : i32
    %dma_start3A_461 = arith.constant 0 : i32
    %dma_start3A_462 = tpu.memref_slice %arg6[%dma_start3A_450, %dma_start3A_451, %dma_start3A_460, %dma_start3A_461] : memref<5x2x64x64xf32, #tpu.memory_space<vmem>> -> memref<1x1x64x64xf32, #tpu.memory_space<vmem>>
    %dma_start3A_463 = tpu.memref_squeeze %dma_start3A_462 : memref<1x1x64x64xf32, #tpu.memory_space<vmem>> -> memref<64x64xf32, #tpu.memory_space<vmem>>
    tpu.enqueue_dma source(%dma_start3A_463 : memref<64x64xf32, #tpu.memory_space<vmem>>) target(%dma_start3A_459 : memref<64x64xf32, #tpu.memory_space<hbm>>) target_semaphore(%arg10 : memref<!tpu.dma_semaphore, #tpu.memory_space<semaphore_mem>>)
    %add3A_464 = arith.constant 190 : i32
    %add3A_465 = arith.addi %mul3A_2, %add3A_464 : i32
    %mul3A_466 = arith.constant 64 : i32
    %mul3A_467 = arith.muli %add3A_465, %mul3A_466 : i32
    %dma_start3A_468 = arith.constant 0 : i32
    %dma_start3A_469 = arith.constant 1 : i32
    %dma_start3A_470 = arith.constant 0 : i32
    %dma_start3A_471 = arith.constant 0 : i32
    %dma_start3A_472 = tpu.memref_slice %arg6[%dma_start3A_468, %dma_start3A_469, %dma_start3A_470, %dma_start3A_471] : memref<5x2x64x64xf32, #tpu.memory_space<vmem>> -> memref<1x1x64x64xf32, #tpu.memory_space<vmem>>
    %dma_start3A_473 = tpu.memref_squeeze %dma_start3A_472 : memref<1x1x64x64xf32, #tpu.memory_space<vmem>> -> memref<64x64xf32, #tpu.memory_space<vmem>>
    %dma_start3A_474 = arith.constant 64 : i32
    %dma_start3A_475 = tpu.memref_slice %arg4[%mul3A_467, %dma_start3A_474] : memref<409600x128xf32, #tpu.memory_space<hbm>> -> memref<64x64xf32, #tpu.memory_space<hbm>>
    %dma_start3A_476 = arith.constant 64 : i32
    %dma_start3A_477 = tpu.memref_slice %arg4[%mul3A_467, %dma_start3A_476] : memref<409600x128xf32, #tpu.memory_space<hbm>> -> memref<64x64xf32, #tpu.memory_space<hbm>>
    %dma_start3A_478 = arith.constant 0 : i32
    %dma_start3A_479 = arith.constant 0 : i32
    %dma_start3A_480 = tpu.memref_slice %arg6[%dma_start3A_468, %dma_start3A_469, %dma_start3A_478, %dma_start3A_479] : memref<5x2x64x64xf32, #tpu.memory_space<vmem>> -> memref<1x1x64x64xf32, #tpu.memory_space<vmem>>
    %dma_start3A_481 = tpu.memref_squeeze %dma_start3A_480 : memref<1x1x64x64xf32, #tpu.memory_space<vmem>> -> memref<64x64xf32, #tpu.memory_space<vmem>>
    tpu.enqueue_dma source(%dma_start3A_481 : memref<64x64xf32, #tpu.memory_space<vmem>>) target(%dma_start3A_477 : memref<64x64xf32, #tpu.memory_space<hbm>>) target_semaphore(%arg10 : memref<!tpu.dma_semaphore, #tpu.memory_space<semaphore_mem>>)
    %add3A_482 = arith.constant 191 : i32
    %add3A_483 = arith.addi %mul3A_2, %add3A_482 : i32
    %mul3A_484 = arith.constant 64 : i32
    %mul3A_485 = arith.muli %add3A_483, %mul3A_484 : i32
    %dma_start3A_486 = arith.constant 1 : i32
    %dma_start3A_487 = arith.constant 0 : i32
    %dma_start3A_488 = arith.constant 0 : i32
    %dma_start3A_489 = arith.constant 0 : i32
    %dma_start3A_490 = tpu.memref_slice %arg6[%dma_start3A_486, %dma_start3A_487, %dma_start3A_488, %dma_start3A_489] : memref<5x2x64x64xf32, #tpu.memory_space<vmem>> -> memref<1x1x64x64xf32, #tpu.memory_space<vmem>>
    %dma_start3A_491 = tpu.memref_squeeze %dma_start3A_490 : memref<1x1x64x64xf32, #tpu.memory_space<vmem>> -> memref<64x64xf32, #tpu.memory_space<vmem>>
    %dma_start3A_492 = arith.constant 0 : i32
    %dma_start3A_493 = tpu.memref_slice %arg4[%mul3A_485, %dma_start3A_492] : memref<409600x128xf32, #tpu.memory_space<hbm>> -> memref<64x64xf32, #tpu.memory_space<hbm>>
    %dma_start3A_494 = arith.constant 0 : i32
    %dma_start3A_495 = tpu.memref_slice %arg4[%mul3A_485, %dma_start3A_494] : memref<409600x128xf32, #tpu.memory_space<hbm>> -> memref<64x64xf32, #tpu.memory_space<hbm>>
    %dma_start3A_496 = arith.constant 0 : i32
    %dma_start3A_497 = arith.constant 0 : i32
    %dma_start3A_498 = tpu.memref_slice %arg6[%dma_start3A_486, %dma_start3A_487, %dma_start3A_496, %dma_start3A_497] : memref<5x2x64x64xf32, #tpu.memory_space<vmem>> -> memref<1x1x64x64xf32, #tpu.memory_space<vmem>>
    %dma_start3A_499 = tpu.memref_squeeze %dma_start3A_498 : memref<1x1x64x64xf32, #tpu.memory_space<vmem>> -> memref<64x64xf32, #tpu.memory_space<vmem>>
    tpu.enqueue_dma source(%dma_start3A_499 : memref<64x64xf32, #tpu.memory_space<vmem>>) target(%dma_start3A_495 : memref<64x64xf32, #tpu.memory_space<hbm>>) target_semaphore(%arg10 : memref<!tpu.dma_semaphore, #tpu.memory_space<semaphore_mem>>)
    %add3A_500 = arith.constant 191 : i32
    %add3A_501 = arith.addi %mul3A_2, %add3A_500 : i32
    %mul3A_502 = arith.constant 64 : i32
    %mul3A_503 = arith.muli %add3A_501, %mul3A_502 : i32
    %dma_start3A_504 = arith.constant 1 : i32
    %dma_start3A_505 = arith.constant 1 : i32
    %dma_start3A_506 = arith.constant 0 : i32
    %dma_start3A_507 = arith.constant 0 : i32
    %dma_start3A_508 = tpu.memref_slice %arg6[%dma_start3A_504, %dma_start3A_505, %dma_start3A_506, %dma_start3A_507] : memref<5x2x64x64xf32, #tpu.memory_space<vmem>> -> memref<1x1x64x64xf32, #tpu.memory_space<vmem>>
    %dma_start3A_509 = tpu.memref_squeeze %dma_start3A_508 : memref<1x1x64x64xf32, #tpu.memory_space<vmem>> -> memref<64x64xf32, #tpu.memory_space<vmem>>
    %dma_start3A_510 = arith.constant 64 : i32
    %dma_start3A_511 = tpu.memref_slice %arg4[%mul3A_503, %dma_start3A_510] : memref<409600x128xf32, #tpu.memory_space<hbm>> -> memref<64x64xf32, #tpu.memory_space<hbm>>
    %dma_start3A_512 = arith.constant 64 : i32
    %dma_start3A_513 = tpu.memref_slice %arg4[%mul3A_503, %dma_start3A_512] : memref<409600x128xf32, #tpu.memory_space<hbm>> -> memref<64x64xf32, #tpu.memory_space<hbm>>
    %dma_start3A_514 = arith.constant 0 : i32
    %dma_start3A_515 = arith.constant 0 : i32
    %dma_start3A_516 = tpu.memref_slice %arg6[%dma_start3A_504, %dma_start3A_505, %dma_start3A_514, %dma_start3A_515] : memref<5x2x64x64xf32, #tpu.memory_space<vmem>> -> memref<1x1x64x64xf32, #tpu.memory_space<vmem>>
    %dma_start3A_517 = tpu.memref_squeeze %dma_start3A_516 : memref<1x1x64x64xf32, #tpu.memory_space<vmem>> -> memref<64x64xf32, #tpu.memory_space<vmem>>
    tpu.enqueue_dma source(%dma_start3A_517 : memref<64x64xf32, #tpu.memory_space<vmem>>) target(%dma_start3A_513 : memref<64x64xf32, #tpu.memory_space<hbm>>) target_semaphore(%arg10 : memref<!tpu.dma_semaphore, #tpu.memory_space<semaphore_mem>>)
    %add3A_518 = arith.constant 192 : i32
    %add3A_519 = arith.addi %mul3A_2, %add3A_518 : i32
    %mul3A_520 = arith.constant 64 : i32
    %mul3A_521 = arith.muli %add3A_519, %mul3A_520 : i32
    %dma_start3A_522 = arith.constant 2 : i32
    %dma_start3A_523 = arith.constant 0 : i32
    %dma_start3A_524 = arith.constant 0 : i32
    %dma_start3A_525 = arith.constant 0 : i32
    %dma_start3A_526 = tpu.memref_slice %arg6[%dma_start3A_522, %dma_start3A_523, %dma_start3A_524, %dma_start3A_525] : memref<5x2x64x64xf32, #tpu.memory_space<vmem>> -> memref<1x1x64x64xf32, #tpu.memory_space<vmem>>
    %dma_start3A_527 = tpu.memref_squeeze %dma_start3A_526 : memref<1x1x64x64xf32, #tpu.memory_space<vmem>> -> memref<64x64xf32, #tpu.memory_space<vmem>>
    %dma_start3A_528 = arith.constant 0 : i32
    %dma_start3A_529 = tpu.memref_slice %arg4[%mul3A_521, %dma_start3A_528] : memref<409600x128xf32, #tpu.memory_space<hbm>> -> memref<64x64xf32, #tpu.memory_space<hbm>>
    %dma_start3A_530 = arith.constant 0 : i32
    %dma_start3A_531 = tpu.memref_slice %arg4[%mul3A_521, %dma_start3A_530] : memref<409600x128xf32, #tpu.memory_space<hbm>> -> memref<64x64xf32, #tpu.memory_space<hbm>>
    %dma_start3A_532 = arith.constant 0 : i32
    %dma_start3A_533 = arith.constant 0 : i32
    %dma_start3A_534 = tpu.memref_slice %arg6[%dma_start3A_522, %dma_start3A_523, %dma_start3A_532, %dma_start3A_533] : memref<5x2x64x64xf32, #tpu.memory_space<vmem>> -> memref<1x1x64x64xf32, #tpu.memory_space<vmem>>
    %dma_start3A_535 = tpu.memref_squeeze %dma_start3A_534 : memref<1x1x64x64xf32, #tpu.memory_space<vmem>> -> memref<64x64xf32, #tpu.memory_space<vmem>>
    tpu.enqueue_dma source(%dma_start3A_535 : memref<64x64xf32, #tpu.memory_space<vmem>>) target(%dma_start3A_531 : memref<64x64xf32, #tpu.memory_space<hbm>>) target_semaphore(%arg10 : memref<!tpu.dma_semaphore, #tpu.memory_space<semaphore_mem>>)
    %add3A_536 = arith.constant 192 : i32
    %add3A_537 = arith.addi %mul3A_2, %add3A_536 : i32
    %mul3A_538 = arith.constant 64 : i32
    %mul3A_539 = arith.muli %add3A_537, %mul3A_538 : i32
    %dma_start3A_540 = arith.constant 2 : i32
    %dma_start3A_541 = arith.constant 1 : i32
    %dma_start3A_542 = arith.constant 0 : i32
    %dma_start3A_543 = arith.constant 0 : i32
    %dma_start3A_544 = tpu.memref_slice %arg6[%dma_start3A_540, %dma_start3A_541, %dma_start3A_542, %dma_start3A_543] : memref<5x2x64x64xf32, #tpu.memory_space<vmem>> -> memref<1x1x64x64xf32, #tpu.memory_space<vmem>>
    %dma_start3A_545 = tpu.memref_squeeze %dma_start3A_544 : memref<1x1x64x64xf32, #tpu.memory_space<vmem>> -> memref<64x64xf32, #tpu.memory_space<vmem>>
    %dma_start3A_546 = arith.constant 64 : i32
    %dma_start3A_547 = tpu.memref_slice %arg4[%mul3A_539, %dma_start3A_546] : memref<409600x128xf32, #tpu.memory_space<hbm>> -> memref<64x64xf32, #tpu.memory_space<hbm>>
    %dma_start3A_548 = arith.constant 64 : i32
    %dma_start3A_549 = tpu.memref_slice %arg4[%mul3A_539, %dma_start3A_548] : memref<409600x128xf32, #tpu.memory_space<hbm>> -> memref<64x64xf32, #tpu.memory_space<hbm>>
    %dma_start3A_550 = arith.constant 0 : i32
    %dma_start3A_551 = arith.constant 0 : i32
    %dma_start3A_552 = tpu.memref_slice %arg6[%dma_start3A_540, %dma_start3A_541, %dma_start3A_550, %dma_start3A_551] : memref<5x2x64x64xf32, #tpu.memory_space<vmem>> -> memref<1x1x64x64xf32, #tpu.memory_space<vmem>>
    %dma_start3A_553 = tpu.memref_squeeze %dma_start3A_552 : memref<1x1x64x64xf32, #tpu.memory_space<vmem>> -> memref<64x64xf32, #tpu.memory_space<vmem>>
    tpu.enqueue_dma source(%dma_start3A_553 : memref<64x64xf32, #tpu.memory_space<vmem>>) target(%dma_start3A_549 : memref<64x64xf32, #tpu.memory_space<hbm>>) target_semaphore(%arg10 : memref<!tpu.dma_semaphore, #tpu.memory_space<semaphore_mem>>)
    %add3A_554 = arith.constant 193 : i32
    %add3A_555 = arith.addi %mul3A_2, %add3A_554 : i32
    %mul3A_556 = arith.constant 64 : i32
    %mul3A_557 = arith.muli %add3A_555, %mul3A_556 : i32
    %dma_start3A_558 = arith.constant 3 : i32
    %dma_start3A_559 = arith.constant 0 : i32
    %dma_start3A_560 = arith.constant 0 : i32
    %dma_start3A_561 = arith.constant 0 : i32
    %dma_start3A_562 = tpu.memref_slice %arg6[%dma_start3A_558, %dma_start3A_559, %dma_start3A_560, %dma_start3A_561] : memref<5x2x64x64xf32, #tpu.memory_space<vmem>> -> memref<1x1x64x64xf32, #tpu.memory_space<vmem>>
    %dma_start3A_563 = tpu.memref_squeeze %dma_start3A_562 : memref<1x1x64x64xf32, #tpu.memory_space<vmem>> -> memref<64x64xf32, #tpu.memory_space<vmem>>
    %dma_start3A_564 = arith.constant 0 : i32
    %dma_start3A_565 = tpu.memref_slice %arg4[%mul3A_557, %dma_start3A_564] : memref<409600x128xf32, #tpu.memory_space<hbm>> -> memref<64x64xf32, #tpu.memory_space<hbm>>
    %dma_start3A_566 = arith.constant 0 : i32
    %dma_start3A_567 = tpu.memref_slice %arg4[%mul3A_557, %dma_start3A_566] : memref<409600x128xf32, #tpu.memory_space<hbm>> -> memref<64x64xf32, #tpu.memory_space<hbm>>
    %dma_start3A_568 = arith.constant 0 : i32
    %dma_start3A_569 = arith.constant 0 : i32
    %dma_start3A_570 = tpu.memref_slice %arg6[%dma_start3A_558, %dma_start3A_559, %dma_start3A_568, %dma_start3A_569] : memref<5x2x64x64xf32, #tpu.memory_space<vmem>> -> memref<1x1x64x64xf32, #tpu.memory_space<vmem>>
    %dma_start3A_571 = tpu.memref_squeeze %dma_start3A_570 : memref<1x1x64x64xf32, #tpu.memory_space<vmem>> -> memref<64x64xf32, #tpu.memory_space<vmem>>
    tpu.enqueue_dma source(%dma_start3A_571 : memref<64x64xf32, #tpu.memory_space<vmem>>) target(%dma_start3A_567 : memref<64x64xf32, #tpu.memory_space<hbm>>) target_semaphore(%arg10 : memref<!tpu.dma_semaphore, #tpu.memory_space<semaphore_mem>>)
    %add3A_572 = arith.constant 193 : i32
    %add3A_573 = arith.addi %mul3A_2, %add3A_572 : i32
    %mul3A_574 = arith.constant 64 : i32
    %mul3A_575 = arith.muli %add3A_573, %mul3A_574 : i32
    %dma_start3A_576 = arith.constant 3 : i32
    %dma_start3A_577 = arith.constant 1 : i32
    %dma_start3A_578 = arith.constant 0 : i32
    %dma_start3A_579 = arith.constant 0 : i32
    %dma_start3A_580 = tpu.memref_slice %arg6[%dma_start3A_576, %dma_start3A_577, %dma_start3A_578, %dma_start3A_579] : memref<5x2x64x64xf32, #tpu.memory_space<vmem>> -> memref<1x1x64x64xf32, #tpu.memory_space<vmem>>
    %dma_start3A_581 = tpu.memref_squeeze %dma_start3A_580 : memref<1x1x64x64xf32, #tpu.memory_space<vmem>> -> memref<64x64xf32, #tpu.memory_space<vmem>>
    %dma_start3A_582 = arith.constant 64 : i32
    %dma_start3A_583 = tpu.memref_slice %arg4[%mul3A_575, %dma_start3A_582] : memref<409600x128xf32, #tpu.memory_space<hbm>> -> memref<64x64xf32, #tpu.memory_space<hbm>>
    %dma_start3A_584 = arith.constant 64 : i32
    %dma_start3A_585 = tpu.memref_slice %arg4[%mul3A_575, %dma_start3A_584] : memref<409600x128xf32, #tpu.memory_space<hbm>> -> memref<64x64xf32, #tpu.memory_space<hbm>>
    %dma_start3A_586 = arith.constant 0 : i32
    %dma_start3A_587 = arith.constant 0 : i32
    %dma_start3A_588 = tpu.memref_slice %arg6[%dma_start3A_576, %dma_start3A_577, %dma_start3A_586, %dma_start3A_587] : memref<5x2x64x64xf32, #tpu.memory_space<vmem>> -> memref<1x1x64x64xf32, #tpu.memory_space<vmem>>
    %dma_start3A_589 = tpu.memref_squeeze %dma_start3A_588 : memref<1x1x64x64xf32, #tpu.memory_space<vmem>> -> memref<64x64xf32, #tpu.memory_space<vmem>>
    tpu.enqueue_dma source(%dma_start3A_589 : memref<64x64xf32, #tpu.memory_space<vmem>>) target(%dma_start3A_585 : memref<64x64xf32, #tpu.memory_space<hbm>>) target_semaphore(%arg10 : memref<!tpu.dma_semaphore, #tpu.memory_space<semaphore_mem>>)
    %add3A_590 = arith.constant 194 : i32
    %add3A_591 = arith.addi %mul3A_2, %add3A_590 : i32
    %mul3A_592 = arith.constant 64 : i32
    %mul3A_593 = arith.muli %add3A_591, %mul3A_592 : i32
    %dma_start3A_594 = arith.constant 4 : i32
    %dma_start3A_595 = arith.constant 0 : i32
    %dma_start3A_596 = arith.constant 0 : i32
    %dma_start3A_597 = arith.constant 0 : i32
    %dma_start3A_598 = tpu.memref_slice %arg6[%dma_start3A_594, %dma_start3A_595, %dma_start3A_596, %dma_start3A_597] : memref<5x2x64x64xf32, #tpu.memory_space<vmem>> -> memref<1x1x64x64xf32, #tpu.memory_space<vmem>>
    %dma_start3A_599 = tpu.memref_squeeze %dma_start3A_598 : memref<1x1x64x64xf32, #tpu.memory_space<vmem>> -> memref<64x64xf32, #tpu.memory_space<vmem>>
    %dma_start3A_600 = arith.constant 0 : i32
    %dma_start3A_601 = tpu.memref_slice %arg4[%mul3A_593, %dma_start3A_600] : memref<409600x128xf32, #tpu.memory_space<hbm>> -> memref<64x64xf32, #tpu.memory_space<hbm>>
    %dma_start3A_602 = arith.constant 0 : i32
    %dma_start3A_603 = tpu.memref_slice %arg4[%mul3A_593, %dma_start3A_602] : memref<409600x128xf32, #tpu.memory_space<hbm>> -> memref<64x64xf32, #tpu.memory_space<hbm>>
    %dma_start3A_604 = arith.constant 0 : i32
    %dma_start3A_605 = arith.constant 0 : i32
    %dma_start3A_606 = tpu.memref_slice %arg6[%dma_start3A_594, %dma_start3A_595, %dma_start3A_604, %dma_start3A_605] : memref<5x2x64x64xf32, #tpu.memory_space<vmem>> -> memref<1x1x64x64xf32, #tpu.memory_space<vmem>>
    %dma_start3A_607 = tpu.memref_squeeze %dma_start3A_606 : memref<1x1x64x64xf32, #tpu.memory_space<vmem>> -> memref<64x64xf32, #tpu.memory_space<vmem>>
    tpu.enqueue_dma source(%dma_start3A_607 : memref<64x64xf32, #tpu.memory_space<vmem>>) target(%dma_start3A_603 : memref<64x64xf32, #tpu.memory_space<hbm>>) target_semaphore(%arg10 : memref<!tpu.dma_semaphore, #tpu.memory_space<semaphore_mem>>)
    %add3A_608 = arith.constant 194 : i32
    %add3A_609 = arith.addi %mul3A_2, %add3A_608 : i32
    %mul3A_610 = arith.constant 64 : i32
    %mul3A_611 = arith.muli %add3A_609, %mul3A_610 : i32
    %dma_start3A_612 = arith.constant 4 : i32
    %dma_start3A_613 = arith.constant 1 : i32
    %dma_start3A_614 = arith.constant 0 : i32
    %dma_start3A_615 = arith.constant 0 : i32
    %dma_start3A_616 = tpu.memref_slice %arg6[%dma_start3A_612, %dma_start3A_613, %dma_start3A_614, %dma_start3A_615] : memref<5x2x64x64xf32, #tpu.memory_space<vmem>> -> memref<1x1x64x64xf32, #tpu.memory_space<vmem>>
    %dma_start3A_617 = tpu.memref_squeeze %dma_start3A_616 : memref<1x1x64x64xf32, #tpu.memory_space<vmem>> -> memref<64x64xf32, #tpu.memory_space<vmem>>
    %dma_start3A_618 = arith.constant 64 : i32
    %dma_start3A_619 = tpu.memref_slice %arg4[%mul3A_611, %dma_start3A_618] : memref<409600x128xf32, #tpu.memory_space<hbm>> -> memref<64x64xf32, #tpu.memory_space<hbm>>
    %dma_start3A_620 = arith.constant 64 : i32
    %dma_start3A_621 = tpu.memref_slice %arg4[%mul3A_611, %dma_start3A_620] : memref<409600x128xf32, #tpu.memory_space<hbm>> -> memref<64x64xf32, #tpu.memory_space<hbm>>
    %dma_start3A_622 = arith.constant 0 : i32
    %dma_start3A_623 = arith.constant 0 : i32
    %dma_start3A_624 = tpu.memref_slice %arg6[%dma_start3A_612, %dma_start3A_613, %dma_start3A_622, %dma_start3A_623] : memref<5x2x64x64xf32, #tpu.memory_space<vmem>> -> memref<1x1x64x64xf32, #tpu.memory_space<vmem>>
    %dma_start3A_625 = tpu.memref_squeeze %dma_start3A_624 : memref<1x1x64x64xf32, #tpu.memory_space<vmem>> -> memref<64x64xf32, #tpu.memory_space<vmem>>
    tpu.enqueue_dma source(%dma_start3A_625 : memref<64x64xf32, #tpu.memory_space<vmem>>) target(%dma_start3A_621 : memref<64x64xf32, #tpu.memory_space<hbm>>) target_semaphore(%arg10 : memref<!tpu.dma_semaphore, #tpu.memory_space<semaphore_mem>>)
    %dma_wait3A_626 = arith.constant 0 : i32
    %dma_wait3A_627 = arith.constant 0 : i32
    %dma_wait3A_628 = arith.constant 0 : i32
    %dma_wait3A_629 = arith.constant 0 : i32
    %dma_wait3A_630 = tpu.memref_slice %arg7[%dma_wait3A_626, %dma_wait3A_627, %dma_wait3A_628, %dma_wait3A_629] : memref<5x2x64x64xf32, #tpu.memory_space<vmem>> -> memref<1x1x64x64xf32, #tpu.memory_space<vmem>>
    %dma_wait3A_631 = tpu.memref_squeeze %dma_wait3A_630 : memref<1x1x64x64xf32, #tpu.memory_space<vmem>> -> memref<64x64xf32, #tpu.memory_space<vmem>>
    %dma_wait3A_632 = arith.constant 0 : i32
    %dma_wait3A_633 = arith.constant 0 : i32
    %dma_wait3A_634 = tpu.memref_slice %arg3[%dma_wait3A_632, %dma_wait3A_633] : memref<1000000x64xf32, #tpu.memory_space<hbm>> -> memref<64x64xf32, #tpu.memory_space<hbm>>
    %dma_wait3A_635 = arith.constant 0 : i32
    %dma_wait3A_636 = arith.constant 0 : i32
    %dma_wait3A_637 = tpu.memref_slice %arg7[%dma_wait3A_626, %dma_wait3A_627, %dma_wait3A_635, %dma_wait3A_636] : memref<5x2x64x64xf32, #tpu.memory_space<vmem>> -> memref<1x1x64x64xf32, #tpu.memory_space<vmem>>
    %dma_wait3A_638 = tpu.memref_squeeze %dma_wait3A_637 : memref<1x1x64x64xf32, #tpu.memory_space<vmem>> -> memref<64x64xf32, #tpu.memory_space<vmem>>
    %dma_wait3A_639 = arith.constant 0 : i32
    %dma_wait3A_640 = arith.constant 0 : i32
    %dma_wait3A_641 = tpu.memref_slice %arg3[%dma_wait3A_639, %dma_wait3A_640] : memref<1000000x64xf32, #tpu.memory_space<hbm>> -> memref<64x64xf32, #tpu.memory_space<hbm>>
    tpu.wait_dma2 semaphore(%arg9 : memref<!tpu.dma_semaphore, #tpu.memory_space<semaphore_mem>>) src(%dma_wait3A_641 : memref<64x64xf32, #tpu.memory_space<hbm>>) dst(%dma_wait3A_638 : memref<64x64xf32, #tpu.memory_space<vmem>>)
    %dma_wait3A_642 = arith.constant 0 : i32
    %dma_wait3A_643 = arith.constant 1 : i32
    %dma_wait3A_644 = arith.constant 0 : i32
    %dma_wait3A_645 = arith.constant 0 : i32
    %dma_wait3A_646 = tpu.memref_slice %arg7[%dma_wait3A_642, %dma_wait3A_643, %dma_wait3A_644, %dma_wait3A_645] : memref<5x2x64x64xf32, #tpu.memory_space<vmem>> -> memref<1x1x64x64xf32, #tpu.memory_space<vmem>>
    %dma_wait3A_647 = tpu.memref_squeeze %dma_wait3A_646 : memref<1x1x64x64xf32, #tpu.memory_space<vmem>> -> memref<64x64xf32, #tpu.memory_space<vmem>>
    %dma_wait3A_648 = arith.constant 0 : i32
    %dma_wait3A_649 = arith.constant 0 : i32
    %dma_wait3A_650 = tpu.memref_slice %arg3[%dma_wait3A_648, %dma_wait3A_649] : memref<1000000x64xf32, #tpu.memory_space<hbm>> -> memref<64x64xf32, #tpu.memory_space<hbm>>
    %dma_wait3A_651 = arith.constant 0 : i32
    %dma_wait3A_652 = arith.constant 0 : i32
    %dma_wait3A_653 = tpu.memref_slice %arg7[%dma_wait3A_642, %dma_wait3A_643, %dma_wait3A_651, %dma_wait3A_652] : memref<5x2x64x64xf32, #tpu.memory_space<vmem>> -> memref<1x1x64x64xf32, #tpu.memory_space<vmem>>
    %dma_wait3A_654 = tpu.memref_squeeze %dma_wait3A_653 : memref<1x1x64x64xf32, #tpu.memory_space<vmem>> -> memref<64x64xf32, #tpu.memory_space<vmem>>
    %dma_wait3A_655 = arith.constant 0 : i32
    %dma_wait3A_656 = arith.constant 0 : i32
    %dma_wait3A_657 = tpu.memref_slice %arg3[%dma_wait3A_655, %dma_wait3A_656] : memref<1000000x64xf32, #tpu.memory_space<hbm>> -> memref<64x64xf32, #tpu.memory_space<hbm>>
    tpu.wait_dma2 semaphore(%arg9 : memref<!tpu.dma_semaphore, #tpu.memory_space<semaphore_mem>>) src(%dma_wait3A_657 : memref<64x64xf32, #tpu.memory_space<hbm>>) dst(%dma_wait3A_654 : memref<64x64xf32, #tpu.memory_space<vmem>>)
    %dma_wait3A_658 = arith.constant 1 : i32
    %dma_wait3A_659 = arith.constant 0 : i32
    %dma_wait3A_660 = arith.constant 0 : i32
    %dma_wait3A_661 = arith.constant 0 : i32
    %dma_wait3A_662 = tpu.memref_slice %arg7[%dma_wait3A_658, %dma_wait3A_659, %dma_wait3A_660, %dma_wait3A_661] : memref<5x2x64x64xf32, #tpu.memory_space<vmem>> -> memref<1x1x64x64xf32, #tpu.memory_space<vmem>>
    %dma_wait3A_663 = tpu.memref_squeeze %dma_wait3A_662 : memref<1x1x64x64xf32, #tpu.memory_space<vmem>> -> memref<64x64xf32, #tpu.memory_space<vmem>>
    %dma_wait3A_664 = arith.constant 0 : i32
    %dma_wait3A_665 = arith.constant 0 : i32
    %dma_wait3A_666 = tpu.memref_slice %arg3[%dma_wait3A_664, %dma_wait3A_665] : memref<1000000x64xf32, #tpu.memory_space<hbm>> -> memref<64x64xf32, #tpu.memory_space<hbm>>
    %dma_wait3A_667 = arith.constant 0 : i32
    %dma_wait3A_668 = arith.constant 0 : i32
    %dma_wait3A_669 = tpu.memref_slice %arg7[%dma_wait3A_658, %dma_wait3A_659, %dma_wait3A_667, %dma_wait3A_668] : memref<5x2x64x64xf32, #tpu.memory_space<vmem>> -> memref<1x1x64x64xf32, #tpu.memory_space<vmem>>
    %dma_wait3A_670 = tpu.memref_squeeze %dma_wait3A_669 : memref<1x1x64x64xf32, #tpu.memory_space<vmem>> -> memref<64x64xf32, #tpu.memory_space<vmem>>
    %dma_wait3A_671 = arith.constant 0 : i32
    %dma_wait3A_672 = arith.constant 0 : i32
    %dma_wait3A_673 = tpu.memref_slice %arg3[%dma_wait3A_671, %dma_wait3A_672] : memref<1000000x64xf32, #tpu.memory_space<hbm>> -> memref<64x64xf32, #tpu.memory_space<hbm>>
    tpu.wait_dma2 semaphore(%arg9 : memref<!tpu.dma_semaphore, #tpu.memory_space<semaphore_mem>>) src(%dma_wait3A_673 : memref<64x64xf32, #tpu.memory_space<hbm>>) dst(%dma_wait3A_670 : memref<64x64xf32, #tpu.memory_space<vmem>>)
    %dma_wait3A_674 = arith.constant 1 : i32
    %dma_wait3A_675 = arith.constant 1 : i32
    %dma_wait3A_676 = arith.constant 0 : i32
    %dma_wait3A_677 = arith.constant 0 : i32
    %dma_wait3A_678 = tpu.memref_slice %arg7[%dma_wait3A_674, %dma_wait3A_675, %dma_wait3A_676, %dma_wait3A_677] : memref<5x2x64x64xf32, #tpu.memory_space<vmem>> -> memref<1x1x64x64xf32, #tpu.memory_space<vmem>>
    %dma_wait3A_679 = tpu.memref_squeeze %dma_wait3A_678 : memref<1x1x64x64xf32, #tpu.memory_space<vmem>> -> memref<64x64xf32, #tpu.memory_space<vmem>>
    %dma_wait3A_680 = arith.constant 0 : i32
    %dma_wait3A_681 = arith.constant 0 : i32
    %dma_wait3A_682 = tpu.memref_slice %arg3[%dma_wait3A_680, %dma_wait3A_681] : memref<1000000x64xf32, #tpu.memory_space<hbm>> -> memref<64x64xf32, #tpu.memory_space<hbm>>
    %dma_wait3A_683 = arith.constant 0 : i32
    %dma_wait3A_684 = arith.constant 0 : i32
    %dma_wait3A_685 = tpu.memref_slice %arg7[%dma_wait3A_674, %dma_wait3A_675, %dma_wait3A_683, %dma_wait3A_684] : memref<5x2x64x64xf32, #tpu.memory_space<vmem>> -> memref<1x1x64x64xf32, #tpu.memory_space<vmem>>
    %dma_wait3A_686 = tpu.memref_squeeze %dma_wait3A_685 : memref<1x1x64x64xf32, #tpu.memory_space<vmem>> -> memref<64x64xf32, #tpu.memory_space<vmem>>
    %dma_wait3A_687 = arith.constant 0 : i32
    %dma_wait3A_688 = arith.constant 0 : i32
    %dma_wait3A_689 = tpu.memref_slice %arg3[%dma_wait3A_687, %dma_wait3A_688] : memref<1000000x64xf32, #tpu.memory_space<hbm>> -> memref<64x64xf32, #tpu.memory_space<hbm>>
    tpu.wait_dma2 semaphore(%arg9 : memref<!tpu.dma_semaphore, #tpu.memory_space<semaphore_mem>>) src(%dma_wait3A_689 : memref<64x64xf32, #tpu.memory_space<hbm>>) dst(%dma_wait3A_686 : memref<64x64xf32, #tpu.memory_space<vmem>>)
    %dma_wait3A_690 = arith.constant 2 : i32
    %dma_wait3A_691 = arith.constant 0 : i32
    %dma_wait3A_692 = arith.constant 0 : i32
    %dma_wait3A_693 = arith.constant 0 : i32
    %dma_wait3A_694 = tpu.memref_slice %arg7[%dma_wait3A_690, %dma_wait3A_691, %dma_wait3A_692, %dma_wait3A_693] : memref<5x2x64x64xf32, #tpu.memory_space<vmem>> -> memref<1x1x64x64xf32, #tpu.memory_space<vmem>>
    %dma_wait3A_695 = tpu.memref_squeeze %dma_wait3A_694 : memref<1x1x64x64xf32, #tpu.memory_space<vmem>> -> memref<64x64xf32, #tpu.memory_space<vmem>>
    %dma_wait3A_696 = arith.constant 0 : i32
    %dma_wait3A_697 = arith.constant 0 : i32
    %dma_wait3A_698 = tpu.memref_slice %arg3[%dma_wait3A_696, %dma_wait3A_697] : memref<1000000x64xf32, #tpu.memory_space<hbm>> -> memref<64x64xf32, #tpu.memory_space<hbm>>
    %dma_wait3A_699 = arith.constant 0 : i32
    %dma_wait3A_700 = arith.constant 0 : i32
    %dma_wait3A_701 = tpu.memref_slice %arg7[%dma_wait3A_690, %dma_wait3A_691, %dma_wait3A_699, %dma_wait3A_700] : memref<5x2x64x64xf32, #tpu.memory_space<vmem>> -> memref<1x1x64x64xf32, #tpu.memory_space<vmem>>
    %dma_wait3A_702 = tpu.memref_squeeze %dma_wait3A_701 : memref<1x1x64x64xf32, #tpu.memory_space<vmem>> -> memref<64x64xf32, #tpu.memory_space<vmem>>
    %dma_wait3A_703 = arith.constant 0 : i32
    %dma_wait3A_704 = arith.constant 0 : i32
    %dma_wait3A_705 = tpu.memref_slice %arg3[%dma_wait3A_703, %dma_wait3A_704] : memref<1000000x64xf32, #tpu.memory_space<hbm>> -> memref<64x64xf32, #tpu.memory_space<hbm>>
    tpu.wait_dma2 semaphore(%arg9 : memref<!tpu.dma_semaphore, #tpu.memory_space<semaphore_mem>>) src(%dma_wait3A_705 : memref<64x64xf32, #tpu.memory_space<hbm>>) dst(%dma_wait3A_702 : memref<64x64xf32, #tpu.memory_space<vmem>>)
    %dma_wait3A_706 = arith.constant 2 : i32
    %dma_wait3A_707 = arith.constant 1 : i32
    %dma_wait3A_708 = arith.constant 0 : i32
    %dma_wait3A_709 = arith.constant 0 : i32
    %dma_wait3A_710 = tpu.memref_slice %arg7[%dma_wait3A_706, %dma_wait3A_707, %dma_wait3A_708, %dma_wait3A_709] : memref<5x2x64x64xf32, #tpu.memory_space<vmem>> -> memref<1x1x64x64xf32, #tpu.memory_space<vmem>>
    %dma_wait3A_711 = tpu.memref_squeeze %dma_wait3A_710 : memref<1x1x64x64xf32, #tpu.memory_space<vmem>> -> memref<64x64xf32, #tpu.memory_space<vmem>>
    %dma_wait3A_712 = arith.constant 0 : i32
    %dma_wait3A_713 = arith.constant 0 : i32
    %dma_wait3A_714 = tpu.memref_slice %arg3[%dma_wait3A_712, %dma_wait3A_713] : memref<1000000x64xf32, #tpu.memory_space<hbm>> -> memref<64x64xf32, #tpu.memory_space<hbm>>
    %dma_wait3A_715 = arith.constant 0 : i32
    %dma_wait3A_716 = arith.constant 0 : i32
    %dma_wait3A_717 = tpu.memref_slice %arg7[%dma_wait3A_706, %dma_wait3A_707, %dma_wait3A_715, %dma_wait3A_716] : memref<5x2x64x64xf32, #tpu.memory_space<vmem>> -> memref<1x1x64x64xf32, #tpu.memory_space<vmem>>
    %dma_wait3A_718 = tpu.memref_squeeze %dma_wait3A_717 : memref<1x1x64x64xf32, #tpu.memory_space<vmem>> -> memref<64x64xf32, #tpu.memory_space<vmem>>
    %dma_wait3A_719 = arith.constant 0 : i32
    %dma_wait3A_720 = arith.constant 0 : i32
    %dma_wait3A_721 = tpu.memref_slice %arg3[%dma_wait3A_719, %dma_wait3A_720] : memref<1000000x64xf32, #tpu.memory_space<hbm>> -> memref<64x64xf32, #tpu.memory_space<hbm>>
    tpu.wait_dma2 semaphore(%arg9 : memref<!tpu.dma_semaphore, #tpu.memory_space<semaphore_mem>>) src(%dma_wait3A_721 : memref<64x64xf32, #tpu.memory_space<hbm>>) dst(%dma_wait3A_718 : memref<64x64xf32, #tpu.memory_space<vmem>>)
    %dma_wait3A_722 = arith.constant 3 : i32
    %dma_wait3A_723 = arith.constant 0 : i32
    %dma_wait3A_724 = arith.constant 0 : i32
    %dma_wait3A_725 = arith.constant 0 : i32
    %dma_wait3A_726 = tpu.memref_slice %arg7[%dma_wait3A_722, %dma_wait3A_723, %dma_wait3A_724, %dma_wait3A_725] : memref<5x2x64x64xf32, #tpu.memory_space<vmem>> -> memref<1x1x64x64xf32, #tpu.memory_space<vmem>>
    %dma_wait3A_727 = tpu.memref_squeeze %dma_wait3A_726 : memref<1x1x64x64xf32, #tpu.memory_space<vmem>> -> memref<64x64xf32, #tpu.memory_space<vmem>>
    %dma_wait3A_728 = arith.constant 0 : i32
    %dma_wait3A_729 = arith.constant 0 : i32
    %dma_wait3A_730 = tpu.memref_slice %arg3[%dma_wait3A_728, %dma_wait3A_729] : memref<1000000x64xf32, #tpu.memory_space<hbm>> -> memref<64x64xf32, #tpu.memory_space<hbm>>
    %dma_wait3A_731 = arith.constant 0 : i32
    %dma_wait3A_732 = arith.constant 0 : i32
    %dma_wait3A_733 = tpu.memref_slice %arg7[%dma_wait3A_722, %dma_wait3A_723, %dma_wait3A_731, %dma_wait3A_732] : memref<5x2x64x64xf32, #tpu.memory_space<vmem>> -> memref<1x1x64x64xf32, #tpu.memory_space<vmem>>
    %dma_wait3A_734 = tpu.memref_squeeze %dma_wait3A_733 : memref<1x1x64x64xf32, #tpu.memory_space<vmem>> -> memref<64x64xf32, #tpu.memory_space<vmem>>
    %dma_wait3A_735 = arith.constant 0 : i32
    %dma_wait3A_736 = arith.constant 0 : i32
    %dma_wait3A_737 = tpu.memref_slice %arg3[%dma_wait3A_735, %dma_wait3A_736] : memref<1000000x64xf32, #tpu.memory_space<hbm>> -> memref<64x64xf32, #tpu.memory_space<hbm>>
    tpu.wait_dma2 semaphore(%arg9 : memref<!tpu.dma_semaphore, #tpu.memory_space<semaphore_mem>>) src(%dma_wait3A_737 : memref<64x64xf32, #tpu.memory_space<hbm>>) dst(%dma_wait3A_734 : memref<64x64xf32, #tpu.memory_space<vmem>>)
    %dma_wait3A_738 = arith.constant 3 : i32
    %dma_wait3A_739 = arith.constant 1 : i32
    %dma_wait3A_740 = arith.constant 0 : i32
    %dma_wait3A_741 = arith.constant 0 : i32
    %dma_wait3A_742 = tpu.memref_slice %arg7[%dma_wait3A_738, %dma_wait3A_739, %dma_wait3A_740, %dma_wait3A_741] : memref<5x2x64x64xf32, #tpu.memory_space<vmem>> -> memref<1x1x64x64xf32, #tpu.memory_space<vmem>>
    %dma_wait3A_743 = tpu.memref_squeeze %dma_wait3A_742 : memref<1x1x64x64xf32, #tpu.memory_space<vmem>> -> memref<64x64xf32, #tpu.memory_space<vmem>>
    %dma_wait3A_744 = arith.constant 0 : i32
    %dma_wait3A_745 = arith.constant 0 : i32
    %dma_wait3A_746 = tpu.memref_slice %arg3[%dma_wait3A_744, %dma_wait3A_745] : memref<1000000x64xf32, #tpu.memory_space<hbm>> -> memref<64x64xf32, #tpu.memory_space<hbm>>
    %dma_wait3A_747 = arith.constant 0 : i32
    %dma_wait3A_748 = arith.constant 0 : i32
    %dma_wait3A_749 = tpu.memref_slice %arg7[%dma_wait3A_738, %dma_wait3A_739, %dma_wait3A_747, %dma_wait3A_748] : memref<5x2x64x64xf32, #tpu.memory_space<vmem>> -> memref<1x1x64x64xf32, #tpu.memory_space<vmem>>
    %dma_wait3A_750 = tpu.memref_squeeze %dma_wait3A_749 : memref<1x1x64x64xf32, #tpu.memory_space<vmem>> -> memref<64x64xf32, #tpu.memory_space<vmem>>
    %dma_wait3A_751 = arith.constant 0 : i32
    %dma_wait3A_752 = arith.constant 0 : i32
    %dma_wait3A_753 = tpu.memref_slice %arg3[%dma_wait3A_751, %dma_wait3A_752] : memref<1000000x64xf32, #tpu.memory_space<hbm>> -> memref<64x64xf32, #tpu.memory_space<hbm>>
    tpu.wait_dma2 semaphore(%arg9 : memref<!tpu.dma_semaphore, #tpu.memory_space<semaphore_mem>>) src(%dma_wait3A_753 : memref<64x64xf32, #tpu.memory_space<hbm>>) dst(%dma_wait3A_750 : memref<64x64xf32, #tpu.memory_space<vmem>>)
    %dma_wait3A_754 = arith.constant 4 : i32
    %dma_wait3A_755 = arith.constant 0 : i32
    %dma_wait3A_756 = arith.constant 0 : i32
    %dma_wait3A_757 = arith.constant 0 : i32
    %dma_wait3A_758 = tpu.memref_slice %arg7[%dma_wait3A_754, %dma_wait3A_755, %dma_wait3A_756, %dma_wait3A_757] : memref<5x2x64x64xf32, #tpu.memory_space<vmem>> -> memref<1x1x64x64xf32, #tpu.memory_space<vmem>>
    %dma_wait3A_759 = tpu.memref_squeeze %dma_wait3A_758 : memref<1x1x64x64xf32, #tpu.memory_space<vmem>> -> memref<64x64xf32, #tpu.memory_space<vmem>>
    %dma_wait3A_760 = arith.constant 0 : i32
    %dma_wait3A_761 = arith.constant 0 : i32
    %dma_wait3A_762 = tpu.memref_slice %arg3[%dma_wait3A_760, %dma_wait3A_761] : memref<1000000x64xf32, #tpu.memory_space<hbm>> -> memref<64x64xf32, #tpu.memory_space<hbm>>
    %dma_wait3A_763 = arith.constant 0 : i32
    %dma_wait3A_764 = arith.constant 0 : i32
    %dma_wait3A_765 = tpu.memref_slice %arg7[%dma_wait3A_754, %dma_wait3A_755, %dma_wait3A_763, %dma_wait3A_764] : memref<5x2x64x64xf32, #tpu.memory_space<vmem>> -> memref<1x1x64x64xf32, #tpu.memory_space<vmem>>
    %dma_wait3A_766 = tpu.memref_squeeze %dma_wait3A_765 : memref<1x1x64x64xf32, #tpu.memory_space<vmem>> -> memref<64x64xf32, #tpu.memory_space<vmem>>
    %dma_wait3A_767 = arith.constant 0 : i32
    %dma_wait3A_768 = arith.constant 0 : i32
    %dma_wait3A_769 = tpu.memref_slice %arg3[%dma_wait3A_767, %dma_wait3A_768] : memref<1000000x64xf32, #tpu.memory_space<hbm>> -> memref<64x64xf32, #tpu.memory_space<hbm>>
    tpu.wait_dma2 semaphore(%arg9 : memref<!tpu.dma_semaphore, #tpu.memory_space<semaphore_mem>>) src(%dma_wait3A_769 : memref<64x64xf32, #tpu.memory_space<hbm>>) dst(%dma_wait3A_766 : memref<64x64xf32, #tpu.memory_space<vmem>>)
    %dma_wait3A_770 = arith.constant 4 : i32
    %dma_wait3A_771 = arith.constant 1 : i32
    %dma_wait3A_772 = arith.constant 0 : i32
    %dma_wait3A_773 = arith.constant 0 : i32
    %dma_wait3A_774 = tpu.memref_slice %arg7[%dma_wait3A_770, %dma_wait3A_771, %dma_wait3A_772, %dma_wait3A_773] : memref<5x2x64x64xf32, #tpu.memory_space<vmem>> -> memref<1x1x64x64xf32, #tpu.memory_space<vmem>>
    %dma_wait3A_775 = tpu.memref_squeeze %dma_wait3A_774 : memref<1x1x64x64xf32, #tpu.memory_space<vmem>> -> memref<64x64xf32, #tpu.memory_space<vmem>>
    %dma_wait3A_776 = arith.constant 0 : i32
    %dma_wait3A_777 = arith.constant 0 : i32
    %dma_wait3A_778 = tpu.memref_slice %arg3[%dma_wait3A_776, %dma_wait3A_777] : memref<1000000x64xf32, #tpu.memory_space<hbm>> -> memref<64x64xf32, #tpu.memory_space<hbm>>
    %dma_wait3A_779 = arith.constant 0 : i32
    %dma_wait3A_780 = arith.constant 0 : i32
    %dma_wait3A_781 = tpu.memref_slice %arg7[%dma_wait3A_770, %dma_wait3A_771, %dma_wait3A_779, %dma_wait3A_780] : memref<5x2x64x64xf32, #tpu.memory_space<vmem>> -> memref<1x1x64x64xf32, #tpu.memory_space<vmem>>
    %dma_wait3A_782 = tpu.memref_squeeze %dma_wait3A_781 : memref<1x1x64x64xf32, #tpu.memory_space<vmem>> -> memref<64x64xf32, #tpu.memory_space<vmem>>
    %dma_wait3A_783 = arith.constant 0 : i32
    %dma_wait3A_784 = arith.constant 0 : i32
    %dma_wait3A_785 = tpu.memref_slice %arg3[%dma_wait3A_783, %dma_wait3A_784] : memref<1000000x64xf32, #tpu.memory_space<hbm>> -> memref<64x64xf32, #tpu.memory_space<hbm>>
    tpu.wait_dma2 semaphore(%arg9 : memref<!tpu.dma_semaphore, #tpu.memory_space<semaphore_mem>>) src(%dma_wait3A_785 : memref<64x64xf32, #tpu.memory_space<hbm>>) dst(%dma_wait3A_782 : memref<64x64xf32, #tpu.memory_space<vmem>>)
    %add3A_786 = arith.constant 195 : i32
    %add3A_787 = arith.addi %mul3A_2, %add3A_786 : i32
    %mul3A_788 = arith.constant 64 : i32
    %mul3A_789 = arith.muli %add3A_787, %mul3A_788 : i32
    %dma_start3A_790 = arith.constant 0 : i32
    %dma_start3A_791 = arith.constant 0 : i32
    %dma_start3A_792 = arith.constant 0 : i32
    %dma_start3A_793 = arith.constant 0 : i32
    %dma_start3A_794 = tpu.memref_slice %arg7[%dma_start3A_790, %dma_start3A_791, %dma_start3A_792, %dma_start3A_793] : memref<5x2x64x64xf32, #tpu.memory_space<vmem>> -> memref<1x1x64x64xf32, #tpu.memory_space<vmem>>
    %dma_start3A_795 = tpu.memref_squeeze %dma_start3A_794 : memref<1x1x64x64xf32, #tpu.memory_space<vmem>> -> memref<64x64xf32, #tpu.memory_space<vmem>>
    %dma_start3A_796 = arith.constant 0 : i32
    %dma_start3A_797 = tpu.memref_slice %arg4[%mul3A_789, %dma_start3A_796] : memref<409600x128xf32, #tpu.memory_space<hbm>> -> memref<64x64xf32, #tpu.memory_space<hbm>>
    %dma_start3A_798 = arith.constant 0 : i32
    %dma_start3A_799 = tpu.memref_slice %arg4[%mul3A_789, %dma_start3A_798] : memref<409600x128xf32, #tpu.memory_space<hbm>> -> memref<64x64xf32, #tpu.memory_space<hbm>>
    %dma_start3A_800 = arith.constant 0 : i32
    %dma_start3A_801 = arith.constant 0 : i32
    %dma_start3A_802 = tpu.memref_slice %arg7[%dma_start3A_790, %dma_start3A_791, %dma_start3A_800, %dma_start3A_801] : memref<5x2x64x64xf32, #tpu.memory_space<vmem>> -> memref<1x1x64x64xf32, #tpu.memory_space<vmem>>
    %dma_start3A_803 = tpu.memref_squeeze %dma_start3A_802 : memref<1x1x64x64xf32, #tpu.memory_space<vmem>> -> memref<64x64xf32, #tpu.memory_space<vmem>>
    tpu.enqueue_dma source(%dma_start3A_803 : memref<64x64xf32, #tpu.memory_space<vmem>>) target(%dma_start3A_799 : memref<64x64xf32, #tpu.memory_space<hbm>>) target_semaphore(%arg11 : memref<!tpu.dma_semaphore, #tpu.memory_space<semaphore_mem>>)
    %add3A_804 = arith.constant 195 : i32
    %add3A_805 = arith.addi %mul3A_2, %add3A_804 : i32
    %mul3A_806 = arith.constant 64 : i32
    %mul3A_807 = arith.muli %add3A_805, %mul3A_806 : i32
    %dma_start3A_808 = arith.constant 0 : i32
    %dma_start3A_809 = arith.constant 1 : i32
    %dma_start3A_810 = arith.constant 0 : i32
    %dma_start3A_811 = arith.constant 0 : i32
    %dma_start3A_812 = tpu.memref_slice %arg7[%dma_start3A_808, %dma_start3A_809, %dma_start3A_810, %dma_start3A_811] : memref<5x2x64x64xf32, #tpu.memory_space<vmem>> -> memref<1x1x64x64xf32, #tpu.memory_space<vmem>>
    %dma_start3A_813 = tpu.memref_squeeze %dma_start3A_812 : memref<1x1x64x64xf32, #tpu.memory_space<vmem>> -> memref<64x64xf32, #tpu.memory_space<vmem>>
    %dma_start3A_814 = arith.constant 64 : i32
    %dma_start3A_815 = tpu.memref_slice %arg4[%mul3A_807, %dma_start3A_814] : memref<409600x128xf32, #tpu.memory_space<hbm>> -> memref<64x64xf32, #tpu.memory_space<hbm>>
    %dma_start3A_816 = arith.constant 64 : i32
    %dma_start3A_817 = tpu.memref_slice %arg4[%mul3A_807, %dma_start3A_816] : memref<409600x128xf32, #tpu.memory_space<hbm>> -> memref<64x64xf32, #tpu.memory_space<hbm>>
    %dma_start3A_818 = arith.constant 0 : i32
    %dma_start3A_819 = arith.constant 0 : i32
    %dma_start3A_820 = tpu.memref_slice %arg7[%dma_start3A_808, %dma_start3A_809, %dma_start3A_818, %dma_start3A_819] : memref<5x2x64x64xf32, #tpu.memory_space<vmem>> -> memref<1x1x64x64xf32, #tpu.memory_space<vmem>>
    %dma_start3A_821 = tpu.memref_squeeze %dma_start3A_820 : memref<1x1x64x64xf32, #tpu.memory_space<vmem>> -> memref<64x64xf32, #tpu.memory_space<vmem>>
    tpu.enqueue_dma source(%dma_start3A_821 : memref<64x64xf32, #tpu.memory_space<vmem>>) target(%dma_start3A_817 : memref<64x64xf32, #tpu.memory_space<hbm>>) target_semaphore(%arg11 : memref<!tpu.dma_semaphore, #tpu.memory_space<semaphore_mem>>)
    %add3A_822 = arith.constant 196 : i32
    %add3A_823 = arith.addi %mul3A_2, %add3A_822 : i32
    %mul3A_824 = arith.constant 64 : i32
    %mul3A_825 = arith.muli %add3A_823, %mul3A_824 : i32
    %dma_start3A_826 = arith.constant 1 : i32
    %dma_start3A_827 = arith.constant 0 : i32
    %dma_start3A_828 = arith.constant 0 : i32
    %dma_start3A_829 = arith.constant 0 : i32
    %dma_start3A_830 = tpu.memref_slice %arg7[%dma_start3A_826, %dma_start3A_827, %dma_start3A_828, %dma_start3A_829] : memref<5x2x64x64xf32, #tpu.memory_space<vmem>> -> memref<1x1x64x64xf32, #tpu.memory_space<vmem>>
    %dma_start3A_831 = tpu.memref_squeeze %dma_start3A_830 : memref<1x1x64x64xf32, #tpu.memory_space<vmem>> -> memref<64x64xf32, #tpu.memory_space<vmem>>
    %dma_start3A_832 = arith.constant 0 : i32
    %dma_start3A_833 = tpu.memref_slice %arg4[%mul3A_825, %dma_start3A_832] : memref<409600x128xf32, #tpu.memory_space<hbm>> -> memref<64x64xf32, #tpu.memory_space<hbm>>
    %dma_start3A_834 = arith.constant 0 : i32
    %dma_start3A_835 = tpu.memref_slice %arg4[%mul3A_825, %dma_start3A_834] : memref<409600x128xf32, #tpu.memory_space<hbm>> -> memref<64x64xf32, #tpu.memory_space<hbm>>
    %dma_start3A_836 = arith.constant 0 : i32
    %dma_start3A_837 = arith.constant 0 : i32
    %dma_start3A_838 = tpu.memref_slice %arg7[%dma_start3A_826, %dma_start3A_827, %dma_start3A_836, %dma_start3A_837] : memref<5x2x64x64xf32, #tpu.memory_space<vmem>> -> memref<1x1x64x64xf32, #tpu.memory_space<vmem>>
    %dma_start3A_839 = tpu.memref_squeeze %dma_start3A_838 : memref<1x1x64x64xf32, #tpu.memory_space<vmem>> -> memref<64x64xf32, #tpu.memory_space<vmem>>
    tpu.enqueue_dma source(%dma_start3A_839 : memref<64x64xf32, #tpu.memory_space<vmem>>) target(%dma_start3A_835 : memref<64x64xf32, #tpu.memory_space<hbm>>) target_semaphore(%arg11 : memref<!tpu.dma_semaphore, #tpu.memory_space<semaphore_mem>>)
    %add3A_840 = arith.constant 196 : i32
    %add3A_841 = arith.addi %mul3A_2, %add3A_840 : i32
    %mul3A_842 = arith.constant 64 : i32
    %mul3A_843 = arith.muli %add3A_841, %mul3A_842 : i32
    %dma_start3A_844 = arith.constant 1 : i32
    %dma_start3A_845 = arith.constant 1 : i32
    %dma_start3A_846 = arith.constant 0 : i32
    %dma_start3A_847 = arith.constant 0 : i32
    %dma_start3A_848 = tpu.memref_slice %arg7[%dma_start3A_844, %dma_start3A_845, %dma_start3A_846, %dma_start3A_847] : memref<5x2x64x64xf32, #tpu.memory_space<vmem>> -> memref<1x1x64x64xf32, #tpu.memory_space<vmem>>
    %dma_start3A_849 = tpu.memref_squeeze %dma_start3A_848 : memref<1x1x64x64xf32, #tpu.memory_space<vmem>> -> memref<64x64xf32, #tpu.memory_space<vmem>>
    %dma_start3A_850 = arith.constant 64 : i32
    %dma_start3A_851 = tpu.memref_slice %arg4[%mul3A_843, %dma_start3A_850] : memref<409600x128xf32, #tpu.memory_space<hbm>> -> memref<64x64xf32, #tpu.memory_space<hbm>>
    %dma_start3A_852 = arith.constant 64 : i32
    %dma_start3A_853 = tpu.memref_slice %arg4[%mul3A_843, %dma_start3A_852] : memref<409600x128xf32, #tpu.memory_space<hbm>> -> memref<64x64xf32, #tpu.memory_space<hbm>>
    %dma_start3A_854 = arith.constant 0 : i32
    %dma_start3A_855 = arith.constant 0 : i32
    %dma_start3A_856 = tpu.memref_slice %arg7[%dma_start3A_844, %dma_start3A_845, %dma_start3A_854, %dma_start3A_855] : memref<5x2x64x64xf32, #tpu.memory_space<vmem>> -> memref<1x1x64x64xf32, #tpu.memory_space<vmem>>
    %dma_start3A_857 = tpu.memref_squeeze %dma_start3A_856 : memref<1x1x64x64xf32, #tpu.memory_space<vmem>> -> memref<64x64xf32, #tpu.memory_space<vmem>>
    tpu.enqueue_dma source(%dma_start3A_857 : memref<64x64xf32, #tpu.memory_space<vmem>>) target(%dma_start3A_853 : memref<64x64xf32, #tpu.memory_space<hbm>>) target_semaphore(%arg11 : memref<!tpu.dma_semaphore, #tpu.memory_space<semaphore_mem>>)
    %add3A_858 = arith.constant 197 : i32
    %add3A_859 = arith.addi %mul3A_2, %add3A_858 : i32
    %mul3A_860 = arith.constant 64 : i32
    %mul3A_861 = arith.muli %add3A_859, %mul3A_860 : i32
    %dma_start3A_862 = arith.constant 2 : i32
    %dma_start3A_863 = arith.constant 0 : i32
    %dma_start3A_864 = arith.constant 0 : i32
    %dma_start3A_865 = arith.constant 0 : i32
    %dma_start3A_866 = tpu.memref_slice %arg7[%dma_start3A_862, %dma_start3A_863, %dma_start3A_864, %dma_start3A_865] : memref<5x2x64x64xf32, #tpu.memory_space<vmem>> -> memref<1x1x64x64xf32, #tpu.memory_space<vmem>>
    %dma_start3A_867 = tpu.memref_squeeze %dma_start3A_866 : memref<1x1x64x64xf32, #tpu.memory_space<vmem>> -> memref<64x64xf32, #tpu.memory_space<vmem>>
    %dma_start3A_868 = arith.constant 0 : i32
    %dma_start3A_869 = tpu.memref_slice %arg4[%mul3A_861, %dma_start3A_868] : memref<409600x128xf32, #tpu.memory_space<hbm>> -> memref<64x64xf32, #tpu.memory_space<hbm>>
    %dma_start3A_870 = arith.constant 0 : i32
    %dma_start3A_871 = tpu.memref_slice %arg4[%mul3A_861, %dma_start3A_870] : memref<409600x128xf32, #tpu.memory_space<hbm>> -> memref<64x64xf32, #tpu.memory_space<hbm>>
    %dma_start3A_872 = arith.constant 0 : i32
    %dma_start3A_873 = arith.constant 0 : i32
    %dma_start3A_874 = tpu.memref_slice %arg7[%dma_start3A_862, %dma_start3A_863, %dma_start3A_872, %dma_start3A_873] : memref<5x2x64x64xf32, #tpu.memory_space<vmem>> -> memref<1x1x64x64xf32, #tpu.memory_space<vmem>>
    %dma_start3A_875 = tpu.memref_squeeze %dma_start3A_874 : memref<1x1x64x64xf32, #tpu.memory_space<vmem>> -> memref<64x64xf32, #tpu.memory_space<vmem>>
    tpu.enqueue_dma source(%dma_start3A_875 : memref<64x64xf32, #tpu.memory_space<vmem>>) target(%dma_start3A_871 : memref<64x64xf32, #tpu.memory_space<hbm>>) target_semaphore(%arg11 : memref<!tpu.dma_semaphore, #tpu.memory_space<semaphore_mem>>)
    %add3A_876 = arith.constant 197 : i32
    %add3A_877 = arith.addi %mul3A_2, %add3A_876 : i32
    %mul3A_878 = arith.constant 64 : i32
    %mul3A_879 = arith.muli %add3A_877, %mul3A_878 : i32
    %dma_start3A_880 = arith.constant 2 : i32
    %dma_start3A_881 = arith.constant 1 : i32
    %dma_start3A_882 = arith.constant 0 : i32
    %dma_start3A_883 = arith.constant 0 : i32
    %dma_start3A_884 = tpu.memref_slice %arg7[%dma_start3A_880, %dma_start3A_881, %dma_start3A_882, %dma_start3A_883] : memref<5x2x64x64xf32, #tpu.memory_space<vmem>> -> memref<1x1x64x64xf32, #tpu.memory_space<vmem>>
    %dma_start3A_885 = tpu.memref_squeeze %dma_start3A_884 : memref<1x1x64x64xf32, #tpu.memory_space<vmem>> -> memref<64x64xf32, #tpu.memory_space<vmem>>
    %dma_start3A_886 = arith.constant 64 : i32
    %dma_start3A_887 = tpu.memref_slice %arg4[%mul3A_879, %dma_start3A_886] : memref<409600x128xf32, #tpu.memory_space<hbm>> -> memref<64x64xf32, #tpu.memory_space<hbm>>
    %dma_start3A_888 = arith.constant 64 : i32
    %dma_start3A_889 = tpu.memref_slice %arg4[%mul3A_879, %dma_start3A_888] : memref<409600x128xf32, #tpu.memory_space<hbm>> -> memref<64x64xf32, #tpu.memory_space<hbm>>
    %dma_start3A_890 = arith.constant 0 : i32
    %dma_start3A_891 = arith.constant 0 : i32
    %dma_start3A_892 = tpu.memref_slice %arg7[%dma_start3A_880, %dma_start3A_881, %dma_start3A_890, %dma_start3A_891] : memref<5x2x64x64xf32, #tpu.memory_space<vmem>> -> memref<1x1x64x64xf32, #tpu.memory_space<vmem>>
    %dma_start3A_893 = tpu.memref_squeeze %dma_start3A_892 : memref<1x1x64x64xf32, #tpu.memory_space<vmem>> -> memref<64x64xf32, #tpu.memory_space<vmem>>
    tpu.enqueue_dma source(%dma_start3A_893 : memref<64x64xf32, #tpu.memory_space<vmem>>) target(%dma_start3A_889 : memref<64x64xf32, #tpu.memory_space<hbm>>) target_semaphore(%arg11 : memref<!tpu.dma_semaphore, #tpu.memory_space<semaphore_mem>>)
    %add3A_894 = arith.constant 198 : i32
    %add3A_895 = arith.addi %mul3A_2, %add3A_894 : i32
    %mul3A_896 = arith.constant 64 : i32
    %mul3A_897 = arith.muli %add3A_895, %mul3A_896 : i32
    %dma_start3A_898 = arith.constant 3 : i32
    %dma_start3A_899 = arith.constant 0 : i32
    %dma_start3A_900 = arith.constant 0 : i32
    %dma_start3A_901 = arith.constant 0 : i32
    %dma_start3A_902 = tpu.memref_slice %arg7[%dma_start3A_898, %dma_start3A_899, %dma_start3A_900, %dma_start3A_901] : memref<5x2x64x64xf32, #tpu.memory_space<vmem>> -> memref<1x1x64x64xf32, #tpu.memory_space<vmem>>
    %dma_start3A_903 = tpu.memref_squeeze %dma_start3A_902 : memref<1x1x64x64xf32, #tpu.memory_space<vmem>> -> memref<64x64xf32, #tpu.memory_space<vmem>>
    %dma_start3A_904 = arith.constant 0 : i32
    %dma_start3A_905 = tpu.memref_slice %arg4[%mul3A_897, %dma_start3A_904] : memref<409600x128xf32, #tpu.memory_space<hbm>> -> memref<64x64xf32, #tpu.memory_space<hbm>>
    %dma_start3A_906 = arith.constant 0 : i32
    %dma_start3A_907 = tpu.memref_slice %arg4[%mul3A_897, %dma_start3A_906] : memref<409600x128xf32, #tpu.memory_space<hbm>> -> memref<64x64xf32, #tpu.memory_space<hbm>>
    %dma_start3A_908 = arith.constant 0 : i32
    %dma_start3A_909 = arith.constant 0 : i32
    %dma_start3A_910 = tpu.memref_slice %arg7[%dma_start3A_898, %dma_start3A_899, %dma_start3A_908, %dma_start3A_909] : memref<5x2x64x64xf32, #tpu.memory_space<vmem>> -> memref<1x1x64x64xf32, #tpu.memory_space<vmem>>
    %dma_start3A_911 = tpu.memref_squeeze %dma_start3A_910 : memref<1x1x64x64xf32, #tpu.memory_space<vmem>> -> memref<64x64xf32, #tpu.memory_space<vmem>>
    tpu.enqueue_dma source(%dma_start3A_911 : memref<64x64xf32, #tpu.memory_space<vmem>>) target(%dma_start3A_907 : memref<64x64xf32, #tpu.memory_space<hbm>>) target_semaphore(%arg11 : memref<!tpu.dma_semaphore, #tpu.memory_space<semaphore_mem>>)
    %add3A_912 = arith.constant 198 : i32
    %add3A_913 = arith.addi %mul3A_2, %add3A_912 : i32
    %mul3A_914 = arith.constant 64 : i32
    %mul3A_915 = arith.muli %add3A_913, %mul3A_914 : i32
    %dma_start3A_916 = arith.constant 3 : i32
    %dma_start3A_917 = arith.constant 1 : i32
    %dma_start3A_918 = arith.constant 0 : i32
    %dma_start3A_919 = arith.constant 0 : i32
    %dma_start3A_920 = tpu.memref_slice %arg7[%dma_start3A_916, %dma_start3A_917, %dma_start3A_918, %dma_start3A_919] : memref<5x2x64x64xf32, #tpu.memory_space<vmem>> -> memref<1x1x64x64xf32, #tpu.memory_space<vmem>>
    %dma_start3A_921 = tpu.memref_squeeze %dma_start3A_920 : memref<1x1x64x64xf32, #tpu.memory_space<vmem>> -> memref<64x64xf32, #tpu.memory_space<vmem>>
    %dma_start3A_922 = arith.constant 64 : i32
    %dma_start3A_923 = tpu.memref_slice %arg4[%mul3A_915, %dma_start3A_922] : memref<409600x128xf32, #tpu.memory_space<hbm>> -> memref<64x64xf32, #tpu.memory_space<hbm>>
    %dma_start3A_924 = arith.constant 64 : i32
    %dma_start3A_925 = tpu.memref_slice %arg4[%mul3A_915, %dma_start3A_924] : memref<409600x128xf32, #tpu.memory_space<hbm>> -> memref<64x64xf32, #tpu.memory_space<hbm>>
    %dma_start3A_926 = arith.constant 0 : i32
    %dma_start3A_927 = arith.constant 0 : i32
    %dma_start3A_928 = tpu.memref_slice %arg7[%dma_start3A_916, %dma_start3A_917, %dma_start3A_926, %dma_start3A_927] : memref<5x2x64x64xf32, #tpu.memory_space<vmem>> -> memref<1x1x64x64xf32, #tpu.memory_space<vmem>>
    %dma_start3A_929 = tpu.memref_squeeze %dma_start3A_928 : memref<1x1x64x64xf32, #tpu.memory_space<vmem>> -> memref<64x64xf32, #tpu.memory_space<vmem>>
    tpu.enqueue_dma source(%dma_start3A_929 : memref<64x64xf32, #tpu.memory_space<vmem>>) target(%dma_start3A_925 : memref<64x64xf32, #tpu.memory_space<hbm>>) target_semaphore(%arg11 : memref<!tpu.dma_semaphore, #tpu.memory_space<semaphore_mem>>)
    %add3A_930 = arith.constant 199 : i32
    %add3A_931 = arith.addi %mul3A_2, %add3A_930 : i32
    %mul3A_932 = arith.constant 64 : i32
    %mul3A_933 = arith.muli %add3A_931, %mul3A_932 : i32
    %dma_start3A_934 = arith.constant 4 : i32
    %dma_start3A_935 = arith.constant 0 : i32
    %dma_start3A_936 = arith.constant 0 : i32
    %dma_start3A_937 = arith.constant 0 : i32
    %dma_start3A_938 = tpu.memref_slice %arg7[%dma_start3A_934, %dma_start3A_935, %dma_start3A_936, %dma_start3A_937] : memref<5x2x64x64xf32, #tpu.memory_space<vmem>> -> memref<1x1x64x64xf32, #tpu.memory_space<vmem>>
    %dma_start3A_939 = tpu.memref_squeeze %dma_start3A_938 : memref<1x1x64x64xf32, #tpu.memory_space<vmem>> -> memref<64x64xf32, #tpu.memory_space<vmem>>
    %dma_start3A_940 = arith.constant 0 : i32
    %dma_start3A_941 = tpu.memref_slice %arg4[%mul3A_933, %dma_start3A_940] : memref<409600x128xf32, #tpu.memory_space<hbm>> -> memref<64x64xf32, #tpu.memory_space<hbm>>
    %dma_start3A_942 = arith.constant 0 : i32
    %dma_start3A_943 = tpu.memref_slice %arg4[%mul3A_933, %dma_start3A_942] : memref<409600x128xf32, #tpu.memory_space<hbm>> -> memref<64x64xf32, #tpu.memory_space<hbm>>
    %dma_start3A_944 = arith.constant 0 : i32
    %dma_start3A_945 = arith.constant 0 : i32
    %dma_start3A_946 = tpu.memref_slice %arg7[%dma_start3A_934, %dma_start3A_935, %dma_start3A_944, %dma_start3A_945] : memref<5x2x64x64xf32, #tpu.memory_space<vmem>> -> memref<1x1x64x64xf32, #tpu.memory_space<vmem>>
    %dma_start3A_947 = tpu.memref_squeeze %dma_start3A_946 : memref<1x1x64x64xf32, #tpu.memory_space<vmem>> -> memref<64x64xf32, #tpu.memory_space<vmem>>
    tpu.enqueue_dma source(%dma_start3A_947 : memref<64x64xf32, #tpu.memory_space<vmem>>) target(%dma_start3A_943 : memref<64x64xf32, #tpu.memory_space<hbm>>) target_semaphore(%arg11 : memref<!tpu.dma_semaphore, #tpu.memory_space<semaphore_mem>>)
    %add3A_948 = arith.constant 199 : i32
    %add3A_949 = arith.addi %mul3A_2, %add3A_948 : i32
    %mul3A_950 = arith.constant 64 : i32
    %mul3A_951 = arith.muli %add3A_949, %mul3A_950 : i32
    %dma_start3A_952 = arith.constant 4 : i32
    %dma_start3A_953 = arith.constant 1 : i32
    %dma_start3A_954 = arith.constant 0 : i32
    %dma_start3A_955 = arith.constant 0 : i32
    %dma_start3A_956 = tpu.memref_slice %arg7[%dma_start3A_952, %dma_start3A_953, %dma_start3A_954, %dma_start3A_955] : memref<5x2x64x64xf32, #tpu.memory_space<vmem>> -> memref<1x1x64x64xf32, #tpu.memory_space<vmem>>
    %dma_start3A_957 = tpu.memref_squeeze %dma_start3A_956 : memref<1x1x64x64xf32, #tpu.memory_space<vmem>> -> memref<64x64xf32, #tpu.memory_space<vmem>>
    %dma_start3A_958 = arith.constant 64 : i32
    %dma_start3A_959 = tpu.memref_slice %arg4[%mul3A_951, %dma_start3A_958] : memref<409600x128xf32, #tpu.memory_space<hbm>> -> memref<64x64xf32, #tpu.memory_space<hbm>>
    %dma_start3A_960 = arith.constant 64 : i32
    %dma_start3A_961 = tpu.memref_slice %arg4[%mul3A_951, %dma_start3A_960] : memref<409600x128xf32, #tpu.memory_space<hbm>> -> memref<64x64xf32, #tpu.memory_space<hbm>>
    %dma_start3A_962 = arith.constant 0 : i32
    %dma_start3A_963 = arith.constant 0 : i32
    %dma_start3A_964 = tpu.memref_slice %arg7[%dma_start3A_952, %dma_start3A_953, %dma_start3A_962, %dma_start3A_963] : memref<5x2x64x64xf32, #tpu.memory_space<vmem>> -> memref<1x1x64x64xf32, #tpu.memory_space<vmem>>
    %dma_start3A_965 = tpu.memref_squeeze %dma_start3A_964 : memref<1x1x64x64xf32, #tpu.memory_space<vmem>> -> memref<64x64xf32, #tpu.memory_space<vmem>>
    tpu.enqueue_dma source(%dma_start3A_965 : memref<64x64xf32, #tpu.memory_space<vmem>>) target(%dma_start3A_961 : memref<64x64xf32, #tpu.memory_space<hbm>>) target_semaphore(%arg11 : memref<!tpu.dma_semaphore, #tpu.memory_space<semaphore_mem>>)
    %dma_wait3A_966 = arith.constant 0 : i32
    %dma_wait3A_967 = arith.constant 0 : i32
    %dma_wait3A_968 = arith.constant 0 : i32
    %dma_wait3A_969 = arith.constant 0 : i32
    %dma_wait3A_970 = tpu.memref_slice %arg6[%dma_wait3A_966, %dma_wait3A_967, %dma_wait3A_968, %dma_wait3A_969] : memref<5x2x64x64xf32, #tpu.memory_space<vmem>> -> memref<1x1x64x64xf32, #tpu.memory_space<vmem>>
    %dma_wait3A_971 = tpu.memref_squeeze %dma_wait3A_970 : memref<1x1x64x64xf32, #tpu.memory_space<vmem>> -> memref<64x64xf32, #tpu.memory_space<vmem>>
    %dma_wait3A_972 = arith.constant 0 : i32
    %dma_wait3A_973 = arith.constant 0 : i32
    %dma_wait3A_974 = tpu.memref_slice %arg4[%dma_wait3A_972, %dma_wait3A_973] : memref<409600x128xf32, #tpu.memory_space<hbm>> -> memref<64x64xf32, #tpu.memory_space<hbm>>
    %dma_wait3A_975 = arith.constant 0 : i32
    %dma_wait3A_976 = arith.constant 0 : i32
    %dma_wait3A_977 = tpu.memref_slice %arg4[%dma_wait3A_975, %dma_wait3A_976] : memref<409600x128xf32, #tpu.memory_space<hbm>> -> memref<64x64xf32, #tpu.memory_space<hbm>>
    %dma_wait3A_978 = arith.constant 0 : i32
    %dma_wait3A_979 = arith.constant 0 : i32
    %dma_wait3A_980 = tpu.memref_slice %arg6[%dma_wait3A_966, %dma_wait3A_967, %dma_wait3A_978, %dma_wait3A_979] : memref<5x2x64x64xf32, #tpu.memory_space<vmem>> -> memref<1x1x64x64xf32, #tpu.memory_space<vmem>>
    %dma_wait3A_981 = tpu.memref_squeeze %dma_wait3A_980 : memref<1x1x64x64xf32, #tpu.memory_space<vmem>> -> memref<64x64xf32, #tpu.memory_space<vmem>>
    tpu.wait_dma2 semaphore(%arg10 : memref<!tpu.dma_semaphore, #tpu.memory_space<semaphore_mem>>) src(%dma_wait3A_981 : memref<64x64xf32, #tpu.memory_space<vmem>>) dst(%dma_wait3A_977 : memref<64x64xf32, #tpu.memory_space<hbm>>)
    %dma_wait3A_982 = arith.constant 0 : i32
    %dma_wait3A_983 = arith.constant 1 : i32
    %dma_wait3A_984 = arith.constant 0 : i32
    %dma_wait3A_985 = arith.constant 0 : i32
    %dma_wait3A_986 = tpu.memref_slice %arg6[%dma_wait3A_982, %dma_wait3A_983, %dma_wait3A_984, %dma_wait3A_985] : memref<5x2x64x64xf32, #tpu.memory_space<vmem>> -> memref<1x1x64x64xf32, #tpu.memory_space<vmem>>
    %dma_wait3A_987 = tpu.memref_squeeze %dma_wait3A_986 : memref<1x1x64x64xf32, #tpu.memory_space<vmem>> -> memref<64x64xf32, #tpu.memory_space<vmem>>
    %dma_wait3A_988 = arith.constant 0 : i32
    %dma_wait3A_989 = arith.constant 0 : i32
    %dma_wait3A_990 = tpu.memref_slice %arg4[%dma_wait3A_988, %dma_wait3A_989] : memref<409600x128xf32, #tpu.memory_space<hbm>> -> memref<64x64xf32, #tpu.memory_space<hbm>>
    %dma_wait3A_991 = arith.constant 0 : i32
    %dma_wait3A_992 = arith.constant 0 : i32
    %dma_wait3A_993 = tpu.memref_slice %arg4[%dma_wait3A_991, %dma_wait3A_992] : memref<409600x128xf32, #tpu.memory_space<hbm>> -> memref<64x64xf32, #tpu.memory_space<hbm>>
    %dma_wait3A_994 = arith.constant 0 : i32
    %dma_wait3A_995 = arith.constant 0 : i32
    %dma_wait3A_996 = tpu.memref_slice %arg6[%dma_wait3A_982, %dma_wait3A_983, %dma_wait3A_994, %dma_wait3A_995] : memref<5x2x64x64xf32, #tpu.memory_space<vmem>> -> memref<1x1x64x64xf32, #tpu.memory_space<vmem>>
    %dma_wait3A_997 = tpu.memref_squeeze %dma_wait3A_996 : memref<1x1x64x64xf32, #tpu.memory_space<vmem>> -> memref<64x64xf32, #tpu.memory_space<vmem>>
    tpu.wait_dma2 semaphore(%arg10 : memref<!tpu.dma_semaphore, #tpu.memory_space<semaphore_mem>>) src(%dma_wait3A_997 : memref<64x64xf32, #tpu.memory_space<vmem>>) dst(%dma_wait3A_993 : memref<64x64xf32, #tpu.memory_space<hbm>>)
    %dma_wait3A_998 = arith.constant 1 : i32
    %dma_wait3A_999 = arith.constant 0 : i32
    %dma_wait3A_1000 = arith.constant 0 : i32
    %dma_wait3A_1001 = arith.constant 0 : i32
    %dma_wait3A_1002 = tpu.memref_slice %arg6[%dma_wait3A_998, %dma_wait3A_999, %dma_wait3A_1000, %dma_wait3A_1001] : memref<5x2x64x64xf32, #tpu.memory_space<vmem>> -> memref<1x1x64x64xf32, #tpu.memory_space<vmem>>
    %dma_wait3A_1003 = tpu.memref_squeeze %dma_wait3A_1002 : memref<1x1x64x64xf32, #tpu.memory_space<vmem>> -> memref<64x64xf32, #tpu.memory_space<vmem>>
    %dma_wait3A_1004 = arith.constant 0 : i32
    %dma_wait3A_1005 = arith.constant 0 : i32
    %dma_wait3A_1006 = tpu.memref_slice %arg4[%dma_wait3A_1004, %dma_wait3A_1005] : memref<409600x128xf32, #tpu.memory_space<hbm>> -> memref<64x64xf32, #tpu.memory_space<hbm>>
    %dma_wait3A_1007 = arith.constant 0 : i32
    %dma_wait3A_1008 = arith.constant 0 : i32
    %dma_wait3A_1009 = tpu.memref_slice %arg4[%dma_wait3A_1007, %dma_wait3A_1008] : memref<409600x128xf32, #tpu.memory_space<hbm>> -> memref<64x64xf32, #tpu.memory_space<hbm>>
    %dma_wait3A_1010 = arith.constant 0 : i32
    %dma_wait3A_1011 = arith.constant 0 : i32
    %dma_wait3A_1012 = tpu.memref_slice %arg6[%dma_wait3A_998, %dma_wait3A_999, %dma_wait3A_1010, %dma_wait3A_1011] : memref<5x2x64x64xf32, #tpu.memory_space<vmem>> -> memref<1x1x64x64xf32, #tpu.memory_space<vmem>>
    %dma_wait3A_1013 = tpu.memref_squeeze %dma_wait3A_1012 : memref<1x1x64x64xf32, #tpu.memory_space<vmem>> -> memref<64x64xf32, #tpu.memory_space<vmem>>
    tpu.wait_dma2 semaphore(%arg10 : memref<!tpu.dma_semaphore, #tpu.memory_space<semaphore_mem>>) src(%dma_wait3A_1013 : memref<64x64xf32, #tpu.memory_space<vmem>>) dst(%dma_wait3A_1009 : memref<64x64xf32, #tpu.memory_space<hbm>>)
    %dma_wait3A_1014 = arith.constant 1 : i32
    %dma_wait3A_1015 = arith.constant 1 : i32
    %dma_wait3A_1016 = arith.constant 0 : i32
    %dma_wait3A_1017 = arith.constant 0 : i32
    %dma_wait3A_1018 = tpu.memref_slice %arg6[%dma_wait3A_1014, %dma_wait3A_1015, %dma_wait3A_1016, %dma_wait3A_1017] : memref<5x2x64x64xf32, #tpu.memory_space<vmem>> -> memref<1x1x64x64xf32, #tpu.memory_space<vmem>>
    %dma_wait3A_1019 = tpu.memref_squeeze %dma_wait3A_1018 : memref<1x1x64x64xf32, #tpu.memory_space<vmem>> -> memref<64x64xf32, #tpu.memory_space<vmem>>
    %dma_wait3A_1020 = arith.constant 0 : i32
    %dma_wait3A_1021 = arith.constant 0 : i32
    %dma_wait3A_1022 = tpu.memref_slice %arg4[%dma_wait3A_1020, %dma_wait3A_1021] : memref<409600x128xf32, #tpu.memory_space<hbm>> -> memref<64x64xf32, #tpu.memory_space<hbm>>
    %dma_wait3A_1023 = arith.constant 0 : i32
    %dma_wait3A_1024 = arith.constant 0 : i32
    %dma_wait3A_1025 = tpu.memref_slice %arg4[%dma_wait3A_1023, %dma_wait3A_1024] : memref<409600x128xf32, #tpu.memory_space<hbm>> -> memref<64x64xf32, #tpu.memory_space<hbm>>
    %dma_wait3A_1026 = arith.constant 0 : i32
    %dma_wait3A_1027 = arith.constant 0 : i32
    %dma_wait3A_1028 = tpu.memref_slice %arg6[%dma_wait3A_1014, %dma_wait3A_1015, %dma_wait3A_1026, %dma_wait3A_1027] : memref<5x2x64x64xf32, #tpu.memory_space<vmem>> -> memref<1x1x64x64xf32, #tpu.memory_space<vmem>>
    %dma_wait3A_1029 = tpu.memref_squeeze %dma_wait3A_1028 : memref<1x1x64x64xf32, #tpu.memory_space<vmem>> -> memref<64x64xf32, #tpu.memory_space<vmem>>
    tpu.wait_dma2 semaphore(%arg10 : memref<!tpu.dma_semaphore, #tpu.memory_space<semaphore_mem>>) src(%dma_wait3A_1029 : memref<64x64xf32, #tpu.memory_space<vmem>>) dst(%dma_wait3A_1025 : memref<64x64xf32, #tpu.memory_space<hbm>>)
    %dma_wait3A_1030 = arith.constant 2 : i32
    %dma_wait3A_1031 = arith.constant 0 : i32
    %dma_wait3A_1032 = arith.constant 0 : i32
    %dma_wait3A_1033 = arith.constant 0 : i32
    %dma_wait3A_1034 = tpu.memref_slice %arg6[%dma_wait3A_1030, %dma_wait3A_1031, %dma_wait3A_1032, %dma_wait3A_1033] : memref<5x2x64x64xf32, #tpu.memory_space<vmem>> -> memref<1x1x64x64xf32, #tpu.memory_space<vmem>>
    %dma_wait3A_1035 = tpu.memref_squeeze %dma_wait3A_1034 : memref<1x1x64x64xf32, #tpu.memory_space<vmem>> -> memref<64x64xf32, #tpu.memory_space<vmem>>
    %dma_wait3A_1036 = arith.constant 0 : i32
    %dma_wait3A_1037 = arith.constant 0 : i32
    %dma_wait3A_1038 = tpu.memref_slice %arg4[%dma_wait3A_1036, %dma_wait3A_1037] : memref<409600x128xf32, #tpu.memory_space<hbm>> -> memref<64x64xf32, #tpu.memory_space<hbm>>
    %dma_wait3A_1039 = arith.constant 0 : i32
    %dma_wait3A_1040 = arith.constant 0 : i32
    %dma_wait3A_1041 = tpu.memref_slice %arg4[%dma_wait3A_1039, %dma_wait3A_1040] : memref<409600x128xf32, #tpu.memory_space<hbm>> -> memref<64x64xf32, #tpu.memory_space<hbm>>
    %dma_wait3A_1042 = arith.constant 0 : i32
    %dma_wait3A_1043 = arith.constant 0 : i32
    %dma_wait3A_1044 = tpu.memref_slice %arg6[%dma_wait3A_1030, %dma_wait3A_1031, %dma_wait3A_1042, %dma_wait3A_1043] : memref<5x2x64x64xf32, #tpu.memory_space<vmem>> -> memref<1x1x64x64xf32, #tpu.memory_space<vmem>>
    %dma_wait3A_1045 = tpu.memref_squeeze %dma_wait3A_1044 : memref<1x1x64x64xf32, #tpu.memory_space<vmem>> -> memref<64x64xf32, #tpu.memory_space<vmem>>
    tpu.wait_dma2 semaphore(%arg10 : memref<!tpu.dma_semaphore, #tpu.memory_space<semaphore_mem>>) src(%dma_wait3A_1045 : memref<64x64xf32, #tpu.memory_space<vmem>>) dst(%dma_wait3A_1041 : memref<64x64xf32, #tpu.memory_space<hbm>>)
    %dma_wait3A_1046 = arith.constant 2 : i32
    %dma_wait3A_1047 = arith.constant 1 : i32
    %dma_wait3A_1048 = arith.constant 0 : i32
    %dma_wait3A_1049 = arith.constant 0 : i32
    %dma_wait3A_1050 = tpu.memref_slice %arg6[%dma_wait3A_1046, %dma_wait3A_1047, %dma_wait3A_1048, %dma_wait3A_1049] : memref<5x2x64x64xf32, #tpu.memory_space<vmem>> -> memref<1x1x64x64xf32, #tpu.memory_space<vmem>>
    %dma_wait3A_1051 = tpu.memref_squeeze %dma_wait3A_1050 : memref<1x1x64x64xf32, #tpu.memory_space<vmem>> -> memref<64x64xf32, #tpu.memory_space<vmem>>
    %dma_wait3A_1052 = arith.constant 0 : i32
    %dma_wait3A_1053 = arith.constant 0 : i32
    %dma_wait3A_1054 = tpu.memref_slice %arg4[%dma_wait3A_1052, %dma_wait3A_1053] : memref<409600x128xf32, #tpu.memory_space<hbm>> -> memref<64x64xf32, #tpu.memory_space<hbm>>
    %dma_wait3A_1055 = arith.constant 0 : i32
    %dma_wait3A_1056 = arith.constant 0 : i32
    %dma_wait3A_1057 = tpu.memref_slice %arg4[%dma_wait3A_1055, %dma_wait3A_1056] : memref<409600x128xf32, #tpu.memory_space<hbm>> -> memref<64x64xf32, #tpu.memory_space<hbm>>
    %dma_wait3A_1058 = arith.constant 0 : i32
    %dma_wait3A_1059 = arith.constant 0 : i32
    %dma_wait3A_1060 = tpu.memref_slice %arg6[%dma_wait3A_1046, %dma_wait3A_1047, %dma_wait3A_1058, %dma_wait3A_1059] : memref<5x2x64x64xf32, #tpu.memory_space<vmem>> -> memref<1x1x64x64xf32, #tpu.memory_space<vmem>>
    %dma_wait3A_1061 = tpu.memref_squeeze %dma_wait3A_1060 : memref<1x1x64x64xf32, #tpu.memory_space<vmem>> -> memref<64x64xf32, #tpu.memory_space<vmem>>
    tpu.wait_dma2 semaphore(%arg10 : memref<!tpu.dma_semaphore, #tpu.memory_space<semaphore_mem>>) src(%dma_wait3A_1061 : memref<64x64xf32, #tpu.memory_space<vmem>>) dst(%dma_wait3A_1057 : memref<64x64xf32, #tpu.memory_space<hbm>>)
    %dma_wait3A_1062 = arith.constant 3 : i32
    %dma_wait3A_1063 = arith.constant 0 : i32
    %dma_wait3A_1064 = arith.constant 0 : i32
    %dma_wait3A_1065 = arith.constant 0 : i32
    %dma_wait3A_1066 = tpu.memref_slice %arg6[%dma_wait3A_1062, %dma_wait3A_1063, %dma_wait3A_1064, %dma_wait3A_1065] : memref<5x2x64x64xf32, #tpu.memory_space<vmem>> -> memref<1x1x64x64xf32, #tpu.memory_space<vmem>>
    %dma_wait3A_1067 = tpu.memref_squeeze %dma_wait3A_1066 : memref<1x1x64x64xf32, #tpu.memory_space<vmem>> -> memref<64x64xf32, #tpu.memory_space<vmem>>
    %dma_wait3A_1068 = arith.constant 0 : i32
    %dma_wait3A_1069 = arith.constant 0 : i32
    %dma_wait3A_1070 = tpu.memref_slice %arg4[%dma_wait3A_1068, %dma_wait3A_1069] : memref<409600x128xf32, #tpu.memory_space<hbm>> -> memref<64x64xf32, #tpu.memory_space<hbm>>
    %dma_wait3A_1071 = arith.constant 0 : i32
    %dma_wait3A_1072 = arith.constant 0 : i32
    %dma_wait3A_1073 = tpu.memref_slice %arg4[%dma_wait3A_1071, %dma_wait3A_1072] : memref<409600x128xf32, #tpu.memory_space<hbm>> -> memref<64x64xf32, #tpu.memory_space<hbm>>
    %dma_wait3A_1074 = arith.constant 0 : i32
    %dma_wait3A_1075 = arith.constant 0 : i32
    %dma_wait3A_1076 = tpu.memref_slice %arg6[%dma_wait3A_1062, %dma_wait3A_1063, %dma_wait3A_1074, %dma_wait3A_1075] : memref<5x2x64x64xf32, #tpu.memory_space<vmem>> -> memref<1x1x64x64xf32, #tpu.memory_space<vmem>>
    %dma_wait3A_1077 = tpu.memref_squeeze %dma_wait3A_1076 : memref<1x1x64x64xf32, #tpu.memory_space<vmem>> -> memref<64x64xf32, #tpu.memory_space<vmem>>
    tpu.wait_dma2 semaphore(%arg10 : memref<!tpu.dma_semaphore, #tpu.memory_space<semaphore_mem>>) src(%dma_wait3A_1077 : memref<64x64xf32, #tpu.memory_space<vmem>>) dst(%dma_wait3A_1073 : memref<64x64xf32, #tpu.memory_space<hbm>>)
    %dma_wait3A_1078 = arith.constant 3 : i32
    %dma_wait3A_1079 = arith.constant 1 : i32
    %dma_wait3A_1080 = arith.constant 0 : i32
    %dma_wait3A_1081 = arith.constant 0 : i32
    %dma_wait3A_1082 = tpu.memref_slice %arg6[%dma_wait3A_1078, %dma_wait3A_1079, %dma_wait3A_1080, %dma_wait3A_1081] : memref<5x2x64x64xf32, #tpu.memory_space<vmem>> -> memref<1x1x64x64xf32, #tpu.memory_space<vmem>>
    %dma_wait3A_1083 = tpu.memref_squeeze %dma_wait3A_1082 : memref<1x1x64x64xf32, #tpu.memory_space<vmem>> -> memref<64x64xf32, #tpu.memory_space<vmem>>
    %dma_wait3A_1084 = arith.constant 0 : i32
    %dma_wait3A_1085 = arith.constant 0 : i32
    %dma_wait3A_1086 = tpu.memref_slice %arg4[%dma_wait3A_1084, %dma_wait3A_1085] : memref<409600x128xf32, #tpu.memory_space<hbm>> -> memref<64x64xf32, #tpu.memory_space<hbm>>
    %dma_wait3A_1087 = arith.constant 0 : i32
    %dma_wait3A_1088 = arith.constant 0 : i32
    %dma_wait3A_1089 = tpu.memref_slice %arg4[%dma_wait3A_1087, %dma_wait3A_1088] : memref<409600x128xf32, #tpu.memory_space<hbm>> -> memref<64x64xf32, #tpu.memory_space<hbm>>
    %dma_wait3A_1090 = arith.constant 0 : i32
    %dma_wait3A_1091 = arith.constant 0 : i32
    %dma_wait3A_1092 = tpu.memref_slice %arg6[%dma_wait3A_1078, %dma_wait3A_1079, %dma_wait3A_1090, %dma_wait3A_1091] : memref<5x2x64x64xf32, #tpu.memory_space<vmem>> -> memref<1x1x64x64xf32, #tpu.memory_space<vmem>>
    %dma_wait3A_1093 = tpu.memref_squeeze %dma_wait3A_1092 : memref<1x1x64x64xf32, #tpu.memory_space<vmem>> -> memref<64x64xf32, #tpu.memory_space<vmem>>
    tpu.wait_dma2 semaphore(%arg10 : memref<!tpu.dma_semaphore, #tpu.memory_space<semaphore_mem>>) src(%dma_wait3A_1093 : memref<64x64xf32, #tpu.memory_space<vmem>>) dst(%dma_wait3A_1089 : memref<64x64xf32, #tpu.memory_space<hbm>>)
    %dma_wait3A_1094 = arith.constant 4 : i32
    %dma_wait3A_1095 = arith.constant 0 : i32
    %dma_wait3A_1096 = arith.constant 0 : i32
    %dma_wait3A_1097 = arith.constant 0 : i32
    %dma_wait3A_1098 = tpu.memref_slice %arg6[%dma_wait3A_1094, %dma_wait3A_1095, %dma_wait3A_1096, %dma_wait3A_1097] : memref<5x2x64x64xf32, #tpu.memory_space<vmem>> -> memref<1x1x64x64xf32, #tpu.memory_space<vmem>>
    %dma_wait3A_1099 = tpu.memref_squeeze %dma_wait3A_1098 : memref<1x1x64x64xf32, #tpu.memory_space<vmem>> -> memref<64x64xf32, #tpu.memory_space<vmem>>
    %dma_wait3A_1100 = arith.constant 0 : i32
    %dma_wait3A_1101 = arith.constant 0 : i32
    %dma_wait3A_1102 = tpu.memref_slice %arg4[%dma_wait3A_1100, %dma_wait3A_1101] : memref<409600x128xf32, #tpu.memory_space<hbm>> -> memref<64x64xf32, #tpu.memory_space<hbm>>
    %dma_wait3A_1103 = arith.constant 0 : i32
    %dma_wait3A_1104 = arith.constant 0 : i32
    %dma_wait3A_1105 = tpu.memref_slice %arg4[%dma_wait3A_1103, %dma_wait3A_1104] : memref<409600x128xf32, #tpu.memory_space<hbm>> -> memref<64x64xf32, #tpu.memory_space<hbm>>
    %dma_wait3A_1106 = arith.constant 0 : i32
    %dma_wait3A_1107 = arith.constant 0 : i32
    %dma_wait3A_1108 = tpu.memref_slice %arg6[%dma_wait3A_1094, %dma_wait3A_1095, %dma_wait3A_1106, %dma_wait3A_1107] : memref<5x2x64x64xf32, #tpu.memory_space<vmem>> -> memref<1x1x64x64xf32, #tpu.memory_space<vmem>>
    %dma_wait3A_1109 = tpu.memref_squeeze %dma_wait3A_1108 : memref<1x1x64x64xf32, #tpu.memory_space<vmem>> -> memref<64x64xf32, #tpu.memory_space<vmem>>
    tpu.wait_dma2 semaphore(%arg10 : memref<!tpu.dma_semaphore, #tpu.memory_space<semaphore_mem>>) src(%dma_wait3A_1109 : memref<64x64xf32, #tpu.memory_space<vmem>>) dst(%dma_wait3A_1105 : memref<64x64xf32, #tpu.memory_space<hbm>>)
    %dma_wait3A_1110 = arith.constant 4 : i32
    %dma_wait3A_1111 = arith.constant 1 : i32
    %dma_wait3A_1112 = arith.constant 0 : i32
    %dma_wait3A_1113 = arith.constant 0 : i32
    %dma_wait3A_1114 = tpu.memref_slice %arg6[%dma_wait3A_1110, %dma_wait3A_1111, %dma_wait3A_1112, %dma_wait3A_1113] : memref<5x2x64x64xf32, #tpu.memory_space<vmem>> -> memref<1x1x64x64xf32, #tpu.memory_space<vmem>>
    %dma_wait3A_1115 = tpu.memref_squeeze %dma_wait3A_1114 : memref<1x1x64x64xf32, #tpu.memory_space<vmem>> -> memref<64x64xf32, #tpu.memory_space<vmem>>
    %dma_wait3A_1116 = arith.constant 0 : i32
    %dma_wait3A_1117 = arith.constant 0 : i32
    %dma_wait3A_1118 = tpu.memref_slice %arg4[%dma_wait3A_1116, %dma_wait3A_1117] : memref<409600x128xf32, #tpu.memory_space<hbm>> -> memref<64x64xf32, #tpu.memory_space<hbm>>
    %dma_wait3A_1119 = arith.constant 0 : i32
    %dma_wait3A_1120 = arith.constant 0 : i32
    %dma_wait3A_1121 = tpu.memref_slice %arg4[%dma_wait3A_1119, %dma_wait3A_1120] : memref<409600x128xf32, #tpu.memory_space<hbm>> -> memref<64x64xf32, #tpu.memory_space<hbm>>
    %dma_wait3A_1122 = arith.constant 0 : i32
    %dma_wait3A_1123 = arith.constant 0 : i32
    %dma_wait3A_1124 = tpu.memref_slice %arg6[%dma_wait3A_1110, %dma_wait3A_1111, %dma_wait3A_1122, %dma_wait3A_1123] : memref<5x2x64x64xf32, #tpu.memory_space<vmem>> -> memref<1x1x64x64xf32, #tpu.memory_space<vmem>>
    %dma_wait3A_1125 = tpu.memref_squeeze %dma_wait3A_1124 : memref<1x1x64x64xf32, #tpu.memory_space<vmem>> -> memref<64x64xf32, #tpu.memory_space<vmem>>
    tpu.wait_dma2 semaphore(%arg10 : memref<!tpu.dma_semaphore, #tpu.memory_space<semaphore_mem>>) src(%dma_wait3A_1125 : memref<64x64xf32, #tpu.memory_space<vmem>>) dst(%dma_wait3A_1121 : memref<64x64xf32, #tpu.memory_space<hbm>>)
    %dma_wait3A_1126 = arith.constant 0 : i32
    %dma_wait3A_1127 = arith.constant 0 : i32
    %dma_wait3A_1128 = arith.constant 0 : i32
    %dma_wait3A_1129 = arith.constant 0 : i32
    %dma_wait3A_1130 = tpu.memref_slice %arg7[%dma_wait3A_1126, %dma_wait3A_1127, %dma_wait3A_1128, %dma_wait3A_1129] : memref<5x2x64x64xf32, #tpu.memory_space<vmem>> -> memref<1x1x64x64xf32, #tpu.memory_space<vmem>>
    %dma_wait3A_1131 = tpu.memref_squeeze %dma_wait3A_1130 : memref<1x1x64x64xf32, #tpu.memory_space<vmem>> -> memref<64x64xf32, #tpu.memory_space<vmem>>
    %dma_wait3A_1132 = arith.constant 0 : i32
    %dma_wait3A_1133 = arith.constant 0 : i32
    %dma_wait3A_1134 = tpu.memref_slice %arg4[%dma_wait3A_1132, %dma_wait3A_1133] : memref<409600x128xf32, #tpu.memory_space<hbm>> -> memref<64x64xf32, #tpu.memory_space<hbm>>
    %dma_wait3A_1135 = arith.constant 0 : i32
    %dma_wait3A_1136 = arith.constant 0 : i32
    %dma_wait3A_1137 = tpu.memref_slice %arg4[%dma_wait3A_1135, %dma_wait3A_1136] : memref<409600x128xf32, #tpu.memory_space<hbm>> -> memref<64x64xf32, #tpu.memory_space<hbm>>
    %dma_wait3A_1138 = arith.constant 0 : i32
    %dma_wait3A_1139 = arith.constant 0 : i32
    %dma_wait3A_1140 = tpu.memref_slice %arg7[%dma_wait3A_1126, %dma_wait3A_1127, %dma_wait3A_1138, %dma_wait3A_1139] : memref<5x2x64x64xf32, #tpu.memory_space<vmem>> -> memref<1x1x64x64xf32, #tpu.memory_space<vmem>>
    %dma_wait3A_1141 = tpu.memref_squeeze %dma_wait3A_1140 : memref<1x1x64x64xf32, #tpu.memory_space<vmem>> -> memref<64x64xf32, #tpu.memory_space<vmem>>
    tpu.wait_dma2 semaphore(%arg11 : memref<!tpu.dma_semaphore, #tpu.memory_space<semaphore_mem>>) src(%dma_wait3A_1141 : memref<64x64xf32, #tpu.memory_space<vmem>>) dst(%dma_wait3A_1137 : memref<64x64xf32, #tpu.memory_space<hbm>>)
    %dma_wait3A_1142 = arith.constant 0 : i32
    %dma_wait3A_1143 = arith.constant 1 : i32
    %dma_wait3A_1144 = arith.constant 0 : i32
    %dma_wait3A_1145 = arith.constant 0 : i32
    %dma_wait3A_1146 = tpu.memref_slice %arg7[%dma_wait3A_1142, %dma_wait3A_1143, %dma_wait3A_1144, %dma_wait3A_1145] : memref<5x2x64x64xf32, #tpu.memory_space<vmem>> -> memref<1x1x64x64xf32, #tpu.memory_space<vmem>>
    %dma_wait3A_1147 = tpu.memref_squeeze %dma_wait3A_1146 : memref<1x1x64x64xf32, #tpu.memory_space<vmem>> -> memref<64x64xf32, #tpu.memory_space<vmem>>
    %dma_wait3A_1148 = arith.constant 0 : i32
    %dma_wait3A_1149 = arith.constant 0 : i32
    %dma_wait3A_1150 = tpu.memref_slice %arg4[%dma_wait3A_1148, %dma_wait3A_1149] : memref<409600x128xf32, #tpu.memory_space<hbm>> -> memref<64x64xf32, #tpu.memory_space<hbm>>
    %dma_wait3A_1151 = arith.constant 0 : i32
    %dma_wait3A_1152 = arith.constant 0 : i32
    %dma_wait3A_1153 = tpu.memref_slice %arg4[%dma_wait3A_1151, %dma_wait3A_1152] : memref<409600x128xf32, #tpu.memory_space<hbm>> -> memref<64x64xf32, #tpu.memory_space<hbm>>
    %dma_wait3A_1154 = arith.constant 0 : i32
    %dma_wait3A_1155 = arith.constant 0 : i32
    %dma_wait3A_1156 = tpu.memref_slice %arg7[%dma_wait3A_1142, %dma_wait3A_1143, %dma_wait3A_1154, %dma_wait3A_1155] : memref<5x2x64x64xf32, #tpu.memory_space<vmem>> -> memref<1x1x64x64xf32, #tpu.memory_space<vmem>>
    %dma_wait3A_1157 = tpu.memref_squeeze %dma_wait3A_1156 : memref<1x1x64x64xf32, #tpu.memory_space<vmem>> -> memref<64x64xf32, #tpu.memory_space<vmem>>
    tpu.wait_dma2 semaphore(%arg11 : memref<!tpu.dma_semaphore, #tpu.memory_space<semaphore_mem>>) src(%dma_wait3A_1157 : memref<64x64xf32, #tpu.memory_space<vmem>>) dst(%dma_wait3A_1153 : memref<64x64xf32, #tpu.memory_space<hbm>>)
    %dma_wait3A_1158 = arith.constant 1 : i32
    %dma_wait3A_1159 = arith.constant 0 : i32
    %dma_wait3A_1160 = arith.constant 0 : i32
    %dma_wait3A_1161 = arith.constant 0 : i32
    %dma_wait3A_1162 = tpu.memref_slice %arg7[%dma_wait3A_1158, %dma_wait3A_1159, %dma_wait3A_1160, %dma_wait3A_1161] : memref<5x2x64x64xf32, #tpu.memory_space<vmem>> -> memref<1x1x64x64xf32, #tpu.memory_space<vmem>>
    %dma_wait3A_1163 = tpu.memref_squeeze %dma_wait3A_1162 : memref<1x1x64x64xf32, #tpu.memory_space<vmem>> -> memref<64x64xf32, #tpu.memory_space<vmem>>
    %dma_wait3A_1164 = arith.constant 0 : i32
    %dma_wait3A_1165 = arith.constant 0 : i32
    %dma_wait3A_1166 = tpu.memref_slice %arg4[%dma_wait3A_1164, %dma_wait3A_1165] : memref<409600x128xf32, #tpu.memory_space<hbm>> -> memref<64x64xf32, #tpu.memory_space<hbm>>
    %dma_wait3A_1167 = arith.constant 0 : i32
    %dma_wait3A_1168 = arith.constant 0 : i32
    %dma_wait3A_1169 = tpu.memref_slice %arg4[%dma_wait3A_1167, %dma_wait3A_1168] : memref<409600x128xf32, #tpu.memory_space<hbm>> -> memref<64x64xf32, #tpu.memory_space<hbm>>
    %dma_wait3A_1170 = arith.constant 0 : i32
    %dma_wait3A_1171 = arith.constant 0 : i32
    %dma_wait3A_1172 = tpu.memref_slice %arg7[%dma_wait3A_1158, %dma_wait3A_1159, %dma_wait3A_1170, %dma_wait3A_1171] : memref<5x2x64x64xf32, #tpu.memory_space<vmem>> -> memref<1x1x64x64xf32, #tpu.memory_space<vmem>>
    %dma_wait3A_1173 = tpu.memref_squeeze %dma_wait3A_1172 : memref<1x1x64x64xf32, #tpu.memory_space<vmem>> -> memref<64x64xf32, #tpu.memory_space<vmem>>
    tpu.wait_dma2 semaphore(%arg11 : memref<!tpu.dma_semaphore, #tpu.memory_space<semaphore_mem>>) src(%dma_wait3A_1173 : memref<64x64xf32, #tpu.memory_space<vmem>>) dst(%dma_wait3A_1169 : memref<64x64xf32, #tpu.memory_space<hbm>>)
    %dma_wait3A_1174 = arith.constant 1 : i32
    %dma_wait3A_1175 = arith.constant 1 : i32
    %dma_wait3A_1176 = arith.constant 0 : i32
    %dma_wait3A_1177 = arith.constant 0 : i32
    %dma_wait3A_1178 = tpu.memref_slice %arg7[%dma_wait3A_1174, %dma_wait3A_1175, %dma_wait3A_1176, %dma_wait3A_1177] : memref<5x2x64x64xf32, #tpu.memory_space<vmem>> -> memref<1x1x64x64xf32, #tpu.memory_space<vmem>>
    %dma_wait3A_1179 = tpu.memref_squeeze %dma_wait3A_1178 : memref<1x1x64x64xf32, #tpu.memory_space<vmem>> -> memref<64x64xf32, #tpu.memory_space<vmem>>
    %dma_wait3A_1180 = arith.constant 0 : i32
    %dma_wait3A_1181 = arith.constant 0 : i32
    %dma_wait3A_1182 = tpu.memref_slice %arg4[%dma_wait3A_1180, %dma_wait3A_1181] : memref<409600x128xf32, #tpu.memory_space<hbm>> -> memref<64x64xf32, #tpu.memory_space<hbm>>
    %dma_wait3A_1183 = arith.constant 0 : i32
    %dma_wait3A_1184 = arith.constant 0 : i32
    %dma_wait3A_1185 = tpu.memref_slice %arg4[%dma_wait3A_1183, %dma_wait3A_1184] : memref<409600x128xf32, #tpu.memory_space<hbm>> -> memref<64x64xf32, #tpu.memory_space<hbm>>
    %dma_wait3A_1186 = arith.constant 0 : i32
    %dma_wait3A_1187 = arith.constant 0 : i32
    %dma_wait3A_1188 = tpu.memref_slice %arg7[%dma_wait3A_1174, %dma_wait3A_1175, %dma_wait3A_1186, %dma_wait3A_1187] : memref<5x2x64x64xf32, #tpu.memory_space<vmem>> -> memref<1x1x64x64xf32, #tpu.memory_space<vmem>>
    %dma_wait3A_1189 = tpu.memref_squeeze %dma_wait3A_1188 : memref<1x1x64x64xf32, #tpu.memory_space<vmem>> -> memref<64x64xf32, #tpu.memory_space<vmem>>
    tpu.wait_dma2 semaphore(%arg11 : memref<!tpu.dma_semaphore, #tpu.memory_space<semaphore_mem>>) src(%dma_wait3A_1189 : memref<64x64xf32, #tpu.memory_space<vmem>>) dst(%dma_wait3A_1185 : memref<64x64xf32, #tpu.memory_space<hbm>>)
    %dma_wait3A_1190 = arith.constant 2 : i32
    %dma_wait3A_1191 = arith.constant 0 : i32
    %dma_wait3A_1192 = arith.constant 0 : i32
    %dma_wait3A_1193 = arith.constant 0 : i32
    %dma_wait3A_1194 = tpu.memref_slice %arg7[%dma_wait3A_1190, %dma_wait3A_1191, %dma_wait3A_1192, %dma_wait3A_1193] : memref<5x2x64x64xf32, #tpu.memory_space<vmem>> -> memref<1x1x64x64xf32, #tpu.memory_space<vmem>>
    %dma_wait3A_1195 = tpu.memref_squeeze %dma_wait3A_1194 : memref<1x1x64x64xf32, #tpu.memory_space<vmem>> -> memref<64x64xf32, #tpu.memory_space<vmem>>
    %dma_wait3A_1196 = arith.constant 0 : i32
    %dma_wait3A_1197 = arith.constant 0 : i32
    %dma_wait3A_1198 = tpu.memref_slice %arg4[%dma_wait3A_1196, %dma_wait3A_1197] : memref<409600x128xf32, #tpu.memory_space<hbm>> -> memref<64x64xf32, #tpu.memory_space<hbm>>
    %dma_wait3A_1199 = arith.constant 0 : i32
    %dma_wait3A_1200 = arith.constant 0 : i32
    %dma_wait3A_1201 = tpu.memref_slice %arg4[%dma_wait3A_1199, %dma_wait3A_1200] : memref<409600x128xf32, #tpu.memory_space<hbm>> -> memref<64x64xf32, #tpu.memory_space<hbm>>
    %dma_wait3A_1202 = arith.constant 0 : i32
    %dma_wait3A_1203 = arith.constant 0 : i32
    %dma_wait3A_1204 = tpu.memref_slice %arg7[%dma_wait3A_1190, %dma_wait3A_1191, %dma_wait3A_1202, %dma_wait3A_1203] : memref<5x2x64x64xf32, #tpu.memory_space<vmem>> -> memref<1x1x64x64xf32, #tpu.memory_space<vmem>>
    %dma_wait3A_1205 = tpu.memref_squeeze %dma_wait3A_1204 : memref<1x1x64x64xf32, #tpu.memory_space<vmem>> -> memref<64x64xf32, #tpu.memory_space<vmem>>
    tpu.wait_dma2 semaphore(%arg11 : memref<!tpu.dma_semaphore, #tpu.memory_space<semaphore_mem>>) src(%dma_wait3A_1205 : memref<64x64xf32, #tpu.memory_space<vmem>>) dst(%dma_wait3A_1201 : memref<64x64xf32, #tpu.memory_space<hbm>>)
    %dma_wait3A_1206 = arith.constant 2 : i32
    %dma_wait3A_1207 = arith.constant 1 : i32
    %dma_wait3A_1208 = arith.constant 0 : i32
    %dma_wait3A_1209 = arith.constant 0 : i32
    %dma_wait3A_1210 = tpu.memref_slice %arg7[%dma_wait3A_1206, %dma_wait3A_1207, %dma_wait3A_1208, %dma_wait3A_1209] : memref<5x2x64x64xf32, #tpu.memory_space<vmem>> -> memref<1x1x64x64xf32, #tpu.memory_space<vmem>>
    %dma_wait3A_1211 = tpu.memref_squeeze %dma_wait3A_1210 : memref<1x1x64x64xf32, #tpu.memory_space<vmem>> -> memref<64x64xf32, #tpu.memory_space<vmem>>
    %dma_wait3A_1212 = arith.constant 0 : i32
    %dma_wait3A_1213 = arith.constant 0 : i32
    %dma_wait3A_1214 = tpu.memref_slice %arg4[%dma_wait3A_1212, %dma_wait3A_1213] : memref<409600x128xf32, #tpu.memory_space<hbm>> -> memref<64x64xf32, #tpu.memory_space<hbm>>
    %dma_wait3A_1215 = arith.constant 0 : i32
    %dma_wait3A_1216 = arith.constant 0 : i32
    %dma_wait3A_1217 = tpu.memref_slice %arg4[%dma_wait3A_1215, %dma_wait3A_1216] : memref<409600x128xf32, #tpu.memory_space<hbm>> -> memref<64x64xf32, #tpu.memory_space<hbm>>
    %dma_wait3A_1218 = arith.constant 0 : i32
    %dma_wait3A_1219 = arith.constant 0 : i32
    %dma_wait3A_1220 = tpu.memref_slice %arg7[%dma_wait3A_1206, %dma_wait3A_1207, %dma_wait3A_1218, %dma_wait3A_1219] : memref<5x2x64x64xf32, #tpu.memory_space<vmem>> -> memref<1x1x64x64xf32, #tpu.memory_space<vmem>>
    %dma_wait3A_1221 = tpu.memref_squeeze %dma_wait3A_1220 : memref<1x1x64x64xf32, #tpu.memory_space<vmem>> -> memref<64x64xf32, #tpu.memory_space<vmem>>
    tpu.wait_dma2 semaphore(%arg11 : memref<!tpu.dma_semaphore, #tpu.memory_space<semaphore_mem>>) src(%dma_wait3A_1221 : memref<64x64xf32, #tpu.memory_space<vmem>>) dst(%dma_wait3A_1217 : memref<64x64xf32, #tpu.memory_space<hbm>>)
    %dma_wait3A_1222 = arith.constant 3 : i32
    %dma_wait3A_1223 = arith.constant 0 : i32
    %dma_wait3A_1224 = arith.constant 0 : i32
    %dma_wait3A_1225 = arith.constant 0 : i32
    %dma_wait3A_1226 = tpu.memref_slice %arg7[%dma_wait3A_1222, %dma_wait3A_1223, %dma_wait3A_1224, %dma_wait3A_1225] : memref<5x2x64x64xf32, #tpu.memory_space<vmem>> -> memref<1x1x64x64xf32, #tpu.memory_space<vmem>>
    %dma_wait3A_1227 = tpu.memref_squeeze %dma_wait3A_1226 : memref<1x1x64x64xf32, #tpu.memory_space<vmem>> -> memref<64x64xf32, #tpu.memory_space<vmem>>
    %dma_wait3A_1228 = arith.constant 0 : i32
    %dma_wait3A_1229 = arith.constant 0 : i32
    %dma_wait3A_1230 = tpu.memref_slice %arg4[%dma_wait3A_1228, %dma_wait3A_1229] : memref<409600x128xf32, #tpu.memory_space<hbm>> -> memref<64x64xf32, #tpu.memory_space<hbm>>
    %dma_wait3A_1231 = arith.constant 0 : i32
    %dma_wait3A_1232 = arith.constant 0 : i32
    %dma_wait3A_1233 = tpu.memref_slice %arg4[%dma_wait3A_1231, %dma_wait3A_1232] : memref<409600x128xf32, #tpu.memory_space<hbm>> -> memref<64x64xf32, #tpu.memory_space<hbm>>
    %dma_wait3A_1234 = arith.constant 0 : i32
    %dma_wait3A_1235 = arith.constant 0 : i32
    %dma_wait3A_1236 = tpu.memref_slice %arg7[%dma_wait3A_1222, %dma_wait3A_1223, %dma_wait3A_1234, %dma_wait3A_1235] : memref<5x2x64x64xf32, #tpu.memory_space<vmem>> -> memref<1x1x64x64xf32, #tpu.memory_space<vmem>>
    %dma_wait3A_1237 = tpu.memref_squeeze %dma_wait3A_1236 : memref<1x1x64x64xf32, #tpu.memory_space<vmem>> -> memref<64x64xf32, #tpu.memory_space<vmem>>
    tpu.wait_dma2 semaphore(%arg11 : memref<!tpu.dma_semaphore, #tpu.memory_space<semaphore_mem>>) src(%dma_wait3A_1237 : memref<64x64xf32, #tpu.memory_space<vmem>>) dst(%dma_wait3A_1233 : memref<64x64xf32, #tpu.memory_space<hbm>>)
    %dma_wait3A_1238 = arith.constant 3 : i32
    %dma_wait3A_1239 = arith.constant 1 : i32
    %dma_wait3A_1240 = arith.constant 0 : i32
    %dma_wait3A_1241 = arith.constant 0 : i32
    %dma_wait3A_1242 = tpu.memref_slice %arg7[%dma_wait3A_1238, %dma_wait3A_1239, %dma_wait3A_1240, %dma_wait3A_1241] : memref<5x2x64x64xf32, #tpu.memory_space<vmem>> -> memref<1x1x64x64xf32, #tpu.memory_space<vmem>>
    %dma_wait3A_1243 = tpu.memref_squeeze %dma_wait3A_1242 : memref<1x1x64x64xf32, #tpu.memory_space<vmem>> -> memref<64x64xf32, #tpu.memory_space<vmem>>
    %dma_wait3A_1244 = arith.constant 0 : i32
    %dma_wait3A_1245 = arith.constant 0 : i32
    %dma_wait3A_1246 = tpu.memref_slice %arg4[%dma_wait3A_1244, %dma_wait3A_1245] : memref<409600x128xf32, #tpu.memory_space<hbm>> -> memref<64x64xf32, #tpu.memory_space<hbm>>
    %dma_wait3A_1247 = arith.constant 0 : i32
    %dma_wait3A_1248 = arith.constant 0 : i32
    %dma_wait3A_1249 = tpu.memref_slice %arg4[%dma_wait3A_1247, %dma_wait3A_1248] : memref<409600x128xf32, #tpu.memory_space<hbm>> -> memref<64x64xf32, #tpu.memory_space<hbm>>
    %dma_wait3A_1250 = arith.constant 0 : i32
    %dma_wait3A_1251 = arith.constant 0 : i32
    %dma_wait3A_1252 = tpu.memref_slice %arg7[%dma_wait3A_1238, %dma_wait3A_1239, %dma_wait3A_1250, %dma_wait3A_1251] : memref<5x2x64x64xf32, #tpu.memory_space<vmem>> -> memref<1x1x64x64xf32, #tpu.memory_space<vmem>>
    %dma_wait3A_1253 = tpu.memref_squeeze %dma_wait3A_1252 : memref<1x1x64x64xf32, #tpu.memory_space<vmem>> -> memref<64x64xf32, #tpu.memory_space<vmem>>
    tpu.wait_dma2 semaphore(%arg11 : memref<!tpu.dma_semaphore, #tpu.memory_space<semaphore_mem>>) src(%dma_wait3A_1253 : memref<64x64xf32, #tpu.memory_space<vmem>>) dst(%dma_wait3A_1249 : memref<64x64xf32, #tpu.memory_space<hbm>>)
    %dma_wait3A_1254 = arith.constant 4 : i32
    %dma_wait3A_1255 = arith.constant 0 : i32
    %dma_wait3A_1256 = arith.constant 0 : i32
    %dma_wait3A_1257 = arith.constant 0 : i32
    %dma_wait3A_1258 = tpu.memref_slice %arg7[%dma_wait3A_1254, %dma_wait3A_1255, %dma_wait3A_1256, %dma_wait3A_1257] : memref<5x2x64x64xf32, #tpu.memory_space<vmem>> -> memref<1x1x64x64xf32, #tpu.memory_space<vmem>>
    %dma_wait3A_1259 = tpu.memref_squeeze %dma_wait3A_1258 : memref<1x1x64x64xf32, #tpu.memory_space<vmem>> -> memref<64x64xf32, #tpu.memory_space<vmem>>
    %dma_wait3A_1260 = arith.constant 0 : i32
    %dma_wait3A_1261 = arith.constant 0 : i32
    %dma_wait3A_1262 = tpu.memref_slice %arg4[%dma_wait3A_1260, %dma_wait3A_1261] : memref<409600x128xf32, #tpu.memory_space<hbm>> -> memref<64x64xf32, #tpu.memory_space<hbm>>
    %dma_wait3A_1263 = arith.constant 0 : i32
    %dma_wait3A_1264 = arith.constant 0 : i32
    %dma_wait3A_1265 = tpu.memref_slice %arg4[%dma_wait3A_1263, %dma_wait3A_1264] : memref<409600x128xf32, #tpu.memory_space<hbm>> -> memref<64x64xf32, #tpu.memory_space<hbm>>
    %dma_wait3A_1266 = arith.constant 0 : i32
    %dma_wait3A_1267 = arith.constant 0 : i32
    %dma_wait3A_1268 = tpu.memref_slice %arg7[%dma_wait3A_1254, %dma_wait3A_1255, %dma_wait3A_1266, %dma_wait3A_1267] : memref<5x2x64x64xf32, #tpu.memory_space<vmem>> -> memref<1x1x64x64xf32, #tpu.memory_space<vmem>>
    %dma_wait3A_1269 = tpu.memref_squeeze %dma_wait3A_1268 : memref<1x1x64x64xf32, #tpu.memory_space<vmem>> -> memref<64x64xf32, #tpu.memory_space<vmem>>
    tpu.wait_dma2 semaphore(%arg11 : memref<!tpu.dma_semaphore, #tpu.memory_space<semaphore_mem>>) src(%dma_wait3A_1269 : memref<64x64xf32, #tpu.memory_space<vmem>>) dst(%dma_wait3A_1265 : memref<64x64xf32, #tpu.memory_space<hbm>>)
    %dma_wait3A_1270 = arith.constant 4 : i32
    %dma_wait3A_1271 = arith.constant 1 : i32
    %dma_wait3A_1272 = arith.constant 0 : i32
    %dma_wait3A_1273 = arith.constant 0 : i32
    %dma_wait3A_1274 = tpu.memref_slice %arg7[%dma_wait3A_1270, %dma_wait3A_1271, %dma_wait3A_1272, %dma_wait3A_1273] : memref<5x2x64x64xf32, #tpu.memory_space<vmem>> -> memref<1x1x64x64xf32, #tpu.memory_space<vmem>>
    %dma_wait3A_1275 = tpu.memref_squeeze %dma_wait3A_1274 : memref<1x1x64x64xf32, #tpu.memory_space<vmem>> -> memref<64x64xf32, #tpu.memory_space<vmem>>
    %dma_wait3A_1276 = arith.constant 0 : i32
    %dma_wait3A_1277 = arith.constant 0 : i32
    %dma_wait3A_1278 = tpu.memref_slice %arg4[%dma_wait3A_1276, %dma_wait3A_1277] : memref<409600x128xf32, #tpu.memory_space<hbm>> -> memref<64x64xf32, #tpu.memory_space<hbm>>
    %dma_wait3A_1279 = arith.constant 0 : i32
    %dma_wait3A_1280 = arith.constant 0 : i32
    %dma_wait3A_1281 = tpu.memref_slice %arg4[%dma_wait3A_1279, %dma_wait3A_1280] : memref<409600x128xf32, #tpu.memory_space<hbm>> -> memref<64x64xf32, #tpu.memory_space<hbm>>
    %dma_wait3A_1282 = arith.constant 0 : i32
    %dma_wait3A_1283 = arith.constant 0 : i32
    %dma_wait3A_1284 = tpu.memref_slice %arg7[%dma_wait3A_1270, %dma_wait3A_1271, %dma_wait3A_1282, %dma_wait3A_1283] : memref<5x2x64x64xf32, #tpu.memory_space<vmem>> -> memref<1x1x64x64xf32, #tpu.memory_space<vmem>>
    %dma_wait3A_1285 = tpu.memref_squeeze %dma_wait3A_1284 : memref<1x1x64x64xf32, #tpu.memory_space<vmem>> -> memref<64x64xf32, #tpu.memory_space<vmem>>
    tpu.wait_dma2 semaphore(%arg11 : memref<!tpu.dma_semaphore, #tpu.memory_space<semaphore_mem>>) src(%dma_wait3A_1285 : memref<64x64xf32, #tpu.memory_space<vmem>>) dst(%dma_wait3A_1281 : memref<64x64xf32, #tpu.memory_space<hbm>>)
    return
  }
}

</mosaic_0001>

<sc_bundles>
// kernel: kernel.3.cloned.1.call-start
scs
__scs_entry_jumppad:
0x0: {  	(pc) =	sbr.rel $0x88, $3  }
0x1: {  	(tag) =	ssettag $0x0;
	lr =	simm.s32 $0x1  }
0x2: {  	[smem:$0x3F9F] =	sst lr;
	_ =	strace $0xD0000000  }
0x3: {  	_ = 	snop  }
0x4: {  	_ = 	snop  }
0x5: {  	_ = 	snop  }
0x6: {  	_ = 	snop  }
0x7: {  	_ = 	snop  }
__scs_overlays_trampoline_lowered:
0x8: {  	[smem:$0x3FAE] =	sst s0  }
0x9: {  	[smem:$0x3FAF] =	sst s1  }
0xa: {  	[smem:$0x3FB0] =	sst s2  }
0xb: {  	[smem:$0x3FB1] =	sst s3  }
0xc: {  	[smem:$0x3FB2] =	sst s4  }
0xd: {  	[smem:$0x3FB3] =	sst s5  }
0xe: {  	[smem:$0x3FB4] =	sst s6  }
0xf: {  	[smem:$0x3FB5] =	sst s7  }
0x10: {  	[smem:$0x3FB6] =	sst s8  }
0x11: {  	[smem:$0x3FB7] =	sst s9;
	s0 =	simm.s32 @!p0 $0x0  }
0x12: {  	s1 =	sld [smem:$0x3F9D];
	s0 =	simm.s32 @p0 $0x1  }
0x13: {  	[smem:$0x3FB8] =	sst s0;
	s0 =	simm.s32 @!p1 $0x0  }
0x14: {  	s2 =	sld [smem:$0x3F9C];
	s0 =	simm.s32 @p1 $0x1  }
0x15: {  	[smem:$0x3FB9] =	sst s0;
	s0 =	simm.s32 @!p2 $0x0  }
0x16: {  	s3 =	sld [smem:$0x3FDB];
	s0 =	simm.s32 @p2 $0x1  }
0x17: {  	s4 =	simm.s32 $0x1BF5;
	[smem:$0x3FBB] =	sst s0  }
0x18: {  	s0 =	sld [smem:$0x3F9E];
	_ =	swait.ge [sflag:s4], $0x0  }
0x19: {  	s7 =	sld [smem:$0x3F9F]  }
0x1a: {  	s8 =	sadd.s32 $0xFFFFE003, lr  }
0x1b: {  	s9 =	sadd.s32 $0xFFFFFEF7, lr;
	s5 =	simm.s32 $0xFFFFFFFF;
	p2 =	slt.u32 s8, $0xFFFFF086  }
0x1c: {  	p1 =	slt.u32 s9, $0xF7A;
	s5 =	simm.s32 @!p2 $0x0  }
0x1d: {  	s5 =	simm.s32 @p1 $0x1;
	p0 =	seq.s32 s7, s2  }
0x1e: {  	s7 =	smul.u32 @!p0 $0xF7A, s2;
	p2 =	seq.s32 @!p0 s5, $0x0  }
0x1f: {  	s9 =	smul.u32 $0xF7A, s1;
	s8 =	simm.s32 @!p0 $0x1BF5;
	p2 =	por !p2, p0  }
0x20: {  	[sflag:s8] =	ssyncset.s32 @!p0 $0xFFFFF086;
	s6 =	sadd.s32 @!p0 s3, s7;
	s7 =	simm.s32 @!p0 $0x108  }
0x21: {  	s3 =	sadd.s32 s3, s9;
	s6 =	sadd.s32 @!p0 $0x88, s6;
	s7 =	simm.s32 @p2 $0x1082  }
0x22: {  	[simem:s7], [sflag:s8] =	dma.local @!p0 [hbm:s6], $0xF7A  }
0x23: {  	s9 =	sor.u32 $0xD0000000, s2;
	s6 =	simm.s32 $0x108;
	_ =	swait.ge @!p0 [sflag:s8], $0x0  }
0x24: {  	s3 =	sadd.s32 $0x88, s3;
	s6 =	simm.s32 @!p1 $0x1082;
	[sflag:s4] =	ssyncset.s32 $0xFFFFF086  }
0x25: {  	[simem:s6], [sflag:s4] =	dma.local [hbm:s3], $0xF7A  }
0x26: {  	[smem:$0x3F9F] =	sst s1;
	(tag) =	ssettag s2;
	_ =	strace s9  }
0x27: {  	s1 =	sld [smem:$0x3FAF]  }
0x28: {  	s2 =	sld [smem:$0x3FB0]  }
0x29: {  	s4 =	sld [smem:$0x3FB2]  }
0x2a: {  	p0 =	seq.s32 s5, $0x0;
	s5 =	sld [smem:$0x3FB3]  }
0x2b: {  	s6 =	sld [smem:$0x3FB4]  }
0x2c: {  	s7 =	sld [smem:$0x3FB5]  }
0x2d: {  	s3 =	simm.s32 $0x108;
	s8 =	sld [smem:$0x3FB6]  }
0x2e: {  	s3 =	simm.s32 @!p0 $0x1082;
	s9 =	sld [smem:$0x3FB7]  }
0x2f: {  	lr =	sadd.s32 s0, s3;
	s0 =	sld [smem:$0x3FAE]  }
0x30: {  	s3 =	sld [smem:$0x3FB1]  }
0x31: {  	[smem:$0x3FBA] =	sst s10  }
0x32: {  	s10 =	sld [smem:$0x3FB8];
	_ =	sdelay $0x3  }
0x33: {  	p0 =	seq.s32 s10, $0x1;
	s10 =	sld [smem:$0x3FBA];
	_ =	sdelay $0x3  }
0x34: {  	[smem:$0x3FBA] =	sst s10  }
0x35: {  	s10 =	sld [smem:$0x3FB9];
	_ =	sdelay $0x3  }
0x36: {  	p1 =	seq.s32 s10, $0x1;
	s10 =	sld [smem:$0x3FBA];
	_ =	sdelay $0x3  }
0x37: {  	[smem:$0x3FBA] =	sst s10  }
0x38: {  	s10 =	sld [smem:$0x3FBB]  }
0x39: {  	_ = 	snop;
	(pc) =	sbr.ind lr, $3  }
0x3a: {  	_ = 	snop  }
0x3b: {  	_ = 	snop  }
0x3c: {  	p2 =	seq.s32 s10, $0x1;
	s10 =	sld [smem:$0x3FBA]  }
0x3d: {  	_ =	shalt  }
0x3e: {  	_ =	shalt  }
0x3f: {  	_ =	shalt  }
0x40: {  	_ =	shalt  }
0x41: {  	_ =	shalt  }
0x42: {  	_ =	shalt  }
0x43: {  	_ =	shalt  }
0x44: {  	_ =	shalt  }
0x45: {  	_ =	shalt  }
0x46: {  	_ =	shalt  }
0x47: {  	_ =	shalt  }
0x48: {  	_ =	shalt  }
0x49: {  	_ =	shalt  }
0x4a: {  	_ =	shalt  }
0x4b: {  	_ =	shalt  }
0x4c: {  	_ =	shalt  }
0x4d: {  	_ =	shalt  }
0x4e: {  	_ =	shalt  }
0x4f: {  	_ =	shalt  }
0x50: {  	_ =	shalt  }
0x51: {  	_ =	shalt  }
0x52: {  	_ =	shalt  }
0x53: {  	_ =	shalt  }
0x54: {  	_ =	shalt  }
0x55: {  	_ =	shalt  }
0x56: {  	_ =	shalt  }
0x57: {  	_ =	shalt  }
0x58: {  	_ =	shalt  }
0x59: {  	_ =	shalt  }
0x5a: {  	_ =	shalt  }
0x5b: {  	_ =	shalt  }
0x5c: {  	_ =	shalt  }
0x5d: {  	_ =	shalt  }
0x5e: {  	_ =	shalt  }
0x5f: {  	_ =	shalt  }
0x60: {  	_ =	shalt  }
0x61: {  	_ =	shalt  }
0x62: {  	_ =	shalt  }
0x63: {  	_ =	shalt  }
0x64: {  	_ =	shalt  }
0x65: {  	_ =	shalt  }
0x66: {  	_ =	shalt  }
0x67: {  	_ =	shalt  }
0x68: {  	_ =	shalt  }
0x69: {  	_ =	shalt  }
0x6a: {  	_ =	shalt  }
0x6b: {  	_ =	shalt  }
0x6c: {  	_ =	shalt  }
0x6d: {  	_ =	shalt  }
0x6e: {  	_ =	shalt  }
0x6f: {  	_ =	shalt  }
0x70: {  	_ =	shalt  }
0x71: {  	_ =	shalt  }
0x72: {  	_ =	shalt  }
0x73: {  	_ =	shalt  }
0x74: {  	_ =	shalt  }
0x75: {  	_ =	shalt  }
0x76: {  	_ =	shalt  }
0x77: {  	_ =	shalt  }
0x78: {  	_ =	shalt  }
0x79: {  	_ =	shalt  }
0x7a: {  	_ =	shalt  }
0x7b: {  	_ =	shalt  }
0x7c: {  	_ =	shalt  }
0x7d: {  	_ =	shalt  }
0x7e: {  	_ =	shalt  }
0x7f: {  	_ =	shalt  }
0x80: {  	_ =	shalt  }
0x81: {  	_ =	shalt  }
0x82: {  	_ =	shalt  }
0x83: {  	_ =	shalt  }
0x84: {  	_ =	shalt  }
0x85: {  	_ =	shalt  }
0x86: {  	_ =	shalt  }
0x87: {  	_ =	shalt  }
.Lfunc_end0:
.L_simem_size_0:
called_computation.1_lowered:
.L_overlay_start_0:
0x88: {  	s2 =	sld [smem:$0x3FD9]  }
0x89: {  	s3 =	sld [smem:$0x3FFE];
	_ =	sdelay $0x1  }
0x8a: {  	s1 =	srdreg.scid  }
0x8b: {  	s0 =	sand.u32 $0x1, s1  }
0x8c: {  	s17 =	sshll.u32 s0, $0xA;
	s2 =	sadd.s32 s3, s2  }
0x8d: {  	s2 =	sadd.s32 s2, s17  }
0x8e: {  	[smem:$0x3FC6] =	sst s2  }
0x8f: {  	_ = 	snop  }
0x90: {  	s2 =	sld [smem:$0x3FD0];
	(tm) =	ssettm $0x1  }
0x91: {  	s18 =	sld [smem:$0x3FFB];
	_ =	sdelay $0x3  }
0x92: {  	_ =	strace s18  }
0x93: {  	s3 =	sld [smem:$0x3FFC];
	_ =	sdelay $0x3  }
0x94: {  	_ =	strace s3  }
0x95: {  	s3 =	sld [smem:$0x3FFD];
	_ =	sdelay $0x3  }
0x96: {  	_ =	strace s3  }
0x97: {  	_ =	strace $0x8FFFFFFF  }
0x98: {  	s19 =	sld [smem:$0x3FDB];
	_ =	sdelay $0x1  }
0x99: {  	s4 =	simm.s32 $_scs_section_size  }
0x9a: {  	s5 =	simm.s32 $_size__tile_overlayer_lowered;
	s6 =	simm.s32 $_tile_overlayer_lowered  }
0x9b: {  	s22 =	simm.s32 $0x1BFF;
	s21 =	sshll.u32 s6, $0x1;
	s3 =	sadd.s32 s4, s19  }
0x9c: {  	s7 =	simm.s32 $0x0;
	s20 =	sshll.u32 s5, $0x1;
	s5 =	sadd.s32 s21, s3  }
0x9d: {  	[timem:s7], [sflag:s22] =	dma.local [hbm:s5], s20  }
0x9e: {  	_ =	swait.ge [sflag:s22], s20  }
0x9f: {  	s4 =	ssub.s32 $0x0, s20;
	[sflag:s22] =	ssyncset.done $0x0  }
0xa0: {  	[sflag:s22] =	ssyncadd.s32 s4;
	_ =	sdelay $0x1  }
0xa1: {  	s23 =	simm.s32 $0x1B8B  }
0xa2: {  	_ =	swait.ge [sflag:s23], $0x1  }
0xa3: {  	[sflag:s23] =	ssyncset.done $0x0  }
0xa4: {  	s25 =	simm.s32 $0x1B8E;
	s24 =	sld [smem:$0x3FFE];
	[sflag:s23] =	ssyncadd.s32 $0xFFFFFFFF  }
0xa5: {  	s26 =	simm.s32 $execute0_lowered;
	[smem:$0x3FD2] =	sst s25  }
0xa6: {  	s5 =	sshll.u32 s26, $0x1;
	_ =	strace $0x80000046;
	[dreg:$0x1] =	wrdreg $0xFFFFFFFF  }
0xa7: {  	s28 =	simm.s32 $_size_execute0_lowered;
	s3 =	sadd.s32 s3, s5;
	[dreg:$0x0] =	wrdreg $0x0  }
0xa8: {  	s5 =	sshll.u32 s28, $0x1;
	[dreg:$0x2] =	wrdreg s3  }
0xa9: {  	[dreg:$0x3] =	wrdreg s5  }
0xaa: {  	[dreg:$0x4] =	wrdreg $0xC0  }
0xab: {  	_ =	task [dreg:s7], $0x5FFFF  }
0xac: {  	[dreg:$0x1] =	wrdreg $0xFFFFFFFF  }
0xad: {  	[dreg:$0x0] =	wrdreg $0x60  }
0xae: {  	[dreg:$0x2] =	wrdreg s24  }
0xaf: {  	[dreg:$0x3] =	wrdreg s2  }
0xb0: {  	[dreg:$0x4] =	wrdreg $0x9  }
0xb1: {  	_ =	task.clear_ibuf [dreg:s7], $0x5FFFF;
	_ =	strace $0x90000046  }
0xb2: {  	s29 =	simm.s32 $0x9;
	_ =	strace $0x80000048  }
0xb3: {  	_ =	swait.ge [sflag:s29], $0x1  }
0xb4: {  	[sflag:s29] =	ssyncadd.s32 $0xFFFFFFFF  }
0xb5: {  	_ =	strace $0x90000048  }
0xb6: {  	_ =	sfence  }
0xb7: {  	s30 =	sld [smem:$0x0];
	_ =	sdelay $0x2  }
0xb8: {  	s31 =	sshll.u32 s1, $0xD;
	s1 =	sshrl.u32 s1, $0x2  }
0xb9: {  	s3 =	sand.u32 $0x4000, s31;
	s1 =	sadd.s32 s1, s30  }
0xba: {  	s0 =	sor.u32 s3, s0;
	s1 =	sshll.u32 s1, $0x11  }
0xbb: {  	s0 =	sor.u32 s1, s0  }
0xbc: {  	s0 =	sadd.s32 $0x8F2B, s0  }
0xbd: {  	[sflag:s0] =	ssyncadd.remote.s32 $0x1  }
0xbe: {  	_ =	sfence.sel $0xFFFF  }
0xbf: {  	[dreg:$0x0] =	wrdreg $0xFFFFFFFF;
	(pc) =	sbr.abs _section_cstart, $3  }
0xc0: {  	[dreg:$0x1] =	wrdreg $0xFFFFFFFF  }
0xc1: {  	_ =	task.clear_ibuf [dreg:s7], $0x2FFFF;
	_ =	strace $0x9FFFFFFF  }
0xc2: {  	(tm) =	ssettm $0x7FFFFFFF  }
0xc3: {  	_ =	shalt  }
tec
execute0_lowered:
.L_overlay_start_1:
0x0: {  	(tag) =	ssettag $0x1  }
0x1: {  	s0 =	srdreg.scid;
	s8 =	stileid.u32  }
0x2: {  	s0 =	sand.u32 $0x1, s0;
	s2 =	sshll.u32 s8, $0x1  }
0x3: {  	s2 =	sor.u32 s0, s2  }
0x4: {  	s1 =	rddreg [dreg:$0x0];
	s5 =	simm.s32 $0x0;
	s3 =	smul.u32 $0xC80, s2  }
0x5: {  	[smem:$0x7FF] =	sst s5;
	s2 =	smul.u32 $0x190000, s2  }
0x6: {  	s4 =	rddreg [dreg:$0x1];
	_ =	strace $0x80000047;
	s28 =	ssub.s32 $0x2, s0  }
0x7: {  	s7 =	sshrl.u32 s28, $0x1;
	s6 =	sadd.s32 s3, s1;
	s2 =	sshrl.u32 s2, $0x3  }
0x8: {  	s3 =	sadd.s32 $0xF42E00, s1;
	s1 =	ssub.s32 s28, s7;
	s6 =	sadd.s32 $0xA00, s6  }
0x9: {  	s2 =	sadd.s32 s4, s2;
	s1 =	smax.u32 s1, $0x1;
	[dreg:$0x3] =	wrdreg s6  }
0xa: {  	s7 =	sadd.s32 $0x2F800, s2;
	[dreg:$0x18] =	wrdreg s1  }
0xb: {  	s9 =	sadd.s32 $0x2F808, s2;
	[dreg:$0x4] =	wrdreg s7  }
0xc: {  	s10 =	sadd.s32 $0x2FC00, s2;
	[dreg:$0x5] =	wrdreg s9  }
0xd: {  	s11 =	sadd.s32 $0x2FC08, s2;
	[dreg:$0x6] =	wrdreg s10  }
0xe: {  	s12 =	sadd.s32 $0x30000, s2;
	[dreg:$0x7] =	wrdreg s11  }
0xf: {  	s13 =	sadd.s32 $0x30008, s2;
	[dreg:$0x8] =	wrdreg s12  }
0x10: {  	s14 =	sadd.s32 $0x30400, s2;
	[dreg:$0x9] =	wrdreg s13  }
0x11: {  	s29 =	simm.s32 $0x40;
	s15 =	sadd.s32 $0x30408, s2;
	[dreg:$0xa] =	wrdreg s14  }
0x12: {  	s30 =	simm.s32 $0x6400;
	s16 =	sadd.s32 $0x30800, s2;
	[dreg:$0xb] =	wrdreg s15  }
0x13: {  	s31 =	simm.s32 $0x7400;
	s17 =	sadd.s32 $0x30808, s2;
	[dreg:$0xc] =	wrdreg s16  }
0x14: {  	s21 =	smul.u32 $0x64000, s8;
	s18 =	sadd.s32 $0x30C00, s2;
	[dreg:$0xd] =	wrdreg s17  }
0x15: {  	s5 =	simm.s32 $0xB400;
	s19 =	sadd.s32 $0x30C08, s2;
	[dreg:$0xe] =	wrdreg s18  }
0x16: {  	s8 =	simm.s32 $0xE400;
	s20 =	sadd.s32 $0x31000, s2;
	[dreg:$0xf] =	wrdreg s19  }
0x17: {  	s0 =	smul.u32 $0x32000, s0;
	s22 =	sadd.s32 $0x31008, s2;
	[dreg:$0x10] =	wrdreg s20  }
0x18: {  	s4 =	sadd.s32 s21, s4;
	s23 =	sadd.s32 $0x31400, s2;
	[dreg:$0x11] =	wrdreg s22  }
0x19: {  	s21 =	simm.s32 $0x2;
	s24 =	sadd.s32 $0x31408, s2;
	[dreg:$0x12] =	wrdreg s23  }
0x1a: {  	s25 =	sadd.s32 $0x31800, s2;
	s0 =	sadd.s32 s0, s4;
	[dreg:$0x13] =	wrdreg s24  }
0x1b: {  	s26 =	sadd.s32 $0x31808, s2;
	s28 =	sadd.s32 $0x31C00, s2;
	[dreg:$0x14] =	wrdreg s25  }
0x1c: {  	s2 =	sadd.s32 $0x31C08, s2;
	s1 =	simm.s32 $0x80;
	[dreg:$0x15] =	wrdreg s26  }
0x1d: {  	s4 =	simm.s32 $0xA400;
	s6 =	simm.s32 $0xC400;
	[dreg:$0x16] =	wrdreg s28  }
0x1e: {  	[dreg:$0x17] =	wrdreg s2;
	s0 =	sadd.s32 $0x2408, s0;
	s2 =	simm.s32 $0x9400  }
0x1f: {  	s7 =	simm.s32 $0xD400;
	s9 =	simm.s32 $0xF400;
	s10 =	simm.s32 $0x10400  }
0x20: {  	s11 =	simm.s32 $0x11400;
	s12 =	simm.s32 $0x12400;
	s13 =	simm.s32 $0x13400  }
0x21: {  	s14 =	simm.s32 $0x14400;
	s15 =	simm.s32 $0x15400;
	s16 =	simm.s32 $0x16400  }
0x22: {  	s17 =	simm.s32 $0x17400;
	s18 =	simm.s32 $0x18400;
	s19 =	simm.s32 $0x19400  }
0x23: {  	s20 =	simm.s32 $0x1;
	s22 =	simm.s32 $0x3;
	s23 =	simm.s32 $0x4  }
0x24: {  	s25 =	simm.s32 $0x0;
	[dreg:$0x19] =	wrdreg s0;
	s0 =	simm.s32 $0x8400  }
.LBB2_1:
0x25: {  	s24 =	simm.s32 $0x0;
	s26 =	rddreg [dreg:$0x3]  }
0x26: {  	[tilespmem:s24], [sflag:$0x5] =	stream.linear.gather [hbm4b:s26+s24], $0x6400, $0x38;
	[tilespmem:$0x1A400] =	vst v63  }
0x27: {  	[dreg:$0x1a] =	wrdreg s25;
	s26 =	simm.s32 $0x5  }
0x28: {  	_ =	swait.ge [sflag:s26], $0x6400  }
0x29: {  	[sflag:s26] =	ssyncset.done $0x0  }
0x2a: {  	[sflag:s26] =	ssyncadd.s32 $0xFFFF9C00  }
0x2b: {  	[tilespmem:s30], [sflag:$0x1] =	stream.indirect.gather [hbm4b:s3+s29], $0x40, s24, s29, $0xb8;
	[tilespmem:$0x1A400] =	vst v63  }
0x2c: {  	_ = 	snop  }
0x2d: {  	[tilespmem:s31], [sflag:$0x1] =	stream.indirect.gather [hbm4b:s3+s29], $0x40, s29, s29, $0xb8;
	[tilespmem:$0x1A400] =	vst v63  }
0x2e: {  	_ = 	snop  }
0x2f: {  	[tilespmem:s0], [sflag:$0x1] =	stream.indirect.gather [hbm4b:s3+s29], $0x40, s1, s29, $0xb8;
	[tilespmem:$0x1A400] =	vst v63  }
0x30: {  	s26 =	simm.s32 $0xC0  }
0x31: {  	[tilespmem:s2], [sflag:$0x1] =	stream.indirect.gather [hbm4b:s3+s29], $0x40, s26, s29, $0xb8;
	[tilespmem:$0x1A400] =	vst v63  }
0x32: {  	s25 =	simm.s32 $0x100  }
0x33: {  	[tilespmem:s4], [sflag:$0x1] =	stream.indirect.gather [hbm4b:s3+s29], $0x40, s25, s29, $0xb8;
	[tilespmem:$0x1A400] =	vst v63  }
0x34: {  	s26 =	simm.s32 $0x140  }
0x35: {  	[tilespmem:s5], [sflag:$0x1] =	stream.indirect.gather [hbm4b:s3+s29], $0x40, s26, s29, $0xb8;
	[tilespmem:$0x1A400] =	vst v63  }
0x36: {  	s25 =	simm.s32 $0x180  }
0x37: {  	[tilespmem:s6], [sflag:$0x1] =	stream.indirect.gather [hbm4b:s3+s29], $0x40, s25, s29, $0xb8;
	[tilespmem:$0x1A400] =	vst v63  }
0x38: {  	s26 =	simm.s32 $0x1C0  }
0x39: {  	[tilespmem:s7], [sflag:$0x1] =	stream.indirect.gather [hbm4b:s3+s29], $0x40, s26, s29, $0xb8;
	[tilespmem:$0x1A400] =	vst v63  }
0x3a: {  	s25 =	simm.s32 $0x200  }
0x3b: {  	[tilespmem:s8], [sflag:$0x1] =	stream.indirect.gather [hbm4b:s3+s29], $0x40, s25, s29, $0xb8;
	[tilespmem:$0x1A400] =	vst v63  }
0x3c: {  	s26 =	simm.s32 $0x240  }
0x3d: {  	[tilespmem:s9], [sflag:$0x1] =	stream.indirect.gather [hbm4b:s3+s29], $0x40, s26, s29, $0xb8;
	[tilespmem:$0x1A400] =	vst v63  }
0x3e: {  	s25 =	simm.s32 $0x280  }
0x3f: {  	[tilespmem:s10], [sflag:$0x2] =	stream.indirect.gather [hbm4b:s3+s29], $0x40, s25, s29, $0xb8;
	[tilespmem:$0x1A400] =	vst v63  }
0x40: {  	s26 =	simm.s32 $0x2C0  }
0x41: {  	[tilespmem:s11], [sflag:$0x2] =	stream.indirect.gather [hbm4b:s3+s29], $0x40, s26, s29, $0xb8;
	[tilespmem:$0x1A400] =	vst v63  }
0x42: {  	s25 =	simm.s32 $0x300  }
0x43: {  	[tilespmem:s12], [sflag:$0x2] =	stream.indirect.gather [hbm4b:s3+s29], $0x40, s25, s29, $0xb8;
	[tilespmem:$0x1A400] =	vst v63  }
0x44: {  	s26 =	simm.s32 $0x340  }
0x45: {  	[tilespmem:s13], [sflag:$0x2] =	stream.indirect.gather [hbm4b:s3+s29], $0x40, s26, s29, $0xb8;
	[tilespmem:$0x1A400] =	vst v63  }
0x46: {  	s25 =	simm.s32 $0x380  }
0x47: {  	[tilespmem:s14], [sflag:$0x2] =	stream.indirect.gather [hbm4b:s3+s29], $0x40, s25, s29, $0xb8;
	[tilespmem:$0x1A400] =	vst v63  }
0x48: {  	s26 =	simm.s32 $0x3C0  }
0x49: {  	[tilespmem:s15], [sflag:$0x2] =	stream.indirect.gather [hbm4b:s3+s29], $0x40, s26, s29, $0xb8;
	[tilespmem:$0x1A400] =	vst v63  }
0x4a: {  	s25 =	simm.s32 $0x400  }
0x4b: {  	[tilespmem:s16], [sflag:$0x2] =	stream.indirect.gather [hbm4b:s3+s29], $0x40, s25, s29, $0xb8;
	[tilespmem:$0x1A400] =	vst v63  }
0x4c: {  	s26 =	simm.s32 $0x440  }
0x4d: {  	[tilespmem:s17], [sflag:$0x2] =	stream.indirect.gather [hbm4b:s3+s29], $0x40, s26, s29, $0xb8;
	[tilespmem:$0x1A400] =	vst v63  }
0x4e: {  	s25 =	simm.s32 $0x480  }
0x4f: {  	[tilespmem:s18], [sflag:$0x2] =	stream.indirect.gather [hbm4b:s3+s29], $0x40, s25, s29, $0xb8;
	[tilespmem:$0x1A400] =	vst v63  }
0x50: {  	s26 =	simm.s32 $0x4C0  }
0x51: {  	[tilespmem:s19], [sflag:$0x2] =	stream.indirect.gather [hbm4b:s3+s29], $0x40, s26, s29, $0xb8;
	[tilespmem:$0x1A400] =	vst v63  }
0x52: {  	_ =	swait.ge [sflag:s20], $0x1000  }
0x53: {  	[sflag:s20] =	ssyncset.done $0x0  }
0x54: {  	[sflag:s20] =	ssyncadd.s32 $0xFFFFF000  }
0x55: {  	_ =	swait.ge [sflag:s20], $0x1000  }
0x56: {  	[sflag:s20] =	ssyncset.done $0x0  }
0x57: {  	[sflag:s20] =	ssyncadd.s32 $0xFFFFF000  }
0x58: {  	_ =	swait.ge [sflag:s20], $0x1000  }
0x59: {  	[sflag:s20] =	ssyncset.done $0x0  }
0x5a: {  	[sflag:s20] =	ssyncadd.s32 $0xFFFFF000  }
0x5b: {  	_ =	swait.ge [sflag:s20], $0x1000  }
0x5c: {  	[sflag:s20] =	ssyncset.done $0x0  }
0x5d: {  	[sflag:s20] =	ssyncadd.s32 $0xFFFFF000  }
0x5e: {  	_ =	swait.ge [sflag:s20], $0x1000  }
0x5f: {  	[sflag:s20] =	ssyncset.done $0x0  }
0x60: {  	[sflag:s20] =	ssyncadd.s32 $0xFFFFF000  }
0x61: {  	_ =	swait.ge [sflag:s20], $0x1000  }
0x62: {  	[sflag:s20] =	ssyncset.done $0x0  }
0x63: {  	[sflag:s20] =	ssyncadd.s32 $0xFFFFF000  }
0x64: {  	_ =	swait.ge [sflag:s20], $0x1000  }
0x65: {  	[sflag:s20] =	ssyncset.done $0x0  }
0x66: {  	[sflag:s20] =	ssyncadd.s32 $0xFFFFF000  }
0x67: {  	_ =	swait.ge [sflag:s20], $0x1000  }
0x68: {  	[sflag:s20] =	ssyncset.done $0x0  }
0x69: {  	[sflag:s20] =	ssyncadd.s32 $0xFFFFF000  }
0x6a: {  	_ =	swait.ge [sflag:s20], $0x1000  }
0x6b: {  	[sflag:s20] =	ssyncset.done $0x0  }
0x6c: {  	[sflag:s20] =	ssyncadd.s32 $0xFFFFF000  }
0x6d: {  	_ =	swait.ge [sflag:s20], $0x1000  }
0x6e: {  	[sflag:s20] =	ssyncset.done $0x0;
	s26 =	rddreg [dreg:$0x19]  }
0x6f: {  	[sflag:s20] =	ssyncadd.s32 $0xFFFFF000;
	s25 =	sadd.s32 $0xFFFFDBF8, s26  }
0x70: {  	[hbm4b:s25+s29] =	stream.strided.scatter [tilespmem:s30], [sflag:$0x3], $0x1000, s1, s29, $0x38;
	[tilespmem:$0x1A400] =	vst v63  }
0x71: {  	s25 =	sadd.s32 $0xFFFFDC00, s26  }
0x72: {  	[hbm4b:s25+s29] =	stream.strided.scatter [tilespmem:s31], [sflag:$0x3], $0x1000, s1, s29, $0x38;
	[tilespmem:$0x1A400] =	vst v63  }
0x73: {  	s25 =	sadd.s32 $0xFFFFDFF8, s26  }
0x74: {  	[hbm4b:s25+s29] =	stream.strided.scatter [tilespmem:s0], [sflag:$0x3], $0x1000, s1, s29, $0x38;
	[tilespmem:$0x1A400] =	vst v63  }
0x75: {  	s25 =	sadd.s32 $0xFFFFE000, s26  }
0x76: {  	[hbm4b:s25+s29] =	stream.strided.scatter [tilespmem:s2], [sflag:$0x3], $0x1000, s1, s29, $0x38;
	[tilespmem:$0x1A400] =	vst v63  }
0x77: {  	s25 =	sadd.s32 $0xFFFFE3F8, s26  }
0x78: {  	[hbm4b:s25+s29] =	stream.strided.scatter [tilespmem:s4], [sflag:$0x3], $0x1000, s1, s29, $0x38;
	[tilespmem:$0x1A400] =	vst v63  }
0x79: {  	s25 =	sadd.s32 $0xFFFFE400, s26  }
0x7a: {  	[hbm4b:s25+s29] =	stream.strided.scatter [tilespmem:s5], [sflag:$0x3], $0x1000, s1, s29, $0x38;
	[tilespmem:$0x1A400] =	vst v63  }
0x7b: {  	s25 =	sadd.s32 $0xFFFFE7F8, s26  }
0x7c: {  	[hbm4b:s25+s29] =	stream.strided.scatter [tilespmem:s6], [sflag:$0x3], $0x1000, s1, s29, $0x38;
	[tilespmem:$0x1A400] =	vst v63  }
0x7d: {  	s25 =	sadd.s32 $0xFFFFE800, s26  }
0x7e: {  	[hbm4b:s25+s29] =	stream.strided.scatter [tilespmem:s7], [sflag:$0x3], $0x1000, s1, s29, $0x38;
	[tilespmem:$0x1A400] =	vst v63  }
0x7f: {  	s25 =	sadd.s32 $0xFFFFEBF8, s26  }
0x80: {  	[hbm4b:s25+s29] =	stream.strided.scatter [tilespmem:s8], [sflag:$0x3], $0x1000, s1, s29, $0x38;
	[tilespmem:$0x1A400] =	vst v63  }
0x81: {  	s25 =	sadd.s32 $0xFFFFEC00, s26  }
0x82: {  	[hbm4b:s25+s29] =	stream.strided.scatter [tilespmem:s9], [sflag:$0x3], $0x1000, s1, s29, $0x38;
	[tilespmem:$0x1A400] =	vst v63  }
0x83: {  	_ =	swait.ge [sflag:s21], $0x1000  }
0x84: {  	[sflag:s21] =	ssyncset.done $0x0  }
0x85: {  	[sflag:s21] =	ssyncadd.s32 $0xFFFFF000  }
0x86: {  	_ =	swait.ge [sflag:s21], $0x1000  }
0x87: {  	[sflag:s21] =	ssyncset.done $0x0  }
0x88: {  	[sflag:s21] =	ssyncadd.s32 $0xFFFFF000  }
0x89: {  	_ =	swait.ge [sflag:s21], $0x1000  }
0x8a: {  	[sflag:s21] =	ssyncset.done $0x0  }
0x8b: {  	[sflag:s21] =	ssyncadd.s32 $0xFFFFF000  }
0x8c: {  	_ =	swait.ge [sflag:s21], $0x1000  }
0x8d: {  	[sflag:s21] =	ssyncset.done $0x0  }
0x8e: {  	[sflag:s21] =	ssyncadd.s32 $0xFFFFF000  }
0x8f: {  	_ =	swait.ge [sflag:s21], $0x1000  }
0x90: {  	[sflag:s21] =	ssyncset.done $0x0  }
0x91: {  	[sflag:s21] =	ssyncadd.s32 $0xFFFFF000  }
0x92: {  	_ =	swait.ge [sflag:s21], $0x1000  }
0x93: {  	[sflag:s21] =	ssyncset.done $0x0  }
0x94: {  	[sflag:s21] =	ssyncadd.s32 $0xFFFFF000  }
0x95: {  	_ =	swait.ge [sflag:s21], $0x1000  }
0x96: {  	[sflag:s21] =	ssyncset.done $0x0  }
0x97: {  	[sflag:s21] =	ssyncadd.s32 $0xFFFFF000  }
0x98: {  	_ =	swait.ge [sflag:s21], $0x1000  }
0x99: {  	[sflag:s21] =	ssyncset.done $0x0  }
0x9a: {  	[sflag:s21] =	ssyncadd.s32 $0xFFFFF000  }
0x9b: {  	_ =	swait.ge [sflag:s21], $0x1000  }
0x9c: {  	[sflag:s21] =	ssyncset.done $0x0  }
0x9d: {  	[sflag:s21] =	ssyncadd.s32 $0xFFFFF000  }
0x9e: {  	_ =	swait.ge [sflag:s21], $0x1000  }
0x9f: {  	[sflag:s21] =	ssyncset.done $0x0  }
0xa0: {  	s25 =	sadd.s32 $0xFFFFEFF8, s26;
	[sflag:s21] =	ssyncadd.s32 $0xFFFFF000  }
0xa1: {  	[hbm4b:s25+s29] =	stream.strided.scatter [tilespmem:s10], [sflag:$0x4], $0x1000, s1, s29, $0x38;
	[tilespmem:$0x1A400] =	vst v63  }
0xa2: {  	s25 =	sadd.s32 $0xFFFFF000, s26  }
0xa3: {  	[hbm4b:s25+s29] =	stream.strided.scatter [tilespmem:s11], [sflag:$0x4], $0x1000, s1, s29, $0x38;
	[tilespmem:$0x1A400] =	vst v63  }
0xa4: {  	s25 =	sadd.s32 $0xFFFFF3F8, s26  }
0xa5: {  	[hbm4b:s25+s29] =	stream.strided.scatter [tilespmem:s12], [sflag:$0x4], $0x1000, s1, s29, $0x38;
	[tilespmem:$0x1A400] =	vst v63  }
0xa6: {  	s25 =	sadd.s32 $0xFFFFF400, s26  }
0xa7: {  	[hbm4b:s25+s29] =	stream.strided.scatter [tilespmem:s13], [sflag:$0x4], $0x1000, s1, s29, $0x38;
	[tilespmem:$0x1A400] =	vst v63  }
0xa8: {  	s25 =	sadd.s32 $0xFFFFF7F8, s26  }
0xa9: {  	[hbm4b:s25+s29] =	stream.strided.scatter [tilespmem:s14], [sflag:$0x4], $0x1000, s1, s29, $0x38;
	[tilespmem:$0x1A400] =	vst v63  }
0xaa: {  	s25 =	sadd.s32 $0xFFFFF800, s26  }
0xab: {  	[hbm4b:s25+s29] =	stream.strided.scatter [tilespmem:s15], [sflag:$0x4], $0x1000, s1, s29, $0x38;
	[tilespmem:$0x1A400] =	vst v63  }
0xac: {  	s25 =	sadd.s32 $0xFFFFFBF8, s26  }
0xad: {  	[hbm4b:s25+s29] =	stream.strided.scatter [tilespmem:s16], [sflag:$0x4], $0x1000, s1, s29, $0x38;
	[tilespmem:$0x1A400] =	vst v63  }
0xae: {  	s25 =	sadd.s32 $0xFFFFFC00, s26  }
0xaf: {  	[hbm4b:s25+s29] =	stream.strided.scatter [tilespmem:s17], [sflag:$0x4], $0x1000, s1, s29, $0x38;
	[tilespmem:$0x1A400] =	vst v63  }
0xb0: {  	s25 =	sadd.s32 $0xFFFFFFF8, s26  }
0xb1: {  	[hbm4b:s25+s29] =	stream.strided.scatter [tilespmem:s18], [sflag:$0x4], $0x1000, s1, s29, $0x38;
	[tilespmem:$0x1A400] =	vst v63  }
0xb2: {  	_ = 	snop  }
0xb3: {  	[hbm4b:s26+s29] =	stream.strided.scatter [tilespmem:s19], [sflag:$0x4], $0x1000, s1, s29, $0x38;
	[tilespmem:$0x1A400] =	vst v63  }
0xb4: {  	_ =	swait.ge [sflag:s22], $0x1000  }
0xb5: {  	[sflag:s22] =	ssyncset.done $0x0  }
0xb6: {  	[sflag:s22] =	ssyncadd.s32 $0xFFFFF000  }
0xb7: {  	_ =	swait.ge [sflag:s22], $0x1000  }
0xb8: {  	[sflag:s22] =	ssyncset.done $0x0  }
0xb9: {  	[sflag:s22] =	ssyncadd.s32 $0xFFFFF000  }
0xba: {  	_ =	swait.ge [sflag:s22], $0x1000  }
0xbb: {  	[sflag:s22] =	ssyncset.done $0x0  }
0xbc: {  	[sflag:s22] =	ssyncadd.s32 $0xFFFFF000  }
0xbd: {  	_ =	swait.ge [sflag:s22], $0x1000  }
0xbe: {  	[sflag:s22] =	ssyncset.done $0x0  }
0xbf: {  	[sflag:s22] =	ssyncadd.s32 $0xFFFFF000  }
0xc0: {  	_ =	swait.ge [sflag:s22], $0x1000  }
0xc1: {  	[sflag:s22] =	ssyncset.done $0x0  }
0xc2: {  	[sflag:s22] =	ssyncadd.s32 $0xFFFFF000  }
0xc3: {  	_ =	swait.ge [sflag:s22], $0x1000  }
0xc4: {  	[sflag:s22] =	ssyncset.done $0x0  }
0xc5: {  	[sflag:s22] =	ssyncadd.s32 $0xFFFFF000  }
0xc6: {  	_ =	swait.ge [sflag:s22], $0x1000  }
0xc7: {  	[sflag:s22] =	ssyncset.done $0x0  }
0xc8: {  	[sflag:s22] =	ssyncadd.s32 $0xFFFFF000  }
0xc9: {  	_ =	swait.ge [sflag:s22], $0x1000  }
0xca: {  	[sflag:s22] =	ssyncset.done $0x0  }
0xcb: {  	[sflag:s22] =	ssyncadd.s32 $0xFFFFF000  }
0xcc: {  	_ =	swait.ge [sflag:s22], $0x1000  }
0xcd: {  	[sflag:s22] =	ssyncset.done $0x0  }
0xce: {  	[sflag:s22] =	ssyncadd.s32 $0xFFFFF000  }
0xcf: {  	_ =	swait.ge [sflag:s22], $0x1000  }
0xd0: {  	[sflag:s22] =	ssyncset.done $0x0  }
0xd1: {  	s25 =	simm.s32 $0x500;
	[sflag:s22] =	ssyncadd.s32 $0xFFFFF000  }
0xd2: {  	[tilespmem:s30], [sflag:$0x1] =	stream.indirect.gather [hbm4b:s3+s29], $0x40, s25, s29, $0xb8;
	[tilespmem:$0x1A400] =	vst v63  }
0xd3: {  	s25 =	simm.s32 $0x540  }
0xd4: {  	[tilespmem:s31], [sflag:$0x1] =	stream.indirect.gather [hbm4b:s3+s29], $0x40, s25, s29, $0xb8;
	[tilespmem:$0x1A400] =	vst v63  }
0xd5: {  	s25 =	simm.s32 $0x580  }
0xd6: {  	[tilespmem:s0], [sflag:$0x1] =	stream.indirect.gather [hbm4b:s3+s29], $0x40, s25, s29, $0xb8;
	[tilespmem:$0x1A400] =	vst v63  }
0xd7: {  	s25 =	simm.s32 $0x5C0  }
0xd8: {  	[tilespmem:s2], [sflag:$0x1] =	stream.indirect.gather [hbm4b:s3+s29], $0x40, s25, s29, $0xb8;
	[tilespmem:$0x1A400] =	vst v63  }
0xd9: {  	s25 =	simm.s32 $0x600  }
0xda: {  	[tilespmem:s4], [sflag:$0x1] =	stream.indirect.gather [hbm4b:s3+s29], $0x40, s25, s29, $0xb8;
	[tilespmem:$0x1A400] =	vst v63  }
0xdb: {  	s25 =	simm.s32 $0x640  }
0xdc: {  	[tilespmem:s5], [sflag:$0x1] =	stream.indirect.gather [hbm4b:s3+s29], $0x40, s25, s29, $0xb8;
	[tilespmem:$0x1A400] =	vst v63  }
0xdd: {  	s25 =	simm.s32 $0x680  }
0xde: {  	[tilespmem:s6], [sflag:$0x1] =	stream.indirect.gather [hbm4b:s3+s29], $0x40, s25, s29, $0xb8;
	[tilespmem:$0x1A400] =	vst v63  }
0xdf: {  	s25 =	simm.s32 $0x6C0  }
0xe0: {  	[tilespmem:s7], [sflag:$0x1] =	stream.indirect.gather [hbm4b:s3+s29], $0x40, s25, s29, $0xb8;
	[tilespmem:$0x1A400] =	vst v63  }
0xe1: {  	s25 =	simm.s32 $0x700  }
0xe2: {  	[tilespmem:s8], [sflag:$0x1] =	stream.indirect.gather [hbm4b:s3+s29], $0x40, s25, s29, $0xb8;
	[tilespmem:$0x1A400] =	vst v63  }
0xe3: {  	s25 =	simm.s32 $0x740  }
0xe4: {  	[tilespmem:s9], [sflag:$0x1] =	stream.indirect.gather [hbm4b:s3+s29], $0x40, s25, s29, $0xb8;
	[tilespmem:$0x1A400] =	vst v63  }
0xe5: {  	_ =	swait.ge [sflag:s23], $0x1000  }
0xe6: {  	[sflag:s23] =	ssyncset.done $0x0  }
0xe7: {  	[sflag:s23] =	ssyncadd.s32 $0xFFFFF000  }
0xe8: {  	_ =	swait.ge [sflag:s23], $0x1000  }
0xe9: {  	[sflag:s23] =	ssyncset.done $0x0  }
0xea: {  	[sflag:s23] =	ssyncadd.s32 $0xFFFFF000  }
0xeb: {  	_ =	swait.ge [sflag:s23], $0x1000  }
0xec: {  	[sflag:s23] =	ssyncset.done $0x0  }
0xed: {  	[sflag:s23] =	ssyncadd.s32 $0xFFFFF000  }
0xee: {  	_ =	swait.ge [sflag:s23], $0x1000  }
0xef: {  	[sflag:s23] =	ssyncset.done $0x0  }
0xf0: {  	[sflag:s23] =	ssyncadd.s32 $0xFFFFF000  }
0xf1: {  	_ =	swait.ge [sflag:s23], $0x1000  }
0xf2: {  	[sflag:s23] =	ssyncset.done $0x0  }
0xf3: {  	[sflag:s23] =	ssyncadd.s32 $0xFFFFF000  }
0xf4: {  	_ =	swait.ge [sflag:s23], $0x1000  }
0xf5: {  	[sflag:s23] =	ssyncset.done $0x0  }
0xf6: {  	[sflag:s23] =	ssyncadd.s32 $0xFFFFF000  }
0xf7: {  	_ =	swait.ge [sflag:s23], $0x1000  }
0xf8: {  	[sflag:s23] =	ssyncset.done $0x0  }
0xf9: {  	[sflag:s23] =	ssyncadd.s32 $0xFFFFF000  }
0xfa: {  	_ =	swait.ge [sflag:s23], $0x1000  }
0xfb: {  	[sflag:s23] =	ssyncset.done $0x0  }
0xfc: {  	[sflag:s23] =	ssyncadd.s32 $0xFFFFF000  }
0xfd: {  	_ =	swait.ge [sflag:s23], $0x1000  }
0xfe: {  	[sflag:s23] =	ssyncset.done $0x0  }
0xff: {  	[sflag:s23] =	ssyncadd.s32 $0xFFFFF000  }
0x100: {  	_ =	swait.ge [sflag:s23], $0x1000  }
0x101: {  	[sflag:s23] =	ssyncset.done $0x0  }
0x102: {  	s25 =	simm.s32 $0x780;
	[sflag:s23] =	ssyncadd.s32 $0xFFFFF000  }
0x103: {  	[tilespmem:s10], [sflag:$0x2] =	stream.indirect.gather [hbm4b:s3+s29], $0x40, s25, s29, $0xb8;
	[tilespmem:$0x1A400] =	vst v63  }
0x104: {  	s25 =	simm.s32 $0x7C0  }
0x105: {  	[tilespmem:s11], [sflag:$0x2] =	stream.indirect.gather [hbm4b:s3+s29], $0x40, s25, s29, $0xb8;
	[tilespmem:$0x1A400] =	vst v63  }
0x106: {  	s25 =	simm.s32 $0x800  }
0x107: {  	[tilespmem:s12], [sflag:$0x2] =	stream.indirect.gather [hbm4b:s3+s29], $0x40, s25, s29, $0xb8;
	[tilespmem:$0x1A400] =	vst v63  }
0x108: {  	s25 =	simm.s32 $0x840  }
0x109: {  	[tilespmem:s13], [sflag:$0x2] =	stream.indirect.gather [hbm4b:s3+s29], $0x40, s25, s29, $0xb8;
	[tilespmem:$0x1A400] =	vst v63  }
0x10a: {  	s25 =	simm.s32 $0x880  }
0x10b: {  	[tilespmem:s14], [sflag:$0x2] =	stream.indirect.gather [hbm4b:s3+s29], $0x40, s25, s29, $0xb8;
	[tilespmem:$0x1A400] =	vst v63  }
0x10c: {  	s25 =	simm.s32 $0x8C0  }
0x10d: {  	[tilespmem:s15], [sflag:$0x2] =	stream.indirect.gather [hbm4b:s3+s29], $0x40, s25, s29, $0xb8;
	[tilespmem:$0x1A400] =	vst v63  }
0x10e: {  	s25 =	simm.s32 $0x900  }
0x10f: {  	[tilespmem:s16], [sflag:$0x2] =	stream.indirect.gather [hbm4b:s3+s29], $0x40, s25, s29, $0xb8;
	[tilespmem:$0x1A400] =	vst v63  }
0x110: {  	s25 =	simm.s32 $0x940  }
0x111: {  	[tilespmem:s17], [sflag:$0x2] =	stream.indirect.gather [hbm4b:s3+s29], $0x40, s25, s29, $0xb8;
	[tilespmem:$0x1A400] =	vst v63  }
0x112: {  	s25 =	simm.s32 $0x980  }
0x113: {  	[tilespmem:s18], [sflag:$0x2] =	stream.indirect.gather [hbm4b:s3+s29], $0x40, s25, s29, $0xb8;
	[tilespmem:$0x1A400] =	vst v63  }
0x114: {  	s24 =	simm.s32 $0x9C0;
	s28 =	sadd.s32 $0x2800, s26;
	s25 =	simm.s32 $0x1400  }
.LBB2_2:
0x115: {  	[tilespmem:s19], [sflag:$0x2] =	stream.indirect.gather [hbm4b:s3+s29], $0x40, s24, s29, $0xb8;
	[tilespmem:$0x1A400] =	vst v63  }
0x116: {  	s24 =	smov.u32 s25  }
0x117: {  	p0 =	sne.s32 s25, $0x16800;
	s25 =	sadd.s32 $0x1400, s25;
	_ =	swait.ge [sflag:s20], $0x1000  }
0x118: {  	[sflag:s20] =	ssyncset.done $0x0  }
0x119: {  	[sflag:s20] =	ssyncadd.s32 $0xFFFFF000  }
0x11a: {  	_ =	swait.ge [sflag:s20], $0x1000  }
0x11b: {  	[sflag:s20] =	ssyncset.done $0x0  }
0x11c: {  	[sflag:s20] =	ssyncadd.s32 $0xFFFFF000  }
0x11d: {  	_ =	swait.ge [sflag:s20], $0x1000  }
0x11e: {  	[sflag:s20] =	ssyncset.done $0x0  }
0x11f: {  	[sflag:s20] =	ssyncadd.s32 $0xFFFFF000  }
0x120: {  	_ =	swait.ge [sflag:s20], $0x1000  }
0x121: {  	[sflag:s20] =	ssyncset.done $0x0  }
0x122: {  	[sflag:s20] =	ssyncadd.s32 $0xFFFFF000  }
0x123: {  	_ =	swait.ge [sflag:s20], $0x1000  }
0x124: {  	[sflag:s20] =	ssyncset.done $0x0  }
0x125: {  	[sflag:s20] =	ssyncadd.s32 $0xFFFFF000  }
0x126: {  	_ =	swait.ge [sflag:s20], $0x1000  }
0x127: {  	[sflag:s20] =	ssyncset.done $0x0  }
0x128: {  	[sflag:s20] =	ssyncadd.s32 $0xFFFFF000  }
0x129: {  	_ =	swait.ge [sflag:s20], $0x1000  }
0x12a: {  	[sflag:s20] =	ssyncset.done $0x0  }
0x12b: {  	[sflag:s20] =	ssyncadd.s32 $0xFFFFF000  }
0x12c: {  	_ =	swait.ge [sflag:s20], $0x1000  }
0x12d: {  	[sflag:s20] =	ssyncset.done $0x0  }
0x12e: {  	[sflag:s20] =	ssyncadd.s32 $0xFFFFF000  }
0x12f: {  	_ =	swait.ge [sflag:s20], $0x1000  }
0x130: {  	[sflag:s20] =	ssyncset.done $0x0  }
0x131: {  	[sflag:s20] =	ssyncadd.s32 $0xFFFFF000  }
0x132: {  	_ =	swait.ge [sflag:s20], $0x1000  }
0x133: {  	[sflag:s20] =	ssyncset.done $0x0  }
0x134: {  	s26 =	sadd.s32 $0xFFFFDBF8, s28;
	[sflag:s20] =	ssyncadd.s32 $0xFFFFF000  }
0x135: {  	[hbm4b:s26+s29] =	stream.strided.scatter [tilespmem:s30], [sflag:$0x3], $0x1000, s1, s29, $0x38;
	[tilespmem:$0x1A400] =	vst v63  }
0x136: {  	s26 =	sadd.s32 $0xFFFFDC00, s28  }
0x137: {  	[hbm4b:s26+s29] =	stream.strided.scatter [tilespmem:s31], [sflag:$0x3], $0x1000, s1, s29, $0x38;
	[tilespmem:$0x1A400] =	vst v63  }
0x138: {  	s26 =	sadd.s32 $0xFFFFDFF8, s28  }
0x139: {  	[hbm4b:s26+s29] =	stream.strided.scatter [tilespmem:s0], [sflag:$0x3], $0x1000, s1, s29, $0x38;
	[tilespmem:$0x1A400] =	vst v63  }
0x13a: {  	s26 =	sadd.s32 $0xFFFFE000, s28  }
0x13b: {  	[hbm4b:s26+s29] =	stream.strided.scatter [tilespmem:s2], [sflag:$0x3], $0x1000, s1, s29, $0x38;
	[tilespmem:$0x1A400] =	vst v63  }
0x13c: {  	s26 =	sadd.s32 $0xFFFFE3F8, s28  }
0x13d: {  	[hbm4b:s26+s29] =	stream.strided.scatter [tilespmem:s4], [sflag:$0x3], $0x1000, s1, s29, $0x38;
	[tilespmem:$0x1A400] =	vst v63  }
0x13e: {  	s26 =	sadd.s32 $0xFFFFE400, s28  }
0x13f: {  	[hbm4b:s26+s29] =	stream.strided.scatter [tilespmem:s5], [sflag:$0x3], $0x1000, s1, s29, $0x38;
	[tilespmem:$0x1A400] =	vst v63  }
0x140: {  	s26 =	sadd.s32 $0xFFFFE7F8, s28  }
0x141: {  	[hbm4b:s26+s29] =	stream.strided.scatter [tilespmem:s6], [sflag:$0x3], $0x1000, s1, s29, $0x38;
	[tilespmem:$0x1A400] =	vst v63  }
0x142: {  	s26 =	sadd.s32 $0xFFFFE800, s28  }
0x143: {  	[hbm4b:s26+s29] =	stream.strided.scatter [tilespmem:s7], [sflag:$0x3], $0x1000, s1, s29, $0x38;
	[tilespmem:$0x1A400] =	vst v63  }
0x144: {  	s26 =	sadd.s32 $0xFFFFEBF8, s28  }
0x145: {  	[hbm4b:s26+s29] =	stream.strided.scatter [tilespmem:s8], [sflag:$0x3], $0x1000, s1, s29, $0x38;
	[tilespmem:$0x1A400] =	vst v63  }
0x146: {  	s26 =	sadd.s32 $0xFFFFEC00, s28  }
0x147: {  	[hbm4b:s26+s29] =	stream.strided.scatter [tilespmem:s9], [sflag:$0x3], $0x1000, s1, s29, $0x38;
	[tilespmem:$0x1A400] =	vst v63  }
0x148: {  	_ =	swait.ge [sflag:s21], $0x1000  }
0x149: {  	[sflag:s21] =	ssyncset.done $0x0  }
0x14a: {  	[sflag:s21] =	ssyncadd.s32 $0xFFFFF000  }
0x14b: {  	_ =	swait.ge [sflag:s21], $0x1000  }
0x14c: {  	[sflag:s21] =	ssyncset.done $0x0  }
0x14d: {  	[sflag:s21] =	ssyncadd.s32 $0xFFFFF000  }
0x14e: {  	_ =	swait.ge [sflag:s21], $0x1000  }
0x14f: {  	[sflag:s21] =	ssyncset.done $0x0  }
0x150: {  	[sflag:s21] =	ssyncadd.s32 $0xFFFFF000  }
0x151: {  	_ =	swait.ge [sflag:s21], $0x1000  }
0x152: {  	[sflag:s21] =	ssyncset.done $0x0  }
0x153: {  	[sflag:s21] =	ssyncadd.s32 $0xFFFFF000  }
0x154: {  	_ =	swait.ge [sflag:s21], $0x1000  }
0x155: {  	[sflag:s21] =	ssyncset.done $0x0  }
0x156: {  	[sflag:s21] =	ssyncadd.s32 $0xFFFFF000  }
0x157: {  	_ =	swait.ge [sflag:s21], $0x1000  }
0x158: {  	[sflag:s21] =	ssyncset.done $0x0  }
0x159: {  	[sflag:s21] =	ssyncadd.s32 $0xFFFFF000  }
0x15a: {  	_ =	swait.ge [sflag:s21], $0x1000  }
0x15b: {  	[sflag:s21] =	ssyncset.done $0x0  }
0x15c: {  	[sflag:s21] =	ssyncadd.s32 $0xFFFFF000  }
0x15d: {  	_ =	swait.ge [sflag:s21], $0x1000  }
0x15e: {  	[sflag:s21] =	ssyncset.done $0x0  }
0x15f: {  	[sflag:s21] =	ssyncadd.s32 $0xFFFFF000  }
0x160: {  	_ =	swait.ge [sflag:s21], $0x1000  }
0x161: {  	[sflag:s21] =	ssyncset.done $0x0  }
0x162: {  	[sflag:s21] =	ssyncadd.s32 $0xFFFFF000  }
0x163: {  	_ =	swait.ge [sflag:s21], $0x1000  }
0x164: {  	[sflag:s21] =	ssyncset.done $0x0  }
0x165: {  	s26 =	sadd.s32 $0xFFFFEFF8, s28;
	[sflag:s21] =	ssyncadd.s32 $0xFFFFF000  }
0x166: {  	[hbm4b:s26+s29] =	stream.strided.scatter [tilespmem:s10], [sflag:$0x4], $0x1000, s1, s29, $0x38;
	[tilespmem:$0x1A400] =	vst v63  }
0x167: {  	s26 =	sadd.s32 $0xFFFFF000, s28  }
0x168: {  	[hbm4b:s26+s29] =	stream.strided.scatter [tilespmem:s11], [sflag:$0x4], $0x1000, s1, s29, $0x38;
	[tilespmem:$0x1A400] =	vst v63  }
0x169: {  	s26 =	sadd.s32 $0xFFFFF3F8, s28  }
0x16a: {  	[hbm4b:s26+s29] =	stream.strided.scatter [tilespmem:s12], [sflag:$0x4], $0x1000, s1, s29, $0x38;
	[tilespmem:$0x1A400] =	vst v63  }
0x16b: {  	s26 =	sadd.s32 $0xFFFFF400, s28  }
0x16c: {  	[hbm4b:s26+s29] =	stream.strided.scatter [tilespmem:s13], [sflag:$0x4], $0x1000, s1, s29, $0x38;
	[tilespmem:$0x1A400] =	vst v63  }
0x16d: {  	s26 =	sadd.s32 $0xFFFFF7F8, s28  }
0x16e: {  	[hbm4b:s26+s29] =	stream.strided.scatter [tilespmem:s14], [sflag:$0x4], $0x1000, s1, s29, $0x38;
	[tilespmem:$0x1A400] =	vst v63  }
0x16f: {  	s26 =	sadd.s32 $0xFFFFF800, s28  }
0x170: {  	[hbm4b:s26+s29] =	stream.strided.scatter [tilespmem:s15], [sflag:$0x4], $0x1000, s1, s29, $0x38;
	[tilespmem:$0x1A400] =	vst v63  }
0x171: {  	s26 =	sadd.s32 $0xFFFFFBF8, s28  }
0x172: {  	[hbm4b:s26+s29] =	stream.strided.scatter [tilespmem:s16], [sflag:$0x4], $0x1000, s1, s29, $0x38;
	[tilespmem:$0x1A400] =	vst v63  }
0x173: {  	s26 =	sadd.s32 $0xFFFFFC00, s28  }
0x174: {  	[hbm4b:s26+s29] =	stream.strided.scatter [tilespmem:s17], [sflag:$0x4], $0x1000, s1, s29, $0x38;
	[tilespmem:$0x1A400] =	vst v63  }
0x175: {  	s26 =	sadd.s32 $0xFFFFFFF8, s28  }
0x176: {  	[hbm4b:s26+s29] =	stream.strided.scatter [tilespmem:s18], [sflag:$0x4], $0x1000, s1, s29, $0x38;
	[tilespmem:$0x1A400] =	vst v63  }
0x177: {  	_ = 	snop  }
0x178: {  	[hbm4b:s28+s29] =	stream.strided.scatter [tilespmem:s19], [sflag:$0x4], $0x1000, s1, s29, $0x38;
	[tilespmem:$0x1A400] =	vst v63  }
0x179: {  	_ =	swait.ge [sflag:s22], $0x1000  }
0x17a: {  	[sflag:s22] =	ssyncset.done $0x0  }
0x17b: {  	[sflag:s22] =	ssyncadd.s32 $0xFFFFF000  }
0x17c: {  	_ =	swait.ge [sflag:s22], $0x1000  }
0x17d: {  	[sflag:s22] =	ssyncset.done $0x0  }
0x17e: {  	[sflag:s22] =	ssyncadd.s32 $0xFFFFF000  }
0x17f: {  	_ =	swait.ge [sflag:s22], $0x1000  }
0x180: {  	[sflag:s22] =	ssyncset.done $0x0  }
0x181: {  	[sflag:s22] =	ssyncadd.s32 $0xFFFFF000  }
0x182: {  	_ =	swait.ge [sflag:s22], $0x1000  }
0x183: {  	[sflag:s22] =	ssyncset.done $0x0  }
0x184: {  	[sflag:s22] =	ssyncadd.s32 $0xFFFFF000  }
0x185: {  	_ =	swait.ge [sflag:s22], $0x1000  }
0x186: {  	[sflag:s22] =	ssyncset.done $0x0  }
0x187: {  	[sflag:s22] =	ssyncadd.s32 $0xFFFFF000  }
0x188: {  	_ =	swait.ge [sflag:s22], $0x1000  }
0x189: {  	[sflag:s22] =	ssyncset.done $0x0  }
0x18a: {  	[sflag:s22] =	ssyncadd.s32 $0xFFFFF000  }
0x18b: {  	_ =	swait.ge [sflag:s22], $0x1000  }
0x18c: {  	[sflag:s22] =	ssyncset.done $0x0  }
0x18d: {  	[sflag:s22] =	ssyncadd.s32 $0xFFFFF000  }
0x18e: {  	_ =	swait.ge [sflag:s22], $0x1000  }
0x18f: {  	[sflag:s22] =	ssyncset.done $0x0  }
0x190: {  	[sflag:s22] =	ssyncadd.s32 $0xFFFFF000  }
0x191: {  	_ =	swait.ge [sflag:s22], $0x1000  }
0x192: {  	[sflag:s22] =	ssyncset.done $0x0  }
0x193: {  	[sflag:s22] =	ssyncadd.s32 $0xFFFFF000  }
0x194: {  	_ =	swait.ge [sflag:s22], $0x1000  }
0x195: {  	s24 =	sshra.s32 s24, $0x2;
	[sflag:s22] =	ssyncset.done $0x0  }
0x196: {  	s26 =	sadd.s32 $0x500, s24;
	[sflag:s22] =	ssyncadd.s32 $0xFFFFF000  }
0x197: {  	[tilespmem:s30], [sflag:$0x1] =	stream.indirect.gather [hbm4b:s3+s29], $0x40, s26, s29, $0xb8;
	[tilespmem:$0x1A400] =	vst v63  }
0x198: {  	s26 =	sadd.s32 $0x540, s24  }
0x199: {  	[tilespmem:s31], [sflag:$0x1] =	stream.indirect.gather [hbm4b:s3+s29], $0x40, s26, s29, $0xb8;
	[tilespmem:$0x1A400] =	vst v63  }
0x19a: {  	s26 =	sadd.s32 $0x580, s24  }
0x19b: {  	[tilespmem:s0], [sflag:$0x1] =	stream.indirect.gather [hbm4b:s3+s29], $0x40, s26, s29, $0xb8;
	[tilespmem:$0x1A400] =	vst v63  }
0x19c: {  	s26 =	sadd.s32 $0x5C0, s24  }
0x19d: {  	[tilespmem:s2], [sflag:$0x1] =	stream.indirect.gather [hbm4b:s3+s29], $0x40, s26, s29, $0xb8;
	[tilespmem:$0x1A400] =	vst v63  }
0x19e: {  	s26 =	sadd.s32 $0x600, s24  }
0x19f: {  	[tilespmem:s4], [sflag:$0x1] =	stream.indirect.gather [hbm4b:s3+s29], $0x40, s26, s29, $0xb8;
	[tilespmem:$0x1A400] =	vst v63  }
0x1a0: {  	s26 =	sadd.s32 $0x640, s24  }
0x1a1: {  	[tilespmem:s5], [sflag:$0x1] =	stream.indirect.gather [hbm4b:s3+s29], $0x40, s26, s29, $0xb8;
	[tilespmem:$0x1A400] =	vst v63  }
0x1a2: {  	s26 =	sadd.s32 $0x680, s24  }
0x1a3: {  	[tilespmem:s6], [sflag:$0x1] =	stream.indirect.gather [hbm4b:s3+s29], $0x40, s26, s29, $0xb8;
	[tilespmem:$0x1A400] =	vst v63  }
0x1a4: {  	s26 =	sadd.s32 $0x6C0, s24  }
0x1a5: {  	[tilespmem:s7], [sflag:$0x1] =	stream.indirect.gather [hbm4b:s3+s29], $0x40, s26, s29, $0xb8;
	[tilespmem:$0x1A400] =	vst v63  }
0x1a6: {  	s26 =	sadd.s32 $0x700, s24  }
0x1a7: {  	[tilespmem:s8], [sflag:$0x1] =	stream.indirect.gather [hbm4b:s3+s29], $0x40, s26, s29, $0xb8;
	[tilespmem:$0x1A400] =	vst v63  }
0x1a8: {  	s26 =	sadd.s32 $0x740, s24  }
0x1a9: {  	[tilespmem:s9], [sflag:$0x1] =	stream.indirect.gather [hbm4b:s3+s29], $0x40, s26, s29, $0xb8;
	[tilespmem:$0x1A400] =	vst v63  }
0x1aa: {  	_ =	swait.ge [sflag:s23], $0x1000  }
0x1ab: {  	[sflag:s23] =	ssyncset.done $0x0  }
0x1ac: {  	[sflag:s23] =	ssyncadd.s32 $0xFFFFF000  }
0x1ad: {  	_ =	swait.ge [sflag:s23], $0x1000  }
0x1ae: {  	[sflag:s23] =	ssyncset.done $0x0  }
0x1af: {  	[sflag:s23] =	ssyncadd.s32 $0xFFFFF000  }
0x1b0: {  	_ =	swait.ge [sflag:s23], $0x1000  }
0x1b1: {  	[sflag:s23] =	ssyncset.done $0x0  }
0x1b2: {  	[sflag:s23] =	ssyncadd.s32 $0xFFFFF000  }
0x1b3: {  	_ =	swait.ge [sflag:s23], $0x1000  }
0x1b4: {  	[sflag:s23] =	ssyncset.done $0x0  }
0x1b5: {  	[sflag:s23] =	ssyncadd.s32 $0xFFFFF000  }
0x1b6: {  	_ =	swait.ge [sflag:s23], $0x1000  }
0x1b7: {  	[sflag:s23] =	ssyncset.done $0x0  }
0x1b8: {  	[sflag:s23] =	ssyncadd.s32 $0xFFFFF000  }
0x1b9: {  	_ =	swait.ge [sflag:s23], $0x1000  }
0x1ba: {  	[sflag:s23] =	ssyncset.done $0x0  }
0x1bb: {  	[sflag:s23] =	ssyncadd.s32 $0xFFFFF000  }
0x1bc: {  	_ =	swait.ge [sflag:s23], $0x1000  }
0x1bd: {  	[sflag:s23] =	ssyncset.done $0x0  }
0x1be: {  	[sflag:s23] =	ssyncadd.s32 $0xFFFFF000  }
0x1bf: {  	_ =	swait.ge [sflag:s23], $0x1000  }
0x1c0: {  	[sflag:s23] =	ssyncset.done $0x0  }
0x1c1: {  	[sflag:s23] =	ssyncadd.s32 $0xFFFFF000  }
0x1c2: {  	_ =	swait.ge [sflag:s23], $0x1000  }
0x1c3: {  	[sflag:s23] =	ssyncset.done $0x0  }
0x1c4: {  	[sflag:s23] =	ssyncadd.s32 $0xFFFFF000  }
0x1c5: {  	_ =	swait.ge [sflag:s23], $0x1000  }
0x1c6: {  	[sflag:s23] =	ssyncset.done $0x0  }
0x1c7: {  	s26 =	sadd.s32 $0x780, s24;
	[sflag:s23] =	ssyncadd.s32 $0xFFFFF000  }
0x1c8: {  	[tilespmem:s10], [sflag:$0x2] =	stream.indirect.gather [hbm4b:s3+s29], $0x40, s26, s29, $0xb8;
	[tilespmem:$0x1A400] =	vst v63  }
0x1c9: {  	s26 =	sadd.s32 $0x7C0, s24  }
0x1ca: {  	[tilespmem:s11], [sflag:$0x2] =	stream.indirect.gather [hbm4b:s3+s29], $0x40, s26, s29, $0xb8;
	[tilespmem:$0x1A400] =	vst v63  }
0x1cb: {  	s26 =	sadd.s32 $0x800, s24  }
0x1cc: {  	[tilespmem:s12], [sflag:$0x2] =	stream.indirect.gather [hbm4b:s3+s29], $0x40, s26, s29, $0xb8;
	[tilespmem:$0x1A400] =	vst v63  }
0x1cd: {  	s26 =	sadd.s32 $0x840, s24  }
0x1ce: {  	[tilespmem:s13], [sflag:$0x2] =	stream.indirect.gather [hbm4b:s3+s29], $0x40, s26, s29, $0xb8;
	[tilespmem:$0x1A400] =	vst v63  }
0x1cf: {  	s26 =	sadd.s32 $0x880, s24  }
0x1d0: {  	[tilespmem:s14], [sflag:$0x2] =	stream.indirect.gather [hbm4b:s3+s29], $0x40, s26, s29, $0xb8;
	[tilespmem:$0x1A400] =	vst v63  }
0x1d1: {  	s26 =	sadd.s32 $0x8C0, s24  }
0x1d2: {  	[tilespmem:s15], [sflag:$0x2] =	stream.indirect.gather [hbm4b:s3+s29], $0x40, s26, s29, $0xb8;
	[tilespmem:$0x1A400] =	vst v63  }
0x1d3: {  	s26 =	sadd.s32 $0x900, s24  }
0x1d4: {  	[tilespmem:s16], [sflag:$0x2] =	stream.indirect.gather [hbm4b:s3+s29], $0x40, s26, s29, $0xb8;
	[tilespmem:$0x1A400] =	vst v63  }
.Ltmp0:
0x1d5: {  	s26 =	sadd.s32 $0x940, s24;
	(pc) =	sbr.rel @p0 .LBB2_2-.Ltmp0, $4  }
0x1d6: {  	[tilespmem:s17], [sflag:$0x2] =	stream.indirect.gather [hbm4b:s3+s29], $0x40, s26, s29, $0xb8;
	[tilespmem:$0x1A400] =	vst v63  }
0x1d7: {  	s26 =	sadd.s32 $0x980, s24  }
0x1d8: {  	[tilespmem:s18], [sflag:$0x2] =	stream.indirect.gather [hbm4b:s3+s29], $0x40, s26, s29, $0xb8;
	[tilespmem:$0x1A400] =	vst v63  }
0x1d9: {  	s28 =	sadd.s32 $0x2800, s28;
	s24 =	sadd.s32 $0x9C0, s24  }
0x1da: {  	[tilespmem:s19], [sflag:$0x2] =	stream.indirect.gather [hbm4b:s3+s29], $0x40, s24, s29, $0xb8;
	[tilespmem:$0x1A400] =	vst v63  }
0x1db: {  	_ =	swait.ge [sflag:s20], $0x1000  }
0x1dc: {  	[sflag:s20] =	ssyncset.done $0x0  }
0x1dd: {  	[sflag:s20] =	ssyncadd.s32 $0xFFFFF000  }
0x1de: {  	_ =	swait.ge [sflag:s20], $0x1000  }
0x1df: {  	[sflag:s20] =	ssyncset.done $0x0  }
0x1e0: {  	[sflag:s20] =	ssyncadd.s32 $0xFFFFF000  }
0x1e1: {  	_ =	swait.ge [sflag:s20], $0x1000  }
0x1e2: {  	[sflag:s20] =	ssyncset.done $0x0  }
0x1e3: {  	[sflag:s20] =	ssyncadd.s32 $0xFFFFF000  }
0x1e4: {  	_ =	swait.ge [sflag:s20], $0x1000  }
0x1e5: {  	[sflag:s20] =	ssyncset.done $0x0  }
0x1e6: {  	[sflag:s20] =	ssyncadd.s32 $0xFFFFF000  }
0x1e7: {  	_ =	swait.ge [sflag:s20], $0x1000  }
0x1e8: {  	[sflag:s20] =	ssyncset.done $0x0  }
0x1e9: {  	[sflag:s20] =	ssyncadd.s32 $0xFFFFF000  }
0x1ea: {  	_ =	swait.ge [sflag:s20], $0x1000  }
0x1eb: {  	[sflag:s20] =	ssyncset.done $0x0  }
0x1ec: {  	[sflag:s20] =	ssyncadd.s32 $0xFFFFF000  }
0x1ed: {  	_ =	swait.ge [sflag:s20], $0x1000  }
0x1ee: {  	[sflag:s20] =	ssyncset.done $0x0  }
0x1ef: {  	[sflag:s20] =	ssyncadd.s32 $0xFFFFF000  }
0x1f0: {  	_ =	swait.ge [sflag:s20], $0x1000  }
0x1f1: {  	[sflag:s20] =	ssyncset.done $0x0  }
0x1f2: {  	[sflag:s20] =	ssyncadd.s32 $0xFFFFF000  }
0x1f3: {  	_ =	swait.ge [sflag:s20], $0x1000  }
0x1f4: {  	[sflag:s20] =	ssyncset.done $0x0  }
0x1f5: {  	[sflag:s20] =	ssyncadd.s32 $0xFFFFF000  }
0x1f6: {  	_ =	swait.ge [sflag:s20], $0x1000  }
0x1f7: {  	[sflag:s20] =	ssyncset.done $0x0  }
0x1f8: {  	s25 =	rddreg [dreg:$0x4];
	[sflag:s20] =	ssyncadd.s32 $0xFFFFF000  }
0x1f9: {  	[hbm4b:s25+s29] =	stream.strided.scatter [tilespmem:s30], [sflag:$0x3], $0x1000, s1, s29, $0x38;
	[tilespmem:$0x1A400] =	vst v63  }
0x1fa: {  	s26 =	rddreg [dreg:$0x5]  }
0x1fb: {  	[hbm4b:s26+s29] =	stream.strided.scatter [tilespmem:s31], [sflag:$0x3], $0x1000, s1, s29, $0x38;
	[tilespmem:$0x1A400] =	vst v63  }
0x1fc: {  	s28 =	rddreg [dreg:$0x6]  }
0x1fd: {  	[hbm4b:s28+s29] =	stream.strided.scatter [tilespmem:s0], [sflag:$0x3], $0x1000, s1, s29, $0x38;
	[tilespmem:$0x1A400] =	vst v63  }
0x1fe: {  	s25 =	rddreg [dreg:$0x7]  }
0x1ff: {  	[hbm4b:s25+s29] =	stream.strided.scatter [tilespmem:s2], [sflag:$0x3], $0x1000, s1, s29, $0x38;
	[tilespmem:$0x1A400] =	vst v63  }
0x200: {  	s26 =	rddreg [dreg:$0x8]  }
0x201: {  	[hbm4b:s26+s29] =	stream.strided.scatter [tilespmem:s4], [sflag:$0x3], $0x1000, s1, s29, $0x38;
	[tilespmem:$0x1A400] =	vst v63  }
0x202: {  	s28 =	rddreg [dreg:$0x9]  }
0x203: {  	[hbm4b:s28+s29] =	stream.strided.scatter [tilespmem:s5], [sflag:$0x3], $0x1000, s1, s29, $0x38;
	[tilespmem:$0x1A400] =	vst v63  }
0x204: {  	s25 =	rddreg [dreg:$0xa]  }
0x205: {  	[hbm4b:s25+s29] =	stream.strided.scatter [tilespmem:s6], [sflag:$0x3], $0x1000, s1, s29, $0x38;
	[tilespmem:$0x1A400] =	vst v63  }
0x206: {  	s26 =	rddreg [dreg:$0xb]  }
0x207: {  	[hbm4b:s26+s29] =	stream.strided.scatter [tilespmem:s7], [sflag:$0x3], $0x1000, s1, s29, $0x38;
	[tilespmem:$0x1A400] =	vst v63  }
0x208: {  	s28 =	rddreg [dreg:$0xc]  }
0x209: {  	[hbm4b:s28+s29] =	stream.strided.scatter [tilespmem:s8], [sflag:$0x3], $0x1000, s1, s29, $0x38;
	[tilespmem:$0x1A400] =	vst v63  }
0x20a: {  	s25 =	rddreg [dreg:$0xd]  }
0x20b: {  	[hbm4b:s25+s29] =	stream.strided.scatter [tilespmem:s9], [sflag:$0x3], $0x1000, s1, s29, $0x38;
	[tilespmem:$0x1A400] =	vst v63  }
0x20c: {  	_ =	swait.ge [sflag:s21], $0x1000  }
0x20d: {  	[sflag:s21] =	ssyncset.done $0x0  }
0x20e: {  	[sflag:s21] =	ssyncadd.s32 $0xFFFFF000  }
0x20f: {  	_ =	swait.ge [sflag:s21], $0x1000  }
0x210: {  	[sflag:s21] =	ssyncset.done $0x0  }
0x211: {  	[sflag:s21] =	ssyncadd.s32 $0xFFFFF000  }
0x212: {  	_ =	swait.ge [sflag:s21], $0x1000  }
0x213: {  	[sflag:s21] =	ssyncset.done $0x0  }
0x214: {  	[sflag:s21] =	ssyncadd.s32 $0xFFFFF000  }
0x215: {  	_ =	swait.ge [sflag:s21], $0x1000  }
0x216: {  	[sflag:s21] =	ssyncset.done $0x0  }
0x217: {  	[sflag:s21] =	ssyncadd.s32 $0xFFFFF000  }
0x218: {  	_ =	swait.ge [sflag:s21], $0x1000  }
0x219: {  	[sflag:s21] =	ssyncset.done $0x0  }
0x21a: {  	[sflag:s21] =	ssyncadd.s32 $0xFFFFF000  }
0x21b: {  	_ =	swait.ge [sflag:s21], $0x1000  }
0x21c: {  	[sflag:s21] =	ssyncset.done $0x0  }
0x21d: {  	[sflag:s21] =	ssyncadd.s32 $0xFFFFF000  }
0x21e: {  	_ =	swait.ge [sflag:s21], $0x1000  }
0x21f: {  	[sflag:s21] =	ssyncset.done $0x0  }
0x220: {  	[sflag:s21] =	ssyncadd.s32 $0xFFFFF000  }
0x221: {  	_ =	swait.ge [sflag:s21], $0x1000  }
0x222: {  	[sflag:s21] =	ssyncset.done $0x0  }
0x223: {  	[sflag:s21] =	ssyncadd.s32 $0xFFFFF000  }
0x224: {  	_ =	swait.ge [sflag:s21], $0x1000  }
0x225: {  	[sflag:s21] =	ssyncset.done $0x0  }
0x226: {  	[sflag:s21] =	ssyncadd.s32 $0xFFFFF000  }
0x227: {  	_ =	swait.ge [sflag:s21], $0x1000  }
0x228: {  	[sflag:s21] =	ssyncset.done $0x0  }
0x229: {  	s26 =	rddreg [dreg:$0xe];
	[sflag:s21] =	ssyncadd.s32 $0xFFFFF000  }
0x22a: {  	[hbm4b:s26+s29] =	stream.strided.scatter [tilespmem:s10], [sflag:$0x4], $0x1000, s1, s29, $0x38;
	[tilespmem:$0x1A400] =	vst v63  }
0x22b: {  	s28 =	rddreg [dreg:$0xf]  }
0x22c: {  	[hbm4b:s28+s29] =	stream.strided.scatter [tilespmem:s11], [sflag:$0x4], $0x1000, s1, s29, $0x38;
	[tilespmem:$0x1A400] =	vst v63  }
0x22d: {  	s25 =	rddreg [dreg:$0x10]  }
0x22e: {  	[hbm4b:s25+s29] =	stream.strided.scatter [tilespmem:s12], [sflag:$0x4], $0x1000, s1, s29, $0x38;
	[tilespmem:$0x1A400] =	vst v63  }
0x22f: {  	s26 =	rddreg [dreg:$0x11]  }
0x230: {  	[hbm4b:s26+s29] =	stream.strided.scatter [tilespmem:s13], [sflag:$0x4], $0x1000, s1, s29, $0x38;
	[tilespmem:$0x1A400] =	vst v63  }
0x231: {  	s28 =	rddreg [dreg:$0x12]  }
0x232: {  	[hbm4b:s28+s29] =	stream.strided.scatter [tilespmem:s14], [sflag:$0x4], $0x1000, s1, s29, $0x38;
	[tilespmem:$0x1A400] =	vst v63  }
0x233: {  	s25 =	rddreg [dreg:$0x13]  }
0x234: {  	[hbm4b:s25+s29] =	stream.strided.scatter [tilespmem:s15], [sflag:$0x4], $0x1000, s1, s29, $0x38;
	[tilespmem:$0x1A400] =	vst v63  }
0x235: {  	s26 =	rddreg [dreg:$0x14]  }
0x236: {  	[hbm4b:s26+s29] =	stream.strided.scatter [tilespmem:s16], [sflag:$0x4], $0x1000, s1, s29, $0x38;
	[tilespmem:$0x1A400] =	vst v63  }
0x237: {  	s28 =	rddreg [dreg:$0x15]  }
0x238: {  	[hbm4b:s28+s29] =	stream.strided.scatter [tilespmem:s17], [sflag:$0x4], $0x1000, s1, s29, $0x38;
	[tilespmem:$0x1A400] =	vst v63  }
0x239: {  	s25 =	rddreg [dreg:$0x16]  }
0x23a: {  	[hbm4b:s25+s29] =	stream.strided.scatter [tilespmem:s18], [sflag:$0x4], $0x1000, s1, s29, $0x38;
	[tilespmem:$0x1A400] =	vst v63  }
0x23b: {  	s26 =	rddreg [dreg:$0x17]  }
0x23c: {  	[hbm4b:s26+s29] =	stream.strided.scatter [tilespmem:s19], [sflag:$0x4], $0x1000, s1, s29, $0x38;
	[tilespmem:$0x1A400] =	vst v63  }
0x23d: {  	_ =	swait.ge [sflag:s22], $0x1000  }
0x23e: {  	[sflag:s22] =	ssyncset.done $0x0  }
0x23f: {  	[sflag:s22] =	ssyncadd.s32 $0xFFFFF000  }
0x240: {  	_ =	swait.ge [sflag:s22], $0x1000  }
0x241: {  	[sflag:s22] =	ssyncset.done $0x0  }
0x242: {  	[sflag:s22] =	ssyncadd.s32 $0xFFFFF000  }
0x243: {  	_ =	swait.ge [sflag:s22], $0x1000  }
0x244: {  	[sflag:s22] =	ssyncset.done $0x0  }
0x245: {  	[sflag:s22] =	ssyncadd.s32 $0xFFFFF000  }
0x246: {  	_ =	swait.ge [sflag:s22], $0x1000  }
0x247: {  	[sflag:s22] =	ssyncset.done $0x0  }
0x248: {  	[sflag:s22] =	ssyncadd.s32 $0xFFFFF000  }
0x249: {  	_ =	swait.ge [sflag:s22], $0x1000  }
0x24a: {  	[sflag:s22] =	ssyncset.done $0x0  }
0x24b: {  	[sflag:s22] =	ssyncadd.s32 $0xFFFFF000  }
0x24c: {  	_ =	swait.ge [sflag:s22], $0x1000  }
0x24d: {  	[sflag:s22] =	ssyncset.done $0x0  }
0x24e: {  	[sflag:s22] =	ssyncadd.s32 $0xFFFFF000  }
0x24f: {  	_ =	swait.ge [sflag:s22], $0x1000  }
0x250: {  	[sflag:s22] =	ssyncset.done $0x0  }
0x251: {  	[sflag:s22] =	ssyncadd.s32 $0xFFFFF000  }
0x252: {  	_ =	swait.ge [sflag:s22], $0x1000  }
0x253: {  	[sflag:s22] =	ssyncset.done $0x0  }
0x254: {  	[sflag:s22] =	ssyncadd.s32 $0xFFFFF000  }
0x255: {  	_ =	swait.ge [sflag:s22], $0x1000  }
0x256: {  	[sflag:s22] =	ssyncset.done $0x0  }
0x257: {  	[sflag:s22] =	ssyncadd.s32 $0xFFFFF000  }
0x258: {  	_ =	swait.ge [sflag:s22], $0x1000  }
0x259: {  	[sflag:s22] =	ssyncset.done $0x0  }
0x25a: {  	[sflag:s22] =	ssyncadd.s32 $0xFFFFF000  }
0x25b: {  	_ =	swait.ge [sflag:s23], $0x1000  }
0x25c: {  	[sflag:s23] =	ssyncset.done $0x0  }
0x25d: {  	[sflag:s23] =	ssyncadd.s32 $0xFFFFF000  }
0x25e: {  	_ =	swait.ge [sflag:s23], $0x1000  }
0x25f: {  	[sflag:s23] =	ssyncset.done $0x0  }
0x260: {  	[sflag:s23] =	ssyncadd.s32 $0xFFFFF000  }
0x261: {  	_ =	swait.ge [sflag:s23], $0x1000  }
0x262: {  	[sflag:s23] =	ssyncset.done $0x0  }
0x263: {  	[sflag:s23] =	ssyncadd.s32 $0xFFFFF000  }
0x264: {  	_ =	swait.ge [sflag:s23], $0x1000  }
0x265: {  	[sflag:s23] =	ssyncset.done $0x0  }
0x266: {  	[sflag:s23] =	ssyncadd.s32 $0xFFFFF000  }
0x267: {  	_ =	swait.ge [sflag:s23], $0x1000  }
0x268: {  	[sflag:s23] =	ssyncset.done $0x0  }
0x269: {  	[sflag:s23] =	ssyncadd.s32 $0xFFFFF000  }
0x26a: {  	_ =	swait.ge [sflag:s23], $0x1000  }
0x26b: {  	[sflag:s23] =	ssyncset.done $0x0  }
0x26c: {  	[sflag:s23] =	ssyncadd.s32 $0xFFFFF000  }
0x26d: {  	_ =	swait.ge [sflag:s23], $0x1000  }
0x26e: {  	[sflag:s23] =	ssyncset.done $0x0  }
0x26f: {  	[sflag:s23] =	ssyncadd.s32 $0xFFFFF000  }
0x270: {  	_ =	swait.ge [sflag:s23], $0x1000  }
0x271: {  	[sflag:s23] =	ssyncset.done $0x0  }
0x272: {  	[sflag:s23] =	ssyncadd.s32 $0xFFFFF000  }
0x273: {  	_ =	swait.ge [sflag:s23], $0x1000  }
0x274: {  	[sflag:s23] =	ssyncset.done $0x0  }
0x275: {  	[sflag:s23] =	ssyncadd.s32 $0xFFFFF000  }
0x276: {  	_ =	swait.ge [sflag:s23], $0x1000  }
0x277: {  	s25 =	rddreg [dreg:$0x1a]  }
0x278: {  	s28 =	rddreg [dreg:$0x18];
	s25 =	sadd.s32 $0x1, s25  }
0x279: {  	p0 =	sne.s32 s25, s28  }
.Ltmp1:
0x27a: {  	_ = 	snop;
	(pc) =	sbr.rel @p0 .LBB2_1-.Ltmp1, $3  }
0x27b: {  	_ =	sdelay $0x1  }
0x27c: {  	[sflag:s23] =	ssyncset.done $0x0  }
0x27d: {  	[sflag:s23] =	ssyncadd.s32 $0xFFFFF000  }
0x27e: {  	_ =	sfence.sel $0x180000  }
0x27f: {  	[bflag:$0x0] =	sbarrier.arrive $0xFFFF  }
0x280: {  	_ =	strace $0x90000047  }
0x281: {  	s0 =	stileid.u32;
	[bflag:$0x2] =	sbarrier.arrive $0xFFFF  }
0x282: {  	p0 =	sne.s32 s0, $0x0;
	s0 =	rddreg [dreg:$0x2]  }
0x283: {  	s0 =	sadd.s32 @!p0 $0x100000, s0  }
0x284: {  	[sflag:s0] =	ssyncadd.tile.s32 @!p0 $0x1;
	_ =	shalt  }
.Lfunc_end2:
_tile_overlayer_lowered:
.L_overlay_start_2:
0x285: {  	(tag) =	ssettag $0x2  }
0x286: {  	s0 =	rddreg [dreg:$0x0];
	s2 =	stileid.u32  }
0x287: {  	s1 =	rddreg [dreg:$0x1];
	p0 =	sne.s32 s2, $0x0  }
0x288: {  	s3 =	rddreg [dreg:$0x2];
	[bflag:$0x3] =	sbarrier.arrive $0xFFFF;
	s2 =	simm.s32 @!p0 $0x1C05  }
0x289: {  	[timem:s3], [sflag:s2] =	dma.local @!p0 [hbm:s0], s1  }
0x28a: {  	s0 =	simm.s32 @!p0 $0x5  }
0x28b: {  	_ =	swait.ge @!p0 [sflag:s0], s1  }
0x28c: {  	s1 =	ssub.s32 @!p0 $0x0, s1;
	[sflag:s0] =	ssyncset.done @!p0 $0x0  }
0x28d: {  	[sflag:s0] =	ssyncadd.s32 @!p0 s1  }
0x28e: {  	[bflag:$0x3] =	sbarrier.arrive $0xFFFF  }
0x28f: {  	_ =	shalt  }

// kernel: sparse-core-data-format-call.cloned.1.call-start
scs
called_computation_lowered:
.L_overlay_start_0:
0x0: {  	s2 =	sld [smem:$0x3FD9]  }
0x1: {  	s3 =	sld [smem:$0x3FFE];
	_ =	sdelay $0x1  }
0x2: {  	s1 =	srdreg.scid  }
0x3: {  	s0 =	sand.u32 $0x1, s1  }
0x4: {  	s18 =	sshll.u32 s0, $0xA;
	s2 =	sadd.s32 s3, s2  }
0x5: {  	s2 =	sadd.s32 s2, s18  }
0x6: {  	[smem:$0x3FC6] =	sst s2  }
0x7: {  	_ = 	snop  }
0x8: {  	s2 =	sld [smem:$0x3FD0];
	(tm) =	ssettm $0x1  }
0x9: {  	s19 =	sld [smem:$0x3FFB];
	_ =	sdelay $0x3  }
0xa: {  	_ =	strace s19  }
0xb: {  	s3 =	sld [smem:$0x3FFC];
	_ =	sdelay $0x3  }
0xc: {  	_ =	strace s3  }
0xd: {  	s3 =	sld [smem:$0x3FFD];
	_ =	sdelay $0x3  }
0xe: {  	_ =	strace s3  }
0xf: {  	_ =	strace $0x8FFFFFFF  }
0x10: {  	s20 =	sld [smem:$0x3FDB];
	_ =	sdelay $0x1  }
0x11: {  	s4 =	simm.s32 $_scs_section_size  }
0x12: {  	s5 =	simm.s32 $_size__tile_overlayer_lowered;
	s6 =	simm.s32 $_tile_overlayer_lowered  }
0x13: {  	s23 =	simm.s32 $0x1BFF;
	s22 =	sshll.u32 s6, $0x1;
	s3 =	sadd.s32 s4, s20  }
0x14: {  	s7 =	simm.s32 $0x0;
	s21 =	sshll.u32 s5, $0x1;
	s5 =	sadd.s32 s22, s3  }
0x15: {  	[timem:s7], [sflag:s23] =	dma.local [hbm:s5], s21  }
0x16: {  	_ =	swait.ge [sflag:s23], s21  }
0x17: {  	s4 =	ssub.s32 $0x0, s21;
	[sflag:s23] =	ssyncset.done $0x0  }
0x18: {  	[sflag:s23] =	ssyncadd.s32 s4;
	_ =	sdelay $0x1  }
0x19: {  	s24 =	simm.s32 $0x1B8B  }
0x1a: {  	_ =	swait.ge [sflag:s24], $0x1  }
0x1b: {  	[sflag:s24] =	ssyncset.done $0x0  }
0x1c: {  	s26 =	simm.s32 $0x1B8E;
	s25 =	sld [smem:$0x3FFE];
	[sflag:s24] =	ssyncadd.s32 $0xFFFFFFFF  }
0x1d: {  	s27 =	simm.s32 $execute0_lowered;
	[smem:$0x3FD2] =	sst s26  }
0x1e: {  	s5 =	sshll.u32 s27, $0x1;
	_ =	strace $0x80000049;
	[dreg:$0x1] =	wrdreg $0xFFFFFFFF  }
0x1f: {  	s28 =	simm.s32 $_size_execute0_lowered;
	s3 =	sadd.s32 s3, s5;
	[dreg:$0x0] =	wrdreg $0x0  }
0x20: {  	s5 =	sshll.u32 s28, $0x1;
	[dreg:$0x2] =	wrdreg s3  }
0x21: {  	[dreg:$0x3] =	wrdreg s5  }
0x22: {  	[dreg:$0x4] =	wrdreg $0xC0  }
0x23: {  	_ =	task [dreg:s7], $0x5FFFF  }
0x24: {  	[dreg:$0x1] =	wrdreg $0xFFFFFFFF  }
0x25: {  	[dreg:$0x0] =	wrdreg $0x60  }
0x26: {  	[dreg:$0x2] =	wrdreg s25  }
0x27: {  	[dreg:$0x3] =	wrdreg s2  }
0x28: {  	[dreg:$0x4] =	wrdreg $0x9  }
0x29: {  	_ =	task.clear_ibuf [dreg:s7], $0x5FFFF;
	_ =	strace $0x90000049  }
0x2a: {  	s29 =	simm.s32 $0x9;
	_ =	strace $0x8000004B  }
0x2b: {  	_ =	swait.ge [sflag:s29], $0x1  }
0x2c: {  	[sflag:s29] =	ssyncadd.s32 $0xFFFFFFFF  }
0x2d: {  	_ =	strace $0x9000004B  }
0x2e: {  	_ =	sfence  }
0x2f: {  	s30 =	sld [smem:$0x0];
	_ =	sdelay $0x2  }
0x30: {  	s31 =	sshll.u32 s1, $0xD;
	s1 =	sshrl.u32 s1, $0x2  }
0x31: {  	s3 =	sand.u32 $0x4000, s31;
	s1 =	sadd.s32 s1, s30  }
0x32: {  	s0 =	sor.u32 s3, s0;
	s1 =	sshll.u32 s1, $0x11  }
0x33: {  	s0 =	sor.u32 s1, s0  }
0x34: {  	s0 =	sadd.s32 $0x8F2B, s0  }
0x35: {  	[sflag:s0] =	ssyncadd.remote.s32 $0x1  }
0x36: {  	_ =	sfence.sel $0xFFFF  }
0x37: {  	[dreg:$0x0] =	wrdreg $0xFFFFFFFF;
	(pc) =	sbr.abs _section_cstart, $3  }
0x38: {  	[dreg:$0x1] =	wrdreg $0xFFFFFFFF  }
0x39: {  	_ =	task.clear_ibuf [dreg:s7], $0x2FFFF;
	_ =	strace $0x9FFFFFFF  }
0x3a: {  	(tm) =	ssettm $0x7FFFFFFF  }
0x3b: {  	_ =	shalt  }
tec
execute0_lowered:
.L_overlay_start_1:
0x0: {  	(tag) =	ssettag $0x1  }
0x1: {  	s0 =	srdreg.scid  }
0x2: {  	s1 =	sshll.u32 s0, $0x4  }
0x3: {  	s0 =	stileid.u32;
	s1 =	sand.u32 $0x10, s1  }
0x4: {  	s1 =	sor.u32 s0, s1  }
0x5: {  	s6 =	rddreg [dreg:$0x0];
	s4 =	simm.s32 $0x1;
	s2 =	sshll.u32 s1, $0x7  }
0x6: {  	s7 =	simm.s32 $0x2;
	s12 =	simm.s32 $0x0;
	s1 =	ssub.s32 $0x1000, s2  }
0x7: {  	s8 =	simm.s32 $0x8000;
	s13 =	simm.s32 $0x0;
	s3 =	sand.u32 $0xF80, s1  }
0x8: {  	s9 =	simm.s32 $0x0;
	s5 =	sshrl.u32 s1, $0xC;
	p0 =	sne.s32 s3, $0x0  }
.Ltmp0:
0x9: {  	s1 =	rddreg [dreg:$0x2];
	s4 =	simm.s32 @!p0 $0x0;
	(pc) =	sbr.rel .LBB1_1-.Ltmp0, $4  }
0xa: {  	s11 =	simm.s32 $0x0;
	s3 =	rddreg [dreg:$0x1];
	s5 =	sadd.s32 s4, s5  }
0xb: {  	_ =	strace $0x8000004A;
	s4 =	simm.s32 $0x1;
	s5 =	smul.u32 $0xC8, s5  }
0xc: {  	s6 =	sadd.s32 $0xA00, s6;
	s10 =	smov.u32 s2;
	[sflag:s4] =	ssyncpa.u1 $0x0  }
0xd: {  	p0 =	por $0x0, $0x0;
	[sflag:s7] =	ssyncpa.u1 $0x0;
	s7 =	sor.u32 $0x1, s5  }
.LBB1_4:
0xe: {  	s16 =	sshll.u32 s13, $0x3;
	s17 =	sand.u32 $0x78, s13  }
0xf: {  	s30 =	sand.u32 $0x7E00, s13;
	s12 =	sshll.u32 s12, $0xF;
	s16 =	sand.u32 $0xC00, s16  }
0x10: {  	[tilespmem:s15+$0x810 ss:$0x81] =	vst.msk $0xffff, v2;
	s31 =	sand.u32 $0x7, s13;
	s16 =	sor.u32 s17, s16;
	s17 =	sadd.s32 s3, s30  }
0x11: {  	[tilespmem:s15+$0x1020 ss:$0x81] =	vst.msk $0xffff, v0;
	s13 =	sshll.u32 s31, $0x12;
	s12 =	sadd.s32 s12, s17;
	s16 =	sshrl.u32 s16, $0x3  }
0x12: {  	[tilespmem:s15+$0x0 ss:$0x81] =	vst.msk $0xffff, v1;
	s13 =	sor.u32 $0x400, s13;
	s12 =	sadd.s32 s16, s12  }
0x13: {  	[hbm4b:s12+s13] =	stream.strided.scatter [tilespmem:s14], [sflag:$0x2], $0x2000, s8, s13, $0x20;
	[tilespmem:$0x8080] =	vst v63  }
.LBB1_5:
0x14: {  	s14 =	sadd.s32 $0x1, s9  }
0x15: {  	s12 =	sadd.s32 $0x1000, s10;
	s16 =	smov.u32 s10;
	p2 =	sgt.s32 s14, $0xC7  }
0x16: {  	s16 =	smov.u32 @p2 s12  }
0x17: {  	s14 =	simm.s32 @p2 $0x0;
	p2 =	sgt.s32 s16, $0xFFF  }
0x18: {  	s16 =	smov.u32 @p2 s2;
	p2 =	sne.s32 s11, s7  }
.Ltmp1:
0x19: {  	p1 =	slt.u32 s11, $0x2;
	(pc) =	sbr.rel @!p2 .LBB1_6-.Ltmp1, $4  }
0x1a: {  	s15 =	simm.s32 @!p1 $0x2  }
0x1b: {  	s13 =	smov.u32 s10;
	p0 =	por !p0, !p0;
	_ =	swait.ge @!p1 [sflag:s15], $0x2000  }
0x1c: {  	s12 =	smov.u32 s9;
	[sflag:s15] =	ssyncset.done @!p1 $0x0;
	s9 =	smov.u32 s14  }
0x1d: {  	s11 =	sadd.s32 $0x1, s11;
	[sflag:s15] =	ssyncadd.s32 @!p1 $0xFFFFE000;
	s10 =	smov.u32 s16  }
.LBB1_1:
0x1e: {  	p1 =	sge.u32 s11, s5  }
0x1f: {  	s14 =	sand.u32 @!p1 $0x1FFFFFF, s9  }
0x20: {  	s15 =	smulhi.u32 @!p1 $0x147AE15, s14;
	_ =	sdelay $0x1  }
0x21: {  	s15 =	smul.u32 @!p1 $0xC8, s15  }
0x22: {  	s16 =	sxor.u32 @!p1 $0xFFFFFFFF, s11;
	s17 =	smul.u32 @!p1 $0xC80, s10  }
0x23: {  	s31 =	sadd.s32 $0xFFFFFFFF, s11;
	s16 =	sshll.u32 @!p1 s16, $0xD;
	s14 =	ssub.s32 @!p1 s14, s15  }
0x24: {  	s15 =	sand.u32 @!p1 $0x2000, s16;
	s16 =	sadd.s32 @!p1 s6, s17;
	s14 =	sshll.u32 @!p1 s14, $0x4  }
0x25: {  	s17 =	simm.s32 @!p1 $0x6400;
	s14 =	sadd.s32 @!p1 s14, s16;
	s16 =	simm.s32 @!p1 $0x40  }
0x26: {  	[tilespmem:s15], [sflag:$0x1] =	stream.strided.gather @!p1 [hbm4b:s14+s16], $0x2000, s17, s16, $0x38;
	[tilespmem:$0x8080] =	vst v63  }
0x27: {  	p1 =	sge.u32 s31, s5  }
.Ltmp2:
0x28: {  	_ = 	snop;
	(pc) =	sbr.rel @p1 .LBB1_5-.Ltmp2, $1  }
0x29: {  	_ =	sdelay $0x3  }
0x2a: {  	s14 =	simm.s32 $0x1  }
0x2b: {  	_ =	swait.ge [sflag:s4], $0x2000;
	s14 =	simm.s32 @!p0 $0x0  }
0x2c: {  	[sflag:s4] =	ssyncset.done $0x0;
	s15 =	sshll.u32 s14, $0xD  }
0x2d: {  	[sflag:s4] =	ssyncadd.s32 $0xFFFFE000;
	s18 =	sor.u32 $0x20, s15  }
0x2e: {  	s14 =	smul.u32 $0x8100, s14;
	v3 =	vld [tilespmem:s18+$0x10]  }
0x2f: {  	s30 =	sand.u32 $0x1, s11;
	v2 =	vld [tilespmem:s18+$0xFFFFFFF0]  }
0x30: {  	s15 =	smul.u32 $0x8100, s30;
	s14 =	sshrl.u32 s14, $0x2;
	v0 =	vld [tilespmem:s18+$0x0]  }
0x31: {  	v1 =	vld [tilespmem:s18+$0xFFFFFFE0];
	s16 =	sor.u32 $0x4000, s14  }
0x32: {  	s31 =	sshrl.u32 s15, $0x2;
	s15 =	sadd.s32 $0x0, s16  }
0x33: {  	s17 =	simm.s32 $0x4;
	s18 =	sadd.s32 $0x40, s18;
	s14 =	sor.u32 $0x4000, s31;
	[tilespmem:s15+$0x1830 ss:$0x81] =	vst.msk $0xffff, v3  }
.LBB1_3:
0x34: {  	v3 =	vld [tilespmem:s18+$0x10];
	p1 =	sne.s32 s17, $0x1FC;
	[tilespmem:s15+$0x810 ss:$0x81] =	vst.msk $0xffff, v2;
	s19 =	smov.u32 s17;
	s17 =	sadd.s32 $0x4, s17  }
.Ltmp3:
0x35: {  	v2 =	vld [tilespmem:s18+$0xFFFFFFF0];
	[tilespmem:s15+$0x1020 ss:$0x81] =	vst.msk $0xffff, v0;
	(pc) =	sbr.rel @p1 .LBB1_3-.Ltmp3, $4  }
0x36: {  	v0 =	vld [tilespmem:s18+$0x0];
	[tilespmem:s15+$0x0 ss:$0x81] =	vst.msk $0xffff, v1  }
0x37: {  	s15 =	sshra.s32 s19, $0x2;
	v1 =	vld [tilespmem:s18+$0xFFFFFFE0]  }
0x38: {  	s15 =	sadd.s32 s15, s16  }
0x39: {  	s18 =	sadd.s32 $0x40, s18;
	[tilespmem:s15+$0x1830 ss:$0x81] =	vst.msk $0xffff, v3  }
.Ltmp4:
0x3a: {  	_ = 	snop;
	(pc) =	sbr.rel .LBB1_4-.Ltmp4, $1  }
0x3b: {  	_ =	sdelay $0x3  }
.LBB1_6:
0x3c: {  	_ =	sfence.sel $0x180000  }
0x3d: {  	s2 =	simm.s32 $0x1;
	[bflag:$0x0] =	sbarrier.arrive $0xFFFF  }
0x3e: {  	s31 =	simm.s32 $0x2;
	[sflag:s2] =	ssyncpa.u1 $0x1  }
0x3f: {  	[sflag:s31] =	ssyncpa.u1 $0x1  }
0x40: {  	p0 =	sne.s32 s0, $0x0;
	_ =	strace $0x9000004A  }
0x41: {  	s0 =	sadd.s32 @!p0 $0x100000, s1;
	[bflag:$0x2] =	sbarrier.arrive $0xFFFF  }
0x42: {  	[sflag:s0] =	ssyncadd.tile.s32 @!p0 $0x1;
	_ =	shalt  }
.Lfunc_end1:
_tile_overlayer_lowered:
.L_overlay_start_2:
0x43: {  	(tag) =	ssettag $0x2  }
0x44: {  	s0 =	rddreg [dreg:$0x0];
	s2 =	stileid.u32  }
0x45: {  	s1 =	rddreg [dreg:$0x1];
	p0 =	sne.s32 s2, $0x0  }
0x46: {  	s3 =	rddreg [dreg:$0x2];
	[bflag:$0x3] =	sbarrier.arrive $0xFFFF;
	s2 =	simm.s32 @!p0 $0x1C01  }
0x47: {  	[timem:s3], [sflag:s2] =	dma.local @!p0 [hbm:s0], s1  }
0x48: {  	s0 =	simm.s32 @!p0 $0x1  }
0x49: {  	_ =	swait.ge @!p0 [sflag:s0], s1  }
0x4a: {  	s1 =	ssub.s32 @!p0 $0x0, s1;
	[sflag:s0] =	ssyncset.done @!p0 $0x0  }
0x4b: {  	[sflag:s0] =	ssyncadd.s32 @!p0 s1  }
0x4c: {  	[bflag:$0x3] =	sbarrier.arrive $0xFFFF  }
0x4d: {  	_ =	shalt  }

</sc_bundles>
